<compile_context>
chip_gen: v7x
topology: tpu7x:2x2x1
jax: 0.10.2.dev20260603
libtpu: 0.0.44.dev20260713+nightly
codegen_flags: <defaults>
</compile_context>

<pallas_src>
import functools

import jax
import jax.numpy as jnp
from jax import lax
from jax.experimental import pallas as pl
from jax.experimental.pallas import tpu as pltpu
from jax.experimental.pallas import tpu_sc as plsc

_N = 10000
_E = 320000
_H = 128
_EF = 16
_G = 64

_BN = 2000
_BE = 4000

_NC = 2
_NS = 16
_NW = _NC * _NS
_EPW = _E // _NW
_K = 80
_NCHUNK = _EPW // _K
_WPT = 624
_ZB = 48
_TAIL = _N - _NS * _WPT


def _silu(x):
    return x * jax.nn.sigmoid(x)


def _dual_res_body(x_ref, w1, b1, w2, b2, w3, b3, w4, b4, src_ref, dst_ref):
    x = x_ref[...]
    h = _silu(jnp.dot(x, w1[...], preferred_element_type=jnp.float32) + b1[...])
    h = _silu(jnp.dot(h, w2[...], preferred_element_type=jnp.float32) + b2[...])
    src_ref[...] = x + h
    h = _silu(jnp.dot(x, w3[...], preferred_element_type=jnp.float32) + b3[...])
    h = _silu(jnp.dot(h, w4[...], preferred_element_type=jnp.float32) + b4[...])
    dst_ref[...] = x + h


def _dual_residual(x, emb0, emb1):
    ws = []
    for (w, b) in emb0 + emb1:
        ws.append(w)
        ws.append(b.reshape(1, _H))
    wspec = pl.BlockSpec((_H, _H), lambda i: (0, 0))
    bspec = pl.BlockSpec((1, _H), lambda i: (0, 0))
    return pl.pallas_call(
        _dual_res_body,
        grid=(_N // _BN,),
        in_specs=[pl.BlockSpec((_BN, _H), lambda i: (i, 0))]
        + [wspec, bspec, wspec, bspec, wspec, bspec, wspec, bspec],
        out_specs=[pl.BlockSpec((_BN, _H), lambda i: (i, 0))] * 2,
        out_shape=[jax.ShapeDtypeStruct((_N, _H), jnp.float32)] * 2,
    )(x, *ws)




def _filter_body(ef_ref, sm_ref, el_ref, f_ref):
    ef = ef_ref[...]
    sm = sm_ref[...]
    f_ref[...] = jnp.dot(ef, el_ref[...], preferred_element_type=jnp.float32) * sm


def _filters(ef, conv_smooth, el):
    return pl.pallas_call(
        _filter_body,
        grid=(_E // _BE,),
        in_specs=[
            pl.BlockSpec((_BE, _EF), lambda i: (i, 0)),
            pl.BlockSpec((_BE, 1), lambda i: (i, 0)),
            pl.BlockSpec((_EF, _H), lambda i: (0, 0)),
        ],
        out_specs=pl.BlockSpec((_BE, _H), lambda i: (i, 0)),
        out_shape=jax.ShapeDtypeStruct((_E, _H), jnp.float32),
    )(ef, conv_smooth, el)


def _sc_body(dst_hbm, filt_hbm, col_hbm, row_hbm, out_hbm,
             colv_a, rowv_a, colv_b, rowv_b, rows_a, rows_b, filt_a, filt_b,
             zbuf, acc, semi_a, semi_b, semf_a, semf_b, semg_a, semg_b):
    cid = lax.axis_index("c")
    sid = lax.axis_index("s")

    def _zrow(k, _):
        for j in range(_H // 16):
            zbuf[k, pl.ds(j * 16, 16)] = jnp.zeros((16,), jnp.float32)
        return 0

    lax.fori_loop(0, _ZB, _zrow, 0)
    for r in range(_WPT // _ZB):
        pltpu.sync_copy(zbuf, acc.at[pl.ds(sid * _WPT + r * _ZB, _ZB)])

    @pl.when(sid == 0)
    def _():
        pltpu.sync_copy(zbuf.at[pl.ds(0, _TAIL)], acc.at[pl.ds(_NS * _WPT, _TAIL)])

    plsc.subcore_barrier()

    wid = cid * _NS + sid
    tile_base = wid * _EPW

    def idx_copy(c, colv, rowv, semi):
        base = tile_base + c * _K
        pltpu.async_copy(col_hbm.at[pl.ds(base, _K)], colv, semi)
        pltpu.async_copy(row_hbm.at[pl.ds(base, _K)], rowv, semi)

    def idx_wait(colv, rowv, semi):
        pltpu.make_async_copy(col_hbm.at[pl.ds(tile_base, _K)], colv, semi).wait()
        pltpu.make_async_copy(row_hbm.at[pl.ds(tile_base, _K)], rowv, semi).wait()

    def filt_copy(c, filt, semf):
        base = tile_base + c * _K
        pltpu.async_copy(filt_hbm.at[pl.ds(base, _K)], filt, semf)

    def filt_wait(filt, semf):
        pltpu.make_async_copy(filt_hbm.at[pl.ds(tile_base, _K)], filt, semf).wait()

    def gather_issue(colv, rows, semg):
        pltpu.async_copy(dst_hbm.at[colv], rows, semg)

    def gather_wait(colv, rows, semg):
        pltpu.make_async_copy(dst_hbm.at[colv], rows, semg).wait()

    def mul_scatter(rows, filt, rowv):
        def _mul(k, _):
            for j in range(_H // 16):
                s = pl.ds(j * 16, 16)
                rows[k, s] = rows[k, s] * filt[k, s]
            return 0

        lax.fori_loop(0, _K, _mul, 0)
        pltpu.sync_copy(rows, acc.at[rowv], add=True)

    idx_copy(0, colv_a, rowv_a, semi_a)
    filt_copy(0, filt_a, semf_a)
    idx_copy(1, colv_b, rowv_b, semi_b)
    filt_copy(1, filt_b, semf_b)
    idx_wait(colv_a, rowv_a, semi_a)
    gather_issue(colv_a, rows_a, semg_a)

    def _pair(i, _):
        c0 = 2 * i
        idx_wait(colv_b, rowv_b, semi_b)
        gather_issue(colv_b, rows_b, semg_b)

        gather_wait(colv_a, rows_a, semg_a)
        filt_wait(filt_a, semf_a)
        mul_scatter(rows_a, filt_a, rowv_a)

        @pl.when(c0 + 2 < _NCHUNK)
        def _():
            idx_copy(c0 + 2, colv_a, rowv_a, semi_a)
            filt_copy(c0 + 2, filt_a, semf_a)

        gather_wait(colv_b, rows_b, semg_b)
        filt_wait(filt_b, semf_b)
        mul_scatter(rows_b, filt_b, rowv_b)

        @pl.when(c0 + 3 < _NCHUNK)
        def _():
            idx_copy(c0 + 3, colv_b, rowv_b, semi_b)
            filt_copy(c0 + 3, filt_b, semf_b)

        @pl.when(c0 + 2 < _NCHUNK)
        def _():
            idx_wait(colv_a, rowv_a, semi_a)
            gather_issue(colv_a, rows_a, semg_a)

        return 0

    lax.fori_loop(0, _NCHUNK // 2, _pair, 0)
    gather_wait(colv_a, rows_a, semg_a)
    filt_wait(filt_a, semf_a)
    mul_scatter(rows_a, filt_a, rowv_a)
    plsc.subcore_barrier()

    pltpu.sync_copy(acc.at[pl.ds(sid * _WPT, _WPT)],
                    out_hbm.at[cid, pl.ds(sid * _WPT, _WPT)])

    @pl.when(sid == 0)
    def _():
        pltpu.sync_copy(acc.at[pl.ds(_NS * _WPT, _TAIL)],
                        out_hbm.at[cid, pl.ds(_NS * _WPT, _TAIL)])


def _sc_gather_scatter(dst, filt, col, row):
    mesh = plsc.VectorSubcoreMesh(core_axis_name="c", subcore_axis_name="s")
    f = pl.kernel(
        _sc_body,
        mesh=mesh,
        out_type=jax.ShapeDtypeStruct((_NC, _N, _H), jnp.float32),
        scratch_types=[
            pltpu.VMEM((_K,), jnp.int32),
            pltpu.VMEM((_K,), jnp.int32),
            pltpu.VMEM((_K,), jnp.int32),
            pltpu.VMEM((_K,), jnp.int32),
            pltpu.VMEM((_K, _H), jnp.float32),
            pltpu.VMEM((_K, _H), jnp.float32),
            pltpu.VMEM((_K, _H), jnp.float32),
            pltpu.VMEM((_K, _H), jnp.float32),
            pltpu.VMEM((_ZB, _H), jnp.float32),
            pltpu.VMEM_SHARED((_N, _H), jnp.float32),
            pltpu.SemaphoreType.DMA,
            pltpu.SemaphoreType.DMA,
            pltpu.SemaphoreType.DMA,
            pltpu.SemaphoreType.DMA,
            pltpu.SemaphoreType.DMA,
            pltpu.SemaphoreType.DMA,
        ],
    )
    return f(dst, filt, col, row)


def _res_block(v, w_a, b_a, w_b, b_b):
    h = _silu(jnp.dot(v, w_a[...], preferred_element_type=jnp.float32) + b_a[...])
    h = _silu(jnp.dot(h, w_b[...], preferred_element_type=jnp.float32) + b_b[...])
    return v + h


def _post_chain(p0_ref, p1_ref, c_ref, src_ref, xin_ref, dw):
    conv = (p0_ref[...] + p1_ref[...]) * c_ref[0, 0]
    conv = _res_block(conv, *dw[0:4])
    conv = _res_block(conv, *dw[4:8])
    out = src_ref[...] * conv
    out = _res_block(out, *dw[8:12])
    out = _res_block(out, *dw[12:16])
    return out + xin_ref[...]


def _post_dual_body(p0_ref, p1_ref, c_ref, src_ref, xin_ref, *refs):
    dw = refs[0:16]
    aw = refs[16:24]
    x2_ref, src2_ref, dst2_ref = refs[24:27]
    x2 = _post_chain(p0_ref, p1_ref, c_ref, src_ref, xin_ref, dw)
    x2_ref[...] = x2
    h = _silu(jnp.dot(x2, aw[0][...], preferred_element_type=jnp.float32) + aw[1][...])
    h = _silu(jnp.dot(h, aw[2][...], preferred_element_type=jnp.float32) + aw[3][...])
    src2_ref[...] = x2 + h
    h = _silu(jnp.dot(x2, aw[4][...], preferred_element_type=jnp.float32) + aw[5][...])
    h = _silu(jnp.dot(h, aw[6][...], preferred_element_type=jnp.float32) + aw[7][...])
    dst2_ref[...] = x2 + h


def _post_dual(p0, p1, c, src, xin, conv_mlp, out_mlp, emb0, emb1):
    ws = []
    for res in conv_mlp + out_mlp:
        for (w, b) in res:
            ws.append(w)
            ws.append(b.reshape(1, _H))
    for (w, b) in emb0 + emb1:
        ws.append(w)
        ws.append(b.reshape(1, _H))
    blk = pl.BlockSpec((_BN, _H), lambda i: (i, 0))
    wspec = pl.BlockSpec((_H, _H), lambda i: (0, 0))
    bspec = pl.BlockSpec((1, _H), lambda i: (0, 0))
    return pl.pallas_call(
        _post_dual_body,
        grid=(_N // _BN,),
        in_specs=[blk, blk, pl.BlockSpec((1, 1), lambda i: (0, 0)), blk, blk]
        + [wspec, bspec] * 12,
        out_specs=[blk] * 3,
        out_shape=[jax.ShapeDtypeStruct((_N, _H), jnp.float32)] * 3,
    )(p0, p1, c.reshape(1, 1), src, xin, *ws)


def _post_pool_body(p0_ref, p1_ref, c_ref, src_ref, xin_ref, bi_ref, *refs):
    dw = refs[0:16]
    pw = refs[16:28]
    g_ref = refs[28]
    i = pl.program_id(0)
    out = _post_chain(p0_ref, p1_ref, c_ref, src_ref, xin_ref, dw)

    @pl.when(i == 0)
    def _():
        g_ref[...] = jnp.zeros((_G, _H), jnp.float32)

    oh = (bi_ref[0] == lax.broadcasted_iota(jnp.int32, (_G, _BN), 0)).astype(jnp.float32)
    g_ref[...] += jnp.dot(oh, out, preferred_element_type=jnp.float32)

    @pl.when(i == _N // _BN - 1)
    def _():
        g = g_ref[...]
        g = _res_block(g, *pw[0:4])
        g = _res_block(g, *pw[4:8])
        g = _res_block(g, *pw[8:12])
        g_ref[...] = g


def _post_pool(p0, p1, c, src, xin, batch_index, conv_mlp, out_mlp, pool_params):
    ws = []
    for res in conv_mlp + out_mlp:
        for (w, b) in res:
            ws.append(w)
            ws.append(b.reshape(1, _H))
    for res in pool_params:
        for (w, b) in res:
            ws.append(w)
            ws.append(b.reshape(1, _H))
    bi3 = batch_index.reshape(_N // _BN, 1, _BN)
    blk = pl.BlockSpec((_BN, _H), lambda i: (i, 0))
    wspec = pl.BlockSpec((_H, _H), lambda i: (0, 0))
    bspec = pl.BlockSpec((1, _H), lambda i: (0, 0))
    return pl.pallas_call(
        _post_pool_body,
        grid=(_N // _BN,),
        in_specs=[blk, blk, pl.BlockSpec((1, 1), lambda i: (0, 0)), blk, blk,
                  pl.BlockSpec((1, 1, _BN), lambda i: (i, 0, 0))]
        + [wspec, bspec] * 14,
        out_specs=pl.BlockSpec((_G, _H), lambda i: (0, 0)),
        out_shape=jax.ShapeDtypeStruct((_G, _H), jnp.float32),
    )(p0, p1, c.reshape(1, 1), src, xin, bi3, *ws)


def kernel(scalar, ef, edge_index, C, conv_smooth, batch_index, params):
    row = edge_index[0]
    col = edge_index[1]
    p1, p2 = params["convs"]
    f1 = _filters(ef, conv_smooth, p1["e_lin"])
    src1, dst1 = _dual_residual(scalar, p1["emb0"], p1["emb1"])
    part1 = _sc_gather_scatter(dst1, f1, col, row)
    f2 = _filters(ef, conv_smooth, p2["e_lin"])
    x2, src2, dst2 = _post_dual(part1[0], part1[1], C, src1, scalar,
                                p1["conv_mlp"], p1["out_mlp"],
                                p2["emb0"], p2["emb1"])
    part2 = _sc_gather_scatter(dst2, f2, col, row)
    return _post_pool(part2[0], part2[1], C, src2, x2, batch_index,
                      p2["conv_mlp"], p2["out_mlp"], params["pool"])

# --- scband reference (transcript-rebuilt; emitter-appended) ---
"""Pipeline reference for scband-vanilla-dis-gnn-67534065762903 (READ-ONLY COPY).

The authoritative reference and input builder live on the scoring server;
editing this copy changes nothing except your own understanding.
"""

import jax, jax.numpy as jnp
import numpy as np

N = 10000
E = 320000
HIDDEN = 128
EF_DIM = 16
LAYER_NUM = 2
NUM_GRAPHS = 64


def _dense_params(key, din, dout, bias=True):
    kw, _ = jax.random.split(key)
    W = (jax.random.normal(kw, (din, dout), dtype=jnp.float32) / np.sqrt(din)).astype(jnp.float32)
    b = jnp.zeros((dout,), jnp.float32) if bias else None
    return (W, b)


def _residual_params(key):
    k1, k2 = jax.random.split(key)
    return [_dense_params(k1, HIDDEN, HIDDEN), _dense_params(k2, HIDDEN, HIDDEN)]


def setup_inputs(seed: int = 0):
    key = jax.random.key(seed)
    ks = jax.random.split(key, 8)
    scalar = jax.random.normal(ks[0], (N, HIDDEN), dtype=jnp.float32)
    ef = jax.random.normal(ks[1], (E, EF_DIM), dtype=jnp.float32)
    edge_index = jax.random.randint(ks[2], (2, E), 0, N)
    C = jnp.ones((1,), jnp.float32)
    conv_smooth = jax.random.uniform(ks[3], (E, 1), dtype=jnp.float32)
    batch_index = jnp.sort(jax.random.randint(ks[4], (N,), 0, NUM_GRAPHS))
    pk = jax.random.split(ks[5], LAYER_NUM * 7 + 3)
    convs = []
    idx = 0
    for _ in range(LAYER_NUM):
        conv = {
            "emb0": _residual_params(pk[idx]),
            "emb1": _residual_params(pk[idx + 1]),
            "e_lin": (jax.random.normal(pk[idx + 2], (EF_DIM, HIDDEN), dtype=jnp.float32) / np.sqrt(EF_DIM)).astype(jnp.float32),
            "conv_mlp": [_residual_params(pk[idx + 3]), _residual_params(pk[idx + 4])],
            "out_mlp": [_residual_params(pk[idx + 5]), _residual_params(pk[idx + 6])],
        }
        idx += 7
        convs.append(conv)
    pool = [_residual_params(pk[idx + i]) for i in range(3)]
    params = {"convs": convs, "pool": pool}
    return {"scalar": scalar, "ef": ef, "edge_index": edge_index, "C": C, "conv_smooth": conv_smooth, "batch_index": batch_index, "params": params}


def _dense(x, Wb):
    W, b = Wb
    y = x @ W
    if b is not None:
        y = y + b
    return jax.nn.silu(y)


def _residual(x, res):
    h = x
    for Wb in res:
        h = _dense(h, Wb)
    return x + h


def _vd_conv(scalar, ef, edge_index, C, conv_smooth, p):
    row = edge_index[0]
    col = edge_index[1]
    scalar_src = _residual(scalar, p["emb0"])
    scalar_dst = _residual(scalar, p["emb1"])
    conv_filter = (ef @ p["e_lin"]) * conv_smooth
    scalar_edge = scalar_dst[col] * conv_filter
    conv = jax.ops.segment_sum(scalar_edge, row, num_segments=scalar_src.shape[0]) * C
    for res in p["conv_mlp"]:
        conv = _residual(conv, res)
    out = scalar_src * conv
    for res in p["out_mlp"]:
        out = _residual(out, res)
    return out


def reference(scalar, ef, edge_index, C, conv_smooth, batch_index, params):
    for p in params["convs"]:
        scalar = _vd_conv(scalar, ef, edge_index, C, conv_smooth, p) + scalar
    graph_sum = jax.ops.segment_sum(scalar, batch_index, num_segments=NUM_GRAPHS)
    g = graph_sum
    for res in params["pool"]:
        g = _residual(g, res)
    return g

if __name__ == "__main__":
    import jax
    _d = setup_inputs()
    print(jax.jit(kernel)(*tuple(_d.values())))

</pallas_src>

<mosaic_0001>
#map = affine_map<(d0, d1) -> (0, 0)>
#map1 = affine_map<(d0, d1) -> (0)>
#map2 = affine_map<(d0, d1) -> (0, 0, 0)>
module attributes {stable_mosaic.version = 14 : i64} {
  func.func @_sc_body(%arg0: i32, %arg1: i32, %arg2: memref<10000x128xf32, #tpu.memory_space<hbm>>, %arg3: memref<320000x128xf32, #tpu.memory_space<hbm>>, %arg4: memref<320000xi32, #tpu.memory_space<hbm>>, %arg5: memref<320000xi32, #tpu.memory_space<hbm>>, %arg6: memref<2x10000x128xf32, #tpu.memory_space<hbm>>, %arg7: memref<80xi32, #tpu.memory_space<vmem>>, %arg8: memref<80xi32, #tpu.memory_space<vmem>>, %arg9: memref<80xi32, #tpu.memory_space<vmem>>, %arg10: memref<80xi32, #tpu.memory_space<vmem>>, %arg11: memref<80x128xf32, #tpu.memory_space<vmem>>, %arg12: memref<80x128xf32, #tpu.memory_space<vmem>>, %arg13: memref<80x128xf32, #tpu.memory_space<vmem>>, %arg14: memref<80x128xf32, #tpu.memory_space<vmem>>, %arg15: memref<48x128xf32, #tpu.memory_space<vmem>>, %arg16: memref<10000x128xf32, #tpu.memory_space<vmem_shared>>, %arg17: memref<!tpu.dma_semaphore, #tpu.memory_space<semaphore_mem>>, %arg18: memref<!tpu.dma_semaphore, #tpu.memory_space<semaphore_mem>>, %arg19: memref<!tpu.dma_semaphore, #tpu.memory_space<semaphore_mem>>, %arg20: memref<!tpu.dma_semaphore, #tpu.memory_space<semaphore_mem>>, %arg21: memref<!tpu.dma_semaphore, #tpu.memory_space<semaphore_mem>>, %arg22: memref<!tpu.dma_semaphore, #tpu.memory_space<semaphore_mem>>) attributes {dimension_semantics = [#tpu.dimension_semantics<core_parallel>, #tpu.dimension_semantics<subcore_parallel>], iteration_bounds = array<i64: 2, 16>, scalar_prefetch = 0 : i64, scratch_operands = 16 : i64, tpu.core_type = #tpu.core_type<sc_vector_subcore>, window_params = [{transform_indices = #map}, {transform_indices = #map}, {transform_indices = #map1}, {transform_indices = #map1}, {transform_indices = #map2}]} {
    %scan3A = arith.constant 0 : i32
    %scan3A_0 = arith.constant 0 : i32
    %scan3A_1 = arith.constant 48 : i32
    %scan3A_2 = arith.addi %scan3A_0, %scan3A_1 : i32
    %scan3A_3 = arith.constant 1 : i32
    %scan3A_4 = scf.for %scan3A_123 = %scan3A_0 to %scan3A_2 step %scan3A_3 iter_args(%scan3A_124 = %scan3A) -> (i32)  : i32 {
      %broadcast_in_dim3A = arith.constant 0.000000e+00 : f32
      %broadcast_in_dim3A_125 = vector.broadcast %broadcast_in_dim3A : f32 to vector<16xf32>
      %swap3A = arith.index_cast %scan3A_123 : i32 to index
      %swap3A_126 = arith.constant 0 : index
      %swap3A_127 = tpu.vector_load %arg15[%swap3A, %swap3A_126] {strides = array<i32>} : memref<48x128xf32, #tpu.memory_space<vmem>>, vector<1x16xf32>,
      %swap3A_128 = vector.shape_cast %swap3A_127 : vector<1x16xf32> to vector<16xf32>
      %swap3A_129 = vector.shape_cast %broadcast_in_dim3A_125 : vector<16xf32> to vector<1x16xf32>
      tpu.vector_store %arg15[%swap3A, %swap3A_126], %swap3A_129 {strides = array<i32>} : memref<48x128xf32, #tpu.memory_space<vmem>>, vector<1x16xf32>,
      %broadcast_in_dim3A_130 = arith.constant 0.000000e+00 : f32
      %broadcast_in_dim3A_131 = vector.broadcast %broadcast_in_dim3A_130 : f32 to vector<16xf32>
      %swap3A_132 = arith.index_cast %scan3A_123 : i32 to index
      %swap3A_133 = arith.constant 16 : index
      %swap3A_134 = tpu.vector_load %arg15[%swap3A_132, %swap3A_133] {strides = array<i32>} : memref<48x128xf32, #tpu.memory_space<vmem>>, vector<1x16xf32>,
      %swap3A_135 = vector.shape_cast %swap3A_134 : vector<1x16xf32> to vector<16xf32>
      %swap3A_136 = vector.shape_cast %broadcast_in_dim3A_131 : vector<16xf32> to vector<1x16xf32>
      tpu.vector_store %arg15[%swap3A_132, %swap3A_133], %swap3A_136 {strides = array<i32>} : memref<48x128xf32, #tpu.memory_space<vmem>>, vector<1x16xf32>,
      %broadcast_in_dim3A_137 = arith.constant 0.000000e+00 : f32
      %broadcast_in_dim3A_138 = vector.broadcast %broadcast_in_dim3A_137 : f32 to vector<16xf32>
      %swap3A_139 = arith.index_cast %scan3A_123 : i32 to index
      %swap3A_140 = arith.constant 32 : index
      %swap3A_141 = tpu.vector_load %arg15[%swap3A_139, %swap3A_140] {strides = array<i32>} : memref<48x128xf32, #tpu.memory_space<vmem>>, vector<1x16xf32>,
      %swap3A_142 = vector.shape_cast %swap3A_141 : vector<1x16xf32> to vector<16xf32>
      %swap3A_143 = vector.shape_cast %broadcast_in_dim3A_138 : vector<16xf32> to vector<1x16xf32>
      tpu.vector_store %arg15[%swap3A_139, %swap3A_140], %swap3A_143 {strides = array<i32>} : memref<48x128xf32, #tpu.memory_space<vmem>>, vector<1x16xf32>,
      %broadcast_in_dim3A_144 = arith.constant 0.000000e+00 : f32
      %broadcast_in_dim3A_145 = vector.broadcast %broadcast_in_dim3A_144 : f32 to vector<16xf32>
      %swap3A_146 = arith.index_cast %scan3A_123 : i32 to index
      %swap3A_147 = arith.constant 48 : index
      %swap3A_148 = tpu.vector_load %arg15[%swap3A_146, %swap3A_147] {strides = array<i32>} : memref<48x128xf32, #tpu.memory_space<vmem>>, vector<1x16xf32>,
      %swap3A_149 = vector.shape_cast %swap3A_148 : vector<1x16xf32> to vector<16xf32>
      %swap3A_150 = vector.shape_cast %broadcast_in_dim3A_145 : vector<16xf32> to vector<1x16xf32>
      tpu.vector_store %arg15[%swap3A_146, %swap3A_147], %swap3A_150 {strides = array<i32>} : memref<48x128xf32, #tpu.memory_space<vmem>>, vector<1x16xf32>,
      %broadcast_in_dim3A_151 = arith.constant 0.000000e+00 : f32
      %broadcast_in_dim3A_152 = vector.broadcast %broadcast_in_dim3A_151 : f32 to vector<16xf32>
      %swap3A_153 = arith.index_cast %scan3A_123 : i32 to index
      %swap3A_154 = arith.constant 64 : index
      %swap3A_155 = tpu.vector_load %arg15[%swap3A_153, %swap3A_154] {strides = array<i32>} : memref<48x128xf32, #tpu.memory_space<vmem>>, vector<1x16xf32>,
      %swap3A_156 = vector.shape_cast %swap3A_155 : vector<1x16xf32> to vector<16xf32>
      %swap3A_157 = vector.shape_cast %broadcast_in_dim3A_152 : vector<16xf32> to vector<1x16xf32>
      tpu.vector_store %arg15[%swap3A_153, %swap3A_154], %swap3A_157 {strides = array<i32>} : memref<48x128xf32, #tpu.memory_space<vmem>>, vector<1x16xf32>,
      %broadcast_in_dim3A_158 = arith.constant 0.000000e+00 : f32
      %broadcast_in_dim3A_159 = vector.broadcast %broadcast_in_dim3A_158 : f32 to vector<16xf32>
      %swap3A_160 = arith.index_cast %scan3A_123 : i32 to index
      %swap3A_161 = arith.constant 80 : index
      %swap3A_162 = tpu.vector_load %arg15[%swap3A_160, %swap3A_161] {strides = array<i32>} : memref<48x128xf32, #tpu.memory_space<vmem>>, vector<1x16xf32>,
      %swap3A_163 = vector.shape_cast %swap3A_162 : vector<1x16xf32> to vector<16xf32>
      %swap3A_164 = vector.shape_cast %broadcast_in_dim3A_159 : vector<16xf32> to vector<1x16xf32>
      tpu.vector_store %arg15[%swap3A_160, %swap3A_161], %swap3A_164 {strides = array<i32>} : memref<48x128xf32, #tpu.memory_space<vmem>>, vector<1x16xf32>,
      %broadcast_in_dim3A_165 = arith.constant 0.000000e+00 : f32
      %broadcast_in_dim3A_166 = vector.broadcast %broadcast_in_dim3A_165 : f32 to vector<16xf32>
      %swap3A_167 = arith.index_cast %scan3A_123 : i32 to index
      %swap3A_168 = arith.constant 96 : index
      %swap3A_169 = tpu.vector_load %arg15[%swap3A_167, %swap3A_168] {strides = array<i32>} : memref<48x128xf32, #tpu.memory_space<vmem>>, vector<1x16xf32>,
      %swap3A_170 = vector.shape_cast %swap3A_169 : vector<1x16xf32> to vector<16xf32>
      %swap3A_171 = vector.shape_cast %broadcast_in_dim3A_166 : vector<16xf32> to vector<1x16xf32>
      tpu.vector_store %arg15[%swap3A_167, %swap3A_168], %swap3A_171 {strides = array<i32>} : memref<48x128xf32, #tpu.memory_space<vmem>>, vector<1x16xf32>,
      %broadcast_in_dim3A_172 = arith.constant 0.000000e+00 : f32
      %broadcast_in_dim3A_173 = vector.broadcast %broadcast_in_dim3A_172 : f32 to vector<16xf32>
      %swap3A_174 = arith.index_cast %scan3A_123 : i32 to index
      %swap3A_175 = arith.constant 112 : index
      %swap3A_176 = tpu.vector_load %arg15[%swap3A_174, %swap3A_175] {strides = array<i32>} : memref<48x128xf32, #tpu.memory_space<vmem>>, vector<1x16xf32>,
      %swap3A_177 = vector.shape_cast %swap3A_176 : vector<1x16xf32> to vector<16xf32>
      %swap3A_178 = vector.shape_cast %broadcast_in_dim3A_173 : vector<16xf32> to vector<1x16xf32>
      tpu.vector_store %arg15[%swap3A_174, %swap3A_175], %swap3A_178 {strides = array<i32>} : memref<48x128xf32, #tpu.memory_space<vmem>>, vector<1x16xf32>,
      %scan3A_179 = arith.constant 0 : i32
      scf.yield %scan3A_179 : i32
    }
    %scan3A_5 = arith.constant 48 : i32
    %mul3A = arith.constant 624 : i32
    %mul3A_6 = arith.muli %arg1, %mul3A : i32
    %add3A = arith.constant 0 : i32
    %add3A_7 = arith.addi %mul3A_6, %add3A : i32
    "tpu.region"() ({
      %run_scoped3A = tpu.sem_alloc : memref<!tpu.dma_semaphore, #tpu.memory_space<semaphore_mem>>
      %dma_start3A_123 = arith.constant 0 : i32
      %dma_start3A_124 = tpu.memref_slice %arg16[%add3A_7, %dma_start3A_123] : memref<10000x128xf32, #tpu.memory_space<vmem_shared>> -> memref<48x128xf32, #tpu.memory_space<vmem_shared>>
      %dma_start3A_125 = arith.constant 0 : i32
      %dma_start3A_126 = tpu.memref_slice %arg16[%add3A_7, %dma_start3A_125] : memref<10000x128xf32, #tpu.memory_space<vmem_shared>> -> memref<48x128xf32, #tpu.memory_space<vmem_shared>>
      tpu.enqueue_dma source(%arg15 : memref<48x128xf32, #tpu.memory_space<vmem>>) target(%dma_start3A_126 : memref<48x128xf32, #tpu.memory_space<vmem_shared>>) target_semaphore(%run_scoped3A : memref<!tpu.dma_semaphore, #tpu.memory_space<semaphore_mem>>)
      %dma_wait3A_127 = arith.constant 0 : i32
      %dma_wait3A_128 = tpu.memref_slice %arg16[%add3A_7, %dma_wait3A_127] : memref<10000x128xf32, #tpu.memory_space<vmem_shared>> -> memref<48x128xf32, #tpu.memory_space<vmem_shared>>
      %dma_wait3A_129 = arith.constant 0 : i32
      %dma_wait3A_130 = tpu.memref_slice %arg16[%add3A_7, %dma_wait3A_129] : memref<10000x128xf32, #tpu.memory_space<vmem_shared>> -> memref<48x128xf32, #tpu.memory_space<vmem_shared>>
      tpu.wait_dma2 semaphore(%run_scoped3A : memref<!tpu.dma_semaphore, #tpu.memory_space<semaphore_mem>>) src(%arg15 : memref<48x128xf32, #tpu.memory_space<vmem>>) dst(%dma_wait3A_130 : memref<48x128xf32, #tpu.memory_space<vmem_shared>>)
      tpu.yield
    }) : () -> ()
    %mul3A_8 = arith.constant 624 : i32
    %mul3A_9 = arith.muli %arg1, %mul3A_8 : i32
    %add3A_10 = arith.constant 48 : i32
    %add3A_11 = arith.addi %mul3A_9, %add3A_10 : i32
    "tpu.region"() ({
      %run_scoped3A = tpu.sem_alloc : memref<!tpu.dma_semaphore, #tpu.memory_space<semaphore_mem>>
      %dma_start3A_123 = arith.constant 0 : i32
      %dma_start3A_124 = tpu.memref_slice %arg16[%add3A_11, %dma_start3A_123] : memref<10000x128xf32, #tpu.memory_space<vmem_shared>> -> memref<48x128xf32, #tpu.memory_space<vmem_shared>>
      %dma_start3A_125 = arith.constant 0 : i32
      %dma_start3A_126 = tpu.memref_slice %arg16[%add3A_11, %dma_start3A_125] : memref<10000x128xf32, #tpu.memory_space<vmem_shared>> -> memref<48x128xf32, #tpu.memory_space<vmem_shared>>
      tpu.enqueue_dma source(%arg15 : memref<48x128xf32, #tpu.memory_space<vmem>>) target(%dma_start3A_126 : memref<48x128xf32, #tpu.memory_space<vmem_shared>>) target_semaphore(%run_scoped3A : memref<!tpu.dma_semaphore, #tpu.memory_space<semaphore_mem>>)
      %dma_wait3A_127 = arith.constant 0 : i32
      %dma_wait3A_128 = tpu.memref_slice %arg16[%add3A_11, %dma_wait3A_127] : memref<10000x128xf32, #tpu.memory_space<vmem_shared>> -> memref<48x128xf32, #tpu.memory_space<vmem_shared>>
      %dma_wait3A_129 = arith.constant 0 : i32
      %dma_wait3A_130 = tpu.memref_slice %arg16[%add3A_11, %dma_wait3A_129] : memref<10000x128xf32, #tpu.memory_space<vmem_shared>> -> memref<48x128xf32, #tpu.memory_space<vmem_shared>>
      tpu.wait_dma2 semaphore(%run_scoped3A : memref<!tpu.dma_semaphore, #tpu.memory_space<semaphore_mem>>) src(%arg15 : memref<48x128xf32, #tpu.memory_space<vmem>>) dst(%dma_wait3A_130 : memref<48x128xf32, #tpu.memory_space<vmem_shared>>)
      tpu.yield
    }) : () -> ()
    %mul3A_12 = arith.constant 624 : i32
    %mul3A_13 = arith.muli %arg1, %mul3A_12 : i32
    %add3A_14 = arith.constant 96 : i32
    %add3A_15 = arith.addi %mul3A_13, %add3A_14 : i32
    "tpu.region"() ({
      %run_scoped3A = tpu.sem_alloc : memref<!tpu.dma_semaphore, #tpu.memory_space<semaphore_mem>>
      %dma_start3A_123 = arith.constant 0 : i32
      %dma_start3A_124 = tpu.memref_slice %arg16[%add3A_15, %dma_start3A_123] : memref<10000x128xf32, #tpu.memory_space<vmem_shared>> -> memref<48x128xf32, #tpu.memory_space<vmem_shared>>
      %dma_start3A_125 = arith.constant 0 : i32
      %dma_start3A_126 = tpu.memref_slice %arg16[%add3A_15, %dma_start3A_125] : memref<10000x128xf32, #tpu.memory_space<vmem_shared>> -> memref<48x128xf32, #tpu.memory_space<vmem_shared>>
      tpu.enqueue_dma source(%arg15 : memref<48x128xf32, #tpu.memory_space<vmem>>) target(%dma_start3A_126 : memref<48x128xf32, #tpu.memory_space<vmem_shared>>) target_semaphore(%run_scoped3A : memref<!tpu.dma_semaphore, #tpu.memory_space<semaphore_mem>>)
      %dma_wait3A_127 = arith.constant 0 : i32
      %dma_wait3A_128 = tpu.memref_slice %arg16[%add3A_15, %dma_wait3A_127] : memref<10000x128xf32, #tpu.memory_space<vmem_shared>> -> memref<48x128xf32, #tpu.memory_space<vmem_shared>>
      %dma_wait3A_129 = arith.constant 0 : i32
      %dma_wait3A_130 = tpu.memref_slice %arg16[%add3A_15, %dma_wait3A_129] : memref<10000x128xf32, #tpu.memory_space<vmem_shared>> -> memref<48x128xf32, #tpu.memory_space<vmem_shared>>
      tpu.wait_dma2 semaphore(%run_scoped3A : memref<!tpu.dma_semaphore, #tpu.memory_space<semaphore_mem>>) src(%arg15 : memref<48x128xf32, #tpu.memory_space<vmem>>) dst(%dma_wait3A_130 : memref<48x128xf32, #tpu.memory_space<vmem_shared>>)
      tpu.yield
    }) : () -> ()
    %mul3A_16 = arith.constant 624 : i32
    %mul3A_17 = arith.muli %arg1, %mul3A_16 : i32
    %add3A_18 = arith.constant 144 : i32
    %add3A_19 = arith.addi %mul3A_17, %add3A_18 : i32
    "tpu.region"() ({
      %run_scoped3A = tpu.sem_alloc : memref<!tpu.dma_semaphore, #tpu.memory_space<semaphore_mem>>
      %dma_start3A_123 = arith.constant 0 : i32
      %dma_start3A_124 = tpu.memref_slice %arg16[%add3A_19, %dma_start3A_123] : memref<10000x128xf32, #tpu.memory_space<vmem_shared>> -> memref<48x128xf32, #tpu.memory_space<vmem_shared>>
      %dma_start3A_125 = arith.constant 0 : i32
      %dma_start3A_126 = tpu.memref_slice %arg16[%add3A_19, %dma_start3A_125] : memref<10000x128xf32, #tpu.memory_space<vmem_shared>> -> memref<48x128xf32, #tpu.memory_space<vmem_shared>>
      tpu.enqueue_dma source(%arg15 : memref<48x128xf32, #tpu.memory_space<vmem>>) target(%dma_start3A_126 : memref<48x128xf32, #tpu.memory_space<vmem_shared>>) target_semaphore(%run_scoped3A : memref<!tpu.dma_semaphore, #tpu.memory_space<semaphore_mem>>)
      %dma_wait3A_127 = arith.constant 0 : i32
      %dma_wait3A_128 = tpu.memref_slice %arg16[%add3A_19, %dma_wait3A_127] : memref<10000x128xf32, #tpu.memory_space<vmem_shared>> -> memref<48x128xf32, #tpu.memory_space<vmem_shared>>
      %dma_wait3A_129 = arith.constant 0 : i32
      %dma_wait3A_130 = tpu.memref_slice %arg16[%add3A_19, %dma_wait3A_129] : memref<10000x128xf32, #tpu.memory_space<vmem_shared>> -> memref<48x128xf32, #tpu.memory_space<vmem_shared>>
      tpu.wait_dma2 semaphore(%run_scoped3A : memref<!tpu.dma_semaphore, #tpu.memory_space<semaphore_mem>>) src(%arg15 : memref<48x128xf32, #tpu.memory_space<vmem>>) dst(%dma_wait3A_130 : memref<48x128xf32, #tpu.memory_space<vmem_shared>>)
      tpu.yield
    }) : () -> ()
    %mul3A_20 = arith.constant 624 : i32
    %mul3A_21 = arith.muli %arg1, %mul3A_20 : i32
    %add3A_22 = arith.constant 192 : i32
    %add3A_23 = arith.addi %mul3A_21, %add3A_22 : i32
    "tpu.region"() ({
      %run_scoped3A = tpu.sem_alloc : memref<!tpu.dma_semaphore, #tpu.memory_space<semaphore_mem>>
      %dma_start3A_123 = arith.constant 0 : i32
      %dma_start3A_124 = tpu.memref_slice %arg16[%add3A_23, %dma_start3A_123] : memref<10000x128xf32, #tpu.memory_space<vmem_shared>> -> memref<48x128xf32, #tpu.memory_space<vmem_shared>>
      %dma_start3A_125 = arith.constant 0 : i32
      %dma_start3A_126 = tpu.memref_slice %arg16[%add3A_23, %dma_start3A_125] : memref<10000x128xf32, #tpu.memory_space<vmem_shared>> -> memref<48x128xf32, #tpu.memory_space<vmem_shared>>
      tpu.enqueue_dma source(%arg15 : memref<48x128xf32, #tpu.memory_space<vmem>>) target(%dma_start3A_126 : memref<48x128xf32, #tpu.memory_space<vmem_shared>>) target_semaphore(%run_scoped3A : memref<!tpu.dma_semaphore, #tpu.memory_space<semaphore_mem>>)
      %dma_wait3A_127 = arith.constant 0 : i32
      %dma_wait3A_128 = tpu.memref_slice %arg16[%add3A_23, %dma_wait3A_127] : memref<10000x128xf32, #tpu.memory_space<vmem_shared>> -> memref<48x128xf32, #tpu.memory_space<vmem_shared>>
      %dma_wait3A_129 = arith.constant 0 : i32
      %dma_wait3A_130 = tpu.memref_slice %arg16[%add3A_23, %dma_wait3A_129] : memref<10000x128xf32, #tpu.memory_space<vmem_shared>> -> memref<48x128xf32, #tpu.memory_space<vmem_shared>>
      tpu.wait_dma2 semaphore(%run_scoped3A : memref<!tpu.dma_semaphore, #tpu.memory_space<semaphore_mem>>) src(%arg15 : memref<48x128xf32, #tpu.memory_space<vmem>>) dst(%dma_wait3A_130 : memref<48x128xf32, #tpu.memory_space<vmem_shared>>)
      tpu.yield
    }) : () -> ()
    %mul3A_24 = arith.constant 624 : i32
    %mul3A_25 = arith.muli %arg1, %mul3A_24 : i32
    %add3A_26 = arith.constant 240 : i32
    %add3A_27 = arith.addi %mul3A_25, %add3A_26 : i32
    "tpu.region"() ({
      %run_scoped3A = tpu.sem_alloc : memref<!tpu.dma_semaphore, #tpu.memory_space<semaphore_mem>>
      %dma_start3A_123 = arith.constant 0 : i32
      %dma_start3A_124 = tpu.memref_slice %arg16[%add3A_27, %dma_start3A_123] : memref<10000x128xf32, #tpu.memory_space<vmem_shared>> -> memref<48x128xf32, #tpu.memory_space<vmem_shared>>
      %dma_start3A_125 = arith.constant 0 : i32
      %dma_start3A_126 = tpu.memref_slice %arg16[%add3A_27, %dma_start3A_125] : memref<10000x128xf32, #tpu.memory_space<vmem_shared>> -> memref<48x128xf32, #tpu.memory_space<vmem_shared>>
      tpu.enqueue_dma source(%arg15 : memref<48x128xf32, #tpu.memory_space<vmem>>) target(%dma_start3A_126 : memref<48x128xf32, #tpu.memory_space<vmem_shared>>) target_semaphore(%run_scoped3A : memref<!tpu.dma_semaphore, #tpu.memory_space<semaphore_mem>>)
      %dma_wait3A_127 = arith.constant 0 : i32
      %dma_wait3A_128 = tpu.memref_slice %arg16[%add3A_27, %dma_wait3A_127] : memref<10000x128xf32, #tpu.memory_space<vmem_shared>> -> memref<48x128xf32, #tpu.memory_space<vmem_shared>>
      %dma_wait3A_129 = arith.constant 0 : i32
      %dma_wait3A_130 = tpu.memref_slice %arg16[%add3A_27, %dma_wait3A_129] : memref<10000x128xf32, #tpu.memory_space<vmem_shared>> -> memref<48x128xf32, #tpu.memory_space<vmem_shared>>
      tpu.wait_dma2 semaphore(%run_scoped3A : memref<!tpu.dma_semaphore, #tpu.memory_space<semaphore_mem>>) src(%arg15 : memref<48x128xf32, #tpu.memory_space<vmem>>) dst(%dma_wait3A_130 : memref<48x128xf32, #tpu.memory_space<vmem_shared>>)
      tpu.yield
    }) : () -> ()
    %mul3A_28 = arith.constant 624 : i32
    %mul3A_29 = arith.muli %arg1, %mul3A_28 : i32
    %add3A_30 = arith.constant 288 : i32
    %add3A_31 = arith.addi %mul3A_29, %add3A_30 : i32
    "tpu.region"() ({
      %run_scoped3A = tpu.sem_alloc : memref<!tpu.dma_semaphore, #tpu.memory_space<semaphore_mem>>
      %dma_start3A_123 = arith.constant 0 : i32
      %dma_start3A_124 = tpu.memref_slice %arg16[%add3A_31, %dma_start3A_123] : memref<10000x128xf32, #tpu.memory_space<vmem_shared>> -> memref<48x128xf32, #tpu.memory_space<vmem_shared>>
      %dma_start3A_125 = arith.constant 0 : i32
      %dma_start3A_126 = tpu.memref_slice %arg16[%add3A_31, %dma_start3A_125] : memref<10000x128xf32, #tpu.memory_space<vmem_shared>> -> memref<48x128xf32, #tpu.memory_space<vmem_shared>>
      tpu.enqueue_dma source(%arg15 : memref<48x128xf32, #tpu.memory_space<vmem>>) target(%dma_start3A_126 : memref<48x128xf32, #tpu.memory_space<vmem_shared>>) target_semaphore(%run_scoped3A : memref<!tpu.dma_semaphore, #tpu.memory_space<semaphore_mem>>)
      %dma_wait3A_127 = arith.constant 0 : i32
      %dma_wait3A_128 = tpu.memref_slice %arg16[%add3A_31, %dma_wait3A_127] : memref<10000x128xf32, #tpu.memory_space<vmem_shared>> -> memref<48x128xf32, #tpu.memory_space<vmem_shared>>
      %dma_wait3A_129 = arith.constant 0 : i32
      %dma_wait3A_130 = tpu.memref_slice %arg16[%add3A_31, %dma_wait3A_129] : memref<10000x128xf32, #tpu.memory_space<vmem_shared>> -> memref<48x128xf32, #tpu.memory_space<vmem_shared>>
      tpu.wait_dma2 semaphore(%run_scoped3A : memref<!tpu.dma_semaphore, #tpu.memory_space<semaphore_mem>>) src(%arg15 : memref<48x128xf32, #tpu.memory_space<vmem>>) dst(%dma_wait3A_130 : memref<48x128xf32, #tpu.memory_space<vmem_shared>>)
      tpu.yield
    }) : () -> ()
    %mul3A_32 = arith.constant 624 : i32
    %mul3A_33 = arith.muli %arg1, %mul3A_32 : i32
    %add3A_34 = arith.constant 336 : i32
    %add3A_35 = arith.addi %mul3A_33, %add3A_34 : i32
    "tpu.region"() ({
      %run_scoped3A = tpu.sem_alloc : memref<!tpu.dma_semaphore, #tpu.memory_space<semaphore_mem>>
      %dma_start3A_123 = arith.constant 0 : i32
      %dma_start3A_124 = tpu.memref_slice %arg16[%add3A_35, %dma_start3A_123] : memref<10000x128xf32, #tpu.memory_space<vmem_shared>> -> memref<48x128xf32, #tpu.memory_space<vmem_shared>>
      %dma_start3A_125 = arith.constant 0 : i32
      %dma_start3A_126 = tpu.memref_slice %arg16[%add3A_35, %dma_start3A_125] : memref<10000x128xf32, #tpu.memory_space<vmem_shared>> -> memref<48x128xf32, #tpu.memory_space<vmem_shared>>
      tpu.enqueue_dma source(%arg15 : memref<48x128xf32, #tpu.memory_space<vmem>>) target(%dma_start3A_126 : memref<48x128xf32, #tpu.memory_space<vmem_shared>>) target_semaphore(%run_scoped3A : memref<!tpu.dma_semaphore, #tpu.memory_space<semaphore_mem>>)
      %dma_wait3A_127 = arith.constant 0 : i32
      %dma_wait3A_128 = tpu.memref_slice %arg16[%add3A_35, %dma_wait3A_127] : memref<10000x128xf32, #tpu.memory_space<vmem_shared>> -> memref<48x128xf32, #tpu.memory_space<vmem_shared>>
      %dma_wait3A_129 = arith.constant 0 : i32
      %dma_wait3A_130 = tpu.memref_slice %arg16[%add3A_35, %dma_wait3A_129] : memref<10000x128xf32, #tpu.memory_space<vmem_shared>> -> memref<48x128xf32, #tpu.memory_space<vmem_shared>>
      tpu.wait_dma2 semaphore(%run_scoped3A : memref<!tpu.dma_semaphore, #tpu.memory_space<semaphore_mem>>) src(%arg15 : memref<48x128xf32, #tpu.memory_space<vmem>>) dst(%dma_wait3A_130 : memref<48x128xf32, #tpu.memory_space<vmem_shared>>)
      tpu.yield
    }) : () -> ()
    %mul3A_36 = arith.constant 624 : i32
    %mul3A_37 = arith.muli %arg1, %mul3A_36 : i32
    %add3A_38 = arith.constant 384 : i32
    %add3A_39 = arith.addi %mul3A_37, %add3A_38 : i32
    "tpu.region"() ({
      %run_scoped3A = tpu.sem_alloc : memref<!tpu.dma_semaphore, #tpu.memory_space<semaphore_mem>>
      %dma_start3A_123 = arith.constant 0 : i32
      %dma_start3A_124 = tpu.memref_slice %arg16[%add3A_39, %dma_start3A_123] : memref<10000x128xf32, #tpu.memory_space<vmem_shared>> -> memref<48x128xf32, #tpu.memory_space<vmem_shared>>
      %dma_start3A_125 = arith.constant 0 : i32
      %dma_start3A_126 = tpu.memref_slice %arg16[%add3A_39, %dma_start3A_125] : memref<10000x128xf32, #tpu.memory_space<vmem_shared>> -> memref<48x128xf32, #tpu.memory_space<vmem_shared>>
      tpu.enqueue_dma source(%arg15 : memref<48x128xf32, #tpu.memory_space<vmem>>) target(%dma_start3A_126 : memref<48x128xf32, #tpu.memory_space<vmem_shared>>) target_semaphore(%run_scoped3A : memref<!tpu.dma_semaphore, #tpu.memory_space<semaphore_mem>>)
      %dma_wait3A_127 = arith.constant 0 : i32
      %dma_wait3A_128 = tpu.memref_slice %arg16[%add3A_39, %dma_wait3A_127] : memref<10000x128xf32, #tpu.memory_space<vmem_shared>> -> memref<48x128xf32, #tpu.memory_space<vmem_shared>>
      %dma_wait3A_129 = arith.constant 0 : i32
      %dma_wait3A_130 = tpu.memref_slice %arg16[%add3A_39, %dma_wait3A_129] : memref<10000x128xf32, #tpu.memory_space<vmem_shared>> -> memref<48x128xf32, #tpu.memory_space<vmem_shared>>
      tpu.wait_dma2 semaphore(%run_scoped3A : memref<!tpu.dma_semaphore, #tpu.memory_space<semaphore_mem>>) src(%arg15 : memref<48x128xf32, #tpu.memory_space<vmem>>) dst(%dma_wait3A_130 : memref<48x128xf32, #tpu.memory_space<vmem_shared>>)
      tpu.yield
    }) : () -> ()
    %mul3A_40 = arith.constant 624 : i32
    %mul3A_41 = arith.muli %arg1, %mul3A_40 : i32
    %add3A_42 = arith.constant 432 : i32
    %add3A_43 = arith.addi %mul3A_41, %add3A_42 : i32
    "tpu.region"() ({
      %run_scoped3A = tpu.sem_alloc : memref<!tpu.dma_semaphore, #tpu.memory_space<semaphore_mem>>
      %dma_start3A_123 = arith.constant 0 : i32
      %dma_start3A_124 = tpu.memref_slice %arg16[%add3A_43, %dma_start3A_123] : memref<10000x128xf32, #tpu.memory_space<vmem_shared>> -> memref<48x128xf32, #tpu.memory_space<vmem_shared>>
      %dma_start3A_125 = arith.constant 0 : i32
      %dma_start3A_126 = tpu.memref_slice %arg16[%add3A_43, %dma_start3A_125] : memref<10000x128xf32, #tpu.memory_space<vmem_shared>> -> memref<48x128xf32, #tpu.memory_space<vmem_shared>>
      tpu.enqueue_dma source(%arg15 : memref<48x128xf32, #tpu.memory_space<vmem>>) target(%dma_start3A_126 : memref<48x128xf32, #tpu.memory_space<vmem_shared>>) target_semaphore(%run_scoped3A : memref<!tpu.dma_semaphore, #tpu.memory_space<semaphore_mem>>)
      %dma_wait3A_127 = arith.constant 0 : i32
      %dma_wait3A_128 = tpu.memref_slice %arg16[%add3A_43, %dma_wait3A_127] : memref<10000x128xf32, #tpu.memory_space<vmem_shared>> -> memref<48x128xf32, #tpu.memory_space<vmem_shared>>
      %dma_wait3A_129 = arith.constant 0 : i32
      %dma_wait3A_130 = tpu.memref_slice %arg16[%add3A_43, %dma_wait3A_129] : memref<10000x128xf32, #tpu.memory_space<vmem_shared>> -> memref<48x128xf32, #tpu.memory_space<vmem_shared>>
      tpu.wait_dma2 semaphore(%run_scoped3A : memref<!tpu.dma_semaphore, #tpu.memory_space<semaphore_mem>>) src(%arg15 : memref<48x128xf32, #tpu.memory_space<vmem>>) dst(%dma_wait3A_130 : memref<48x128xf32, #tpu.memory_space<vmem_shared>>)
      tpu.yield
    }) : () -> ()
    %mul3A_44 = arith.constant 624 : i32
    %mul3A_45 = arith.muli %arg1, %mul3A_44 : i32
    %add3A_46 = arith.constant 480 : i32
    %add3A_47 = arith.addi %mul3A_45, %add3A_46 : i32
    "tpu.region"() ({
      %run_scoped3A = tpu.sem_alloc : memref<!tpu.dma_semaphore, #tpu.memory_space<semaphore_mem>>
      %dma_start3A_123 = arith.constant 0 : i32
      %dma_start3A_124 = tpu.memref_slice %arg16[%add3A_47, %dma_start3A_123] : memref<10000x128xf32, #tpu.memory_space<vmem_shared>> -> memref<48x128xf32, #tpu.memory_space<vmem_shared>>
      %dma_start3A_125 = arith.constant 0 : i32
      %dma_start3A_126 = tpu.memref_slice %arg16[%add3A_47, %dma_start3A_125] : memref<10000x128xf32, #tpu.memory_space<vmem_shared>> -> memref<48x128xf32, #tpu.memory_space<vmem_shared>>
      tpu.enqueue_dma source(%arg15 : memref<48x128xf32, #tpu.memory_space<vmem>>) target(%dma_start3A_126 : memref<48x128xf32, #tpu.memory_space<vmem_shared>>) target_semaphore(%run_scoped3A : memref<!tpu.dma_semaphore, #tpu.memory_space<semaphore_mem>>)
      %dma_wait3A_127 = arith.constant 0 : i32
      %dma_wait3A_128 = tpu.memref_slice %arg16[%add3A_47, %dma_wait3A_127] : memref<10000x128xf32, #tpu.memory_space<vmem_shared>> -> memref<48x128xf32, #tpu.memory_space<vmem_shared>>
      %dma_wait3A_129 = arith.constant 0 : i32
      %dma_wait3A_130 = tpu.memref_slice %arg16[%add3A_47, %dma_wait3A_129] : memref<10000x128xf32, #tpu.memory_space<vmem_shared>> -> memref<48x128xf32, #tpu.memory_space<vmem_shared>>
      tpu.wait_dma2 semaphore(%run_scoped3A : memref<!tpu.dma_semaphore, #tpu.memory_space<semaphore_mem>>) src(%arg15 : memref<48x128xf32, #tpu.memory_space<vmem>>) dst(%dma_wait3A_130 : memref<48x128xf32, #tpu.memory_space<vmem_shared>>)
      tpu.yield
    }) : () -> ()
    %mul3A_48 = arith.constant 624 : i32
    %mul3A_49 = arith.muli %arg1, %mul3A_48 : i32
    %add3A_50 = arith.constant 528 : i32
    %add3A_51 = arith.addi %mul3A_49, %add3A_50 : i32
    "tpu.region"() ({
      %run_scoped3A = tpu.sem_alloc : memref<!tpu.dma_semaphore, #tpu.memory_space<semaphore_mem>>
      %dma_start3A_123 = arith.constant 0 : i32
      %dma_start3A_124 = tpu.memref_slice %arg16[%add3A_51, %dma_start3A_123] : memref<10000x128xf32, #tpu.memory_space<vmem_shared>> -> memref<48x128xf32, #tpu.memory_space<vmem_shared>>
      %dma_start3A_125 = arith.constant 0 : i32
      %dma_start3A_126 = tpu.memref_slice %arg16[%add3A_51, %dma_start3A_125] : memref<10000x128xf32, #tpu.memory_space<vmem_shared>> -> memref<48x128xf32, #tpu.memory_space<vmem_shared>>
      tpu.enqueue_dma source(%arg15 : memref<48x128xf32, #tpu.memory_space<vmem>>) target(%dma_start3A_126 : memref<48x128xf32, #tpu.memory_space<vmem_shared>>) target_semaphore(%run_scoped3A : memref<!tpu.dma_semaphore, #tpu.memory_space<semaphore_mem>>)
      %dma_wait3A_127 = arith.constant 0 : i32
      %dma_wait3A_128 = tpu.memref_slice %arg16[%add3A_51, %dma_wait3A_127] : memref<10000x128xf32, #tpu.memory_space<vmem_shared>> -> memref<48x128xf32, #tpu.memory_space<vmem_shared>>
      %dma_wait3A_129 = arith.constant 0 : i32
      %dma_wait3A_130 = tpu.memref_slice %arg16[%add3A_51, %dma_wait3A_129] : memref<10000x128xf32, #tpu.memory_space<vmem_shared>> -> memref<48x128xf32, #tpu.memory_space<vmem_shared>>
      tpu.wait_dma2 semaphore(%run_scoped3A : memref<!tpu.dma_semaphore, #tpu.memory_space<semaphore_mem>>) src(%arg15 : memref<48x128xf32, #tpu.memory_space<vmem>>) dst(%dma_wait3A_130 : memref<48x128xf32, #tpu.memory_space<vmem_shared>>)
      tpu.yield
    }) : () -> ()
    %mul3A_52 = arith.constant 624 : i32
    %mul3A_53 = arith.muli %arg1, %mul3A_52 : i32
    %add3A_54 = arith.constant 576 : i32
    %add3A_55 = arith.addi %mul3A_53, %add3A_54 : i32
    "tpu.region"() ({
      %run_scoped3A = tpu.sem_alloc : memref<!tpu.dma_semaphore, #tpu.memory_space<semaphore_mem>>
      %dma_start3A_123 = arith.constant 0 : i32
      %dma_start3A_124 = tpu.memref_slice %arg16[%add3A_55, %dma_start3A_123] : memref<10000x128xf32, #tpu.memory_space<vmem_shared>> -> memref<48x128xf32, #tpu.memory_space<vmem_shared>>
      %dma_start3A_125 = arith.constant 0 : i32
      %dma_start3A_126 = tpu.memref_slice %arg16[%add3A_55, %dma_start3A_125] : memref<10000x128xf32, #tpu.memory_space<vmem_shared>> -> memref<48x128xf32, #tpu.memory_space<vmem_shared>>
      tpu.enqueue_dma source(%arg15 : memref<48x128xf32, #tpu.memory_space<vmem>>) target(%dma_start3A_126 : memref<48x128xf32, #tpu.memory_space<vmem_shared>>) target_semaphore(%run_scoped3A : memref<!tpu.dma_semaphore, #tpu.memory_space<semaphore_mem>>)
      %dma_wait3A_127 = arith.constant 0 : i32
      %dma_wait3A_128 = tpu.memref_slice %arg16[%add3A_55, %dma_wait3A_127] : memref<10000x128xf32, #tpu.memory_space<vmem_shared>> -> memref<48x128xf32, #tpu.memory_space<vmem_shared>>
      %dma_wait3A_129 = arith.constant 0 : i32
      %dma_wait3A_130 = tpu.memref_slice %arg16[%add3A_55, %dma_wait3A_129] : memref<10000x128xf32, #tpu.memory_space<vmem_shared>> -> memref<48x128xf32, #tpu.memory_space<vmem_shared>>
      tpu.wait_dma2 semaphore(%run_scoped3A : memref<!tpu.dma_semaphore, #tpu.memory_space<semaphore_mem>>) src(%arg15 : memref<48x128xf32, #tpu.memory_space<vmem>>) dst(%dma_wait3A_130 : memref<48x128xf32, #tpu.memory_space<vmem_shared>>)
      tpu.yield
    }) : () -> ()
    %eq3A = arith.constant 0 : i32
    %eq3A_56 = arith.cmpi eq, %arg1, %eq3A : i32
    %convert_element_type3A = arith.extui %eq3A_56 : i1 to i32
    %cond3A = arith.constant 0 : i32
    %cond3A_57 = arith.cmpi ne, %convert_element_type3A, %cond3A : i32
    scf.if %cond3A_57 {
      "tpu.region"() ({
        %run_scoped3A = tpu.sem_alloc : memref<!tpu.dma_semaphore, #tpu.memory_space<semaphore_mem>>
        %dma_start3A_123 = arith.constant 0 : i32
        %dma_start3A_124 = arith.constant 0 : i32
        %dma_start3A_125 = tpu.memref_slice %arg15[%dma_start3A_123, %dma_start3A_124] : memref<48x128xf32, #tpu.memory_space<vmem>> -> memref<16x128xf32, #tpu.memory_space<vmem>>
        %dma_start3A_126 = arith.constant 9984 : i32
        %dma_start3A_127 = arith.constant 0 : i32
        %dma_start3A_128 = tpu.memref_slice %arg16[%dma_start3A_126, %dma_start3A_127] : memref<10000x128xf32, #tpu.memory_space<vmem_shared>> -> memref<16x128xf32, #tpu.memory_space<vmem_shared>>
        %dma_start3A_129 = arith.constant 9984 : i32
        %dma_start3A_130 = arith.constant 0 : i32
        %dma_start3A_131 = tpu.memref_slice %arg16[%dma_start3A_129, %dma_start3A_130] : memref<10000x128xf32, #tpu.memory_space<vmem_shared>> -> memref<16x128xf32, #tpu.memory_space<vmem_shared>>
        %dma_start3A_132 = arith.constant 0 : i32
        %dma_start3A_133 = arith.constant 0 : i32
        %dma_start3A_134 = tpu.memref_slice %arg15[%dma_start3A_132, %dma_start3A_133] : memref<48x128xf32, #tpu.memory_space<vmem>> -> memref<16x128xf32, #tpu.memory_space<vmem>>
        tpu.enqueue_dma source(%dma_start3A_134 : memref<16x128xf32, #tpu.memory_space<vmem>>) target(%dma_start3A_131 : memref<16x128xf32, #tpu.memory_space<vmem_shared>>) target_semaphore(%run_scoped3A : memref<!tpu.dma_semaphore, #tpu.memory_space<semaphore_mem>>)
        %dma_wait3A_135 = arith.constant 0 : i32
        %dma_wait3A_136 = arith.constant 0 : i32
        %dma_wait3A_137 = tpu.memref_slice %arg15[%dma_wait3A_135, %dma_wait3A_136] : memref<48x128xf32, #tpu.memory_space<vmem>> -> memref<16x128xf32, #tpu.memory_space<vmem>>
        %dma_wait3A_138 = arith.constant 9984 : i32
        %dma_wait3A_139 = arith.constant 0 : i32
        %dma_wait3A_140 = tpu.memref_slice %arg16[%dma_wait3A_138, %dma_wait3A_139] : memref<10000x128xf32, #tpu.memory_space<vmem_shared>> -> memref<16x128xf32, #tpu.memory_space<vmem_shared>>
        %dma_wait3A_141 = arith.constant 9984 : i32
        %dma_wait3A_142 = arith.constant 0 : i32
        %dma_wait3A_143 = tpu.memref_slice %arg16[%dma_wait3A_141, %dma_wait3A_142] : memref<10000x128xf32, #tpu.memory_space<vmem_shared>> -> memref<16x128xf32, #tpu.memory_space<vmem_shared>>
        %dma_wait3A_144 = arith.constant 0 : i32
        %dma_wait3A_145 = arith.constant 0 : i32
        %dma_wait3A_146 = tpu.memref_slice %arg15[%dma_wait3A_144, %dma_wait3A_145] : memref<48x128xf32, #tpu.memory_space<vmem>> -> memref<16x128xf32, #tpu.memory_space<vmem>>
        tpu.wait_dma2 semaphore(%run_scoped3A : memref<!tpu.dma_semaphore, #tpu.memory_space<semaphore_mem>>) src(%dma_wait3A_146 : memref<16x128xf32, #tpu.memory_space<vmem>>) dst(%dma_wait3A_143 : memref<16x128xf32, #tpu.memory_space<vmem_shared>>)
        tpu.yield
      }) : () -> ()
    } else {
    }
    %barrier3A = arith.constant 0 : index
    tpu.barrier barrier_id(%barrier3A)
    %mul3A_58 = arith.constant 16 : i32
    %mul3A_59 = arith.muli %arg0, %mul3A_58 : i32
    %add3A_60 = arith.addi %mul3A_59, %arg1 : i32
    %mul3A_61 = arith.constant 10000 : i32
    %mul3A_62 = arith.muli %add3A_60, %mul3A_61 : i32
    %add3A_63 = arith.constant 0 : i32
    %add3A_64 = arith.addi %mul3A_62, %add3A_63 : i32
    %dma_start3A = tpu.memref_slice %arg4[%add3A_64] : memref<320000xi32, #tpu.memory_space<hbm>> -> memref<80xi32, #tpu.memory_space<hbm>>
    %dma_start3A_65 = tpu.memref_slice %arg4[%add3A_64] : memref<320000xi32, #tpu.memory_space<hbm>> -> memref<80xi32, #tpu.memory_space<hbm>>
    tpu.enqueue_dma source(%dma_start3A_65 : memref<80xi32, #tpu.memory_space<hbm>>) target(%arg7 : memref<80xi32, #tpu.memory_space<vmem>>) target_semaphore(%arg17 : memref<!tpu.dma_semaphore, #tpu.memory_space<semaphore_mem>>)
    %dma_start3A_66 = tpu.memref_slice %arg5[%add3A_64] : memref<320000xi32, #tpu.memory_space<hbm>> -> memref<80xi32, #tpu.memory_space<hbm>>
    %dma_start3A_67 = tpu.memref_slice %arg5[%add3A_64] : memref<320000xi32, #tpu.memory_space<hbm>> -> memref<80xi32, #tpu.memory_space<hbm>>
    tpu.enqueue_dma source(%dma_start3A_67 : memref<80xi32, #tpu.memory_space<hbm>>) target(%arg8 : memref<80xi32, #tpu.memory_space<vmem>>) target_semaphore(%arg17 : memref<!tpu.dma_semaphore, #tpu.memory_space<semaphore_mem>>)
    %add3A_68 = arith.constant 0 : i32
    %add3A_69 = arith.addi %mul3A_62, %add3A_68 : i32
    %dma_start3A_70 = arith.constant 0 : i32
    %dma_start3A_71 = tpu.memref_slice %arg3[%add3A_69, %dma_start3A_70] : memref<320000x128xf32, #tpu.memory_space<hbm>> -> memref<80x128xf32, #tpu.memory_space<hbm>>
    %dma_start3A_72 = arith.constant 0 : i32
    %dma_start3A_73 = tpu.memref_slice %arg3[%add3A_69, %dma_start3A_72] : memref<320000x128xf32, #tpu.memory_space<hbm>> -> memref<80x128xf32, #tpu.memory_space<hbm>>
    tpu.enqueue_dma source(%dma_start3A_73 : memref<80x128xf32, #tpu.memory_space<hbm>>) target(%arg13 : memref<80x128xf32, #tpu.memory_space<vmem>>) target_semaphore(%arg19 : memref<!tpu.dma_semaphore, #tpu.memory_space<semaphore_mem>>)
    %add3A_74 = arith.constant 80 : i32
    %add3A_75 = arith.addi %mul3A_62, %add3A_74 : i32
    %dma_start3A_76 = tpu.memref_slice %arg4[%add3A_75] : memref<320000xi32, #tpu.memory_space<hbm>> -> memref<80xi32, #tpu.memory_space<hbm>>
    %dma_start3A_77 = tpu.memref_slice %arg4[%add3A_75] : memref<320000xi32, #tpu.memory_space<hbm>> -> memref<80xi32, #tpu.memory_space<hbm>>
    tpu.enqueue_dma source(%dma_start3A_77 : memref<80xi32, #tpu.memory_space<hbm>>) target(%arg9 : memref<80xi32, #tpu.memory_space<vmem>>) target_semaphore(%arg18 : memref<!tpu.dma_semaphore, #tpu.memory_space<semaphore_mem>>)
    %dma_start3A_78 = tpu.memref_slice %arg5[%add3A_75] : memref<320000xi32, #tpu.memory_space<hbm>> -> memref<80xi32, #tpu.memory_space<hbm>>
    %dma_start3A_79 = tpu.memref_slice %arg5[%add3A_75] : memref<320000xi32, #tpu.memory_space<hbm>> -> memref<80xi32, #tpu.memory_space<hbm>>
    tpu.enqueue_dma source(%dma_start3A_79 : memref<80xi32, #tpu.memory_space<hbm>>) target(%arg10 : memref<80xi32, #tpu.memory_space<vmem>>) target_semaphore(%arg18 : memref<!tpu.dma_semaphore, #tpu.memory_space<semaphore_mem>>)
    %add3A_80 = arith.constant 80 : i32
    %add3A_81 = arith.addi %mul3A_62, %add3A_80 : i32
    %dma_start3A_82 = arith.constant 0 : i32
    %dma_start3A_83 = tpu.memref_slice %arg3[%add3A_81, %dma_start3A_82] : memref<320000x128xf32, #tpu.memory_space<hbm>> -> memref<80x128xf32, #tpu.memory_space<hbm>>
    %dma_start3A_84 = arith.constant 0 : i32
    %dma_start3A_85 = tpu.memref_slice %arg3[%add3A_81, %dma_start3A_84] : memref<320000x128xf32, #tpu.memory_space<hbm>> -> memref<80x128xf32, #tpu.memory_space<hbm>>
    tpu.enqueue_dma source(%dma_start3A_85 : memref<80x128xf32, #tpu.memory_space<hbm>>) target(%arg14 : memref<80x128xf32, #tpu.memory_space<vmem>>) target_semaphore(%arg20 : memref<!tpu.dma_semaphore, #tpu.memory_space<semaphore_mem>>)
    %dma_wait3A = tpu.memref_slice %arg4[%mul3A_62] : memref<320000xi32, #tpu.memory_space<hbm>> -> memref<80xi32, #tpu.memory_space<hbm>>
    %dma_wait3A_86 = tpu.memref_slice %arg4[%mul3A_62] : memref<320000xi32, #tpu.memory_space<hbm>> -> memref<80xi32, #tpu.memory_space<hbm>>
    tpu.wait_dma2 semaphore(%arg17 : memref<!tpu.dma_semaphore, #tpu.memory_space<semaphore_mem>>) src(%dma_wait3A_86 : memref<80xi32, #tpu.memory_space<hbm>>) dst(%arg7 : memref<80xi32, #tpu.memory_space<vmem>>)
    %dma_wait3A_87 = tpu.memref_slice %arg5[%mul3A_62] : memref<320000xi32, #tpu.memory_space<hbm>> -> memref<80xi32, #tpu.memory_space<hbm>>
    %dma_wait3A_88 = tpu.memref_slice %arg5[%mul3A_62] : memref<320000xi32, #tpu.memory_space<hbm>> -> memref<80xi32, #tpu.memory_space<hbm>>
    tpu.wait_dma2 semaphore(%arg17 : memref<!tpu.dma_semaphore, #tpu.memory_space<semaphore_mem>>) src(%dma_wait3A_88 : memref<80xi32, #tpu.memory_space<hbm>>) dst(%arg8 : memref<80xi32, #tpu.memory_space<vmem>>)
    %dma_start3A_89 = arith.constant 0 : i32
    %dma_start3A_90 = arith.constant 0 : i32
    %dma_start3A_91 = tpu.memref_slice %arg2[%dma_start3A_89, %dma_start3A_90] : memref<10000x128xf32, #tpu.memory_space<hbm>> -> memref<10000x128xf32, #tpu.memory_space<hbm>>
    tpu.enqueue_indirect_dma source(%dma_start3A_91 : memref<10000x128xf32, #tpu.memory_space<hbm>>) target(%arg11 : memref<80x128xf32, #tpu.memory_space<vmem>>) offsets(%arg7 : memref<80xi32, #tpu.memory_space<vmem>>) semaphore(%arg21 : memref<!tpu.dma_semaphore, #tpu.memory_space<semaphore_mem>>)
    %scan3A_92 = arith.constant 0 : i32
    %scan3A_93 = arith.constant 0 : i32
    %scan3A_94 = arith.constant 62 : i32
    %scan3A_95 = arith.addi %scan3A_93, %scan3A_94 : i32
    %scan3A_96 = arith.constant 1 : i32
    %scan3A_97 = scf.for %scan3A_123 = %scan3A_93 to %scan3A_95 step %scan3A_96 iter_args(%scan3A_124 = %scan3A_92) -> (i32)  : i32 {
      %mul3A_125 = arith.constant 2 : i32
      %mul3A_126 = arith.muli %mul3A_125, %scan3A_123 : i32
      %dma_wait3A_127 = tpu.memref_slice %arg4[%mul3A_62] : memref<320000xi32, #tpu.memory_space<hbm>> -> memref<80xi32, #tpu.memory_space<hbm>>
      %dma_wait3A_128 = tpu.memref_slice %arg4[%mul3A_62] : memref<320000xi32, #tpu.memory_space<hbm>> -> memref<80xi32, #tpu.memory_space<hbm>>
      tpu.wait_dma2 semaphore(%arg18 : memref<!tpu.dma_semaphore, #tpu.memory_space<semaphore_mem>>) src(%dma_wait3A_128 : memref<80xi32, #tpu.memory_space<hbm>>) dst(%arg9 : memref<80xi32, #tpu.memory_space<vmem>>)
      %dma_wait3A_129 = tpu.memref_slice %arg5[%mul3A_62] : memref<320000xi32, #tpu.memory_space<hbm>> -> memref<80xi32, #tpu.memory_space<hbm>>
      %dma_wait3A_130 = tpu.memref_slice %arg5[%mul3A_62] : memref<320000xi32, #tpu.memory_space<hbm>> -> memref<80xi32, #tpu.memory_space<hbm>>
      tpu.wait_dma2 semaphore(%arg18 : memref<!tpu.dma_semaphore, #tpu.memory_space<semaphore_mem>>) src(%dma_wait3A_130 : memref<80xi32, #tpu.memory_space<hbm>>) dst(%arg10 : memref<80xi32, #tpu.memory_space<vmem>>)
      %dma_start3A_131 = arith.constant 0 : i32
      %dma_start3A_132 = arith.constant 0 : i32
      %dma_start3A_133 = tpu.memref_slice %arg2[%dma_start3A_131, %dma_start3A_132] : memref<10000x128xf32, #tpu.memory_space<hbm>> -> memref<10000x128xf32, #tpu.memory_space<hbm>>
      tpu.enqueue_indirect_dma source(%dma_start3A_133 : memref<10000x128xf32, #tpu.memory_space<hbm>>) target(%arg12 : memref<80x128xf32, #tpu.memory_space<vmem>>) offsets(%arg9 : memref<80xi32, #tpu.memory_space<vmem>>) semaphore(%arg22 : memref<!tpu.dma_semaphore, #tpu.memory_space<semaphore_mem>>)
      %dma_wait3A_134 = arith.constant 0 : i32
      %dma_wait3A_135 = arith.constant 0 : i32
      %dma_wait3A_136 = tpu.memref_slice %arg2[%dma_wait3A_134, %dma_wait3A_135] : memref<10000x128xf32, #tpu.memory_space<hbm>> -> memref<10000x128xf32, #tpu.memory_space<hbm>>
      tpu.wait_indirect_dma semaphore(%arg21 : memref<!tpu.dma_semaphore, #tpu.memory_space<semaphore_mem>>) src(%dma_wait3A_136 : memref<10000x128xf32, #tpu.memory_space<hbm>>) dst(%arg11 : memref<80x128xf32, #tpu.memory_space<vmem>>)
      %dma_wait3A_137 = arith.constant 0 : i32
      %dma_wait3A_138 = tpu.memref_slice %arg3[%mul3A_62, %dma_wait3A_137] : memref<320000x128xf32, #tpu.memory_space<hbm>> -> memref<80x128xf32, #tpu.memory_space<hbm>>
      %dma_wait3A_139 = arith.constant 0 : i32
      %dma_wait3A_140 = tpu.memref_slice %arg3[%mul3A_62, %dma_wait3A_139] : memref<320000x128xf32, #tpu.memory_space<hbm>> -> memref<80x128xf32, #tpu.memory_space<hbm>>
      tpu.wait_dma2 semaphore(%arg19 : memref<!tpu.dma_semaphore, #tpu.memory_space<semaphore_mem>>) src(%dma_wait3A_140 : memref<80x128xf32, #tpu.memory_space<hbm>>) dst(%arg13 : memref<80x128xf32, #tpu.memory_space<vmem>>)
      %scan3A_141 = arith.constant 0 : i32
      %scan3A_142 = arith.constant 0 : i32
      %scan3A_143 = arith.constant 80 : i32
      %scan3A_144 = arith.addi %scan3A_142, %scan3A_143 : i32
      %scan3A_145 = arith.constant 1 : i32
      %scan3A_146 = scf.for %scan3A_183 = %scan3A_142 to %scan3A_144 step %scan3A_145 iter_args(%scan3A_184 = %scan3A_141) -> (i32)  : i32 {
        %get3A = arith.index_cast %scan3A_183 : i32 to index
        %get3A_185 = arith.constant 0 : index
        %get3A_186 = tpu.vector_load %arg11[%get3A, %get3A_185] {strides = array<i32>} : memref<80x128xf32, #tpu.memory_space<vmem>>, vector<1x16xf32>,
        %get3A_187 = vector.shape_cast %get3A_186 : vector<1x16xf32> to vector<16xf32>
        %get3A_188 = arith.index_cast %scan3A_183 : i32 to index
        %get3A_189 = arith.constant 0 : index
        %get3A_190 = tpu.vector_load %arg13[%get3A_188, %get3A_189] {strides = array<i32>} : memref<80x128xf32, #tpu.memory_space<vmem>>, vector<1x16xf32>,
        %get3A_191 = vector.shape_cast %get3A_190 : vector<1x16xf32> to vector<16xf32>
        %mul3A_192 = arith.mulf %get3A_187, %get3A_191 : vector<16xf32>
        %swap3A = arith.index_cast %scan3A_183 : i32 to index
        %swap3A_193 = arith.constant 0 : index
        %swap3A_194 = tpu.vector_load %arg11[%swap3A, %swap3A_193] {strides = array<i32>} : memref<80x128xf32, #tpu.memory_space<vmem>>, vector<1x16xf32>,
        %swap3A_195 = vector.shape_cast %swap3A_194 : vector<1x16xf32> to vector<16xf32>
        %swap3A_196 = vector.shape_cast %mul3A_192 : vector<16xf32> to vector<1x16xf32>
        tpu.vector_store %arg11[%swap3A, %swap3A_193], %swap3A_196 {strides = array<i32>} : memref<80x128xf32, #tpu.memory_space<vmem>>, vector<1x16xf32>,
        %get3A_197 = arith.index_cast %scan3A_183 : i32 to index
        %get3A_198 = arith.constant 16 : index
        %get3A_199 = tpu.vector_load %arg11[%get3A_197, %get3A_198] {strides = array<i32>} : memref<80x128xf32, #tpu.memory_space<vmem>>, vector<1x16xf32>,
        %get3A_200 = vector.shape_cast %get3A_199 : vector<1x16xf32> to vector<16xf32>
        %get3A_201 = arith.index_cast %scan3A_183 : i32 to index
        %get3A_202 = arith.constant 16 : index
        %get3A_203 = tpu.vector_load %arg13[%get3A_201, %get3A_202] {strides = array<i32>} : memref<80x128xf32, #tpu.memory_space<vmem>>, vector<1x16xf32>,
        %get3A_204 = vector.shape_cast %get3A_203 : vector<1x16xf32> to vector<16xf32>
        %mul3A_205 = arith.mulf %get3A_200, %get3A_204 : vector<16xf32>
        %swap3A_206 = arith.index_cast %scan3A_183 : i32 to index
        %swap3A_207 = arith.constant 16 : index
        %swap3A_208 = tpu.vector_load %arg11[%swap3A_206, %swap3A_207] {strides = array<i32>} : memref<80x128xf32, #tpu.memory_space<vmem>>, vector<1x16xf32>,
        %swap3A_209 = vector.shape_cast %swap3A_208 : vector<1x16xf32> to vector<16xf32>
        %swap3A_210 = vector.shape_cast %mul3A_205 : vector<16xf32> to vector<1x16xf32>
        tpu.vector_store %arg11[%swap3A_206, %swap3A_207], %swap3A_210 {strides = array<i32>} : memref<80x128xf32, #tpu.memory_space<vmem>>, vector<1x16xf32>,
        %get3A_211 = arith.index_cast %scan3A_183 : i32 to index
        %get3A_212 = arith.constant 32 : index
        %get3A_213 = tpu.vector_load %arg11[%get3A_211, %get3A_212] {strides = array<i32>} : memref<80x128xf32, #tpu.memory_space<vmem>>, vector<1x16xf32>,
        %get3A_214 = vector.shape_cast %get3A_213 : vector<1x16xf32> to vector<16xf32>
        %get3A_215 = arith.index_cast %scan3A_183 : i32 to index
        %get3A_216 = arith.constant 32 : index
        %get3A_217 = tpu.vector_load %arg13[%get3A_215, %get3A_216] {strides = array<i32>} : memref<80x128xf32, #tpu.memory_space<vmem>>, vector<1x16xf32>,
        %get3A_218 = vector.shape_cast %get3A_217 : vector<1x16xf32> to vector<16xf32>
        %mul3A_219 = arith.mulf %get3A_214, %get3A_218 : vector<16xf32>
        %swap3A_220 = arith.index_cast %scan3A_183 : i32 to index
        %swap3A_221 = arith.constant 32 : index
        %swap3A_222 = tpu.vector_load %arg11[%swap3A_220, %swap3A_221] {strides = array<i32>} : memref<80x128xf32, #tpu.memory_space<vmem>>, vector<1x16xf32>,
        %swap3A_223 = vector.shape_cast %swap3A_222 : vector<1x16xf32> to vector<16xf32>
        %swap3A_224 = vector.shape_cast %mul3A_219 : vector<16xf32> to vector<1x16xf32>
        tpu.vector_store %arg11[%swap3A_220, %swap3A_221], %swap3A_224 {strides = array<i32>} : memref<80x128xf32, #tpu.memory_space<vmem>>, vector<1x16xf32>,
        %get3A_225 = arith.index_cast %scan3A_183 : i32 to index
        %get3A_226 = arith.constant 48 : index
        %get3A_227 = tpu.vector_load %arg11[%get3A_225, %get3A_226] {strides = array<i32>} : memref<80x128xf32, #tpu.memory_space<vmem>>, vector<1x16xf32>,
        %get3A_228 = vector.shape_cast %get3A_227 : vector<1x16xf32> to vector<16xf32>
        %get3A_229 = arith.index_cast %scan3A_183 : i32 to index
        %get3A_230 = arith.constant 48 : index
        %get3A_231 = tpu.vector_load %arg13[%get3A_229, %get3A_230] {strides = array<i32>} : memref<80x128xf32, #tpu.memory_space<vmem>>, vector<1x16xf32>,
        %get3A_232 = vector.shape_cast %get3A_231 : vector<1x16xf32> to vector<16xf32>
        %mul3A_233 = arith.mulf %get3A_228, %get3A_232 : vector<16xf32>
        %swap3A_234 = arith.index_cast %scan3A_183 : i32 to index
        %swap3A_235 = arith.constant 48 : index
        %swap3A_236 = tpu.vector_load %arg11[%swap3A_234, %swap3A_235] {strides = array<i32>} : memref<80x128xf32, #tpu.memory_space<vmem>>, vector<1x16xf32>,
        %swap3A_237 = vector.shape_cast %swap3A_236 : vector<1x16xf32> to vector<16xf32>
        %swap3A_238 = vector.shape_cast %mul3A_233 : vector<16xf32> to vector<1x16xf32>
        tpu.vector_store %arg11[%swap3A_234, %swap3A_235], %swap3A_238 {strides = array<i32>} : memref<80x128xf32, #tpu.memory_space<vmem>>, vector<1x16xf32>,
        %get3A_239 = arith.index_cast %scan3A_183 : i32 to index
        %get3A_240 = arith.constant 64 : index
        %get3A_241 = tpu.vector_load %arg11[%get3A_239, %get3A_240] {strides = array<i32>} : memref<80x128xf32, #tpu.memory_space<vmem>>, vector<1x16xf32>,
        %get3A_242 = vector.shape_cast %get3A_241 : vector<1x16xf32> to vector<16xf32>
        %get3A_243 = arith.index_cast %scan3A_183 : i32 to index
        %get3A_244 = arith.constant 64 : index
        %get3A_245 = tpu.vector_load %arg13[%get3A_243, %get3A_244] {strides = array<i32>} : memref<80x128xf32, #tpu.memory_space<vmem>>, vector<1x16xf32>,
        %get3A_246 = vector.shape_cast %get3A_245 : vector<1x16xf32> to vector<16xf32>
        %mul3A_247 = arith.mulf %get3A_242, %get3A_246 : vector<16xf32>
        %swap3A_248 = arith.index_cast %scan3A_183 : i32 to index
        %swap3A_249 = arith.constant 64 : index
        %swap3A_250 = tpu.vector_load %arg11[%swap3A_248, %swap3A_249] {strides = array<i32>} : memref<80x128xf32, #tpu.memory_space<vmem>>, vector<1x16xf32>,
        %swap3A_251 = vector.shape_cast %swap3A_250 : vector<1x16xf32> to vector<16xf32>
        %swap3A_252 = vector.shape_cast %mul3A_247 : vector<16xf32> to vector<1x16xf32>
        tpu.vector_store %arg11[%swap3A_248, %swap3A_249], %swap3A_252 {strides = array<i32>} : memref<80x128xf32, #tpu.memory_space<vmem>>, vector<1x16xf32>,
        %get3A_253 = arith.index_cast %scan3A_183 : i32 to index
        %get3A_254 = arith.constant 80 : index
        %get3A_255 = tpu.vector_load %arg11[%get3A_253, %get3A_254] {strides = array<i32>} : memref<80x128xf32, #tpu.memory_space<vmem>>, vector<1x16xf32>,
        %get3A_256 = vector.shape_cast %get3A_255 : vector<1x16xf32> to vector<16xf32>
        %get3A_257 = arith.index_cast %scan3A_183 : i32 to index
        %get3A_258 = arith.constant 80 : index
        %get3A_259 = tpu.vector_load %arg13[%get3A_257, %get3A_258] {strides = array<i32>} : memref<80x128xf32, #tpu.memory_space<vmem>>, vector<1x16xf32>,
        %get3A_260 = vector.shape_cast %get3A_259 : vector<1x16xf32> to vector<16xf32>
        %mul3A_261 = arith.mulf %get3A_256, %get3A_260 : vector<16xf32>
        %swap3A_262 = arith.index_cast %scan3A_183 : i32 to index
        %swap3A_263 = arith.constant 80 : index
        %swap3A_264 = tpu.vector_load %arg11[%swap3A_262, %swap3A_263] {strides = array<i32>} : memref<80x128xf32, #tpu.memory_space<vmem>>, vector<1x16xf32>,
        %swap3A_265 = vector.shape_cast %swap3A_264 : vector<1x16xf32> to vector<16xf32>
        %swap3A_266 = vector.shape_cast %mul3A_261 : vector<16xf32> to vector<1x16xf32>
        tpu.vector_store %arg11[%swap3A_262, %swap3A_263], %swap3A_266 {strides = array<i32>} : memref<80x128xf32, #tpu.memory_space<vmem>>, vector<1x16xf32>,
        %get3A_267 = arith.index_cast %scan3A_183 : i32 to index
        %get3A_268 = arith.constant 96 : index
        %get3A_269 = tpu.vector_load %arg11[%get3A_267, %get3A_268] {strides = array<i32>} : memref<80x128xf32, #tpu.memory_space<vmem>>, vector<1x16xf32>,
        %get3A_270 = vector.shape_cast %get3A_269 : vector<1x16xf32> to vector<16xf32>
        %get3A_271 = arith.index_cast %scan3A_183 : i32 to index
        %get3A_272 = arith.constant 96 : index
        %get3A_273 = tpu.vector_load %arg13[%get3A_271, %get3A_272] {strides = array<i32>} : memref<80x128xf32, #tpu.memory_space<vmem>>, vector<1x16xf32>,
        %get3A_274 = vector.shape_cast %get3A_273 : vector<1x16xf32> to vector<16xf32>
        %mul3A_275 = arith.mulf %get3A_270, %get3A_274 : vector<16xf32>
        %swap3A_276 = arith.index_cast %scan3A_183 : i32 to index
        %swap3A_277 = arith.constant 96 : index
        %swap3A_278 = tpu.vector_load %arg11[%swap3A_276, %swap3A_277] {strides = array<i32>} : memref<80x128xf32, #tpu.memory_space<vmem>>, vector<1x16xf32>,
        %swap3A_279 = vector.shape_cast %swap3A_278 : vector<1x16xf32> to vector<16xf32>
        %swap3A_280 = vector.shape_cast %mul3A_275 : vector<16xf32> to vector<1x16xf32>
        tpu.vector_store %arg11[%swap3A_276, %swap3A_277], %swap3A_280 {strides = array<i32>} : memref<80x128xf32, #tpu.memory_space<vmem>>, vector<1x16xf32>,
        %get3A_281 = arith.index_cast %scan3A_183 : i32 to index
        %get3A_282 = arith.constant 112 : index
        %get3A_283 = tpu.vector_load %arg11[%get3A_281, %get3A_282] {strides = array<i32>} : memref<80x128xf32, #tpu.memory_space<vmem>>, vector<1x16xf32>,
        %get3A_284 = vector.shape_cast %get3A_283 : vector<1x16xf32> to vector<16xf32>
        %get3A_285 = arith.index_cast %scan3A_183 : i32 to index
        %get3A_286 = arith.constant 112 : index
        %get3A_287 = tpu.vector_load %arg13[%get3A_285, %get3A_286] {strides = array<i32>} : memref<80x128xf32, #tpu.memory_space<vmem>>, vector<1x16xf32>,
        %get3A_288 = vector.shape_cast %get3A_287 : vector<1x16xf32> to vector<16xf32>
        %mul3A_289 = arith.mulf %get3A_284, %get3A_288 : vector<16xf32>
        %swap3A_290 = arith.index_cast %scan3A_183 : i32 to index
        %swap3A_291 = arith.constant 112 : index
        %swap3A_292 = tpu.vector_load %arg11[%swap3A_290, %swap3A_291] {strides = array<i32>} : memref<80x128xf32, #tpu.memory_space<vmem>>, vector<1x16xf32>,
        %swap3A_293 = vector.shape_cast %swap3A_292 : vector<1x16xf32> to vector<16xf32>
        %swap3A_294 = vector.shape_cast %mul3A_289 : vector<16xf32> to vector<1x16xf32>
        tpu.vector_store %arg11[%swap3A_290, %swap3A_291], %swap3A_294 {strides = array<i32>} : memref<80x128xf32, #tpu.memory_space<vmem>>, vector<1x16xf32>,
        %scan3A_295 = arith.constant 0 : i32
        scf.yield %scan3A_295 : i32
      }
      %scan3A_147 = arith.constant 80 : i32
      "tpu.region"() ({
        %run_scoped3A = tpu.sem_alloc : memref<!tpu.dma_semaphore, #tpu.memory_space<semaphore_mem>>
        %dma_start3A_183 = arith.constant 0 : i32
        %dma_start3A_184 = arith.constant 0 : i32
        %dma_start3A_185 = tpu.memref_slice %arg16[%dma_start3A_183, %dma_start3A_184] : memref<10000x128xf32, #tpu.memory_space<vmem_shared>> -> memref<10000x128xf32, #tpu.memory_space<vmem_shared>>
        tpu.enqueue_indirect_dma source(%arg11 : memref<80x128xf32, #tpu.memory_space<vmem>>) target(%dma_start3A_185 : memref<10000x128xf32, #tpu.memory_space<vmem_shared>>) offsets(%arg8 : memref<80xi32, #tpu.memory_space<vmem>>) semaphore(%run_scoped3A : memref<!tpu.dma_semaphore, #tpu.memory_space<semaphore_mem>>) {add = true}
        %dma_wait3A_186 = arith.constant 0 : i32
        %dma_wait3A_187 = arith.constant 0 : i32
        %dma_wait3A_188 = tpu.memref_slice %arg16[%dma_wait3A_186, %dma_wait3A_187] : memref<10000x128xf32, #tpu.memory_space<vmem_shared>> -> memref<10000x128xf32, #tpu.memory_space<vmem_shared>>
        tpu.wait_indirect_dma semaphore(%run_scoped3A : memref<!tpu.dma_semaphore, #tpu.memory_space<semaphore_mem>>) src(%arg11 : memref<80x128xf32, #tpu.memory_space<vmem>>) dst(%dma_wait3A_188 : memref<10000x128xf32, #tpu.memory_space<vmem_shared>>)
        tpu.yield
      }) : () -> ()
      %add3A_148 = arith.constant 2 : i32
      %add3A_149 = arith.addi %mul3A_126, %add3A_148 : i32
      %lt3A = arith.constant 125 : i32
      %lt3A_150 = arith.cmpi slt, %add3A_149, %lt3A : i32
      %convert_element_type3A_151 = arith.extui %lt3A_150 : i1 to i32
      %cond3A_152 = arith.constant 0 : i32
      %cond3A_153 = arith.cmpi ne, %convert_element_type3A_151, %cond3A_152 : i32
      scf.if %cond3A_153 {
        %add3A_183 = arith.constant 2 : i32
        %add3A_184 = arith.addi %mul3A_126, %add3A_183 : i32
        %mul3A_185 = arith.constant 80 : i32
        %mul3A_186 = arith.muli %add3A_184, %mul3A_185 : i32
        %add3A_187 = arith.addi %mul3A_62, %mul3A_186 : i32
        %dma_start3A_188 = tpu.memref_slice %arg4[%add3A_187] : memref<320000xi32, #tpu.memory_space<hbm>> -> memref<80xi32, #tpu.memory_space<hbm>>
        %dma_start3A_189 = tpu.memref_slice %arg4[%add3A_187] : memref<320000xi32, #tpu.memory_space<hbm>> -> memref<80xi32, #tpu.memory_space<hbm>>
        tpu.enqueue_dma source(%dma_start3A_189 : memref<80xi32, #tpu.memory_space<hbm>>) target(%arg7 : memref<80xi32, #tpu.memory_space<vmem>>) target_semaphore(%arg17 : memref<!tpu.dma_semaphore, #tpu.memory_space<semaphore_mem>>)
        %dma_start3A_190 = tpu.memref_slice %arg5[%add3A_187] : memref<320000xi32, #tpu.memory_space<hbm>> -> memref<80xi32, #tpu.memory_space<hbm>>
        %dma_start3A_191 = tpu.memref_slice %arg5[%add3A_187] : memref<320000xi32, #tpu.memory_space<hbm>> -> memref<80xi32, #tpu.memory_space<hbm>>
        tpu.enqueue_dma source(%dma_start3A_191 : memref<80xi32, #tpu.memory_space<hbm>>) target(%arg8 : memref<80xi32, #tpu.memory_space<vmem>>) target_semaphore(%arg17 : memref<!tpu.dma_semaphore, #tpu.memory_space<semaphore_mem>>)
        %add3A_192 = arith.constant 2 : i32
        %add3A_193 = arith.addi %mul3A_126, %add3A_192 : i32
        %mul3A_194 = arith.constant 80 : i32
        %mul3A_195 = arith.muli %add3A_193, %mul3A_194 : i32
        %add3A_196 = arith.addi %mul3A_62, %mul3A_195 : i32
        %dma_start3A_197 = arith.constant 0 : i32
        %dma_start3A_198 = tpu.memref_slice %arg3[%add3A_196, %dma_start3A_197] : memref<320000x128xf32, #tpu.memory_space<hbm>> -> memref<80x128xf32, #tpu.memory_space<hbm>>
        %dma_start3A_199 = arith.constant 0 : i32
        %dma_start3A_200 = tpu.memref_slice %arg3[%add3A_196, %dma_start3A_199] : memref<320000x128xf32, #tpu.memory_space<hbm>> -> memref<80x128xf32, #tpu.memory_space<hbm>>
        tpu.enqueue_dma source(%dma_start3A_200 : memref<80x128xf32, #tpu.memory_space<hbm>>) target(%arg13 : memref<80x128xf32, #tpu.memory_space<vmem>>) target_semaphore(%arg19 : memref<!tpu.dma_semaphore, #tpu.memory_space<semaphore_mem>>)
      } else {
      }
      %dma_wait3A_154 = arith.constant 0 : i32
      %dma_wait3A_155 = arith.constant 0 : i32
      %dma_wait3A_156 = tpu.memref_slice %arg2[%dma_wait3A_154, %dma_wait3A_155] : memref<10000x128xf32, #tpu.memory_space<hbm>> -> memref<10000x128xf32, #tpu.memory_space<hbm>>
      tpu.wait_indirect_dma semaphore(%arg22 : memref<!tpu.dma_semaphore, #tpu.memory_space<semaphore_mem>>) src(%dma_wait3A_156 : memref<10000x128xf32, #tpu.memory_space<hbm>>) dst(%arg12 : memref<80x128xf32, #tpu.memory_space<vmem>>)
      %dma_wait3A_157 = arith.constant 0 : i32
      %dma_wait3A_158 = tpu.memref_slice %arg3[%mul3A_62, %dma_wait3A_157] : memref<320000x128xf32, #tpu.memory_space<hbm>> -> memref<80x128xf32, #tpu.memory_space<hbm>>
      %dma_wait3A_159 = arith.constant 0 : i32
      %dma_wait3A_160 = tpu.memref_slice %arg3[%mul3A_62, %dma_wait3A_159] : memref<320000x128xf32, #tpu.memory_space<hbm>> -> memref<80x128xf32, #tpu.memory_space<hbm>>
      tpu.wait_dma2 semaphore(%arg20 : memref<!tpu.dma_semaphore, #tpu.memory_space<semaphore_mem>>) src(%dma_wait3A_160 : memref<80x128xf32, #tpu.memory_space<hbm>>) dst(%arg14 : memref<80x128xf32, #tpu.memory_space<vmem>>)
      %scan3A_161 = arith.constant 0 : i32
      %scan3A_162 = arith.constant 0 : i32
      %scan3A_163 = arith.constant 80 : i32
      %scan3A_164 = arith.addi %scan3A_162, %scan3A_163 : i32
      %scan3A_165 = arith.constant 1 : i32
      %scan3A_166 = scf.for %scan3A_183 = %scan3A_162 to %scan3A_164 step %scan3A_165 iter_args(%scan3A_184 = %scan3A_161) -> (i32)  : i32 {
        %get3A = arith.index_cast %scan3A_183 : i32 to index
        %get3A_185 = arith.constant 0 : index
        %get3A_186 = tpu.vector_load %arg12[%get3A, %get3A_185] {strides = array<i32>} : memref<80x128xf32, #tpu.memory_space<vmem>>, vector<1x16xf32>,
        %get3A_187 = vector.shape_cast %get3A_186 : vector<1x16xf32> to vector<16xf32>
        %get3A_188 = arith.index_cast %scan3A_183 : i32 to index
        %get3A_189 = arith.constant 0 : index
        %get3A_190 = tpu.vector_load %arg14[%get3A_188, %get3A_189] {strides = array<i32>} : memref<80x128xf32, #tpu.memory_space<vmem>>, vector<1x16xf32>,
        %get3A_191 = vector.shape_cast %get3A_190 : vector<1x16xf32> to vector<16xf32>
        %mul3A_192 = arith.mulf %get3A_187, %get3A_191 : vector<16xf32>
        %swap3A = arith.index_cast %scan3A_183 : i32 to index
        %swap3A_193 = arith.constant 0 : index
        %swap3A_194 = tpu.vector_load %arg12[%swap3A, %swap3A_193] {strides = array<i32>} : memref<80x128xf32, #tpu.memory_space<vmem>>, vector<1x16xf32>,
        %swap3A_195 = vector.shape_cast %swap3A_194 : vector<1x16xf32> to vector<16xf32>
        %swap3A_196 = vector.shape_cast %mul3A_192 : vector<16xf32> to vector<1x16xf32>
        tpu.vector_store %arg12[%swap3A, %swap3A_193], %swap3A_196 {strides = array<i32>} : memref<80x128xf32, #tpu.memory_space<vmem>>, vector<1x16xf32>,
        %get3A_197 = arith.index_cast %scan3A_183 : i32 to index
        %get3A_198 = arith.constant 16 : index
        %get3A_199 = tpu.vector_load %arg12[%get3A_197, %get3A_198] {strides = array<i32>} : memref<80x128xf32, #tpu.memory_space<vmem>>, vector<1x16xf32>,
        %get3A_200 = vector.shape_cast %get3A_199 : vector<1x16xf32> to vector<16xf32>
        %get3A_201 = arith.index_cast %scan3A_183 : i32 to index
        %get3A_202 = arith.constant 16 : index
        %get3A_203 = tpu.vector_load %arg14[%get3A_201, %get3A_202] {strides = array<i32>} : memref<80x128xf32, #tpu.memory_space<vmem>>, vector<1x16xf32>,
        %get3A_204 = vector.shape_cast %get3A_203 : vector<1x16xf32> to vector<16xf32>
        %mul3A_205 = arith.mulf %get3A_200, %get3A_204 : vector<16xf32>
        %swap3A_206 = arith.index_cast %scan3A_183 : i32 to index
        %swap3A_207 = arith.constant 16 : index
        %swap3A_208 = tpu.vector_load %arg12[%swap3A_206, %swap3A_207] {strides = array<i32>} : memref<80x128xf32, #tpu.memory_space<vmem>>, vector<1x16xf32>,
        %swap3A_209 = vector.shape_cast %swap3A_208 : vector<1x16xf32> to vector<16xf32>
        %swap3A_210 = vector.shape_cast %mul3A_205 : vector<16xf32> to vector<1x16xf32>
        tpu.vector_store %arg12[%swap3A_206, %swap3A_207], %swap3A_210 {strides = array<i32>} : memref<80x128xf32, #tpu.memory_space<vmem>>, vector<1x16xf32>,
        %get3A_211 = arith.index_cast %scan3A_183 : i32 to index
        %get3A_212 = arith.constant 32 : index
        %get3A_213 = tpu.vector_load %arg12[%get3A_211, %get3A_212] {strides = array<i32>} : memref<80x128xf32, #tpu.memory_space<vmem>>, vector<1x16xf32>,
        %get3A_214 = vector.shape_cast %get3A_213 : vector<1x16xf32> to vector<16xf32>
        %get3A_215 = arith.index_cast %scan3A_183 : i32 to index
        %get3A_216 = arith.constant 32 : index
        %get3A_217 = tpu.vector_load %arg14[%get3A_215, %get3A_216] {strides = array<i32>} : memref<80x128xf32, #tpu.memory_space<vmem>>, vector<1x16xf32>,
        %get3A_218 = vector.shape_cast %get3A_217 : vector<1x16xf32> to vector<16xf32>
        %mul3A_219 = arith.mulf %get3A_214, %get3A_218 : vector<16xf32>
        %swap3A_220 = arith.index_cast %scan3A_183 : i32 to index
        %swap3A_221 = arith.constant 32 : index
        %swap3A_222 = tpu.vector_load %arg12[%swap3A_220, %swap3A_221] {strides = array<i32>} : memref<80x128xf32, #tpu.memory_space<vmem>>, vector<1x16xf32>,
        %swap3A_223 = vector.shape_cast %swap3A_222 : vector<1x16xf32> to vector<16xf32>
        %swap3A_224 = vector.shape_cast %mul3A_219 : vector<16xf32> to vector<1x16xf32>
        tpu.vector_store %arg12[%swap3A_220, %swap3A_221], %swap3A_224 {strides = array<i32>} : memref<80x128xf32, #tpu.memory_space<vmem>>, vector<1x16xf32>,
        %get3A_225 = arith.index_cast %scan3A_183 : i32 to index
        %get3A_226 = arith.constant 48 : index
        %get3A_227 = tpu.vector_load %arg12[%get3A_225, %get3A_226] {strides = array<i32>} : memref<80x128xf32, #tpu.memory_space<vmem>>, vector<1x16xf32>,
        %get3A_228 = vector.shape_cast %get3A_227 : vector<1x16xf32> to vector<16xf32>
        %get3A_229 = arith.index_cast %scan3A_183 : i32 to index
        %get3A_230 = arith.constant 48 : index
        %get3A_231 = tpu.vector_load %arg14[%get3A_229, %get3A_230] {strides = array<i32>} : memref<80x128xf32, #tpu.memory_space<vmem>>, vector<1x16xf32>,
        %get3A_232 = vector.shape_cast %get3A_231 : vector<1x16xf32> to vector<16xf32>
        %mul3A_233 = arith.mulf %get3A_228, %get3A_232 : vector<16xf32>
        %swap3A_234 = arith.index_cast %scan3A_183 : i32 to index
        %swap3A_235 = arith.constant 48 : index
        %swap3A_236 = tpu.vector_load %arg12[%swap3A_234, %swap3A_235] {strides = array<i32>} : memref<80x128xf32, #tpu.memory_space<vmem>>, vector<1x16xf32>,
        %swap3A_237 = vector.shape_cast %swap3A_236 : vector<1x16xf32> to vector<16xf32>
        %swap3A_238 = vector.shape_cast %mul3A_233 : vector<16xf32> to vector<1x16xf32>
        tpu.vector_store %arg12[%swap3A_234, %swap3A_235], %swap3A_238 {strides = array<i32>} : memref<80x128xf32, #tpu.memory_space<vmem>>, vector<1x16xf32>,
        %get3A_239 = arith.index_cast %scan3A_183 : i32 to index
        %get3A_240 = arith.constant 64 : index
        %get3A_241 = tpu.vector_load %arg12[%get3A_239, %get3A_240] {strides = array<i32>} : memref<80x128xf32, #tpu.memory_space<vmem>>, vector<1x16xf32>,
        %get3A_242 = vector.shape_cast %get3A_241 : vector<1x16xf32> to vector<16xf32>
        %get3A_243 = arith.index_cast %scan3A_183 : i32 to index
        %get3A_244 = arith.constant 64 : index
        %get3A_245 = tpu.vector_load %arg14[%get3A_243, %get3A_244] {strides = array<i32>} : memref<80x128xf32, #tpu.memory_space<vmem>>, vector<1x16xf32>,
        %get3A_246 = vector.shape_cast %get3A_245 : vector<1x16xf32> to vector<16xf32>
        %mul3A_247 = arith.mulf %get3A_242, %get3A_246 : vector<16xf32>
        %swap3A_248 = arith.index_cast %scan3A_183 : i32 to index
        %swap3A_249 = arith.constant 64 : index
        %swap3A_250 = tpu.vector_load %arg12[%swap3A_248, %swap3A_249] {strides = array<i32>} : memref<80x128xf32, #tpu.memory_space<vmem>>, vector<1x16xf32>,
        %swap3A_251 = vector.shape_cast %swap3A_250 : vector<1x16xf32> to vector<16xf32>
        %swap3A_252 = vector.shape_cast %mul3A_247 : vector<16xf32> to vector<1x16xf32>
        tpu.vector_store %arg12[%swap3A_248, %swap3A_249], %swap3A_252 {strides = array<i32>} : memref<80x128xf32, #tpu.memory_space<vmem>>, vector<1x16xf32>,
        %get3A_253 = arith.index_cast %scan3A_183 : i32 to index
        %get3A_254 = arith.constant 80 : index
        %get3A_255 = tpu.vector_load %arg12[%get3A_253, %get3A_254] {strides = array<i32>} : memref<80x128xf32, #tpu.memory_space<vmem>>, vector<1x16xf32>,
        %get3A_256 = vector.shape_cast %get3A_255 : vector<1x16xf32> to vector<16xf32>
        %get3A_257 = arith.index_cast %scan3A_183 : i32 to index
        %get3A_258 = arith.constant 80 : index
        %get3A_259 = tpu.vector_load %arg14[%get3A_257, %get3A_258] {strides = array<i32>} : memref<80x128xf32, #tpu.memory_space<vmem>>, vector<1x16xf32>,
        %get3A_260 = vector.shape_cast %get3A_259 : vector<1x16xf32> to vector<16xf32>
        %mul3A_261 = arith.mulf %get3A_256, %get3A_260 : vector<16xf32>
        %swap3A_262 = arith.index_cast %scan3A_183 : i32 to index
        %swap3A_263 = arith.constant 80 : index
        %swap3A_264 = tpu.vector_load %arg12[%swap3A_262, %swap3A_263] {strides = array<i32>} : memref<80x128xf32, #tpu.memory_space<vmem>>, vector<1x16xf32>,
        %swap3A_265 = vector.shape_cast %swap3A_264 : vector<1x16xf32> to vector<16xf32>
        %swap3A_266 = vector.shape_cast %mul3A_261 : vector<16xf32> to vector<1x16xf32>
        tpu.vector_store %arg12[%swap3A_262, %swap3A_263], %swap3A_266 {strides = array<i32>} : memref<80x128xf32, #tpu.memory_space<vmem>>, vector<1x16xf32>,
        %get3A_267 = arith.index_cast %scan3A_183 : i32 to index
        %get3A_268 = arith.constant 96 : index
        %get3A_269 = tpu.vector_load %arg12[%get3A_267, %get3A_268] {strides = array<i32>} : memref<80x128xf32, #tpu.memory_space<vmem>>, vector<1x16xf32>,
        %get3A_270 = vector.shape_cast %get3A_269 : vector<1x16xf32> to vector<16xf32>
        %get3A_271 = arith.index_cast %scan3A_183 : i32 to index
        %get3A_272 = arith.constant 96 : index
        %get3A_273 = tpu.vector_load %arg14[%get3A_271, %get3A_272] {strides = array<i32>} : memref<80x128xf32, #tpu.memory_space<vmem>>, vector<1x16xf32>,
        %get3A_274 = vector.shape_cast %get3A_273 : vector<1x16xf32> to vector<16xf32>
        %mul3A_275 = arith.mulf %get3A_270, %get3A_274 : vector<16xf32>
        %swap3A_276 = arith.index_cast %scan3A_183 : i32 to index
        %swap3A_277 = arith.constant 96 : index
        %swap3A_278 = tpu.vector_load %arg12[%swap3A_276, %swap3A_277] {strides = array<i32>} : memref<80x128xf32, #tpu.memory_space<vmem>>, vector<1x16xf32>,
        %swap3A_279 = vector.shape_cast %swap3A_278 : vector<1x16xf32> to vector<16xf32>
        %swap3A_280 = vector.shape_cast %mul3A_275 : vector<16xf32> to vector<1x16xf32>
        tpu.vector_store %arg12[%swap3A_276, %swap3A_277], %swap3A_280 {strides = array<i32>} : memref<80x128xf32, #tpu.memory_space<vmem>>, vector<1x16xf32>,
        %get3A_281 = arith.index_cast %scan3A_183 : i32 to index
        %get3A_282 = arith.constant 112 : index
        %get3A_283 = tpu.vector_load %arg12[%get3A_281, %get3A_282] {strides = array<i32>} : memref<80x128xf32, #tpu.memory_space<vmem>>, vector<1x16xf32>,
        %get3A_284 = vector.shape_cast %get3A_283 : vector<1x16xf32> to vector<16xf32>
        %get3A_285 = arith.index_cast %scan3A_183 : i32 to index
        %get3A_286 = arith.constant 112 : index
        %get3A_287 = tpu.vector_load %arg14[%get3A_285, %get3A_286] {strides = array<i32>} : memref<80x128xf32, #tpu.memory_space<vmem>>, vector<1x16xf32>,
        %get3A_288 = vector.shape_cast %get3A_287 : vector<1x16xf32> to vector<16xf32>
        %mul3A_289 = arith.mulf %get3A_284, %get3A_288 : vector<16xf32>
        %swap3A_290 = arith.index_cast %scan3A_183 : i32 to index
        %swap3A_291 = arith.constant 112 : index
        %swap3A_292 = tpu.vector_load %arg12[%swap3A_290, %swap3A_291] {strides = array<i32>} : memref<80x128xf32, #tpu.memory_space<vmem>>, vector<1x16xf32>,
        %swap3A_293 = vector.shape_cast %swap3A_292 : vector<1x16xf32> to vector<16xf32>
        %swap3A_294 = vector.shape_cast %mul3A_289 : vector<16xf32> to vector<1x16xf32>
        tpu.vector_store %arg12[%swap3A_290, %swap3A_291], %swap3A_294 {strides = array<i32>} : memref<80x128xf32, #tpu.memory_space<vmem>>, vector<1x16xf32>,
        %scan3A_295 = arith.constant 0 : i32
        scf.yield %scan3A_295 : i32
      }
      %scan3A_167 = arith.constant 80 : i32
      "tpu.region"() ({
        %run_scoped3A = tpu.sem_alloc : memref<!tpu.dma_semaphore, #tpu.memory_space<semaphore_mem>>
        %dma_start3A_183 = arith.constant 0 : i32
        %dma_start3A_184 = arith.constant 0 : i32
        %dma_start3A_185 = tpu.memref_slice %arg16[%dma_start3A_183, %dma_start3A_184] : memref<10000x128xf32, #tpu.memory_space<vmem_shared>> -> memref<10000x128xf32, #tpu.memory_space<vmem_shared>>
        tpu.enqueue_indirect_dma source(%arg12 : memref<80x128xf32, #tpu.memory_space<vmem>>) target(%dma_start3A_185 : memref<10000x128xf32, #tpu.memory_space<vmem_shared>>) offsets(%arg10 : memref<80xi32, #tpu.memory_space<vmem>>) semaphore(%run_scoped3A : memref<!tpu.dma_semaphore, #tpu.memory_space<semaphore_mem>>) {add = true}
        %dma_wait3A_186 = arith.constant 0 : i32
        %dma_wait3A_187 = arith.constant 0 : i32
        %dma_wait3A_188 = tpu.memref_slice %arg16[%dma_wait3A_186, %dma_wait3A_187] : memref<10000x128xf32, #tpu.memory_space<vmem_shared>> -> memref<10000x128xf32, #tpu.memory_space<vmem_shared>>
        tpu.wait_indirect_dma semaphore(%run_scoped3A : memref<!tpu.dma_semaphore, #tpu.memory_space<semaphore_mem>>) src(%arg12 : memref<80x128xf32, #tpu.memory_space<vmem>>) dst(%dma_wait3A_188 : memref<10000x128xf32, #tpu.memory_space<vmem_shared>>)
        tpu.yield
      }) : () -> ()
      %add3A_168 = arith.constant 3 : i32
      %add3A_169 = arith.addi %mul3A_126, %add3A_168 : i32
      %lt3A_170 = arith.constant 125 : i32
      %lt3A_171 = arith.cmpi slt, %add3A_169, %lt3A_170 : i32
      %convert_element_type3A_172 = arith.extui %lt3A_171 : i1 to i32
      %cond3A_173 = arith.constant 0 : i32
      %cond3A_174 = arith.cmpi ne, %convert_element_type3A_172, %cond3A_173 : i32
      scf.if %cond3A_174 {
        %add3A_183 = arith.constant 3 : i32
        %add3A_184 = arith.addi %mul3A_126, %add3A_183 : i32
        %mul3A_185 = arith.constant 80 : i32
        %mul3A_186 = arith.muli %add3A_184, %mul3A_185 : i32
        %add3A_187 = arith.addi %mul3A_62, %mul3A_186 : i32
        %dma_start3A_188 = tpu.memref_slice %arg4[%add3A_187] : memref<320000xi32, #tpu.memory_space<hbm>> -> memref<80xi32, #tpu.memory_space<hbm>>
        %dma_start3A_189 = tpu.memref_slice %arg4[%add3A_187] : memref<320000xi32, #tpu.memory_space<hbm>> -> memref<80xi32, #tpu.memory_space<hbm>>
        tpu.enqueue_dma source(%dma_start3A_189 : memref<80xi32, #tpu.memory_space<hbm>>) target(%arg9 : memref<80xi32, #tpu.memory_space<vmem>>) target_semaphore(%arg18 : memref<!tpu.dma_semaphore, #tpu.memory_space<semaphore_mem>>)
        %dma_start3A_190 = tpu.memref_slice %arg5[%add3A_187] : memref<320000xi32, #tpu.memory_space<hbm>> -> memref<80xi32, #tpu.memory_space<hbm>>
        %dma_start3A_191 = tpu.memref_slice %arg5[%add3A_187] : memref<320000xi32, #tpu.memory_space<hbm>> -> memref<80xi32, #tpu.memory_space<hbm>>
        tpu.enqueue_dma source(%dma_start3A_191 : memref<80xi32, #tpu.memory_space<hbm>>) target(%arg10 : memref<80xi32, #tpu.memory_space<vmem>>) target_semaphore(%arg18 : memref<!tpu.dma_semaphore, #tpu.memory_space<semaphore_mem>>)
        %add3A_192 = arith.constant 3 : i32
        %add3A_193 = arith.addi %mul3A_126, %add3A_192 : i32
        %mul3A_194 = arith.constant 80 : i32
        %mul3A_195 = arith.muli %add3A_193, %mul3A_194 : i32
        %add3A_196 = arith.addi %mul3A_62, %mul3A_195 : i32
        %dma_start3A_197 = arith.constant 0 : i32
        %dma_start3A_198 = tpu.memref_slice %arg3[%add3A_196, %dma_start3A_197] : memref<320000x128xf32, #tpu.memory_space<hbm>> -> memref<80x128xf32, #tpu.memory_space<hbm>>
        %dma_start3A_199 = arith.constant 0 : i32
        %dma_start3A_200 = tpu.memref_slice %arg3[%add3A_196, %dma_start3A_199] : memref<320000x128xf32, #tpu.memory_space<hbm>> -> memref<80x128xf32, #tpu.memory_space<hbm>>
        tpu.enqueue_dma source(%dma_start3A_200 : memref<80x128xf32, #tpu.memory_space<hbm>>) target(%arg14 : memref<80x128xf32, #tpu.memory_space<vmem>>) target_semaphore(%arg20 : memref<!tpu.dma_semaphore, #tpu.memory_space<semaphore_mem>>)
      } else {
      }
      %add3A_175 = arith.constant 2 : i32
      %add3A_176 = arith.addi %mul3A_126, %add3A_175 : i32
      %lt3A_177 = arith.constant 125 : i32
      %lt3A_178 = arith.cmpi slt, %add3A_176, %lt3A_177 : i32
      %convert_element_type3A_179 = arith.extui %lt3A_178 : i1 to i32
      %cond3A_180 = arith.constant 0 : i32
      %cond3A_181 = arith.cmpi ne, %convert_element_type3A_179, %cond3A_180 : i32
      scf.if %cond3A_181 {
        %dma_wait3A_183 = tpu.memref_slice %arg4[%mul3A_62] : memref<320000xi32, #tpu.memory_space<hbm>> -> memref<80xi32, #tpu.memory_space<hbm>>
        %dma_wait3A_184 = tpu.memref_slice %arg4[%mul3A_62] : memref<320000xi32, #tpu.memory_space<hbm>> -> memref<80xi32, #tpu.memory_space<hbm>>
        tpu.wait_dma2 semaphore(%arg17 : memref<!tpu.dma_semaphore, #tpu.memory_space<semaphore_mem>>) src(%dma_wait3A_184 : memref<80xi32, #tpu.memory_space<hbm>>) dst(%arg7 : memref<80xi32, #tpu.memory_space<vmem>>)
        %dma_wait3A_185 = tpu.memref_slice %arg5[%mul3A_62] : memref<320000xi32, #tpu.memory_space<hbm>> -> memref<80xi32, #tpu.memory_space<hbm>>
        %dma_wait3A_186 = tpu.memref_slice %arg5[%mul3A_62] : memref<320000xi32, #tpu.memory_space<hbm>> -> memref<80xi32, #tpu.memory_space<hbm>>
        tpu.wait_dma2 semaphore(%arg17 : memref<!tpu.dma_semaphore, #tpu.memory_space<semaphore_mem>>) src(%dma_wait3A_186 : memref<80xi32, #tpu.memory_space<hbm>>) dst(%arg8 : memref<80xi32, #tpu.memory_space<vmem>>)
        %dma_start3A_187 = arith.constant 0 : i32
        %dma_start3A_188 = arith.constant 0 : i32
        %dma_start3A_189 = tpu.memref_slice %arg2[%dma_start3A_187, %dma_start3A_188] : memref<10000x128xf32, #tpu.memory_space<hbm>> -> memref<10000x128xf32, #tpu.memory_space<hbm>>
        tpu.enqueue_indirect_dma source(%dma_start3A_189 : memref<10000x128xf32, #tpu.memory_space<hbm>>) target(%arg11 : memref<80x128xf32, #tpu.memory_space<vmem>>) offsets(%arg7 : memref<80xi32, #tpu.memory_space<vmem>>) semaphore(%arg21 : memref<!tpu.dma_semaphore, #tpu.memory_space<semaphore_mem>>)
      } else {
      }
      %scan3A_182 = arith.constant 0 : i32
      scf.yield %scan3A_182 : i32
    }
    %scan3A_98 = arith.constant 62 : i32
    %dma_wait3A_99 = arith.constant 0 : i32
    %dma_wait3A_100 = arith.constant 0 : i32
    %dma_wait3A_101 = tpu.memref_slice %arg2[%dma_wait3A_99, %dma_wait3A_100] : memref<10000x128xf32, #tpu.memory_space<hbm>> -> memref<10000x128xf32, #tpu.memory_space<hbm>>
    tpu.wait_indirect_dma semaphore(%arg21 : memref<!tpu.dma_semaphore, #tpu.memory_space<semaphore_mem>>) src(%dma_wait3A_101 : memref<10000x128xf32, #tpu.memory_space<hbm>>) dst(%arg11 : memref<80x128xf32, #tpu.memory_space<vmem>>)
    %dma_wait3A_102 = arith.constant 0 : i32
    %dma_wait3A_103 = tpu.memref_slice %arg3[%mul3A_62, %dma_wait3A_102] : memref<320000x128xf32, #tpu.memory_space<hbm>> -> memref<80x128xf32, #tpu.memory_space<hbm>>
    %dma_wait3A_104 = arith.constant 0 : i32
    %dma_wait3A_105 = tpu.memref_slice %arg3[%mul3A_62, %dma_wait3A_104] : memref<320000x128xf32, #tpu.memory_space<hbm>> -> memref<80x128xf32, #tpu.memory_space<hbm>>
    tpu.wait_dma2 semaphore(%arg19 : memref<!tpu.dma_semaphore, #tpu.memory_space<semaphore_mem>>) src(%dma_wait3A_105 : memref<80x128xf32, #tpu.memory_space<hbm>>) dst(%arg13 : memref<80x128xf32, #tpu.memory_space<vmem>>)
    %scan3A_106 = arith.constant 0 : i32
    %scan3A_107 = arith.constant 0 : i32
    %scan3A_108 = arith.constant 80 : i32
    %scan3A_109 = arith.addi %scan3A_107, %scan3A_108 : i32
    %scan3A_110 = arith.constant 1 : i32
    %scan3A_111 = scf.for %scan3A_123 = %scan3A_107 to %scan3A_109 step %scan3A_110 iter_args(%scan3A_124 = %scan3A_106) -> (i32)  : i32 {
      %get3A = arith.index_cast %scan3A_123 : i32 to index
      %get3A_125 = arith.constant 0 : index
      %get3A_126 = tpu.vector_load %arg11[%get3A, %get3A_125] {strides = array<i32>} : memref<80x128xf32, #tpu.memory_space<vmem>>, vector<1x16xf32>,
      %get3A_127 = vector.shape_cast %get3A_126 : vector<1x16xf32> to vector<16xf32>
      %get3A_128 = arith.index_cast %scan3A_123 : i32 to index
      %get3A_129 = arith.constant 0 : index
      %get3A_130 = tpu.vector_load %arg13[%get3A_128, %get3A_129] {strides = array<i32>} : memref<80x128xf32, #tpu.memory_space<vmem>>, vector<1x16xf32>,
      %get3A_131 = vector.shape_cast %get3A_130 : vector<1x16xf32> to vector<16xf32>
      %mul3A_132 = arith.mulf %get3A_127, %get3A_131 : vector<16xf32>
      %swap3A = arith.index_cast %scan3A_123 : i32 to index
      %swap3A_133 = arith.constant 0 : index
      %swap3A_134 = tpu.vector_load %arg11[%swap3A, %swap3A_133] {strides = array<i32>} : memref<80x128xf32, #tpu.memory_space<vmem>>, vector<1x16xf32>,
      %swap3A_135 = vector.shape_cast %swap3A_134 : vector<1x16xf32> to vector<16xf32>
      %swap3A_136 = vector.shape_cast %mul3A_132 : vector<16xf32> to vector<1x16xf32>
      tpu.vector_store %arg11[%swap3A, %swap3A_133], %swap3A_136 {strides = array<i32>} : memref<80x128xf32, #tpu.memory_space<vmem>>, vector<1x16xf32>,
      %get3A_137 = arith.index_cast %scan3A_123 : i32 to index
      %get3A_138 = arith.constant 16 : index
      %get3A_139 = tpu.vector_load %arg11[%get3A_137, %get3A_138] {strides = array<i32>} : memref<80x128xf32, #tpu.memory_space<vmem>>, vector<1x16xf32>,
      %get3A_140 = vector.shape_cast %get3A_139 : vector<1x16xf32> to vector<16xf32>
      %get3A_141 = arith.index_cast %scan3A_123 : i32 to index
      %get3A_142 = arith.constant 16 : index
      %get3A_143 = tpu.vector_load %arg13[%get3A_141, %get3A_142] {strides = array<i32>} : memref<80x128xf32, #tpu.memory_space<vmem>>, vector<1x16xf32>,
      %get3A_144 = vector.shape_cast %get3A_143 : vector<1x16xf32> to vector<16xf32>
      %mul3A_145 = arith.mulf %get3A_140, %get3A_144 : vector<16xf32>
      %swap3A_146 = arith.index_cast %scan3A_123 : i32 to index
      %swap3A_147 = arith.constant 16 : index
      %swap3A_148 = tpu.vector_load %arg11[%swap3A_146, %swap3A_147] {strides = array<i32>} : memref<80x128xf32, #tpu.memory_space<vmem>>, vector<1x16xf32>,
      %swap3A_149 = vector.shape_cast %swap3A_148 : vector<1x16xf32> to vector<16xf32>
      %swap3A_150 = vector.shape_cast %mul3A_145 : vector<16xf32> to vector<1x16xf32>
      tpu.vector_store %arg11[%swap3A_146, %swap3A_147], %swap3A_150 {strides = array<i32>} : memref<80x128xf32, #tpu.memory_space<vmem>>, vector<1x16xf32>,
      %get3A_151 = arith.index_cast %scan3A_123 : i32 to index
      %get3A_152 = arith.constant 32 : index
      %get3A_153 = tpu.vector_load %arg11[%get3A_151, %get3A_152] {strides = array<i32>} : memref<80x128xf32, #tpu.memory_space<vmem>>, vector<1x16xf32>,
      %get3A_154 = vector.shape_cast %get3A_153 : vector<1x16xf32> to vector<16xf32>
      %get3A_155 = arith.index_cast %scan3A_123 : i32 to index
      %get3A_156 = arith.constant 32 : index
      %get3A_157 = tpu.vector_load %arg13[%get3A_155, %get3A_156] {strides = array<i32>} : memref<80x128xf32, #tpu.memory_space<vmem>>, vector<1x16xf32>,
      %get3A_158 = vector.shape_cast %get3A_157 : vector<1x16xf32> to vector<16xf32>
      %mul3A_159 = arith.mulf %get3A_154, %get3A_158 : vector<16xf32>
      %swap3A_160 = arith.index_cast %scan3A_123 : i32 to index
      %swap3A_161 = arith.constant 32 : index
      %swap3A_162 = tpu.vector_load %arg11[%swap3A_160, %swap3A_161] {strides = array<i32>} : memref<80x128xf32, #tpu.memory_space<vmem>>, vector<1x16xf32>,
      %swap3A_163 = vector.shape_cast %swap3A_162 : vector<1x16xf32> to vector<16xf32>
      %swap3A_164 = vector.shape_cast %mul3A_159 : vector<16xf32> to vector<1x16xf32>
      tpu.vector_store %arg11[%swap3A_160, %swap3A_161], %swap3A_164 {strides = array<i32>} : memref<80x128xf32, #tpu.memory_space<vmem>>, vector<1x16xf32>,
      %get3A_165 = arith.index_cast %scan3A_123 : i32 to index
      %get3A_166 = arith.constant 48 : index
      %get3A_167 = tpu.vector_load %arg11[%get3A_165, %get3A_166] {strides = array<i32>} : memref<80x128xf32, #tpu.memory_space<vmem>>, vector<1x16xf32>,
      %get3A_168 = vector.shape_cast %get3A_167 : vector<1x16xf32> to vector<16xf32>
      %get3A_169 = arith.index_cast %scan3A_123 : i32 to index
      %get3A_170 = arith.constant 48 : index
      %get3A_171 = tpu.vector_load %arg13[%get3A_169, %get3A_170] {strides = array<i32>} : memref<80x128xf32, #tpu.memory_space<vmem>>, vector<1x16xf32>,
      %get3A_172 = vector.shape_cast %get3A_171 : vector<1x16xf32> to vector<16xf32>
      %mul3A_173 = arith.mulf %get3A_168, %get3A_172 : vector<16xf32>
      %swap3A_174 = arith.index_cast %scan3A_123 : i32 to index
      %swap3A_175 = arith.constant 48 : index
      %swap3A_176 = tpu.vector_load %arg11[%swap3A_174, %swap3A_175] {strides = array<i32>} : memref<80x128xf32, #tpu.memory_space<vmem>>, vector<1x16xf32>,
      %swap3A_177 = vector.shape_cast %swap3A_176 : vector<1x16xf32> to vector<16xf32>
      %swap3A_178 = vector.shape_cast %mul3A_173 : vector<16xf32> to vector<1x16xf32>
      tpu.vector_store %arg11[%swap3A_174, %swap3A_175], %swap3A_178 {strides = array<i32>} : memref<80x128xf32, #tpu.memory_space<vmem>>, vector<1x16xf32>,
      %get3A_179 = arith.index_cast %scan3A_123 : i32 to index
      %get3A_180 = arith.constant 64 : index
      %get3A_181 = tpu.vector_load %arg11[%get3A_179, %get3A_180] {strides = array<i32>} : memref<80x128xf32, #tpu.memory_space<vmem>>, vector<1x16xf32>,
      %get3A_182 = vector.shape_cast %get3A_181 : vector<1x16xf32> to vector<16xf32>
      %get3A_183 = arith.index_cast %scan3A_123 : i32 to index
      %get3A_184 = arith.constant 64 : index
      %get3A_185 = tpu.vector_load %arg13[%get3A_183, %get3A_184] {strides = array<i32>} : memref<80x128xf32, #tpu.memory_space<vmem>>, vector<1x16xf32>,
      %get3A_186 = vector.shape_cast %get3A_185 : vector<1x16xf32> to vector<16xf32>
      %mul3A_187 = arith.mulf %get3A_182, %get3A_186 : vector<16xf32>
      %swap3A_188 = arith.index_cast %scan3A_123 : i32 to index
      %swap3A_189 = arith.constant 64 : index
      %swap3A_190 = tpu.vector_load %arg11[%swap3A_188, %swap3A_189] {strides = array<i32>} : memref<80x128xf32, #tpu.memory_space<vmem>>, vector<1x16xf32>,
      %swap3A_191 = vector.shape_cast %swap3A_190 : vector<1x16xf32> to vector<16xf32>
      %swap3A_192 = vector.shape_cast %mul3A_187 : vector<16xf32> to vector<1x16xf32>
      tpu.vector_store %arg11[%swap3A_188, %swap3A_189], %swap3A_192 {strides = array<i32>} : memref<80x128xf32, #tpu.memory_space<vmem>>, vector<1x16xf32>,
      %get3A_193 = arith.index_cast %scan3A_123 : i32 to index
      %get3A_194 = arith.constant 80 : index
      %get3A_195 = tpu.vector_load %arg11[%get3A_193, %get3A_194] {strides = array<i32>} : memref<80x128xf32, #tpu.memory_space<vmem>>, vector<1x16xf32>,
      %get3A_196 = vector.shape_cast %get3A_195 : vector<1x16xf32> to vector<16xf32>
      %get3A_197 = arith.index_cast %scan3A_123 : i32 to index
      %get3A_198 = arith.constant 80 : index
      %get3A_199 = tpu.vector_load %arg13[%get3A_197, %get3A_198] {strides = array<i32>} : memref<80x128xf32, #tpu.memory_space<vmem>>, vector<1x16xf32>,
      %get3A_200 = vector.shape_cast %get3A_199 : vector<1x16xf32> to vector<16xf32>
      %mul3A_201 = arith.mulf %get3A_196, %get3A_200 : vector<16xf32>
      %swap3A_202 = arith.index_cast %scan3A_123 : i32 to index
      %swap3A_203 = arith.constant 80 : index
      %swap3A_204 = tpu.vector_load %arg11[%swap3A_202, %swap3A_203] {strides = array<i32>} : memref<80x128xf32, #tpu.memory_space<vmem>>, vector<1x16xf32>,
      %swap3A_205 = vector.shape_cast %swap3A_204 : vector<1x16xf32> to vector<16xf32>
      %swap3A_206 = vector.shape_cast %mul3A_201 : vector<16xf32> to vector<1x16xf32>
      tpu.vector_store %arg11[%swap3A_202, %swap3A_203], %swap3A_206 {strides = array<i32>} : memref<80x128xf32, #tpu.memory_space<vmem>>, vector<1x16xf32>,
      %get3A_207 = arith.index_cast %scan3A_123 : i32 to index
      %get3A_208 = arith.constant 96 : index
      %get3A_209 = tpu.vector_load %arg11[%get3A_207, %get3A_208] {strides = array<i32>} : memref<80x128xf32, #tpu.memory_space<vmem>>, vector<1x16xf32>,
      %get3A_210 = vector.shape_cast %get3A_209 : vector<1x16xf32> to vector<16xf32>
      %get3A_211 = arith.index_cast %scan3A_123 : i32 to index
      %get3A_212 = arith.constant 96 : index
      %get3A_213 = tpu.vector_load %arg13[%get3A_211, %get3A_212] {strides = array<i32>} : memref<80x128xf32, #tpu.memory_space<vmem>>, vector<1x16xf32>,
      %get3A_214 = vector.shape_cast %get3A_213 : vector<1x16xf32> to vector<16xf32>
      %mul3A_215 = arith.mulf %get3A_210, %get3A_214 : vector<16xf32>
      %swap3A_216 = arith.index_cast %scan3A_123 : i32 to index
      %swap3A_217 = arith.constant 96 : index
      %swap3A_218 = tpu.vector_load %arg11[%swap3A_216, %swap3A_217] {strides = array<i32>} : memref<80x128xf32, #tpu.memory_space<vmem>>, vector<1x16xf32>,
      %swap3A_219 = vector.shape_cast %swap3A_218 : vector<1x16xf32> to vector<16xf32>
      %swap3A_220 = vector.shape_cast %mul3A_215 : vector<16xf32> to vector<1x16xf32>
      tpu.vector_store %arg11[%swap3A_216, %swap3A_217], %swap3A_220 {strides = array<i32>} : memref<80x128xf32, #tpu.memory_space<vmem>>, vector<1x16xf32>,
      %get3A_221 = arith.index_cast %scan3A_123 : i32 to index
      %get3A_222 = arith.constant 112 : index
      %get3A_223 = tpu.vector_load %arg11[%get3A_221, %get3A_222] {strides = array<i32>} : memref<80x128xf32, #tpu.memory_space<vmem>>, vector<1x16xf32>,
      %get3A_224 = vector.shape_cast %get3A_223 : vector<1x16xf32> to vector<16xf32>
      %get3A_225 = arith.index_cast %scan3A_123 : i32 to index
      %get3A_226 = arith.constant 112 : index
      %get3A_227 = tpu.vector_load %arg13[%get3A_225, %get3A_226] {strides = array<i32>} : memref<80x128xf32, #tpu.memory_space<vmem>>, vector<1x16xf32>,
      %get3A_228 = vector.shape_cast %get3A_227 : vector<1x16xf32> to vector<16xf32>
      %mul3A_229 = arith.mulf %get3A_224, %get3A_228 : vector<16xf32>
      %swap3A_230 = arith.index_cast %scan3A_123 : i32 to index
      %swap3A_231 = arith.constant 112 : index
      %swap3A_232 = tpu.vector_load %arg11[%swap3A_230, %swap3A_231] {strides = array<i32>} : memref<80x128xf32, #tpu.memory_space<vmem>>, vector<1x16xf32>,
      %swap3A_233 = vector.shape_cast %swap3A_232 : vector<1x16xf32> to vector<16xf32>
      %swap3A_234 = vector.shape_cast %mul3A_229 : vector<16xf32> to vector<1x16xf32>
      tpu.vector_store %arg11[%swap3A_230, %swap3A_231], %swap3A_234 {strides = array<i32>} : memref<80x128xf32, #tpu.memory_space<vmem>>, vector<1x16xf32>,
      %scan3A_235 = arith.constant 0 : i32
      scf.yield %scan3A_235 : i32
    }
    %scan3A_112 = arith.constant 80 : i32
    "tpu.region"() ({
      %run_scoped3A = tpu.sem_alloc : memref<!tpu.dma_semaphore, #tpu.memory_space<semaphore_mem>>
      %dma_start3A_123 = arith.constant 0 : i32
      %dma_start3A_124 = arith.constant 0 : i32
      %dma_start3A_125 = tpu.memref_slice %arg16[%dma_start3A_123, %dma_start3A_124] : memref<10000x128xf32, #tpu.memory_space<vmem_shared>> -> memref<10000x128xf32, #tpu.memory_space<vmem_shared>>
      tpu.enqueue_indirect_dma source(%arg11 : memref<80x128xf32, #tpu.memory_space<vmem>>) target(%dma_start3A_125 : memref<10000x128xf32, #tpu.memory_space<vmem_shared>>) offsets(%arg8 : memref<80xi32, #tpu.memory_space<vmem>>) semaphore(%run_scoped3A : memref<!tpu.dma_semaphore, #tpu.memory_space<semaphore_mem>>) {add = true}
      %dma_wait3A_126 = arith.constant 0 : i32
      %dma_wait3A_127 = arith.constant 0 : i32
      %dma_wait3A_128 = tpu.memref_slice %arg16[%dma_wait3A_126, %dma_wait3A_127] : memref<10000x128xf32, #tpu.memory_space<vmem_shared>> -> memref<10000x128xf32, #tpu.memory_space<vmem_shared>>
      tpu.wait_indirect_dma semaphore(%run_scoped3A : memref<!tpu.dma_semaphore, #tpu.memory_space<semaphore_mem>>) src(%arg11 : memref<80x128xf32, #tpu.memory_space<vmem>>) dst(%dma_wait3A_128 : memref<10000x128xf32, #tpu.memory_space<vmem_shared>>)
      tpu.yield
    }) : () -> ()
    %barrier3A_113 = arith.constant 0 : index
    tpu.barrier barrier_id(%barrier3A_113)
    %mul3A_114 = arith.constant 624 : i32
    %mul3A_115 = arith.muli %arg1, %mul3A_114 : i32
    %mul3A_116 = arith.constant 624 : i32
    %mul3A_117 = arith.muli %arg1, %mul3A_116 : i32
    "tpu.region"() ({
      %run_scoped3A = tpu.sem_alloc : memref<!tpu.dma_semaphore, #tpu.memory_space<semaphore_mem>>
      %dma_start3A_123 = arith.constant 0 : i32
      %dma_start3A_124 = tpu.memref_slice %arg6[%arg0, %mul3A_117, %dma_start3A_123] : memref<2x10000x128xf32, #tpu.memory_space<hbm>> -> memref<1x624x128xf32, #tpu.memory_space<hbm>>
      %dma_start3A_125 = tpu.memref_squeeze %dma_start3A_124 : memref<1x624x128xf32, #tpu.memory_space<hbm>> -> memref<624x128xf32, #tpu.memory_space<hbm>>
      %dma_start3A_126 = arith.constant 0 : i32
      %dma_start3A_127 = tpu.memref_slice %arg16[%mul3A_115, %dma_start3A_126] : memref<10000x128xf32, #tpu.memory_space<vmem_shared>> -> memref<624x128xf32, #tpu.memory_space<vmem_shared>>
      tpu.enqueue_dma source(%dma_start3A_127 : memref<624x128xf32, #tpu.memory_space<vmem_shared>>) target(%dma_start3A_125 : memref<624x128xf32, #tpu.memory_space<hbm>>) target_semaphore(%run_scoped3A : memref<!tpu.dma_semaphore, #tpu.memory_space<semaphore_mem>>)
      %dma_wait3A_128 = arith.constant 0 : i32
      %dma_wait3A_129 = tpu.memref_slice %arg6[%arg0, %mul3A_117, %dma_wait3A_128] : memref<2x10000x128xf32, #tpu.memory_space<hbm>> -> memref<1x624x128xf32, #tpu.memory_space<hbm>>
      %dma_wait3A_130 = tpu.memref_squeeze %dma_wait3A_129 : memref<1x624x128xf32, #tpu.memory_space<hbm>> -> memref<624x128xf32, #tpu.memory_space<hbm>>
      %dma_wait3A_131 = arith.constant 0 : i32
      %dma_wait3A_132 = tpu.memref_slice %arg16[%mul3A_115, %dma_wait3A_131] : memref<10000x128xf32, #tpu.memory_space<vmem_shared>> -> memref<624x128xf32, #tpu.memory_space<vmem_shared>>
      tpu.wait_dma2 semaphore(%run_scoped3A : memref<!tpu.dma_semaphore, #tpu.memory_space<semaphore_mem>>) src(%dma_wait3A_132 : memref<624x128xf32, #tpu.memory_space<vmem_shared>>) dst(%dma_wait3A_130 : memref<624x128xf32, #tpu.memory_space<hbm>>)
      tpu.yield
    }) : () -> ()
    %eq3A_118 = arith.constant 0 : i32
    %eq3A_119 = arith.cmpi eq, %arg1, %eq3A_118 : i32
    %convert_element_type3A_120 = arith.extui %eq3A_119 : i1 to i32
    %cond3A_121 = arith.constant 0 : i32
    %cond3A_122 = arith.cmpi ne, %convert_element_type3A_120, %cond3A_121 : i32
    scf.if %cond3A_122 {
      "tpu.region"() ({
        %run_scoped3A = tpu.sem_alloc : memref<!tpu.dma_semaphore, #tpu.memory_space<semaphore_mem>>
        %dma_start3A_123 = arith.constant 9984 : i32
        %dma_start3A_124 = arith.constant 0 : i32
        %dma_start3A_125 = tpu.memref_slice %arg6[%arg0, %dma_start3A_123, %dma_start3A_124] : memref<2x10000x128xf32, #tpu.memory_space<hbm>> -> memref<1x16x128xf32, #tpu.memory_space<hbm>>
        %dma_start3A_126 = tpu.memref_squeeze %dma_start3A_125 : memref<1x16x128xf32, #tpu.memory_space<hbm>> -> memref<16x128xf32, #tpu.memory_space<hbm>>
        %dma_start3A_127 = arith.constant 9984 : i32
        %dma_start3A_128 = arith.constant 0 : i32
        %dma_start3A_129 = tpu.memref_slice %arg16[%dma_start3A_127, %dma_start3A_128] : memref<10000x128xf32, #tpu.memory_space<vmem_shared>> -> memref<16x128xf32, #tpu.memory_space<vmem_shared>>
        tpu.enqueue_dma source(%dma_start3A_129 : memref<16x128xf32, #tpu.memory_space<vmem_shared>>) target(%dma_start3A_126 : memref<16x128xf32, #tpu.memory_space<hbm>>) target_semaphore(%run_scoped3A : memref<!tpu.dma_semaphore, #tpu.memory_space<semaphore_mem>>)
        %dma_wait3A_130 = arith.constant 9984 : i32
        %dma_wait3A_131 = arith.constant 0 : i32
        %dma_wait3A_132 = tpu.memref_slice %arg6[%arg0, %dma_wait3A_130, %dma_wait3A_131] : memref<2x10000x128xf32, #tpu.memory_space<hbm>> -> memref<1x16x128xf32, #tpu.memory_space<hbm>>
        %dma_wait3A_133 = tpu.memref_squeeze %dma_wait3A_132 : memref<1x16x128xf32, #tpu.memory_space<hbm>> -> memref<16x128xf32, #tpu.memory_space<hbm>>
        %dma_wait3A_134 = arith.constant 9984 : i32
        %dma_wait3A_135 = arith.constant 0 : i32
        %dma_wait3A_136 = tpu.memref_slice %arg16[%dma_wait3A_134, %dma_wait3A_135] : memref<10000x128xf32, #tpu.memory_space<vmem_shared>> -> memref<16x128xf32, #tpu.memory_space<vmem_shared>>
        tpu.wait_dma2 semaphore(%run_scoped3A : memref<!tpu.dma_semaphore, #tpu.memory_space<semaphore_mem>>) src(%dma_wait3A_136 : memref<16x128xf32, #tpu.memory_space<vmem_shared>>) dst(%dma_wait3A_133 : memref<16x128xf32, #tpu.memory_space<hbm>>)
        tpu.yield
      }) : () -> ()
    } else {
    }
    return
  }
}

#map = affine_map<(d0, d1) -> (0, 0)>
#map1 = affine_map<(d0, d1) -> (0)>
#map2 = affine_map<(d0, d1) -> (0, 0, 0)>
module attributes {stable_mosaic.version = 14 : i64} {
  func.func @_sc_body(%arg0: i32, %arg1: i32, %arg2: memref<10000x128xf32, #tpu.memory_space<hbm>>, %arg3: memref<320000x128xf32, #tpu.memory_space<hbm>>, %arg4: memref<320000xi32, #tpu.memory_space<hbm>>, %arg5: memref<320000xi32, #tpu.memory_space<hbm>>, %arg6: memref<2x10000x128xf32, #tpu.memory_space<hbm>>, %arg7: memref<80xi32, #tpu.memory_space<vmem>>, %arg8: memref<80xi32, #tpu.memory_space<vmem>>, %arg9: memref<80xi32, #tpu.memory_space<vmem>>, %arg10: memref<80xi32, #tpu.memory_space<vmem>>, %arg11: memref<80x128xf32, #tpu.memory_space<vmem>>, %arg12: memref<80x128xf32, #tpu.memory_space<vmem>>, %arg13: memref<80x128xf32, #tpu.memory_space<vmem>>, %arg14: memref<80x128xf32, #tpu.memory_space<vmem>>, %arg15: memref<48x128xf32, #tpu.memory_space<vmem>>, %arg16: memref<10000x128xf32, #tpu.memory_space<vmem_shared>>, %arg17: memref<!tpu.dma_semaphore, #tpu.memory_space<semaphore_mem>>, %arg18: memref<!tpu.dma_semaphore, #tpu.memory_space<semaphore_mem>>, %arg19: memref<!tpu.dma_semaphore, #tpu.memory_space<semaphore_mem>>, %arg20: memref<!tpu.dma_semaphore, #tpu.memory_space<semaphore_mem>>, %arg21: memref<!tpu.dma_semaphore, #tpu.memory_space<semaphore_mem>>, %arg22: memref<!tpu.dma_semaphore, #tpu.memory_space<semaphore_mem>>) attributes {dimension_semantics = [#tpu.dimension_semantics<core_parallel>, #tpu.dimension_semantics<subcore_parallel>], iteration_bounds = array<i64: 2, 16>, scalar_prefetch = 0 : i64, scratch_operands = 16 : i64, tpu.core_type = #tpu.core_type<sc_vector_subcore>, window_params = [{transform_indices = #map}, {transform_indices = #map}, {transform_indices = #map1}, {transform_indices = #map1}, {transform_indices = #map2}]} {
    %scan3A = arith.constant 0 : i32
    %scan3A_0 = arith.constant 0 : i32
    %scan3A_1 = arith.constant 48 : i32
    %scan3A_2 = arith.addi %scan3A_0, %scan3A_1 : i32
    %scan3A_3 = arith.constant 1 : i32
    %scan3A_4 = scf.for %scan3A_123 = %scan3A_0 to %scan3A_2 step %scan3A_3 iter_args(%scan3A_124 = %scan3A) -> (i32)  : i32 {
      %broadcast_in_dim3A = arith.constant 0.000000e+00 : f32
      %broadcast_in_dim3A_125 = vector.broadcast %broadcast_in_dim3A : f32 to vector<16xf32>
      %swap3A = arith.index_cast %scan3A_123 : i32 to index
      %swap3A_126 = arith.constant 0 : index
      %swap3A_127 = tpu.vector_load %arg15[%swap3A, %swap3A_126] {strides = array<i32>} : memref<48x128xf32, #tpu.memory_space<vmem>>, vector<1x16xf32>,
      %swap3A_128 = vector.shape_cast %swap3A_127 : vector<1x16xf32> to vector<16xf32>
      %swap3A_129 = vector.shape_cast %broadcast_in_dim3A_125 : vector<16xf32> to vector<1x16xf32>
      tpu.vector_store %arg15[%swap3A, %swap3A_126], %swap3A_129 {strides = array<i32>} : memref<48x128xf32, #tpu.memory_space<vmem>>, vector<1x16xf32>,
      %broadcast_in_dim3A_130 = arith.constant 0.000000e+00 : f32
      %broadcast_in_dim3A_131 = vector.broadcast %broadcast_in_dim3A_130 : f32 to vector<16xf32>
      %swap3A_132 = arith.index_cast %scan3A_123 : i32 to index
      %swap3A_133 = arith.constant 16 : index
      %swap3A_134 = tpu.vector_load %arg15[%swap3A_132, %swap3A_133] {strides = array<i32>} : memref<48x128xf32, #tpu.memory_space<vmem>>, vector<1x16xf32>,
      %swap3A_135 = vector.shape_cast %swap3A_134 : vector<1x16xf32> to vector<16xf32>
      %swap3A_136 = vector.shape_cast %broadcast_in_dim3A_131 : vector<16xf32> to vector<1x16xf32>
      tpu.vector_store %arg15[%swap3A_132, %swap3A_133], %swap3A_136 {strides = array<i32>} : memref<48x128xf32, #tpu.memory_space<vmem>>, vector<1x16xf32>,
      %broadcast_in_dim3A_137 = arith.constant 0.000000e+00 : f32
      %broadcast_in_dim3A_138 = vector.broadcast %broadcast_in_dim3A_137 : f32 to vector<16xf32>
      %swap3A_139 = arith.index_cast %scan3A_123 : i32 to index
      %swap3A_140 = arith.constant 32 : index
      %swap3A_141 = tpu.vector_load %arg15[%swap3A_139, %swap3A_140] {strides = array<i32>} : memref<48x128xf32, #tpu.memory_space<vmem>>, vector<1x16xf32>,
      %swap3A_142 = vector.shape_cast %swap3A_141 : vector<1x16xf32> to vector<16xf32>
      %swap3A_143 = vector.shape_cast %broadcast_in_dim3A_138 : vector<16xf32> to vector<1x16xf32>
      tpu.vector_store %arg15[%swap3A_139, %swap3A_140], %swap3A_143 {strides = array<i32>} : memref<48x128xf32, #tpu.memory_space<vmem>>, vector<1x16xf32>,
      %broadcast_in_dim3A_144 = arith.constant 0.000000e+00 : f32
      %broadcast_in_dim3A_145 = vector.broadcast %broadcast_in_dim3A_144 : f32 to vector<16xf32>
      %swap3A_146 = arith.index_cast %scan3A_123 : i32 to index
      %swap3A_147 = arith.constant 48 : index
      %swap3A_148 = tpu.vector_load %arg15[%swap3A_146, %swap3A_147] {strides = array<i32>} : memref<48x128xf32, #tpu.memory_space<vmem>>, vector<1x16xf32>,
      %swap3A_149 = vector.shape_cast %swap3A_148 : vector<1x16xf32> to vector<16xf32>
      %swap3A_150 = vector.shape_cast %broadcast_in_dim3A_145 : vector<16xf32> to vector<1x16xf32>
      tpu.vector_store %arg15[%swap3A_146, %swap3A_147], %swap3A_150 {strides = array<i32>} : memref<48x128xf32, #tpu.memory_space<vmem>>, vector<1x16xf32>,
      %broadcast_in_dim3A_151 = arith.constant 0.000000e+00 : f32
      %broadcast_in_dim3A_152 = vector.broadcast %broadcast_in_dim3A_151 : f32 to vector<16xf32>
      %swap3A_153 = arith.index_cast %scan3A_123 : i32 to index
      %swap3A_154 = arith.constant 64 : index
      %swap3A_155 = tpu.vector_load %arg15[%swap3A_153, %swap3A_154] {strides = array<i32>} : memref<48x128xf32, #tpu.memory_space<vmem>>, vector<1x16xf32>,
      %swap3A_156 = vector.shape_cast %swap3A_155 : vector<1x16xf32> to vector<16xf32>
      %swap3A_157 = vector.shape_cast %broadcast_in_dim3A_152 : vector<16xf32> to vector<1x16xf32>
      tpu.vector_store %arg15[%swap3A_153, %swap3A_154], %swap3A_157 {strides = array<i32>} : memref<48x128xf32, #tpu.memory_space<vmem>>, vector<1x16xf32>,
      %broadcast_in_dim3A_158 = arith.constant 0.000000e+00 : f32
      %broadcast_in_dim3A_159 = vector.broadcast %broadcast_in_dim3A_158 : f32 to vector<16xf32>
      %swap3A_160 = arith.index_cast %scan3A_123 : i32 to index
      %swap3A_161 = arith.constant 80 : index
      %swap3A_162 = tpu.vector_load %arg15[%swap3A_160, %swap3A_161] {strides = array<i32>} : memref<48x128xf32, #tpu.memory_space<vmem>>, vector<1x16xf32>,
      %swap3A_163 = vector.shape_cast %swap3A_162 : vector<1x16xf32> to vector<16xf32>
      %swap3A_164 = vector.shape_cast %broadcast_in_dim3A_159 : vector<16xf32> to vector<1x16xf32>
      tpu.vector_store %arg15[%swap3A_160, %swap3A_161], %swap3A_164 {strides = array<i32>} : memref<48x128xf32, #tpu.memory_space<vmem>>, vector<1x16xf32>,
      %broadcast_in_dim3A_165 = arith.constant 0.000000e+00 : f32
      %broadcast_in_dim3A_166 = vector.broadcast %broadcast_in_dim3A_165 : f32 to vector<16xf32>
      %swap3A_167 = arith.index_cast %scan3A_123 : i32 to index
      %swap3A_168 = arith.constant 96 : index
      %swap3A_169 = tpu.vector_load %arg15[%swap3A_167, %swap3A_168] {strides = array<i32>} : memref<48x128xf32, #tpu.memory_space<vmem>>, vector<1x16xf32>,
      %swap3A_170 = vector.shape_cast %swap3A_169 : vector<1x16xf32> to vector<16xf32>
      %swap3A_171 = vector.shape_cast %broadcast_in_dim3A_166 : vector<16xf32> to vector<1x16xf32>
      tpu.vector_store %arg15[%swap3A_167, %swap3A_168], %swap3A_171 {strides = array<i32>} : memref<48x128xf32, #tpu.memory_space<vmem>>, vector<1x16xf32>,
      %broadcast_in_dim3A_172 = arith.constant 0.000000e+00 : f32
      %broadcast_in_dim3A_173 = vector.broadcast %broadcast_in_dim3A_172 : f32 to vector<16xf32>
      %swap3A_174 = arith.index_cast %scan3A_123 : i32 to index
      %swap3A_175 = arith.constant 112 : index
      %swap3A_176 = tpu.vector_load %arg15[%swap3A_174, %swap3A_175] {strides = array<i32>} : memref<48x128xf32, #tpu.memory_space<vmem>>, vector<1x16xf32>,
      %swap3A_177 = vector.shape_cast %swap3A_176 : vector<1x16xf32> to vector<16xf32>
      %swap3A_178 = vector.shape_cast %broadcast_in_dim3A_173 : vector<16xf32> to vector<1x16xf32>
      tpu.vector_store %arg15[%swap3A_174, %swap3A_175], %swap3A_178 {strides = array<i32>} : memref<48x128xf32, #tpu.memory_space<vmem>>, vector<1x16xf32>,
      %scan3A_179 = arith.constant 0 : i32
      scf.yield %scan3A_179 : i32
    }
    %scan3A_5 = arith.constant 48 : i32
    %mul3A = arith.constant 624 : i32
    %mul3A_6 = arith.muli %arg1, %mul3A : i32
    %add3A = arith.constant 0 : i32
    %add3A_7 = arith.addi %mul3A_6, %add3A : i32
    "tpu.region"() ({
      %run_scoped3A = tpu.sem_alloc : memref<!tpu.dma_semaphore, #tpu.memory_space<semaphore_mem>>
      %dma_start3A_123 = arith.constant 0 : i32
      %dma_start3A_124 = tpu.memref_slice %arg16[%add3A_7, %dma_start3A_123] : memref<10000x128xf32, #tpu.memory_space<vmem_shared>> -> memref<48x128xf32, #tpu.memory_space<vmem_shared>>
      %dma_start3A_125 = arith.constant 0 : i32
      %dma_start3A_126 = tpu.memref_slice %arg16[%add3A_7, %dma_start3A_125] : memref<10000x128xf32, #tpu.memory_space<vmem_shared>> -> memref<48x128xf32, #tpu.memory_space<vmem_shared>>
      tpu.enqueue_dma source(%arg15 : memref<48x128xf32, #tpu.memory_space<vmem>>) target(%dma_start3A_126 : memref<48x128xf32, #tpu.memory_space<vmem_shared>>) target_semaphore(%run_scoped3A : memref<!tpu.dma_semaphore, #tpu.memory_space<semaphore_mem>>)
      %dma_wait3A_127 = arith.constant 0 : i32
      %dma_wait3A_128 = tpu.memref_slice %arg16[%add3A_7, %dma_wait3A_127] : memref<10000x128xf32, #tpu.memory_space<vmem_shared>> -> memref<48x128xf32, #tpu.memory_space<vmem_shared>>
      %dma_wait3A_129 = arith.constant 0 : i32
      %dma_wait3A_130 = tpu.memref_slice %arg16[%add3A_7, %dma_wait3A_129] : memref<10000x128xf32, #tpu.memory_space<vmem_shared>> -> memref<48x128xf32, #tpu.memory_space<vmem_shared>>
      tpu.wait_dma2 semaphore(%run_scoped3A : memref<!tpu.dma_semaphore, #tpu.memory_space<semaphore_mem>>) src(%arg15 : memref<48x128xf32, #tpu.memory_space<vmem>>) dst(%dma_wait3A_130 : memref<48x128xf32, #tpu.memory_space<vmem_shared>>)
      tpu.yield
    }) : () -> ()
    %mul3A_8 = arith.constant 624 : i32
    %mul3A_9 = arith.muli %arg1, %mul3A_8 : i32
    %add3A_10 = arith.constant 48 : i32
    %add3A_11 = arith.addi %mul3A_9, %add3A_10 : i32
    "tpu.region"() ({
      %run_scoped3A = tpu.sem_alloc : memref<!tpu.dma_semaphore, #tpu.memory_space<semaphore_mem>>
      %dma_start3A_123 = arith.constant 0 : i32
      %dma_start3A_124 = tpu.memref_slice %arg16[%add3A_11, %dma_start3A_123] : memref<10000x128xf32, #tpu.memory_space<vmem_shared>> -> memref<48x128xf32, #tpu.memory_space<vmem_shared>>
      %dma_start3A_125 = arith.constant 0 : i32
      %dma_start3A_126 = tpu.memref_slice %arg16[%add3A_11, %dma_start3A_125] : memref<10000x128xf32, #tpu.memory_space<vmem_shared>> -> memref<48x128xf32, #tpu.memory_space<vmem_shared>>
      tpu.enqueue_dma source(%arg15 : memref<48x128xf32, #tpu.memory_space<vmem>>) target(%dma_start3A_126 : memref<48x128xf32, #tpu.memory_space<vmem_shared>>) target_semaphore(%run_scoped3A : memref<!tpu.dma_semaphore, #tpu.memory_space<semaphore_mem>>)
      %dma_wait3A_127 = arith.constant 0 : i32
      %dma_wait3A_128 = tpu.memref_slice %arg16[%add3A_11, %dma_wait3A_127] : memref<10000x128xf32, #tpu.memory_space<vmem_shared>> -> memref<48x128xf32, #tpu.memory_space<vmem_shared>>
      %dma_wait3A_129 = arith.constant 0 : i32
      %dma_wait3A_130 = tpu.memref_slice %arg16[%add3A_11, %dma_wait3A_129] : memref<10000x128xf32, #tpu.memory_space<vmem_shared>> -> memref<48x128xf32, #tpu.memory_space<vmem_shared>>
      tpu.wait_dma2 semaphore(%run_scoped3A : memref<!tpu.dma_semaphore, #tpu.memory_space<semaphore_mem>>) src(%arg15 : memref<48x128xf32, #tpu.memory_space<vmem>>) dst(%dma_wait3A_130 : memref<48x128xf32, #tpu.memory_space<vmem_shared>>)
      tpu.yield
    }) : () -> ()
    %mul3A_12 = arith.constant 624 : i32
    %mul3A_13 = arith.muli %arg1, %mul3A_12 : i32
    %add3A_14 = arith.constant 96 : i32
    %add3A_15 = arith.addi %mul3A_13, %add3A_14 : i32
    "tpu.region"() ({
      %run_scoped3A = tpu.sem_alloc : memref<!tpu.dma_semaphore, #tpu.memory_space<semaphore_mem>>
      %dma_start3A_123 = arith.constant 0 : i32
      %dma_start3A_124 = tpu.memref_slice %arg16[%add3A_15, %dma_start3A_123] : memref<10000x128xf32, #tpu.memory_space<vmem_shared>> -> memref<48x128xf32, #tpu.memory_space<vmem_shared>>
      %dma_start3A_125 = arith.constant 0 : i32
      %dma_start3A_126 = tpu.memref_slice %arg16[%add3A_15, %dma_start3A_125] : memref<10000x128xf32, #tpu.memory_space<vmem_shared>> -> memref<48x128xf32, #tpu.memory_space<vmem_shared>>
      tpu.enqueue_dma source(%arg15 : memref<48x128xf32, #tpu.memory_space<vmem>>) target(%dma_start3A_126 : memref<48x128xf32, #tpu.memory_space<vmem_shared>>) target_semaphore(%run_scoped3A : memref<!tpu.dma_semaphore, #tpu.memory_space<semaphore_mem>>)
      %dma_wait3A_127 = arith.constant 0 : i32
      %dma_wait3A_128 = tpu.memref_slice %arg16[%add3A_15, %dma_wait3A_127] : memref<10000x128xf32, #tpu.memory_space<vmem_shared>> -> memref<48x128xf32, #tpu.memory_space<vmem_shared>>
      %dma_wait3A_129 = arith.constant 0 : i32
      %dma_wait3A_130 = tpu.memref_slice %arg16[%add3A_15, %dma_wait3A_129] : memref<10000x128xf32, #tpu.memory_space<vmem_shared>> -> memref<48x128xf32, #tpu.memory_space<vmem_shared>>
      tpu.wait_dma2 semaphore(%run_scoped3A : memref<!tpu.dma_semaphore, #tpu.memory_space<semaphore_mem>>) src(%arg15 : memref<48x128xf32, #tpu.memory_space<vmem>>) dst(%dma_wait3A_130 : memref<48x128xf32, #tpu.memory_space<vmem_shared>>)
      tpu.yield
    }) : () -> ()
    %mul3A_16 = arith.constant 624 : i32
    %mul3A_17 = arith.muli %arg1, %mul3A_16 : i32
    %add3A_18 = arith.constant 144 : i32
    %add3A_19 = arith.addi %mul3A_17, %add3A_18 : i32
    "tpu.region"() ({
      %run_scoped3A = tpu.sem_alloc : memref<!tpu.dma_semaphore, #tpu.memory_space<semaphore_mem>>
      %dma_start3A_123 = arith.constant 0 : i32
      %dma_start3A_124 = tpu.memref_slice %arg16[%add3A_19, %dma_start3A_123] : memref<10000x128xf32, #tpu.memory_space<vmem_shared>> -> memref<48x128xf32, #tpu.memory_space<vmem_shared>>
      %dma_start3A_125 = arith.constant 0 : i32
      %dma_start3A_126 = tpu.memref_slice %arg16[%add3A_19, %dma_start3A_125] : memref<10000x128xf32, #tpu.memory_space<vmem_shared>> -> memref<48x128xf32, #tpu.memory_space<vmem_shared>>
      tpu.enqueue_dma source(%arg15 : memref<48x128xf32, #tpu.memory_space<vmem>>) target(%dma_start3A_126 : memref<48x128xf32, #tpu.memory_space<vmem_shared>>) target_semaphore(%run_scoped3A : memref<!tpu.dma_semaphore, #tpu.memory_space<semaphore_mem>>)
      %dma_wait3A_127 = arith.constant 0 : i32
      %dma_wait3A_128 = tpu.memref_slice %arg16[%add3A_19, %dma_wait3A_127] : memref<10000x128xf32, #tpu.memory_space<vmem_shared>> -> memref<48x128xf32, #tpu.memory_space<vmem_shared>>
      %dma_wait3A_129 = arith.constant 0 : i32
      %dma_wait3A_130 = tpu.memref_slice %arg16[%add3A_19, %dma_wait3A_129] : memref<10000x128xf32, #tpu.memory_space<vmem_shared>> -> memref<48x128xf32, #tpu.memory_space<vmem_shared>>
      tpu.wait_dma2 semaphore(%run_scoped3A : memref<!tpu.dma_semaphore, #tpu.memory_space<semaphore_mem>>) src(%arg15 : memref<48x128xf32, #tpu.memory_space<vmem>>) dst(%dma_wait3A_130 : memref<48x128xf32, #tpu.memory_space<vmem_shared>>)
      tpu.yield
    }) : () -> ()
    %mul3A_20 = arith.constant 624 : i32
    %mul3A_21 = arith.muli %arg1, %mul3A_20 : i32
    %add3A_22 = arith.constant 192 : i32
    %add3A_23 = arith.addi %mul3A_21, %add3A_22 : i32
    "tpu.region"() ({
      %run_scoped3A = tpu.sem_alloc : memref<!tpu.dma_semaphore, #tpu.memory_space<semaphore_mem>>
      %dma_start3A_123 = arith.constant 0 : i32
      %dma_start3A_124 = tpu.memref_slice %arg16[%add3A_23, %dma_start3A_123] : memref<10000x128xf32, #tpu.memory_space<vmem_shared>> -> memref<48x128xf32, #tpu.memory_space<vmem_shared>>
      %dma_start3A_125 = arith.constant 0 : i32
      %dma_start3A_126 = tpu.memref_slice %arg16[%add3A_23, %dma_start3A_125] : memref<10000x128xf32, #tpu.memory_space<vmem_shared>> -> memref<48x128xf32, #tpu.memory_space<vmem_shared>>
      tpu.enqueue_dma source(%arg15 : memref<48x128xf32, #tpu.memory_space<vmem>>) target(%dma_start3A_126 : memref<48x128xf32, #tpu.memory_space<vmem_shared>>) target_semaphore(%run_scoped3A : memref<!tpu.dma_semaphore, #tpu.memory_space<semaphore_mem>>)
      %dma_wait3A_127 = arith.constant 0 : i32
      %dma_wait3A_128 = tpu.memref_slice %arg16[%add3A_23, %dma_wait3A_127] : memref<10000x128xf32, #tpu.memory_space<vmem_shared>> -> memref<48x128xf32, #tpu.memory_space<vmem_shared>>
      %dma_wait3A_129 = arith.constant 0 : i32
      %dma_wait3A_130 = tpu.memref_slice %arg16[%add3A_23, %dma_wait3A_129] : memref<10000x128xf32, #tpu.memory_space<vmem_shared>> -> memref<48x128xf32, #tpu.memory_space<vmem_shared>>
      tpu.wait_dma2 semaphore(%run_scoped3A : memref<!tpu.dma_semaphore, #tpu.memory_space<semaphore_mem>>) src(%arg15 : memref<48x128xf32, #tpu.memory_space<vmem>>) dst(%dma_wait3A_130 : memref<48x128xf32, #tpu.memory_space<vmem_shared>>)
      tpu.yield
    }) : () -> ()
    %mul3A_24 = arith.constant 624 : i32
    %mul3A_25 = arith.muli %arg1, %mul3A_24 : i32
    %add3A_26 = arith.constant 240 : i32
    %add3A_27 = arith.addi %mul3A_25, %add3A_26 : i32
    "tpu.region"() ({
      %run_scoped3A = tpu.sem_alloc : memref<!tpu.dma_semaphore, #tpu.memory_space<semaphore_mem>>
      %dma_start3A_123 = arith.constant 0 : i32
      %dma_start3A_124 = tpu.memref_slice %arg16[%add3A_27, %dma_start3A_123] : memref<10000x128xf32, #tpu.memory_space<vmem_shared>> -> memref<48x128xf32, #tpu.memory_space<vmem_shared>>
      %dma_start3A_125 = arith.constant 0 : i32
      %dma_start3A_126 = tpu.memref_slice %arg16[%add3A_27, %dma_start3A_125] : memref<10000x128xf32, #tpu.memory_space<vmem_shared>> -> memref<48x128xf32, #tpu.memory_space<vmem_shared>>
      tpu.enqueue_dma source(%arg15 : memref<48x128xf32, #tpu.memory_space<vmem>>) target(%dma_start3A_126 : memref<48x128xf32, #tpu.memory_space<vmem_shared>>) target_semaphore(%run_scoped3A : memref<!tpu.dma_semaphore, #tpu.memory_space<semaphore_mem>>)
      %dma_wait3A_127 = arith.constant 0 : i32
      %dma_wait3A_128 = tpu.memref_slice %arg16[%add3A_27, %dma_wait3A_127] : memref<10000x128xf32, #tpu.memory_space<vmem_shared>> -> memref<48x128xf32, #tpu.memory_space<vmem_shared>>
      %dma_wait3A_129 = arith.constant 0 : i32
      %dma_wait3A_130 = tpu.memref_slice %arg16[%add3A_27, %dma_wait3A_129] : memref<10000x128xf32, #tpu.memory_space<vmem_shared>> -> memref<48x128xf32, #tpu.memory_space<vmem_shared>>
      tpu.wait_dma2 semaphore(%run_scoped3A : memref<!tpu.dma_semaphore, #tpu.memory_space<semaphore_mem>>) src(%arg15 : memref<48x128xf32, #tpu.memory_space<vmem>>) dst(%dma_wait3A_130 : memref<48x128xf32, #tpu.memory_space<vmem_shared>>)
      tpu.yield
    }) : () -> ()
    %mul3A_28 = arith.constant 624 : i32
    %mul3A_29 = arith.muli %arg1, %mul3A_28 : i32
    %add3A_30 = arith.constant 288 : i32
    %add3A_31 = arith.addi %mul3A_29, %add3A_30 : i32
    "tpu.region"() ({
      %run_scoped3A = tpu.sem_alloc : memref<!tpu.dma_semaphore, #tpu.memory_space<semaphore_mem>>
      %dma_start3A_123 = arith.constant 0 : i32
      %dma_start3A_124 = tpu.memref_slice %arg16[%add3A_31, %dma_start3A_123] : memref<10000x128xf32, #tpu.memory_space<vmem_shared>> -> memref<48x128xf32, #tpu.memory_space<vmem_shared>>
      %dma_start3A_125 = arith.constant 0 : i32
      %dma_start3A_126 = tpu.memref_slice %arg16[%add3A_31, %dma_start3A_125] : memref<10000x128xf32, #tpu.memory_space<vmem_shared>> -> memref<48x128xf32, #tpu.memory_space<vmem_shared>>
      tpu.enqueue_dma source(%arg15 : memref<48x128xf32, #tpu.memory_space<vmem>>) target(%dma_start3A_126 : memref<48x128xf32, #tpu.memory_space<vmem_shared>>) target_semaphore(%run_scoped3A : memref<!tpu.dma_semaphore, #tpu.memory_space<semaphore_mem>>)
      %dma_wait3A_127 = arith.constant 0 : i32
      %dma_wait3A_128 = tpu.memref_slice %arg16[%add3A_31, %dma_wait3A_127] : memref<10000x128xf32, #tpu.memory_space<vmem_shared>> -> memref<48x128xf32, #tpu.memory_space<vmem_shared>>
      %dma_wait3A_129 = arith.constant 0 : i32
      %dma_wait3A_130 = tpu.memref_slice %arg16[%add3A_31, %dma_wait3A_129] : memref<10000x128xf32, #tpu.memory_space<vmem_shared>> -> memref<48x128xf32, #tpu.memory_space<vmem_shared>>
      tpu.wait_dma2 semaphore(%run_scoped3A : memref<!tpu.dma_semaphore, #tpu.memory_space<semaphore_mem>>) src(%arg15 : memref<48x128xf32, #tpu.memory_space<vmem>>) dst(%dma_wait3A_130 : memref<48x128xf32, #tpu.memory_space<vmem_shared>>)
      tpu.yield
    }) : () -> ()
    %mul3A_32 = arith.constant 624 : i32
    %mul3A_33 = arith.muli %arg1, %mul3A_32 : i32
    %add3A_34 = arith.constant 336 : i32
    %add3A_35 = arith.addi %mul3A_33, %add3A_34 : i32
    "tpu.region"() ({
      %run_scoped3A = tpu.sem_alloc : memref<!tpu.dma_semaphore, #tpu.memory_space<semaphore_mem>>
      %dma_start3A_123 = arith.constant 0 : i32
      %dma_start3A_124 = tpu.memref_slice %arg16[%add3A_35, %dma_start3A_123] : memref<10000x128xf32, #tpu.memory_space<vmem_shared>> -> memref<48x128xf32, #tpu.memory_space<vmem_shared>>
      %dma_start3A_125 = arith.constant 0 : i32
      %dma_start3A_126 = tpu.memref_slice %arg16[%add3A_35, %dma_start3A_125] : memref<10000x128xf32, #tpu.memory_space<vmem_shared>> -> memref<48x128xf32, #tpu.memory_space<vmem_shared>>
      tpu.enqueue_dma source(%arg15 : memref<48x128xf32, #tpu.memory_space<vmem>>) target(%dma_start3A_126 : memref<48x128xf32, #tpu.memory_space<vmem_shared>>) target_semaphore(%run_scoped3A : memref<!tpu.dma_semaphore, #tpu.memory_space<semaphore_mem>>)
      %dma_wait3A_127 = arith.constant 0 : i32
      %dma_wait3A_128 = tpu.memref_slice %arg16[%add3A_35, %dma_wait3A_127] : memref<10000x128xf32, #tpu.memory_space<vmem_shared>> -> memref<48x128xf32, #tpu.memory_space<vmem_shared>>
      %dma_wait3A_129 = arith.constant 0 : i32
      %dma_wait3A_130 = tpu.memref_slice %arg16[%add3A_35, %dma_wait3A_129] : memref<10000x128xf32, #tpu.memory_space<vmem_shared>> -> memref<48x128xf32, #tpu.memory_space<vmem_shared>>
      tpu.wait_dma2 semaphore(%run_scoped3A : memref<!tpu.dma_semaphore, #tpu.memory_space<semaphore_mem>>) src(%arg15 : memref<48x128xf32, #tpu.memory_space<vmem>>) dst(%dma_wait3A_130 : memref<48x128xf32, #tpu.memory_space<vmem_shared>>)
      tpu.yield
    }) : () -> ()
    %mul3A_36 = arith.constant 624 : i32
    %mul3A_37 = arith.muli %arg1, %mul3A_36 : i32
    %add3A_38 = arith.constant 384 : i32
    %add3A_39 = arith.addi %mul3A_37, %add3A_38 : i32
    "tpu.region"() ({
      %run_scoped3A = tpu.sem_alloc : memref<!tpu.dma_semaphore, #tpu.memory_space<semaphore_mem>>
      %dma_start3A_123 = arith.constant 0 : i32
      %dma_start3A_124 = tpu.memref_slice %arg16[%add3A_39, %dma_start3A_123] : memref<10000x128xf32, #tpu.memory_space<vmem_shared>> -> memref<48x128xf32, #tpu.memory_space<vmem_shared>>
      %dma_start3A_125 = arith.constant 0 : i32
      %dma_start3A_126 = tpu.memref_slice %arg16[%add3A_39, %dma_start3A_125] : memref<10000x128xf32, #tpu.memory_space<vmem_shared>> -> memref<48x128xf32, #tpu.memory_space<vmem_shared>>
      tpu.enqueue_dma source(%arg15 : memref<48x128xf32, #tpu.memory_space<vmem>>) target(%dma_start3A_126 : memref<48x128xf32, #tpu.memory_space<vmem_shared>>) target_semaphore(%run_scoped3A : memref<!tpu.dma_semaphore, #tpu.memory_space<semaphore_mem>>)
      %dma_wait3A_127 = arith.constant 0 : i32
      %dma_wait3A_128 = tpu.memref_slice %arg16[%add3A_39, %dma_wait3A_127] : memref<10000x128xf32, #tpu.memory_space<vmem_shared>> -> memref<48x128xf32, #tpu.memory_space<vmem_shared>>
      %dma_wait3A_129 = arith.constant 0 : i32
      %dma_wait3A_130 = tpu.memref_slice %arg16[%add3A_39, %dma_wait3A_129] : memref<10000x128xf32, #tpu.memory_space<vmem_shared>> -> memref<48x128xf32, #tpu.memory_space<vmem_shared>>
      tpu.wait_dma2 semaphore(%run_scoped3A : memref<!tpu.dma_semaphore, #tpu.memory_space<semaphore_mem>>) src(%arg15 : memref<48x128xf32, #tpu.memory_space<vmem>>) dst(%dma_wait3A_130 : memref<48x128xf32, #tpu.memory_space<vmem_shared>>)
      tpu.yield
    }) : () -> ()
    %mul3A_40 = arith.constant 624 : i32
    %mul3A_41 = arith.muli %arg1, %mul3A_40 : i32
    %add3A_42 = arith.constant 432 : i32
    %add3A_43 = arith.addi %mul3A_41, %add3A_42 : i32
    "tpu.region"() ({
      %run_scoped3A = tpu.sem_alloc : memref<!tpu.dma_semaphore, #tpu.memory_space<semaphore_mem>>
      %dma_start3A_123 = arith.constant 0 : i32
      %dma_start3A_124 = tpu.memref_slice %arg16[%add3A_43, %dma_start3A_123] : memref<10000x128xf32, #tpu.memory_space<vmem_shared>> -> memref<48x128xf32, #tpu.memory_space<vmem_shared>>
      %dma_start3A_125 = arith.constant 0 : i32
      %dma_start3A_126 = tpu.memref_slice %arg16[%add3A_43, %dma_start3A_125] : memref<10000x128xf32, #tpu.memory_space<vmem_shared>> -> memref<48x128xf32, #tpu.memory_space<vmem_shared>>
      tpu.enqueue_dma source(%arg15 : memref<48x128xf32, #tpu.memory_space<vmem>>) target(%dma_start3A_126 : memref<48x128xf32, #tpu.memory_space<vmem_shared>>) target_semaphore(%run_scoped3A : memref<!tpu.dma_semaphore, #tpu.memory_space<semaphore_mem>>)
      %dma_wait3A_127 = arith.constant 0 : i32
      %dma_wait3A_128 = tpu.memref_slice %arg16[%add3A_43, %dma_wait3A_127] : memref<10000x128xf32, #tpu.memory_space<vmem_shared>> -> memref<48x128xf32, #tpu.memory_space<vmem_shared>>
      %dma_wait3A_129 = arith.constant 0 : i32
      %dma_wait3A_130 = tpu.memref_slice %arg16[%add3A_43, %dma_wait3A_129] : memref<10000x128xf32, #tpu.memory_space<vmem_shared>> -> memref<48x128xf32, #tpu.memory_space<vmem_shared>>
      tpu.wait_dma2 semaphore(%run_scoped3A : memref<!tpu.dma_semaphore, #tpu.memory_space<semaphore_mem>>) src(%arg15 : memref<48x128xf32, #tpu.memory_space<vmem>>) dst(%dma_wait3A_130 : memref<48x128xf32, #tpu.memory_space<vmem_shared>>)
      tpu.yield
    }) : () -> ()
    %mul3A_44 = arith.constant 624 : i32
    %mul3A_45 = arith.muli %arg1, %mul3A_44 : i32
    %add3A_46 = arith.constant 480 : i32
    %add3A_47 = arith.addi %mul3A_45, %add3A_46 : i32
    "tpu.region"() ({
      %run_scoped3A = tpu.sem_alloc : memref<!tpu.dma_semaphore, #tpu.memory_space<semaphore_mem>>
      %dma_start3A_123 = arith.constant 0 : i32
      %dma_start3A_124 = tpu.memref_slice %arg16[%add3A_47, %dma_start3A_123] : memref<10000x128xf32, #tpu.memory_space<vmem_shared>> -> memref<48x128xf32, #tpu.memory_space<vmem_shared>>
      %dma_start3A_125 = arith.constant 0 : i32
      %dma_start3A_126 = tpu.memref_slice %arg16[%add3A_47, %dma_start3A_125] : memref<10000x128xf32, #tpu.memory_space<vmem_shared>> -> memref<48x128xf32, #tpu.memory_space<vmem_shared>>
      tpu.enqueue_dma source(%arg15 : memref<48x128xf32, #tpu.memory_space<vmem>>) target(%dma_start3A_126 : memref<48x128xf32, #tpu.memory_space<vmem_shared>>) target_semaphore(%run_scoped3A : memref<!tpu.dma_semaphore, #tpu.memory_space<semaphore_mem>>)
      %dma_wait3A_127 = arith.constant 0 : i32
      %dma_wait3A_128 = tpu.memref_slice %arg16[%add3A_47, %dma_wait3A_127] : memref<10000x128xf32, #tpu.memory_space<vmem_shared>> -> memref<48x128xf32, #tpu.memory_space<vmem_shared>>
      %dma_wait3A_129 = arith.constant 0 : i32
      %dma_wait3A_130 = tpu.memref_slice %arg16[%add3A_47, %dma_wait3A_129] : memref<10000x128xf32, #tpu.memory_space<vmem_shared>> -> memref<48x128xf32, #tpu.memory_space<vmem_shared>>
      tpu.wait_dma2 semaphore(%run_scoped3A : memref<!tpu.dma_semaphore, #tpu.memory_space<semaphore_mem>>) src(%arg15 : memref<48x128xf32, #tpu.memory_space<vmem>>) dst(%dma_wait3A_130 : memref<48x128xf32, #tpu.memory_space<vmem_shared>>)
      tpu.yield
    }) : () -> ()
    %mul3A_48 = arith.constant 624 : i32
    %mul3A_49 = arith.muli %arg1, %mul3A_48 : i32
    %add3A_50 = arith.constant 528 : i32
    %add3A_51 = arith.addi %mul3A_49, %add3A_50 : i32
    "tpu.region"() ({
      %run_scoped3A = tpu.sem_alloc : memref<!tpu.dma_semaphore, #tpu.memory_space<semaphore_mem>>
      %dma_start3A_123 = arith.constant 0 : i32
      %dma_start3A_124 = tpu.memref_slice %arg16[%add3A_51, %dma_start3A_123] : memref<10000x128xf32, #tpu.memory_space<vmem_shared>> -> memref<48x128xf32, #tpu.memory_space<vmem_shared>>
      %dma_start3A_125 = arith.constant 0 : i32
      %dma_start3A_126 = tpu.memref_slice %arg16[%add3A_51, %dma_start3A_125] : memref<10000x128xf32, #tpu.memory_space<vmem_shared>> -> memref<48x128xf32, #tpu.memory_space<vmem_shared>>
      tpu.enqueue_dma source(%arg15 : memref<48x128xf32, #tpu.memory_space<vmem>>) target(%dma_start3A_126 : memref<48x128xf32, #tpu.memory_space<vmem_shared>>) target_semaphore(%run_scoped3A : memref<!tpu.dma_semaphore, #tpu.memory_space<semaphore_mem>>)
      %dma_wait3A_127 = arith.constant 0 : i32
      %dma_wait3A_128 = tpu.memref_slice %arg16[%add3A_51, %dma_wait3A_127] : memref<10000x128xf32, #tpu.memory_space<vmem_shared>> -> memref<48x128xf32, #tpu.memory_space<vmem_shared>>
      %dma_wait3A_129 = arith.constant 0 : i32
      %dma_wait3A_130 = tpu.memref_slice %arg16[%add3A_51, %dma_wait3A_129] : memref<10000x128xf32, #tpu.memory_space<vmem_shared>> -> memref<48x128xf32, #tpu.memory_space<vmem_shared>>
      tpu.wait_dma2 semaphore(%run_scoped3A : memref<!tpu.dma_semaphore, #tpu.memory_space<semaphore_mem>>) src(%arg15 : memref<48x128xf32, #tpu.memory_space<vmem>>) dst(%dma_wait3A_130 : memref<48x128xf32, #tpu.memory_space<vmem_shared>>)
      tpu.yield
    }) : () -> ()
    %mul3A_52 = arith.constant 624 : i32
    %mul3A_53 = arith.muli %arg1, %mul3A_52 : i32
    %add3A_54 = arith.constant 576 : i32
    %add3A_55 = arith.addi %mul3A_53, %add3A_54 : i32
    "tpu.region"() ({
      %run_scoped3A = tpu.sem_alloc : memref<!tpu.dma_semaphore, #tpu.memory_space<semaphore_mem>>
      %dma_start3A_123 = arith.constant 0 : i32
      %dma_start3A_124 = tpu.memref_slice %arg16[%add3A_55, %dma_start3A_123] : memref<10000x128xf32, #tpu.memory_space<vmem_shared>> -> memref<48x128xf32, #tpu.memory_space<vmem_shared>>
      %dma_start3A_125 = arith.constant 0 : i32
      %dma_start3A_126 = tpu.memref_slice %arg16[%add3A_55, %dma_start3A_125] : memref<10000x128xf32, #tpu.memory_space<vmem_shared>> -> memref<48x128xf32, #tpu.memory_space<vmem_shared>>
      tpu.enqueue_dma source(%arg15 : memref<48x128xf32, #tpu.memory_space<vmem>>) target(%dma_start3A_126 : memref<48x128xf32, #tpu.memory_space<vmem_shared>>) target_semaphore(%run_scoped3A : memref<!tpu.dma_semaphore, #tpu.memory_space<semaphore_mem>>)
      %dma_wait3A_127 = arith.constant 0 : i32
      %dma_wait3A_128 = tpu.memref_slice %arg16[%add3A_55, %dma_wait3A_127] : memref<10000x128xf32, #tpu.memory_space<vmem_shared>> -> memref<48x128xf32, #tpu.memory_space<vmem_shared>>
      %dma_wait3A_129 = arith.constant 0 : i32
      %dma_wait3A_130 = tpu.memref_slice %arg16[%add3A_55, %dma_wait3A_129] : memref<10000x128xf32, #tpu.memory_space<vmem_shared>> -> memref<48x128xf32, #tpu.memory_space<vmem_shared>>
      tpu.wait_dma2 semaphore(%run_scoped3A : memref<!tpu.dma_semaphore, #tpu.memory_space<semaphore_mem>>) src(%arg15 : memref<48x128xf32, #tpu.memory_space<vmem>>) dst(%dma_wait3A_130 : memref<48x128xf32, #tpu.memory_space<vmem_shared>>)
      tpu.yield
    }) : () -> ()
    %eq3A = arith.constant 0 : i32
    %eq3A_56 = arith.cmpi eq, %arg1, %eq3A : i32
    %convert_element_type3A = arith.extui %eq3A_56 : i1 to i32
    %cond3A = arith.constant 0 : i32
    %cond3A_57 = arith.cmpi ne, %convert_element_type3A, %cond3A : i32
    scf.if %cond3A_57 {
      "tpu.region"() ({
        %run_scoped3A = tpu.sem_alloc : memref<!tpu.dma_semaphore, #tpu.memory_space<semaphore_mem>>
        %dma_start3A_123 = arith.constant 0 : i32
        %dma_start3A_124 = arith.constant 0 : i32
        %dma_start3A_125 = tpu.memref_slice %arg15[%dma_start3A_123, %dma_start3A_124] : memref<48x128xf32, #tpu.memory_space<vmem>> -> memref<16x128xf32, #tpu.memory_space<vmem>>
        %dma_start3A_126 = arith.constant 9984 : i32
        %dma_start3A_127 = arith.constant 0 : i32
        %dma_start3A_128 = tpu.memref_slice %arg16[%dma_start3A_126, %dma_start3A_127] : memref<10000x128xf32, #tpu.memory_space<vmem_shared>> -> memref<16x128xf32, #tpu.memory_space<vmem_shared>>
        %dma_start3A_129 = arith.constant 9984 : i32
        %dma_start3A_130 = arith.constant 0 : i32
        %dma_start3A_131 = tpu.memref_slice %arg16[%dma_start3A_129, %dma_start3A_130] : memref<10000x128xf32, #tpu.memory_space<vmem_shared>> -> memref<16x128xf32, #tpu.memory_space<vmem_shared>>
        %dma_start3A_132 = arith.constant 0 : i32
        %dma_start3A_133 = arith.constant 0 : i32
        %dma_start3A_134 = tpu.memref_slice %arg15[%dma_start3A_132, %dma_start3A_133] : memref<48x128xf32, #tpu.memory_space<vmem>> -> memref<16x128xf32, #tpu.memory_space<vmem>>
        tpu.enqueue_dma source(%dma_start3A_134 : memref<16x128xf32, #tpu.memory_space<vmem>>) target(%dma_start3A_131 : memref<16x128xf32, #tpu.memory_space<vmem_shared>>) target_semaphore(%run_scoped3A : memref<!tpu.dma_semaphore, #tpu.memory_space<semaphore_mem>>)
        %dma_wait3A_135 = arith.constant 0 : i32
        %dma_wait3A_136 = arith.constant 0 : i32
        %dma_wait3A_137 = tpu.memref_slice %arg15[%dma_wait3A_135, %dma_wait3A_136] : memref<48x128xf32, #tpu.memory_space<vmem>> -> memref<16x128xf32, #tpu.memory_space<vmem>>
        %dma_wait3A_138 = arith.constant 9984 : i32
        %dma_wait3A_139 = arith.constant 0 : i32
        %dma_wait3A_140 = tpu.memref_slice %arg16[%dma_wait3A_138, %dma_wait3A_139] : memref<10000x128xf32, #tpu.memory_space<vmem_shared>> -> memref<16x128xf32, #tpu.memory_space<vmem_shared>>
        %dma_wait3A_141 = arith.constant 9984 : i32
        %dma_wait3A_142 = arith.constant 0 : i32
        %dma_wait3A_143 = tpu.memref_slice %arg16[%dma_wait3A_141, %dma_wait3A_142] : memref<10000x128xf32, #tpu.memory_space<vmem_shared>> -> memref<16x128xf32, #tpu.memory_space<vmem_shared>>
        %dma_wait3A_144 = arith.constant 0 : i32
        %dma_wait3A_145 = arith.constant 0 : i32
        %dma_wait3A_146 = tpu.memref_slice %arg15[%dma_wait3A_144, %dma_wait3A_145] : memref<48x128xf32, #tpu.memory_space<vmem>> -> memref<16x128xf32, #tpu.memory_space<vmem>>
        tpu.wait_dma2 semaphore(%run_scoped3A : memref<!tpu.dma_semaphore, #tpu.memory_space<semaphore_mem>>) src(%dma_wait3A_146 : memref<16x128xf32, #tpu.memory_space<vmem>>) dst(%dma_wait3A_143 : memref<16x128xf32, #tpu.memory_space<vmem_shared>>)
        tpu.yield
      }) : () -> ()
    } else {
    }
    %barrier3A = arith.constant 0 : index
    tpu.barrier barrier_id(%barrier3A)
    %mul3A_58 = arith.constant 16 : i32
    %mul3A_59 = arith.muli %arg0, %mul3A_58 : i32
    %add3A_60 = arith.addi %mul3A_59, %arg1 : i32
    %mul3A_61 = arith.constant 10000 : i32
    %mul3A_62 = arith.muli %add3A_60, %mul3A_61 : i32
    %add3A_63 = arith.constant 0 : i32
    %add3A_64 = arith.addi %mul3A_62, %add3A_63 : i32
    %dma_start3A = tpu.memref_slice %arg4[%add3A_64] : memref<320000xi32, #tpu.memory_space<hbm>> -> memref<80xi32, #tpu.memory_space<hbm>>
    %dma_start3A_65 = tpu.memref_slice %arg4[%add3A_64] : memref<320000xi32, #tpu.memory_space<hbm>> -> memref<80xi32, #tpu.memory_space<hbm>>
    tpu.enqueue_dma source(%dma_start3A_65 : memref<80xi32, #tpu.memory_space<hbm>>) target(%arg7 : memref<80xi32, #tpu.memory_space<vmem>>) target_semaphore(%arg17 : memref<!tpu.dma_semaphore, #tpu.memory_space<semaphore_mem>>)
    %dma_start3A_66 = tpu.memref_slice %arg5[%add3A_64] : memref<320000xi32, #tpu.memory_space<hbm>> -> memref<80xi32, #tpu.memory_space<hbm>>
    %dma_start3A_67 = tpu.memref_slice %arg5[%add3A_64] : memref<320000xi32, #tpu.memory_space<hbm>> -> memref<80xi32, #tpu.memory_space<hbm>>
    tpu.enqueue_dma source(%dma_start3A_67 : memref<80xi32, #tpu.memory_space<hbm>>) target(%arg8 : memref<80xi32, #tpu.memory_space<vmem>>) target_semaphore(%arg17 : memref<!tpu.dma_semaphore, #tpu.memory_space<semaphore_mem>>)
    %add3A_68 = arith.constant 0 : i32
    %add3A_69 = arith.addi %mul3A_62, %add3A_68 : i32
    %dma_start3A_70 = arith.constant 0 : i32
    %dma_start3A_71 = tpu.memref_slice %arg3[%add3A_69, %dma_start3A_70] : memref<320000x128xf32, #tpu.memory_space<hbm>> -> memref<80x128xf32, #tpu.memory_space<hbm>>
    %dma_start3A_72 = arith.constant 0 : i32
    %dma_start3A_73 = tpu.memref_slice %arg3[%add3A_69, %dma_start3A_72] : memref<320000x128xf32, #tpu.memory_space<hbm>> -> memref<80x128xf32, #tpu.memory_space<hbm>>
    tpu.enqueue_dma source(%dma_start3A_73 : memref<80x128xf32, #tpu.memory_space<hbm>>) target(%arg13 : memref<80x128xf32, #tpu.memory_space<vmem>>) target_semaphore(%arg19 : memref<!tpu.dma_semaphore, #tpu.memory_space<semaphore_mem>>)
    %add3A_74 = arith.constant 80 : i32
    %add3A_75 = arith.addi %mul3A_62, %add3A_74 : i32
    %dma_start3A_76 = tpu.memref_slice %arg4[%add3A_75] : memref<320000xi32, #tpu.memory_space<hbm>> -> memref<80xi32, #tpu.memory_space<hbm>>
    %dma_start3A_77 = tpu.memref_slice %arg4[%add3A_75] : memref<320000xi32, #tpu.memory_space<hbm>> -> memref<80xi32, #tpu.memory_space<hbm>>
    tpu.enqueue_dma source(%dma_start3A_77 : memref<80xi32, #tpu.memory_space<hbm>>) target(%arg9 : memref<80xi32, #tpu.memory_space<vmem>>) target_semaphore(%arg18 : memref<!tpu.dma_semaphore, #tpu.memory_space<semaphore_mem>>)
    %dma_start3A_78 = tpu.memref_slice %arg5[%add3A_75] : memref<320000xi32, #tpu.memory_space<hbm>> -> memref<80xi32, #tpu.memory_space<hbm>>
    %dma_start3A_79 = tpu.memref_slice %arg5[%add3A_75] : memref<320000xi32, #tpu.memory_space<hbm>> -> memref<80xi32, #tpu.memory_space<hbm>>
    tpu.enqueue_dma source(%dma_start3A_79 : memref<80xi32, #tpu.memory_space<hbm>>) target(%arg10 : memref<80xi32, #tpu.memory_space<vmem>>) target_semaphore(%arg18 : memref<!tpu.dma_semaphore, #tpu.memory_space<semaphore_mem>>)
    %add3A_80 = arith.constant 80 : i32
    %add3A_81 = arith.addi %mul3A_62, %add3A_80 : i32
    %dma_start3A_82 = arith.constant 0 : i32
    %dma_start3A_83 = tpu.memref_slice %arg3[%add3A_81, %dma_start3A_82] : memref<320000x128xf32, #tpu.memory_space<hbm>> -> memref<80x128xf32, #tpu.memory_space<hbm>>
    %dma_start3A_84 = arith.constant 0 : i32
    %dma_start3A_85 = tpu.memref_slice %arg3[%add3A_81, %dma_start3A_84] : memref<320000x128xf32, #tpu.memory_space<hbm>> -> memref<80x128xf32, #tpu.memory_space<hbm>>
    tpu.enqueue_dma source(%dma_start3A_85 : memref<80x128xf32, #tpu.memory_space<hbm>>) target(%arg14 : memref<80x128xf32, #tpu.memory_space<vmem>>) target_semaphore(%arg20 : memref<!tpu.dma_semaphore, #tpu.memory_space<semaphore_mem>>)
    %dma_wait3A = tpu.memref_slice %arg4[%mul3A_62] : memref<320000xi32, #tpu.memory_space<hbm>> -> memref<80xi32, #tpu.memory_space<hbm>>
    %dma_wait3A_86 = tpu.memref_slice %arg4[%mul3A_62] : memref<320000xi32, #tpu.memory_space<hbm>> -> memref<80xi32, #tpu.memory_space<hbm>>
    tpu.wait_dma2 semaphore(%arg17 : memref<!tpu.dma_semaphore, #tpu.memory_space<semaphore_mem>>) src(%dma_wait3A_86 : memref<80xi32, #tpu.memory_space<hbm>>) dst(%arg7 : memref<80xi32, #tpu.memory_space<vmem>>)
    %dma_wait3A_87 = tpu.memref_slice %arg5[%mul3A_62] : memref<320000xi32, #tpu.memory_space<hbm>> -> memref<80xi32, #tpu.memory_space<hbm>>
    %dma_wait3A_88 = tpu.memref_slice %arg5[%mul3A_62] : memref<320000xi32, #tpu.memory_space<hbm>> -> memref<80xi32, #tpu.memory_space<hbm>>
    tpu.wait_dma2 semaphore(%arg17 : memref<!tpu.dma_semaphore, #tpu.memory_space<semaphore_mem>>) src(%dma_wait3A_88 : memref<80xi32, #tpu.memory_space<hbm>>) dst(%arg8 : memref<80xi32, #tpu.memory_space<vmem>>)
    %dma_start3A_89 = arith.constant 0 : i32
    %dma_start3A_90 = arith.constant 0 : i32
    %dma_start3A_91 = tpu.memref_slice %arg2[%dma_start3A_89, %dma_start3A_90] : memref<10000x128xf32, #tpu.memory_space<hbm>> -> memref<10000x128xf32, #tpu.memory_space<hbm>>
    tpu.enqueue_indirect_dma source(%dma_start3A_91 : memref<10000x128xf32, #tpu.memory_space<hbm>>) target(%arg11 : memref<80x128xf32, #tpu.memory_space<vmem>>) offsets(%arg7 : memref<80xi32, #tpu.memory_space<vmem>>) semaphore(%arg21 : memref<!tpu.dma_semaphore, #tpu.memory_space<semaphore_mem>>)
    %scan3A_92 = arith.constant 0 : i32
    %scan3A_93 = arith.constant 0 : i32
    %scan3A_94 = arith.constant 62 : i32
    %scan3A_95 = arith.addi %scan3A_93, %scan3A_94 : i32
    %scan3A_96 = arith.constant 1 : i32
    %scan3A_97 = scf.for %scan3A_123 = %scan3A_93 to %scan3A_95 step %scan3A_96 iter_args(%scan3A_124 = %scan3A_92) -> (i32)  : i32 {
      %mul3A_125 = arith.constant 2 : i32
      %mul3A_126 = arith.muli %mul3A_125, %scan3A_123 : i32
      %dma_wait3A_127 = tpu.memref_slice %arg4[%mul3A_62] : memref<320000xi32, #tpu.memory_space<hbm>> -> memref<80xi32, #tpu.memory_space<hbm>>
      %dma_wait3A_128 = tpu.memref_slice %arg4[%mul3A_62] : memref<320000xi32, #tpu.memory_space<hbm>> -> memref<80xi32, #tpu.memory_space<hbm>>
      tpu.wait_dma2 semaphore(%arg18 : memref<!tpu.dma_semaphore, #tpu.memory_space<semaphore_mem>>) src(%dma_wait3A_128 : memref<80xi32, #tpu.memory_space<hbm>>) dst(%arg9 : memref<80xi32, #tpu.memory_space<vmem>>)
      %dma_wait3A_129 = tpu.memref_slice %arg5[%mul3A_62] : memref<320000xi32, #tpu.memory_space<hbm>> -> memref<80xi32, #tpu.memory_space<hbm>>
      %dma_wait3A_130 = tpu.memref_slice %arg5[%mul3A_62] : memref<320000xi32, #tpu.memory_space<hbm>> -> memref<80xi32, #tpu.memory_space<hbm>>
      tpu.wait_dma2 semaphore(%arg18 : memref<!tpu.dma_semaphore, #tpu.memory_space<semaphore_mem>>) src(%dma_wait3A_130 : memref<80xi32, #tpu.memory_space<hbm>>) dst(%arg10 : memref<80xi32, #tpu.memory_space<vmem>>)
      %dma_start3A_131 = arith.constant 0 : i32
      %dma_start3A_132 = arith.constant 0 : i32
      %dma_start3A_133 = tpu.memref_slice %arg2[%dma_start3A_131, %dma_start3A_132] : memref<10000x128xf32, #tpu.memory_space<hbm>> -> memref<10000x128xf32, #tpu.memory_space<hbm>>
      tpu.enqueue_indirect_dma source(%dma_start3A_133 : memref<10000x128xf32, #tpu.memory_space<hbm>>) target(%arg12 : memref<80x128xf32, #tpu.memory_space<vmem>>) offsets(%arg9 : memref<80xi32, #tpu.memory_space<vmem>>) semaphore(%arg22 : memref<!tpu.dma_semaphore, #tpu.memory_space<semaphore_mem>>)
      %dma_wait3A_134 = arith.constant 0 : i32
      %dma_wait3A_135 = arith.constant 0 : i32
      %dma_wait3A_136 = tpu.memref_slice %arg2[%dma_wait3A_134, %dma_wait3A_135] : memref<10000x128xf32, #tpu.memory_space<hbm>> -> memref<10000x128xf32, #tpu.memory_space<hbm>>
      tpu.wait_indirect_dma semaphore(%arg21 : memref<!tpu.dma_semaphore, #tpu.memory_space<semaphore_mem>>) src(%dma_wait3A_136 : memref<10000x128xf32, #tpu.memory_space<hbm>>) dst(%arg11 : memref<80x128xf32, #tpu.memory_space<vmem>>)
      %dma_wait3A_137 = arith.constant 0 : i32
      %dma_wait3A_138 = tpu.memref_slice %arg3[%mul3A_62, %dma_wait3A_137] : memref<320000x128xf32, #tpu.memory_space<hbm>> -> memref<80x128xf32, #tpu.memory_space<hbm>>
      %dma_wait3A_139 = arith.constant 0 : i32
      %dma_wait3A_140 = tpu.memref_slice %arg3[%mul3A_62, %dma_wait3A_139] : memref<320000x128xf32, #tpu.memory_space<hbm>> -> memref<80x128xf32, #tpu.memory_space<hbm>>
      tpu.wait_dma2 semaphore(%arg19 : memref<!tpu.dma_semaphore, #tpu.memory_space<semaphore_mem>>) src(%dma_wait3A_140 : memref<80x128xf32, #tpu.memory_space<hbm>>) dst(%arg13 : memref<80x128xf32, #tpu.memory_space<vmem>>)
      %scan3A_141 = arith.constant 0 : i32
      %scan3A_142 = arith.constant 0 : i32
      %scan3A_143 = arith.constant 80 : i32
      %scan3A_144 = arith.addi %scan3A_142, %scan3A_143 : i32
      %scan3A_145 = arith.constant 1 : i32
      %scan3A_146 = scf.for %scan3A_183 = %scan3A_142 to %scan3A_144 step %scan3A_145 iter_args(%scan3A_184 = %scan3A_141) -> (i32)  : i32 {
        %get3A = arith.index_cast %scan3A_183 : i32 to index
        %get3A_185 = arith.constant 0 : index
        %get3A_186 = tpu.vector_load %arg11[%get3A, %get3A_185] {strides = array<i32>} : memref<80x128xf32, #tpu.memory_space<vmem>>, vector<1x16xf32>,
        %get3A_187 = vector.shape_cast %get3A_186 : vector<1x16xf32> to vector<16xf32>
        %get3A_188 = arith.index_cast %scan3A_183 : i32 to index
        %get3A_189 = arith.constant 0 : index
        %get3A_190 = tpu.vector_load %arg13[%get3A_188, %get3A_189] {strides = array<i32>} : memref<80x128xf32, #tpu.memory_space<vmem>>, vector<1x16xf32>,
        %get3A_191 = vector.shape_cast %get3A_190 : vector<1x16xf32> to vector<16xf32>
        %mul3A_192 = arith.mulf %get3A_187, %get3A_191 : vector<16xf32>
        %swap3A = arith.index_cast %scan3A_183 : i32 to index
        %swap3A_193 = arith.constant 0 : index
        %swap3A_194 = tpu.vector_load %arg11[%swap3A, %swap3A_193] {strides = array<i32>} : memref<80x128xf32, #tpu.memory_space<vmem>>, vector<1x16xf32>,
        %swap3A_195 = vector.shape_cast %swap3A_194 : vector<1x16xf32> to vector<16xf32>
        %swap3A_196 = vector.shape_cast %mul3A_192 : vector<16xf32> to vector<1x16xf32>
        tpu.vector_store %arg11[%swap3A, %swap3A_193], %swap3A_196 {strides = array<i32>} : memref<80x128xf32, #tpu.memory_space<vmem>>, vector<1x16xf32>,
        %get3A_197 = arith.index_cast %scan3A_183 : i32 to index
        %get3A_198 = arith.constant 16 : index
        %get3A_199 = tpu.vector_load %arg11[%get3A_197, %get3A_198] {strides = array<i32>} : memref<80x128xf32, #tpu.memory_space<vmem>>, vector<1x16xf32>,
        %get3A_200 = vector.shape_cast %get3A_199 : vector<1x16xf32> to vector<16xf32>
        %get3A_201 = arith.index_cast %scan3A_183 : i32 to index
        %get3A_202 = arith.constant 16 : index
        %get3A_203 = tpu.vector_load %arg13[%get3A_201, %get3A_202] {strides = array<i32>} : memref<80x128xf32, #tpu.memory_space<vmem>>, vector<1x16xf32>,
        %get3A_204 = vector.shape_cast %get3A_203 : vector<1x16xf32> to vector<16xf32>
        %mul3A_205 = arith.mulf %get3A_200, %get3A_204 : vector<16xf32>
        %swap3A_206 = arith.index_cast %scan3A_183 : i32 to index
        %swap3A_207 = arith.constant 16 : index
        %swap3A_208 = tpu.vector_load %arg11[%swap3A_206, %swap3A_207] {strides = array<i32>} : memref<80x128xf32, #tpu.memory_space<vmem>>, vector<1x16xf32>,
        %swap3A_209 = vector.shape_cast %swap3A_208 : vector<1x16xf32> to vector<16xf32>
        %swap3A_210 = vector.shape_cast %mul3A_205 : vector<16xf32> to vector<1x16xf32>
        tpu.vector_store %arg11[%swap3A_206, %swap3A_207], %swap3A_210 {strides = array<i32>} : memref<80x128xf32, #tpu.memory_space<vmem>>, vector<1x16xf32>,
        %get3A_211 = arith.index_cast %scan3A_183 : i32 to index
        %get3A_212 = arith.constant 32 : index
        %get3A_213 = tpu.vector_load %arg11[%get3A_211, %get3A_212] {strides = array<i32>} : memref<80x128xf32, #tpu.memory_space<vmem>>, vector<1x16xf32>,
        %get3A_214 = vector.shape_cast %get3A_213 : vector<1x16xf32> to vector<16xf32>
        %get3A_215 = arith.index_cast %scan3A_183 : i32 to index
        %get3A_216 = arith.constant 32 : index
        %get3A_217 = tpu.vector_load %arg13[%get3A_215, %get3A_216] {strides = array<i32>} : memref<80x128xf32, #tpu.memory_space<vmem>>, vector<1x16xf32>,
        %get3A_218 = vector.shape_cast %get3A_217 : vector<1x16xf32> to vector<16xf32>
        %mul3A_219 = arith.mulf %get3A_214, %get3A_218 : vector<16xf32>
        %swap3A_220 = arith.index_cast %scan3A_183 : i32 to index
        %swap3A_221 = arith.constant 32 : index
        %swap3A_222 = tpu.vector_load %arg11[%swap3A_220, %swap3A_221] {strides = array<i32>} : memref<80x128xf32, #tpu.memory_space<vmem>>, vector<1x16xf32>,
        %swap3A_223 = vector.shape_cast %swap3A_222 : vector<1x16xf32> to vector<16xf32>
        %swap3A_224 = vector.shape_cast %mul3A_219 : vector<16xf32> to vector<1x16xf32>
        tpu.vector_store %arg11[%swap3A_220, %swap3A_221], %swap3A_224 {strides = array<i32>} : memref<80x128xf32, #tpu.memory_space<vmem>>, vector<1x16xf32>,
        %get3A_225 = arith.index_cast %scan3A_183 : i32 to index
        %get3A_226 = arith.constant 48 : index
        %get3A_227 = tpu.vector_load %arg11[%get3A_225, %get3A_226] {strides = array<i32>} : memref<80x128xf32, #tpu.memory_space<vmem>>, vector<1x16xf32>,
        %get3A_228 = vector.shape_cast %get3A_227 : vector<1x16xf32> to vector<16xf32>
        %get3A_229 = arith.index_cast %scan3A_183 : i32 to index
        %get3A_230 = arith.constant 48 : index
        %get3A_231 = tpu.vector_load %arg13[%get3A_229, %get3A_230] {strides = array<i32>} : memref<80x128xf32, #tpu.memory_space<vmem>>, vector<1x16xf32>,
        %get3A_232 = vector.shape_cast %get3A_231 : vector<1x16xf32> to vector<16xf32>
        %mul3A_233 = arith.mulf %get3A_228, %get3A_232 : vector<16xf32>
        %swap3A_234 = arith.index_cast %scan3A_183 : i32 to index
        %swap3A_235 = arith.constant 48 : index
        %swap3A_236 = tpu.vector_load %arg11[%swap3A_234, %swap3A_235] {strides = array<i32>} : memref<80x128xf32, #tpu.memory_space<vmem>>, vector<1x16xf32>,
        %swap3A_237 = vector.shape_cast %swap3A_236 : vector<1x16xf32> to vector<16xf32>
        %swap3A_238 = vector.shape_cast %mul3A_233 : vector<16xf32> to vector<1x16xf32>
        tpu.vector_store %arg11[%swap3A_234, %swap3A_235], %swap3A_238 {strides = array<i32>} : memref<80x128xf32, #tpu.memory_space<vmem>>, vector<1x16xf32>,
        %get3A_239 = arith.index_cast %scan3A_183 : i32 to index
        %get3A_240 = arith.constant 64 : index
        %get3A_241 = tpu.vector_load %arg11[%get3A_239, %get3A_240] {strides = array<i32>} : memref<80x128xf32, #tpu.memory_space<vmem>>, vector<1x16xf32>,
        %get3A_242 = vector.shape_cast %get3A_241 : vector<1x16xf32> to vector<16xf32>
        %get3A_243 = arith.index_cast %scan3A_183 : i32 to index
        %get3A_244 = arith.constant 64 : index
        %get3A_245 = tpu.vector_load %arg13[%get3A_243, %get3A_244] {strides = array<i32>} : memref<80x128xf32, #tpu.memory_space<vmem>>, vector<1x16xf32>,
        %get3A_246 = vector.shape_cast %get3A_245 : vector<1x16xf32> to vector<16xf32>
        %mul3A_247 = arith.mulf %get3A_242, %get3A_246 : vector<16xf32>
        %swap3A_248 = arith.index_cast %scan3A_183 : i32 to index
        %swap3A_249 = arith.constant 64 : index
        %swap3A_250 = tpu.vector_load %arg11[%swap3A_248, %swap3A_249] {strides = array<i32>} : memref<80x128xf32, #tpu.memory_space<vmem>>, vector<1x16xf32>,
        %swap3A_251 = vector.shape_cast %swap3A_250 : vector<1x16xf32> to vector<16xf32>
        %swap3A_252 = vector.shape_cast %mul3A_247 : vector<16xf32> to vector<1x16xf32>
        tpu.vector_store %arg11[%swap3A_248, %swap3A_249], %swap3A_252 {strides = array<i32>} : memref<80x128xf32, #tpu.memory_space<vmem>>, vector<1x16xf32>,
        %get3A_253 = arith.index_cast %scan3A_183 : i32 to index
        %get3A_254 = arith.constant 80 : index
        %get3A_255 = tpu.vector_load %arg11[%get3A_253, %get3A_254] {strides = array<i32>} : memref<80x128xf32, #tpu.memory_space<vmem>>, vector<1x16xf32>,
        %get3A_256 = vector.shape_cast %get3A_255 : vector<1x16xf32> to vector<16xf32>
        %get3A_257 = arith.index_cast %scan3A_183 : i32 to index
        %get3A_258 = arith.constant 80 : index
        %get3A_259 = tpu.vector_load %arg13[%get3A_257, %get3A_258] {strides = array<i32>} : memref<80x128xf32, #tpu.memory_space<vmem>>, vector<1x16xf32>,
        %get3A_260 = vector.shape_cast %get3A_259 : vector<1x16xf32> to vector<16xf32>
        %mul3A_261 = arith.mulf %get3A_256, %get3A_260 : vector<16xf32>
        %swap3A_262 = arith.index_cast %scan3A_183 : i32 to index
        %swap3A_263 = arith.constant 80 : index
        %swap3A_264 = tpu.vector_load %arg11[%swap3A_262, %swap3A_263] {strides = array<i32>} : memref<80x128xf32, #tpu.memory_space<vmem>>, vector<1x16xf32>,
        %swap3A_265 = vector.shape_cast %swap3A_264 : vector<1x16xf32> to vector<16xf32>
        %swap3A_266 = vector.shape_cast %mul3A_261 : vector<16xf32> to vector<1x16xf32>
        tpu.vector_store %arg11[%swap3A_262, %swap3A_263], %swap3A_266 {strides = array<i32>} : memref<80x128xf32, #tpu.memory_space<vmem>>, vector<1x16xf32>,
        %get3A_267 = arith.index_cast %scan3A_183 : i32 to index
        %get3A_268 = arith.constant 96 : index
        %get3A_269 = tpu.vector_load %arg11[%get3A_267, %get3A_268] {strides = array<i32>} : memref<80x128xf32, #tpu.memory_space<vmem>>, vector<1x16xf32>,
        %get3A_270 = vector.shape_cast %get3A_269 : vector<1x16xf32> to vector<16xf32>
        %get3A_271 = arith.index_cast %scan3A_183 : i32 to index
        %get3A_272 = arith.constant 96 : index
        %get3A_273 = tpu.vector_load %arg13[%get3A_271, %get3A_272] {strides = array<i32>} : memref<80x128xf32, #tpu.memory_space<vmem>>, vector<1x16xf32>,
        %get3A_274 = vector.shape_cast %get3A_273 : vector<1x16xf32> to vector<16xf32>
        %mul3A_275 = arith.mulf %get3A_270, %get3A_274 : vector<16xf32>
        %swap3A_276 = arith.index_cast %scan3A_183 : i32 to index
        %swap3A_277 = arith.constant 96 : index
        %swap3A_278 = tpu.vector_load %arg11[%swap3A_276, %swap3A_277] {strides = array<i32>} : memref<80x128xf32, #tpu.memory_space<vmem>>, vector<1x16xf32>,
        %swap3A_279 = vector.shape_cast %swap3A_278 : vector<1x16xf32> to vector<16xf32>
        %swap3A_280 = vector.shape_cast %mul3A_275 : vector<16xf32> to vector<1x16xf32>
        tpu.vector_store %arg11[%swap3A_276, %swap3A_277], %swap3A_280 {strides = array<i32>} : memref<80x128xf32, #tpu.memory_space<vmem>>, vector<1x16xf32>,
        %get3A_281 = arith.index_cast %scan3A_183 : i32 to index
        %get3A_282 = arith.constant 112 : index
        %get3A_283 = tpu.vector_load %arg11[%get3A_281, %get3A_282] {strides = array<i32>} : memref<80x128xf32, #tpu.memory_space<vmem>>, vector<1x16xf32>,
        %get3A_284 = vector.shape_cast %get3A_283 : vector<1x16xf32> to vector<16xf32>
        %get3A_285 = arith.index_cast %scan3A_183 : i32 to index
        %get3A_286 = arith.constant 112 : index
        %get3A_287 = tpu.vector_load %arg13[%get3A_285, %get3A_286] {strides = array<i32>} : memref<80x128xf32, #tpu.memory_space<vmem>>, vector<1x16xf32>,
        %get3A_288 = vector.shape_cast %get3A_287 : vector<1x16xf32> to vector<16xf32>
        %mul3A_289 = arith.mulf %get3A_284, %get3A_288 : vector<16xf32>
        %swap3A_290 = arith.index_cast %scan3A_183 : i32 to index
        %swap3A_291 = arith.constant 112 : index
        %swap3A_292 = tpu.vector_load %arg11[%swap3A_290, %swap3A_291] {strides = array<i32>} : memref<80x128xf32, #tpu.memory_space<vmem>>, vector<1x16xf32>,
        %swap3A_293 = vector.shape_cast %swap3A_292 : vector<1x16xf32> to vector<16xf32>
        %swap3A_294 = vector.shape_cast %mul3A_289 : vector<16xf32> to vector<1x16xf32>
        tpu.vector_store %arg11[%swap3A_290, %swap3A_291], %swap3A_294 {strides = array<i32>} : memref<80x128xf32, #tpu.memory_space<vmem>>, vector<1x16xf32>,
        %scan3A_295 = arith.constant 0 : i32
        scf.yield %scan3A_295 : i32
      }
      %scan3A_147 = arith.constant 80 : i32
      "tpu.region"() ({
        %run_scoped3A = tpu.sem_alloc : memref<!tpu.dma_semaphore, #tpu.memory_space<semaphore_mem>>
        %dma_start3A_183 = arith.constant 0 : i32
        %dma_start3A_184 = arith.constant 0 : i32
        %dma_start3A_185 = tpu.memref_slice %arg16[%dma_start3A_183, %dma_start3A_184] : memref<10000x128xf32, #tpu.memory_space<vmem_shared>> -> memref<10000x128xf32, #tpu.memory_space<vmem_shared>>
        tpu.enqueue_indirect_dma source(%arg11 : memref<80x128xf32, #tpu.memory_space<vmem>>) target(%dma_start3A_185 : memref<10000x128xf32, #tpu.memory_space<vmem_shared>>) offsets(%arg8 : memref<80xi32, #tpu.memory_space<vmem>>) semaphore(%run_scoped3A : memref<!tpu.dma_semaphore, #tpu.memory_space<semaphore_mem>>) {add = true}
        %dma_wait3A_186 = arith.constant 0 : i32
        %dma_wait3A_187 = arith.constant 0 : i32
        %dma_wait3A_188 = tpu.memref_slice %arg16[%dma_wait3A_186, %dma_wait3A_187] : memref<10000x128xf32, #tpu.memory_space<vmem_shared>> -> memref<10000x128xf32, #tpu.memory_space<vmem_shared>>
        tpu.wait_indirect_dma semaphore(%run_scoped3A : memref<!tpu.dma_semaphore, #tpu.memory_space<semaphore_mem>>) src(%arg11 : memref<80x128xf32, #tpu.memory_space<vmem>>) dst(%dma_wait3A_188 : memref<10000x128xf32, #tpu.memory_space<vmem_shared>>)
        tpu.yield
      }) : () -> ()
      %add3A_148 = arith.constant 2 : i32
      %add3A_149 = arith.addi %mul3A_126, %add3A_148 : i32
      %lt3A = arith.constant 125 : i32
      %lt3A_150 = arith.cmpi slt, %add3A_149, %lt3A : i32
      %convert_element_type3A_151 = arith.extui %lt3A_150 : i1 to i32
      %cond3A_152 = arith.constant 0 : i32
      %cond3A_153 = arith.cmpi ne, %convert_element_type3A_151, %cond3A_152 : i32
      scf.if %cond3A_153 {
        %add3A_183 = arith.constant 2 : i32
        %add3A_184 = arith.addi %mul3A_126, %add3A_183 : i32
        %mul3A_185 = arith.constant 80 : i32
        %mul3A_186 = arith.muli %add3A_184, %mul3A_185 : i32
        %add3A_187 = arith.addi %mul3A_62, %mul3A_186 : i32
        %dma_start3A_188 = tpu.memref_slice %arg4[%add3A_187] : memref<320000xi32, #tpu.memory_space<hbm>> -> memref<80xi32, #tpu.memory_space<hbm>>
        %dma_start3A_189 = tpu.memref_slice %arg4[%add3A_187] : memref<320000xi32, #tpu.memory_space<hbm>> -> memref<80xi32, #tpu.memory_space<hbm>>
        tpu.enqueue_dma source(%dma_start3A_189 : memref<80xi32, #tpu.memory_space<hbm>>) target(%arg7 : memref<80xi32, #tpu.memory_space<vmem>>) target_semaphore(%arg17 : memref<!tpu.dma_semaphore, #tpu.memory_space<semaphore_mem>>)
        %dma_start3A_190 = tpu.memref_slice %arg5[%add3A_187] : memref<320000xi32, #tpu.memory_space<hbm>> -> memref<80xi32, #tpu.memory_space<hbm>>
        %dma_start3A_191 = tpu.memref_slice %arg5[%add3A_187] : memref<320000xi32, #tpu.memory_space<hbm>> -> memref<80xi32, #tpu.memory_space<hbm>>
        tpu.enqueue_dma source(%dma_start3A_191 : memref<80xi32, #tpu.memory_space<hbm>>) target(%arg8 : memref<80xi32, #tpu.memory_space<vmem>>) target_semaphore(%arg17 : memref<!tpu.dma_semaphore, #tpu.memory_space<semaphore_mem>>)
        %add3A_192 = arith.constant 2 : i32
        %add3A_193 = arith.addi %mul3A_126, %add3A_192 : i32
        %mul3A_194 = arith.constant 80 : i32
        %mul3A_195 = arith.muli %add3A_193, %mul3A_194 : i32
        %add3A_196 = arith.addi %mul3A_62, %mul3A_195 : i32
        %dma_start3A_197 = arith.constant 0 : i32
        %dma_start3A_198 = tpu.memref_slice %arg3[%add3A_196, %dma_start3A_197] : memref<320000x128xf32, #tpu.memory_space<hbm>> -> memref<80x128xf32, #tpu.memory_space<hbm>>
        %dma_start3A_199 = arith.constant 0 : i32
        %dma_start3A_200 = tpu.memref_slice %arg3[%add3A_196, %dma_start3A_199] : memref<320000x128xf32, #tpu.memory_space<hbm>> -> memref<80x128xf32, #tpu.memory_space<hbm>>
        tpu.enqueue_dma source(%dma_start3A_200 : memref<80x128xf32, #tpu.memory_space<hbm>>) target(%arg13 : memref<80x128xf32, #tpu.memory_space<vmem>>) target_semaphore(%arg19 : memref<!tpu.dma_semaphore, #tpu.memory_space<semaphore_mem>>)
      } else {
      }
      %dma_wait3A_154 = arith.constant 0 : i32
      %dma_wait3A_155 = arith.constant 0 : i32
      %dma_wait3A_156 = tpu.memref_slice %arg2[%dma_wait3A_154, %dma_wait3A_155] : memref<10000x128xf32, #tpu.memory_space<hbm>> -> memref<10000x128xf32, #tpu.memory_space<hbm>>
      tpu.wait_indirect_dma semaphore(%arg22 : memref<!tpu.dma_semaphore, #tpu.memory_space<semaphore_mem>>) src(%dma_wait3A_156 : memref<10000x128xf32, #tpu.memory_space<hbm>>) dst(%arg12 : memref<80x128xf32, #tpu.memory_space<vmem>>)
      %dma_wait3A_157 = arith.constant 0 : i32
      %dma_wait3A_158 = tpu.memref_slice %arg3[%mul3A_62, %dma_wait3A_157] : memref<320000x128xf32, #tpu.memory_space<hbm>> -> memref<80x128xf32, #tpu.memory_space<hbm>>
      %dma_wait3A_159 = arith.constant 0 : i32
      %dma_wait3A_160 = tpu.memref_slice %arg3[%mul3A_62, %dma_wait3A_159] : memref<320000x128xf32, #tpu.memory_space<hbm>> -> memref<80x128xf32, #tpu.memory_space<hbm>>
      tpu.wait_dma2 semaphore(%arg20 : memref<!tpu.dma_semaphore, #tpu.memory_space<semaphore_mem>>) src(%dma_wait3A_160 : memref<80x128xf32, #tpu.memory_space<hbm>>) dst(%arg14 : memref<80x128xf32, #tpu.memory_space<vmem>>)
      %scan3A_161 = arith.constant 0 : i32
      %scan3A_162 = arith.constant 0 : i32
      %scan3A_163 = arith.constant 80 : i32
      %scan3A_164 = arith.addi %scan3A_162, %scan3A_163 : i32
      %scan3A_165 = arith.constant 1 : i32
      %scan3A_166 = scf.for %scan3A_183 = %scan3A_162 to %scan3A_164 step %scan3A_165 iter_args(%scan3A_184 = %scan3A_161) -> (i32)  : i32 {
        %get3A = arith.index_cast %scan3A_183 : i32 to index
        %get3A_185 = arith.constant 0 : index
        %get3A_186 = tpu.vector_load %arg12[%get3A, %get3A_185] {strides = array<i32>} : memref<80x128xf32, #tpu.memory_space<vmem>>, vector<1x16xf32>,
        %get3A_187 = vector.shape_cast %get3A_186 : vector<1x16xf32> to vector<16xf32>
        %get3A_188 = arith.index_cast %scan3A_183 : i32 to index
        %get3A_189 = arith.constant 0 : index
        %get3A_190 = tpu.vector_load %arg14[%get3A_188, %get3A_189] {strides = array<i32>} : memref<80x128xf32, #tpu.memory_space<vmem>>, vector<1x16xf32>,
        %get3A_191 = vector.shape_cast %get3A_190 : vector<1x16xf32> to vector<16xf32>
        %mul3A_192 = arith.mulf %get3A_187, %get3A_191 : vector<16xf32>
        %swap3A = arith.index_cast %scan3A_183 : i32 to index
        %swap3A_193 = arith.constant 0 : index
        %swap3A_194 = tpu.vector_load %arg12[%swap3A, %swap3A_193] {strides = array<i32>} : memref<80x128xf32, #tpu.memory_space<vmem>>, vector<1x16xf32>,
        %swap3A_195 = vector.shape_cast %swap3A_194 : vector<1x16xf32> to vector<16xf32>
        %swap3A_196 = vector.shape_cast %mul3A_192 : vector<16xf32> to vector<1x16xf32>
        tpu.vector_store %arg12[%swap3A, %swap3A_193], %swap3A_196 {strides = array<i32>} : memref<80x128xf32, #tpu.memory_space<vmem>>, vector<1x16xf32>,
        %get3A_197 = arith.index_cast %scan3A_183 : i32 to index
        %get3A_198 = arith.constant 16 : index
        %get3A_199 = tpu.vector_load %arg12[%get3A_197, %get3A_198] {strides = array<i32>} : memref<80x128xf32, #tpu.memory_space<vmem>>, vector<1x16xf32>,
        %get3A_200 = vector.shape_cast %get3A_199 : vector<1x16xf32> to vector<16xf32>
        %get3A_201 = arith.index_cast %scan3A_183 : i32 to index
        %get3A_202 = arith.constant 16 : index
        %get3A_203 = tpu.vector_load %arg14[%get3A_201, %get3A_202] {strides = array<i32>} : memref<80x128xf32, #tpu.memory_space<vmem>>, vector<1x16xf32>,
        %get3A_204 = vector.shape_cast %get3A_203 : vector<1x16xf32> to vector<16xf32>
        %mul3A_205 = arith.mulf %get3A_200, %get3A_204 : vector<16xf32>
        %swap3A_206 = arith.index_cast %scan3A_183 : i32 to index
        %swap3A_207 = arith.constant 16 : index
        %swap3A_208 = tpu.vector_load %arg12[%swap3A_206, %swap3A_207] {strides = array<i32>} : memref<80x128xf32, #tpu.memory_space<vmem>>, vector<1x16xf32>,
        %swap3A_209 = vector.shape_cast %swap3A_208 : vector<1x16xf32> to vector<16xf32>
        %swap3A_210 = vector.shape_cast %mul3A_205 : vector<16xf32> to vector<1x16xf32>
        tpu.vector_store %arg12[%swap3A_206, %swap3A_207], %swap3A_210 {strides = array<i32>} : memref<80x128xf32, #tpu.memory_space<vmem>>, vector<1x16xf32>,
        %get3A_211 = arith.index_cast %scan3A_183 : i32 to index
        %get3A_212 = arith.constant 32 : index
        %get3A_213 = tpu.vector_load %arg12[%get3A_211, %get3A_212] {strides = array<i32>} : memref<80x128xf32, #tpu.memory_space<vmem>>, vector<1x16xf32>,
        %get3A_214 = vector.shape_cast %get3A_213 : vector<1x16xf32> to vector<16xf32>
        %get3A_215 = arith.index_cast %scan3A_183 : i32 to index
        %get3A_216 = arith.constant 32 : index
        %get3A_217 = tpu.vector_load %arg14[%get3A_215, %get3A_216] {strides = array<i32>} : memref<80x128xf32, #tpu.memory_space<vmem>>, vector<1x16xf32>,
        %get3A_218 = vector.shape_cast %get3A_217 : vector<1x16xf32> to vector<16xf32>
        %mul3A_219 = arith.mulf %get3A_214, %get3A_218 : vector<16xf32>
        %swap3A_220 = arith.index_cast %scan3A_183 : i32 to index
        %swap3A_221 = arith.constant 32 : index
        %swap3A_222 = tpu.vector_load %arg12[%swap3A_220, %swap3A_221] {strides = array<i32>} : memref<80x128xf32, #tpu.memory_space<vmem>>, vector<1x16xf32>,
        %swap3A_223 = vector.shape_cast %swap3A_222 : vector<1x16xf32> to vector<16xf32>
        %swap3A_224 = vector.shape_cast %mul3A_219 : vector<16xf32> to vector<1x16xf32>
        tpu.vector_store %arg12[%swap3A_220, %swap3A_221], %swap3A_224 {strides = array<i32>} : memref<80x128xf32, #tpu.memory_space<vmem>>, vector<1x16xf32>,
        %get3A_225 = arith.index_cast %scan3A_183 : i32 to index
        %get3A_226 = arith.constant 48 : index
        %get3A_227 = tpu.vector_load %arg12[%get3A_225, %get3A_226] {strides = array<i32>} : memref<80x128xf32, #tpu.memory_space<vmem>>, vector<1x16xf32>,
        %get3A_228 = vector.shape_cast %get3A_227 : vector<1x16xf32> to vector<16xf32>
        %get3A_229 = arith.index_cast %scan3A_183 : i32 to index
        %get3A_230 = arith.constant 48 : index
        %get3A_231 = tpu.vector_load %arg14[%get3A_229, %get3A_230] {strides = array<i32>} : memref<80x128xf32, #tpu.memory_space<vmem>>, vector<1x16xf32>,
        %get3A_232 = vector.shape_cast %get3A_231 : vector<1x16xf32> to vector<16xf32>
        %mul3A_233 = arith.mulf %get3A_228, %get3A_232 : vector<16xf32>
        %swap3A_234 = arith.index_cast %scan3A_183 : i32 to index
        %swap3A_235 = arith.constant 48 : index
        %swap3A_236 = tpu.vector_load %arg12[%swap3A_234, %swap3A_235] {strides = array<i32>} : memref<80x128xf32, #tpu.memory_space<vmem>>, vector<1x16xf32>,
        %swap3A_237 = vector.shape_cast %swap3A_236 : vector<1x16xf32> to vector<16xf32>
        %swap3A_238 = vector.shape_cast %mul3A_233 : vector<16xf32> to vector<1x16xf32>
        tpu.vector_store %arg12[%swap3A_234, %swap3A_235], %swap3A_238 {strides = array<i32>} : memref<80x128xf32, #tpu.memory_space<vmem>>, vector<1x16xf32>,
        %get3A_239 = arith.index_cast %scan3A_183 : i32 to index
        %get3A_240 = arith.constant 64 : index
        %get3A_241 = tpu.vector_load %arg12[%get3A_239, %get3A_240] {strides = array<i32>} : memref<80x128xf32, #tpu.memory_space<vmem>>, vector<1x16xf32>,
        %get3A_242 = vector.shape_cast %get3A_241 : vector<1x16xf32> to vector<16xf32>
        %get3A_243 = arith.index_cast %scan3A_183 : i32 to index
        %get3A_244 = arith.constant 64 : index
        %get3A_245 = tpu.vector_load %arg14[%get3A_243, %get3A_244] {strides = array<i32>} : memref<80x128xf32, #tpu.memory_space<vmem>>, vector<1x16xf32>,
        %get3A_246 = vector.shape_cast %get3A_245 : vector<1x16xf32> to vector<16xf32>
        %mul3A_247 = arith.mulf %get3A_242, %get3A_246 : vector<16xf32>
        %swap3A_248 = arith.index_cast %scan3A_183 : i32 to index
        %swap3A_249 = arith.constant 64 : index
        %swap3A_250 = tpu.vector_load %arg12[%swap3A_248, %swap3A_249] {strides = array<i32>} : memref<80x128xf32, #tpu.memory_space<vmem>>, vector<1x16xf32>,
        %swap3A_251 = vector.shape_cast %swap3A_250 : vector<1x16xf32> to vector<16xf32>
        %swap3A_252 = vector.shape_cast %mul3A_247 : vector<16xf32> to vector<1x16xf32>
        tpu.vector_store %arg12[%swap3A_248, %swap3A_249], %swap3A_252 {strides = array<i32>} : memref<80x128xf32, #tpu.memory_space<vmem>>, vector<1x16xf32>,
        %get3A_253 = arith.index_cast %scan3A_183 : i32 to index
        %get3A_254 = arith.constant 80 : index
        %get3A_255 = tpu.vector_load %arg12[%get3A_253, %get3A_254] {strides = array<i32>} : memref<80x128xf32, #tpu.memory_space<vmem>>, vector<1x16xf32>,
        %get3A_256 = vector.shape_cast %get3A_255 : vector<1x16xf32> to vector<16xf32>
        %get3A_257 = arith.index_cast %scan3A_183 : i32 to index
        %get3A_258 = arith.constant 80 : index
        %get3A_259 = tpu.vector_load %arg14[%get3A_257, %get3A_258] {strides = array<i32>} : memref<80x128xf32, #tpu.memory_space<vmem>>, vector<1x16xf32>,
        %get3A_260 = vector.shape_cast %get3A_259 : vector<1x16xf32> to vector<16xf32>
        %mul3A_261 = arith.mulf %get3A_256, %get3A_260 : vector<16xf32>
        %swap3A_262 = arith.index_cast %scan3A_183 : i32 to index
        %swap3A_263 = arith.constant 80 : index
        %swap3A_264 = tpu.vector_load %arg12[%swap3A_262, %swap3A_263] {strides = array<i32>} : memref<80x128xf32, #tpu.memory_space<vmem>>, vector<1x16xf32>,
        %swap3A_265 = vector.shape_cast %swap3A_264 : vector<1x16xf32> to vector<16xf32>
        %swap3A_266 = vector.shape_cast %mul3A_261 : vector<16xf32> to vector<1x16xf32>
        tpu.vector_store %arg12[%swap3A_262, %swap3A_263], %swap3A_266 {strides = array<i32>} : memref<80x128xf32, #tpu.memory_space<vmem>>, vector<1x16xf32>,
        %get3A_267 = arith.index_cast %scan3A_183 : i32 to index
        %get3A_268 = arith.constant 96 : index
        %get3A_269 = tpu.vector_load %arg12[%get3A_267, %get3A_268] {strides = array<i32>} : memref<80x128xf32, #tpu.memory_space<vmem>>, vector<1x16xf32>,
        %get3A_270 = vector.shape_cast %get3A_269 : vector<1x16xf32> to vector<16xf32>
        %get3A_271 = arith.index_cast %scan3A_183 : i32 to index
        %get3A_272 = arith.constant 96 : index
        %get3A_273 = tpu.vector_load %arg14[%get3A_271, %get3A_272] {strides = array<i32>} : memref<80x128xf32, #tpu.memory_space<vmem>>, vector<1x16xf32>,
        %get3A_274 = vector.shape_cast %get3A_273 : vector<1x16xf32> to vector<16xf32>
        %mul3A_275 = arith.mulf %get3A_270, %get3A_274 : vector<16xf32>
        %swap3A_276 = arith.index_cast %scan3A_183 : i32 to index
        %swap3A_277 = arith.constant 96 : index
        %swap3A_278 = tpu.vector_load %arg12[%swap3A_276, %swap3A_277] {strides = array<i32>} : memref<80x128xf32, #tpu.memory_space<vmem>>, vector<1x16xf32>,
        %swap3A_279 = vector.shape_cast %swap3A_278 : vector<1x16xf32> to vector<16xf32>
        %swap3A_280 = vector.shape_cast %mul3A_275 : vector<16xf32> to vector<1x16xf32>
        tpu.vector_store %arg12[%swap3A_276, %swap3A_277], %swap3A_280 {strides = array<i32>} : memref<80x128xf32, #tpu.memory_space<vmem>>, vector<1x16xf32>,
        %get3A_281 = arith.index_cast %scan3A_183 : i32 to index
        %get3A_282 = arith.constant 112 : index
        %get3A_283 = tpu.vector_load %arg12[%get3A_281, %get3A_282] {strides = array<i32>} : memref<80x128xf32, #tpu.memory_space<vmem>>, vector<1x16xf32>,
        %get3A_284 = vector.shape_cast %get3A_283 : vector<1x16xf32> to vector<16xf32>
        %get3A_285 = arith.index_cast %scan3A_183 : i32 to index
        %get3A_286 = arith.constant 112 : index
        %get3A_287 = tpu.vector_load %arg14[%get3A_285, %get3A_286] {strides = array<i32>} : memref<80x128xf32, #tpu.memory_space<vmem>>, vector<1x16xf32>,
        %get3A_288 = vector.shape_cast %get3A_287 : vector<1x16xf32> to vector<16xf32>
        %mul3A_289 = arith.mulf %get3A_284, %get3A_288 : vector<16xf32>
        %swap3A_290 = arith.index_cast %scan3A_183 : i32 to index
        %swap3A_291 = arith.constant 112 : index
        %swap3A_292 = tpu.vector_load %arg12[%swap3A_290, %swap3A_291] {strides = array<i32>} : memref<80x128xf32, #tpu.memory_space<vmem>>, vector<1x16xf32>,
        %swap3A_293 = vector.shape_cast %swap3A_292 : vector<1x16xf32> to vector<16xf32>
        %swap3A_294 = vector.shape_cast %mul3A_289 : vector<16xf32> to vector<1x16xf32>
        tpu.vector_store %arg12[%swap3A_290, %swap3A_291], %swap3A_294 {strides = array<i32>} : memref<80x128xf32, #tpu.memory_space<vmem>>, vector<1x16xf32>,
        %scan3A_295 = arith.constant 0 : i32
        scf.yield %scan3A_295 : i32
      }
      %scan3A_167 = arith.constant 80 : i32
      "tpu.region"() ({
        %run_scoped3A = tpu.sem_alloc : memref<!tpu.dma_semaphore, #tpu.memory_space<semaphore_mem>>
        %dma_start3A_183 = arith.constant 0 : i32
        %dma_start3A_184 = arith.constant 0 : i32
        %dma_start3A_185 = tpu.memref_slice %arg16[%dma_start3A_183, %dma_start3A_184] : memref<10000x128xf32, #tpu.memory_space<vmem_shared>> -> memref<10000x128xf32, #tpu.memory_space<vmem_shared>>
        tpu.enqueue_indirect_dma source(%arg12 : memref<80x128xf32, #tpu.memory_space<vmem>>) target(%dma_start3A_185 : memref<10000x128xf32, #tpu.memory_space<vmem_shared>>) offsets(%arg10 : memref<80xi32, #tpu.memory_space<vmem>>) semaphore(%run_scoped3A : memref<!tpu.dma_semaphore, #tpu.memory_space<semaphore_mem>>) {add = true}
        %dma_wait3A_186 = arith.constant 0 : i32
        %dma_wait3A_187 = arith.constant 0 : i32
        %dma_wait3A_188 = tpu.memref_slice %arg16[%dma_wait3A_186, %dma_wait3A_187] : memref<10000x128xf32, #tpu.memory_space<vmem_shared>> -> memref<10000x128xf32, #tpu.memory_space<vmem_shared>>
        tpu.wait_indirect_dma semaphore(%run_scoped3A : memref<!tpu.dma_semaphore, #tpu.memory_space<semaphore_mem>>) src(%arg12 : memref<80x128xf32, #tpu.memory_space<vmem>>) dst(%dma_wait3A_188 : memref<10000x128xf32, #tpu.memory_space<vmem_shared>>)
        tpu.yield
      }) : () -> ()
      %add3A_168 = arith.constant 3 : i32
      %add3A_169 = arith.addi %mul3A_126, %add3A_168 : i32
      %lt3A_170 = arith.constant 125 : i32
      %lt3A_171 = arith.cmpi slt, %add3A_169, %lt3A_170 : i32
      %convert_element_type3A_172 = arith.extui %lt3A_171 : i1 to i32
      %cond3A_173 = arith.constant 0 : i32
      %cond3A_174 = arith.cmpi ne, %convert_element_type3A_172, %cond3A_173 : i32
      scf.if %cond3A_174 {
        %add3A_183 = arith.constant 3 : i32
        %add3A_184 = arith.addi %mul3A_126, %add3A_183 : i32
        %mul3A_185 = arith.constant 80 : i32
        %mul3A_186 = arith.muli %add3A_184, %mul3A_185 : i32
        %add3A_187 = arith.addi %mul3A_62, %mul3A_186 : i32
        %dma_start3A_188 = tpu.memref_slice %arg4[%add3A_187] : memref<320000xi32, #tpu.memory_space<hbm>> -> memref<80xi32, #tpu.memory_space<hbm>>
        %dma_start3A_189 = tpu.memref_slice %arg4[%add3A_187] : memref<320000xi32, #tpu.memory_space<hbm>> -> memref<80xi32, #tpu.memory_space<hbm>>
        tpu.enqueue_dma source(%dma_start3A_189 : memref<80xi32, #tpu.memory_space<hbm>>) target(%arg9 : memref<80xi32, #tpu.memory_space<vmem>>) target_semaphore(%arg18 : memref<!tpu.dma_semaphore, #tpu.memory_space<semaphore_mem>>)
        %dma_start3A_190 = tpu.memref_slice %arg5[%add3A_187] : memref<320000xi32, #tpu.memory_space<hbm>> -> memref<80xi32, #tpu.memory_space<hbm>>
        %dma_start3A_191 = tpu.memref_slice %arg5[%add3A_187] : memref<320000xi32, #tpu.memory_space<hbm>> -> memref<80xi32, #tpu.memory_space<hbm>>
        tpu.enqueue_dma source(%dma_start3A_191 : memref<80xi32, #tpu.memory_space<hbm>>) target(%arg10 : memref<80xi32, #tpu.memory_space<vmem>>) target_semaphore(%arg18 : memref<!tpu.dma_semaphore, #tpu.memory_space<semaphore_mem>>)
        %add3A_192 = arith.constant 3 : i32
        %add3A_193 = arith.addi %mul3A_126, %add3A_192 : i32
        %mul3A_194 = arith.constant 80 : i32
        %mul3A_195 = arith.muli %add3A_193, %mul3A_194 : i32
        %add3A_196 = arith.addi %mul3A_62, %mul3A_195 : i32
        %dma_start3A_197 = arith.constant 0 : i32
        %dma_start3A_198 = tpu.memref_slice %arg3[%add3A_196, %dma_start3A_197] : memref<320000x128xf32, #tpu.memory_space<hbm>> -> memref<80x128xf32, #tpu.memory_space<hbm>>
        %dma_start3A_199 = arith.constant 0 : i32
        %dma_start3A_200 = tpu.memref_slice %arg3[%add3A_196, %dma_start3A_199] : memref<320000x128xf32, #tpu.memory_space<hbm>> -> memref<80x128xf32, #tpu.memory_space<hbm>>
        tpu.enqueue_dma source(%dma_start3A_200 : memref<80x128xf32, #tpu.memory_space<hbm>>) target(%arg14 : memref<80x128xf32, #tpu.memory_space<vmem>>) target_semaphore(%arg20 : memref<!tpu.dma_semaphore, #tpu.memory_space<semaphore_mem>>)
      } else {
      }
      %add3A_175 = arith.constant 2 : i32
      %add3A_176 = arith.addi %mul3A_126, %add3A_175 : i32
      %lt3A_177 = arith.constant 125 : i32
      %lt3A_178 = arith.cmpi slt, %add3A_176, %lt3A_177 : i32
      %convert_element_type3A_179 = arith.extui %lt3A_178 : i1 to i32
      %cond3A_180 = arith.constant 0 : i32
      %cond3A_181 = arith.cmpi ne, %convert_element_type3A_179, %cond3A_180 : i32
      scf.if %cond3A_181 {
        %dma_wait3A_183 = tpu.memref_slice %arg4[%mul3A_62] : memref<320000xi32, #tpu.memory_space<hbm>> -> memref<80xi32, #tpu.memory_space<hbm>>
        %dma_wait3A_184 = tpu.memref_slice %arg4[%mul3A_62] : memref<320000xi32, #tpu.memory_space<hbm>> -> memref<80xi32, #tpu.memory_space<hbm>>
        tpu.wait_dma2 semaphore(%arg17 : memref<!tpu.dma_semaphore, #tpu.memory_space<semaphore_mem>>) src(%dma_wait3A_184 : memref<80xi32, #tpu.memory_space<hbm>>) dst(%arg7 : memref<80xi32, #tpu.memory_space<vmem>>)
        %dma_wait3A_185 = tpu.memref_slice %arg5[%mul3A_62] : memref<320000xi32, #tpu.memory_space<hbm>> -> memref<80xi32, #tpu.memory_space<hbm>>
        %dma_wait3A_186 = tpu.memref_slice %arg5[%mul3A_62] : memref<320000xi32, #tpu.memory_space<hbm>> -> memref<80xi32, #tpu.memory_space<hbm>>
        tpu.wait_dma2 semaphore(%arg17 : memref<!tpu.dma_semaphore, #tpu.memory_space<semaphore_mem>>) src(%dma_wait3A_186 : memref<80xi32, #tpu.memory_space<hbm>>) dst(%arg8 : memref<80xi32, #tpu.memory_space<vmem>>)
        %dma_start3A_187 = arith.constant 0 : i32
        %dma_start3A_188 = arith.constant 0 : i32
        %dma_start3A_189 = tpu.memref_slice %arg2[%dma_start3A_187, %dma_start3A_188] : memref<10000x128xf32, #tpu.memory_space<hbm>> -> memref<10000x128xf32, #tpu.memory_space<hbm>>
        tpu.enqueue_indirect_dma source(%dma_start3A_189 : memref<10000x128xf32, #tpu.memory_space<hbm>>) target(%arg11 : memref<80x128xf32, #tpu.memory_space<vmem>>) offsets(%arg7 : memref<80xi32, #tpu.memory_space<vmem>>) semaphore(%arg21 : memref<!tpu.dma_semaphore, #tpu.memory_space<semaphore_mem>>)
      } else {
      }
      %scan3A_182 = arith.constant 0 : i32
      scf.yield %scan3A_182 : i32
    }
    %scan3A_98 = arith.constant 62 : i32
    %dma_wait3A_99 = arith.constant 0 : i32
    %dma_wait3A_100 = arith.constant 0 : i32
    %dma_wait3A_101 = tpu.memref_slice %arg2[%dma_wait3A_99, %dma_wait3A_100] : memref<10000x128xf32, #tpu.memory_space<hbm>> -> memref<10000x128xf32, #tpu.memory_space<hbm>>
    tpu.wait_indirect_dma semaphore(%arg21 : memref<!tpu.dma_semaphore, #tpu.memory_space<semaphore_mem>>) src(%dma_wait3A_101 : memref<10000x128xf32, #tpu.memory_space<hbm>>) dst(%arg11 : memref<80x128xf32, #tpu.memory_space<vmem>>)
    %dma_wait3A_102 = arith.constant 0 : i32
    %dma_wait3A_103 = tpu.memref_slice %arg3[%mul3A_62, %dma_wait3A_102] : memref<320000x128xf32, #tpu.memory_space<hbm>> -> memref<80x128xf32, #tpu.memory_space<hbm>>
    %dma_wait3A_104 = arith.constant 0 : i32
    %dma_wait3A_105 = tpu.memref_slice %arg3[%mul3A_62, %dma_wait3A_104] : memref<320000x128xf32, #tpu.memory_space<hbm>> -> memref<80x128xf32, #tpu.memory_space<hbm>>
    tpu.wait_dma2 semaphore(%arg19 : memref<!tpu.dma_semaphore, #tpu.memory_space<semaphore_mem>>) src(%dma_wait3A_105 : memref<80x128xf32, #tpu.memory_space<hbm>>) dst(%arg13 : memref<80x128xf32, #tpu.memory_space<vmem>>)
    %scan3A_106 = arith.constant 0 : i32
    %scan3A_107 = arith.constant 0 : i32
    %scan3A_108 = arith.constant 80 : i32
    %scan3A_109 = arith.addi %scan3A_107, %scan3A_108 : i32
    %scan3A_110 = arith.constant 1 : i32
    %scan3A_111 = scf.for %scan3A_123 = %scan3A_107 to %scan3A_109 step %scan3A_110 iter_args(%scan3A_124 = %scan3A_106) -> (i32)  : i32 {
      %get3A = arith.index_cast %scan3A_123 : i32 to index
      %get3A_125 = arith.constant 0 : index
      %get3A_126 = tpu.vector_load %arg11[%get3A, %get3A_125] {strides = array<i32>} : memref<80x128xf32, #tpu.memory_space<vmem>>, vector<1x16xf32>,
      %get3A_127 = vector.shape_cast %get3A_126 : vector<1x16xf32> to vector<16xf32>
      %get3A_128 = arith.index_cast %scan3A_123 : i32 to index
      %get3A_129 = arith.constant 0 : index
      %get3A_130 = tpu.vector_load %arg13[%get3A_128, %get3A_129] {strides = array<i32>} : memref<80x128xf32, #tpu.memory_space<vmem>>, vector<1x16xf32>,
      %get3A_131 = vector.shape_cast %get3A_130 : vector<1x16xf32> to vector<16xf32>
      %mul3A_132 = arith.mulf %get3A_127, %get3A_131 : vector<16xf32>
      %swap3A = arith.index_cast %scan3A_123 : i32 to index
      %swap3A_133 = arith.constant 0 : index
      %swap3A_134 = tpu.vector_load %arg11[%swap3A, %swap3A_133] {strides = array<i32>} : memref<80x128xf32, #tpu.memory_space<vmem>>, vector<1x16xf32>,
      %swap3A_135 = vector.shape_cast %swap3A_134 : vector<1x16xf32> to vector<16xf32>
      %swap3A_136 = vector.shape_cast %mul3A_132 : vector<16xf32> to vector<1x16xf32>
      tpu.vector_store %arg11[%swap3A, %swap3A_133], %swap3A_136 {strides = array<i32>} : memref<80x128xf32, #tpu.memory_space<vmem>>, vector<1x16xf32>,
      %get3A_137 = arith.index_cast %scan3A_123 : i32 to index
      %get3A_138 = arith.constant 16 : index
      %get3A_139 = tpu.vector_load %arg11[%get3A_137, %get3A_138] {strides = array<i32>} : memref<80x128xf32, #tpu.memory_space<vmem>>, vector<1x16xf32>,
      %get3A_140 = vector.shape_cast %get3A_139 : vector<1x16xf32> to vector<16xf32>
      %get3A_141 = arith.index_cast %scan3A_123 : i32 to index
      %get3A_142 = arith.constant 16 : index
      %get3A_143 = tpu.vector_load %arg13[%get3A_141, %get3A_142] {strides = array<i32>} : memref<80x128xf32, #tpu.memory_space<vmem>>, vector<1x16xf32>,
      %get3A_144 = vector.shape_cast %get3A_143 : vector<1x16xf32> to vector<16xf32>
      %mul3A_145 = arith.mulf %get3A_140, %get3A_144 : vector<16xf32>
      %swap3A_146 = arith.index_cast %scan3A_123 : i32 to index
      %swap3A_147 = arith.constant 16 : index
      %swap3A_148 = tpu.vector_load %arg11[%swap3A_146, %swap3A_147] {strides = array<i32>} : memref<80x128xf32, #tpu.memory_space<vmem>>, vector<1x16xf32>,
      %swap3A_149 = vector.shape_cast %swap3A_148 : vector<1x16xf32> to vector<16xf32>
      %swap3A_150 = vector.shape_cast %mul3A_145 : vector<16xf32> to vector<1x16xf32>
      tpu.vector_store %arg11[%swap3A_146, %swap3A_147], %swap3A_150 {strides = array<i32>} : memref<80x128xf32, #tpu.memory_space<vmem>>, vector<1x16xf32>,
      %get3A_151 = arith.index_cast %scan3A_123 : i32 to index
      %get3A_152 = arith.constant 32 : index
      %get3A_153 = tpu.vector_load %arg11[%get3A_151, %get3A_152] {strides = array<i32>} : memref<80x128xf32, #tpu.memory_space<vmem>>, vector<1x16xf32>,
      %get3A_154 = vector.shape_cast %get3A_153 : vector<1x16xf32> to vector<16xf32>
      %get3A_155 = arith.index_cast %scan3A_123 : i32 to index
      %get3A_156 = arith.constant 32 : index
      %get3A_157 = tpu.vector_load %arg13[%get3A_155, %get3A_156] {strides = array<i32>} : memref<80x128xf32, #tpu.memory_space<vmem>>, vector<1x16xf32>,
      %get3A_158 = vector.shape_cast %get3A_157 : vector<1x16xf32> to vector<16xf32>
      %mul3A_159 = arith.mulf %get3A_154, %get3A_158 : vector<16xf32>
      %swap3A_160 = arith.index_cast %scan3A_123 : i32 to index
      %swap3A_161 = arith.constant 32 : index
      %swap3A_162 = tpu.vector_load %arg11[%swap3A_160, %swap3A_161] {strides = array<i32>} : memref<80x128xf32, #tpu.memory_space<vmem>>, vector<1x16xf32>,
      %swap3A_163 = vector.shape_cast %swap3A_162 : vector<1x16xf32> to vector<16xf32>
      %swap3A_164 = vector.shape_cast %mul3A_159 : vector<16xf32> to vector<1x16xf32>
      tpu.vector_store %arg11[%swap3A_160, %swap3A_161], %swap3A_164 {strides = array<i32>} : memref<80x128xf32, #tpu.memory_space<vmem>>, vector<1x16xf32>,
      %get3A_165 = arith.index_cast %scan3A_123 : i32 to index
      %get3A_166 = arith.constant 48 : index
      %get3A_167 = tpu.vector_load %arg11[%get3A_165, %get3A_166] {strides = array<i32>} : memref<80x128xf32, #tpu.memory_space<vmem>>, vector<1x16xf32>,
      %get3A_168 = vector.shape_cast %get3A_167 : vector<1x16xf32> to vector<16xf32>
      %get3A_169 = arith.index_cast %scan3A_123 : i32 to index
      %get3A_170 = arith.constant 48 : index
      %get3A_171 = tpu.vector_load %arg13[%get3A_169, %get3A_170] {strides = array<i32>} : memref<80x128xf32, #tpu.memory_space<vmem>>, vector<1x16xf32>,
      %get3A_172 = vector.shape_cast %get3A_171 : vector<1x16xf32> to vector<16xf32>
      %mul3A_173 = arith.mulf %get3A_168, %get3A_172 : vector<16xf32>
      %swap3A_174 = arith.index_cast %scan3A_123 : i32 to index
      %swap3A_175 = arith.constant 48 : index
      %swap3A_176 = tpu.vector_load %arg11[%swap3A_174, %swap3A_175] {strides = array<i32>} : memref<80x128xf32, #tpu.memory_space<vmem>>, vector<1x16xf32>,
      %swap3A_177 = vector.shape_cast %swap3A_176 : vector<1x16xf32> to vector<16xf32>
      %swap3A_178 = vector.shape_cast %mul3A_173 : vector<16xf32> to vector<1x16xf32>
      tpu.vector_store %arg11[%swap3A_174, %swap3A_175], %swap3A_178 {strides = array<i32>} : memref<80x128xf32, #tpu.memory_space<vmem>>, vector<1x16xf32>,
      %get3A_179 = arith.index_cast %scan3A_123 : i32 to index
      %get3A_180 = arith.constant 64 : index
      %get3A_181 = tpu.vector_load %arg11[%get3A_179, %get3A_180] {strides = array<i32>} : memref<80x128xf32, #tpu.memory_space<vmem>>, vector<1x16xf32>,
      %get3A_182 = vector.shape_cast %get3A_181 : vector<1x16xf32> to vector<16xf32>
      %get3A_183 = arith.index_cast %scan3A_123 : i32 to index
      %get3A_184 = arith.constant 64 : index
      %get3A_185 = tpu.vector_load %arg13[%get3A_183, %get3A_184] {strides = array<i32>} : memref<80x128xf32, #tpu.memory_space<vmem>>, vector<1x16xf32>,
      %get3A_186 = vector.shape_cast %get3A_185 : vector<1x16xf32> to vector<16xf32>
      %mul3A_187 = arith.mulf %get3A_182, %get3A_186 : vector<16xf32>
      %swap3A_188 = arith.index_cast %scan3A_123 : i32 to index
      %swap3A_189 = arith.constant 64 : index
      %swap3A_190 = tpu.vector_load %arg11[%swap3A_188, %swap3A_189] {strides = array<i32>} : memref<80x128xf32, #tpu.memory_space<vmem>>, vector<1x16xf32>,
      %swap3A_191 = vector.shape_cast %swap3A_190 : vector<1x16xf32> to vector<16xf32>
      %swap3A_192 = vector.shape_cast %mul3A_187 : vector<16xf32> to vector<1x16xf32>
      tpu.vector_store %arg11[%swap3A_188, %swap3A_189], %swap3A_192 {strides = array<i32>} : memref<80x128xf32, #tpu.memory_space<vmem>>, vector<1x16xf32>,
      %get3A_193 = arith.index_cast %scan3A_123 : i32 to index
      %get3A_194 = arith.constant 80 : index
      %get3A_195 = tpu.vector_load %arg11[%get3A_193, %get3A_194] {strides = array<i32>} : memref<80x128xf32, #tpu.memory_space<vmem>>, vector<1x16xf32>,
      %get3A_196 = vector.shape_cast %get3A_195 : vector<1x16xf32> to vector<16xf32>
      %get3A_197 = arith.index_cast %scan3A_123 : i32 to index
      %get3A_198 = arith.constant 80 : index
      %get3A_199 = tpu.vector_load %arg13[%get3A_197, %get3A_198] {strides = array<i32>} : memref<80x128xf32, #tpu.memory_space<vmem>>, vector<1x16xf32>,
      %get3A_200 = vector.shape_cast %get3A_199 : vector<1x16xf32> to vector<16xf32>
      %mul3A_201 = arith.mulf %get3A_196, %get3A_200 : vector<16xf32>
      %swap3A_202 = arith.index_cast %scan3A_123 : i32 to index
      %swap3A_203 = arith.constant 80 : index
      %swap3A_204 = tpu.vector_load %arg11[%swap3A_202, %swap3A_203] {strides = array<i32>} : memref<80x128xf32, #tpu.memory_space<vmem>>, vector<1x16xf32>,
      %swap3A_205 = vector.shape_cast %swap3A_204 : vector<1x16xf32> to vector<16xf32>
      %swap3A_206 = vector.shape_cast %mul3A_201 : vector<16xf32> to vector<1x16xf32>
      tpu.vector_store %arg11[%swap3A_202, %swap3A_203], %swap3A_206 {strides = array<i32>} : memref<80x128xf32, #tpu.memory_space<vmem>>, vector<1x16xf32>,
      %get3A_207 = arith.index_cast %scan3A_123 : i32 to index
      %get3A_208 = arith.constant 96 : index
      %get3A_209 = tpu.vector_load %arg11[%get3A_207, %get3A_208] {strides = array<i32>} : memref<80x128xf32, #tpu.memory_space<vmem>>, vector<1x16xf32>,
      %get3A_210 = vector.shape_cast %get3A_209 : vector<1x16xf32> to vector<16xf32>
      %get3A_211 = arith.index_cast %scan3A_123 : i32 to index
      %get3A_212 = arith.constant 96 : index
      %get3A_213 = tpu.vector_load %arg13[%get3A_211, %get3A_212] {strides = array<i32>} : memref<80x128xf32, #tpu.memory_space<vmem>>, vector<1x16xf32>,
      %get3A_214 = vector.shape_cast %get3A_213 : vector<1x16xf32> to vector<16xf32>
      %mul3A_215 = arith.mulf %get3A_210, %get3A_214 : vector<16xf32>
      %swap3A_216 = arith.index_cast %scan3A_123 : i32 to index
      %swap3A_217 = arith.constant 96 : index
      %swap3A_218 = tpu.vector_load %arg11[%swap3A_216, %swap3A_217] {strides = array<i32>} : memref<80x128xf32, #tpu.memory_space<vmem>>, vector<1x16xf32>,
      %swap3A_219 = vector.shape_cast %swap3A_218 : vector<1x16xf32> to vector<16xf32>
      %swap3A_220 = vector.shape_cast %mul3A_215 : vector<16xf32> to vector<1x16xf32>
      tpu.vector_store %arg11[%swap3A_216, %swap3A_217], %swap3A_220 {strides = array<i32>} : memref<80x128xf32, #tpu.memory_space<vmem>>, vector<1x16xf32>,
      %get3A_221 = arith.index_cast %scan3A_123 : i32 to index
      %get3A_222 = arith.constant 112 : index
      %get3A_223 = tpu.vector_load %arg11[%get3A_221, %get3A_222] {strides = array<i32>} : memref<80x128xf32, #tpu.memory_space<vmem>>, vector<1x16xf32>,
      %get3A_224 = vector.shape_cast %get3A_223 : vector<1x16xf32> to vector<16xf32>
      %get3A_225 = arith.index_cast %scan3A_123 : i32 to index
      %get3A_226 = arith.constant 112 : index
      %get3A_227 = tpu.vector_load %arg13[%get3A_225, %get3A_226] {strides = array<i32>} : memref<80x128xf32, #tpu.memory_space<vmem>>, vector<1x16xf32>,
      %get3A_228 = vector.shape_cast %get3A_227 : vector<1x16xf32> to vector<16xf32>
      %mul3A_229 = arith.mulf %get3A_224, %get3A_228 : vector<16xf32>
      %swap3A_230 = arith.index_cast %scan3A_123 : i32 to index
      %swap3A_231 = arith.constant 112 : index
      %swap3A_232 = tpu.vector_load %arg11[%swap3A_230, %swap3A_231] {strides = array<i32>} : memref<80x128xf32, #tpu.memory_space<vmem>>, vector<1x16xf32>,
      %swap3A_233 = vector.shape_cast %swap3A_232 : vector<1x16xf32> to vector<16xf32>
      %swap3A_234 = vector.shape_cast %mul3A_229 : vector<16xf32> to vector<1x16xf32>
      tpu.vector_store %arg11[%swap3A_230, %swap3A_231], %swap3A_234 {strides = array<i32>} : memref<80x128xf32, #tpu.memory_space<vmem>>, vector<1x16xf32>,
      %scan3A_235 = arith.constant 0 : i32
      scf.yield %scan3A_235 : i32
    }
    %scan3A_112 = arith.constant 80 : i32
    "tpu.region"() ({
      %run_scoped3A = tpu.sem_alloc : memref<!tpu.dma_semaphore, #tpu.memory_space<semaphore_mem>>
      %dma_start3A_123 = arith.constant 0 : i32
      %dma_start3A_124 = arith.constant 0 : i32
      %dma_start3A_125 = tpu.memref_slice %arg16[%dma_start3A_123, %dma_start3A_124] : memref<10000x128xf32, #tpu.memory_space<vmem_shared>> -> memref<10000x128xf32, #tpu.memory_space<vmem_shared>>
      tpu.enqueue_indirect_dma source(%arg11 : memref<80x128xf32, #tpu.memory_space<vmem>>) target(%dma_start3A_125 : memref<10000x128xf32, #tpu.memory_space<vmem_shared>>) offsets(%arg8 : memref<80xi32, #tpu.memory_space<vmem>>) semaphore(%run_scoped3A : memref<!tpu.dma_semaphore, #tpu.memory_space<semaphore_mem>>) {add = true}
      %dma_wait3A_126 = arith.constant 0 : i32
      %dma_wait3A_127 = arith.constant 0 : i32
      %dma_wait3A_128 = tpu.memref_slice %arg16[%dma_wait3A_126, %dma_wait3A_127] : memref<10000x128xf32, #tpu.memory_space<vmem_shared>> -> memref<10000x128xf32, #tpu.memory_space<vmem_shared>>
      tpu.wait_indirect_dma semaphore(%run_scoped3A : memref<!tpu.dma_semaphore, #tpu.memory_space<semaphore_mem>>) src(%arg11 : memref<80x128xf32, #tpu.memory_space<vmem>>) dst(%dma_wait3A_128 : memref<10000x128xf32, #tpu.memory_space<vmem_shared>>)
      tpu.yield
    }) : () -> ()
    %barrier3A_113 = arith.constant 0 : index
    tpu.barrier barrier_id(%barrier3A_113)
    %mul3A_114 = arith.constant 624 : i32
    %mul3A_115 = arith.muli %arg1, %mul3A_114 : i32
    %mul3A_116 = arith.constant 624 : i32
    %mul3A_117 = arith.muli %arg1, %mul3A_116 : i32
    "tpu.region"() ({
      %run_scoped3A = tpu.sem_alloc : memref<!tpu.dma_semaphore, #tpu.memory_space<semaphore_mem>>
      %dma_start3A_123 = arith.constant 0 : i32
      %dma_start3A_124 = tpu.memref_slice %arg6[%arg0, %mul3A_117, %dma_start3A_123] : memref<2x10000x128xf32, #tpu.memory_space<hbm>> -> memref<1x624x128xf32, #tpu.memory_space<hbm>>
      %dma_start3A_125 = tpu.memref_squeeze %dma_start3A_124 : memref<1x624x128xf32, #tpu.memory_space<hbm>> -> memref<624x128xf32, #tpu.memory_space<hbm>>
      %dma_start3A_126 = arith.constant 0 : i32
      %dma_start3A_127 = tpu.memref_slice %arg16[%mul3A_115, %dma_start3A_126] : memref<10000x128xf32, #tpu.memory_space<vmem_shared>> -> memref<624x128xf32, #tpu.memory_space<vmem_shared>>
      tpu.enqueue_dma source(%dma_start3A_127 : memref<624x128xf32, #tpu.memory_space<vmem_shared>>) target(%dma_start3A_125 : memref<624x128xf32, #tpu.memory_space<hbm>>) target_semaphore(%run_scoped3A : memref<!tpu.dma_semaphore, #tpu.memory_space<semaphore_mem>>)
      %dma_wait3A_128 = arith.constant 0 : i32
      %dma_wait3A_129 = tpu.memref_slice %arg6[%arg0, %mul3A_117, %dma_wait3A_128] : memref<2x10000x128xf32, #tpu.memory_space<hbm>> -> memref<1x624x128xf32, #tpu.memory_space<hbm>>
      %dma_wait3A_130 = tpu.memref_squeeze %dma_wait3A_129 : memref<1x624x128xf32, #tpu.memory_space<hbm>> -> memref<624x128xf32, #tpu.memory_space<hbm>>
      %dma_wait3A_131 = arith.constant 0 : i32
      %dma_wait3A_132 = tpu.memref_slice %arg16[%mul3A_115, %dma_wait3A_131] : memref<10000x128xf32, #tpu.memory_space<vmem_shared>> -> memref<624x128xf32, #tpu.memory_space<vmem_shared>>
      tpu.wait_dma2 semaphore(%run_scoped3A : memref<!tpu.dma_semaphore, #tpu.memory_space<semaphore_mem>>) src(%dma_wait3A_132 : memref<624x128xf32, #tpu.memory_space<vmem_shared>>) dst(%dma_wait3A_130 : memref<624x128xf32, #tpu.memory_space<hbm>>)
      tpu.yield
    }) : () -> ()
    %eq3A_118 = arith.constant 0 : i32
    %eq3A_119 = arith.cmpi eq, %arg1, %eq3A_118 : i32
    %convert_element_type3A_120 = arith.extui %eq3A_119 : i1 to i32
    %cond3A_121 = arith.constant 0 : i32
    %cond3A_122 = arith.cmpi ne, %convert_element_type3A_120, %cond3A_121 : i32
    scf.if %cond3A_122 {
      "tpu.region"() ({
        %run_scoped3A = tpu.sem_alloc : memref<!tpu.dma_semaphore, #tpu.memory_space<semaphore_mem>>
        %dma_start3A_123 = arith.constant 9984 : i32
        %dma_start3A_124 = arith.constant 0 : i32
        %dma_start3A_125 = tpu.memref_slice %arg6[%arg0, %dma_start3A_123, %dma_start3A_124] : memref<2x10000x128xf32, #tpu.memory_space<hbm>> -> memref<1x16x128xf32, #tpu.memory_space<hbm>>
        %dma_start3A_126 = tpu.memref_squeeze %dma_start3A_125 : memref<1x16x128xf32, #tpu.memory_space<hbm>> -> memref<16x128xf32, #tpu.memory_space<hbm>>
        %dma_start3A_127 = arith.constant 9984 : i32
        %dma_start3A_128 = arith.constant 0 : i32
        %dma_start3A_129 = tpu.memref_slice %arg16[%dma_start3A_127, %dma_start3A_128] : memref<10000x128xf32, #tpu.memory_space<vmem_shared>> -> memref<16x128xf32, #tpu.memory_space<vmem_shared>>
        tpu.enqueue_dma source(%dma_start3A_129 : memref<16x128xf32, #tpu.memory_space<vmem_shared>>) target(%dma_start3A_126 : memref<16x128xf32, #tpu.memory_space<hbm>>) target_semaphore(%run_scoped3A : memref<!tpu.dma_semaphore, #tpu.memory_space<semaphore_mem>>)
        %dma_wait3A_130 = arith.constant 9984 : i32
        %dma_wait3A_131 = arith.constant 0 : i32
        %dma_wait3A_132 = tpu.memref_slice %arg6[%arg0, %dma_wait3A_130, %dma_wait3A_131] : memref<2x10000x128xf32, #tpu.memory_space<hbm>> -> memref<1x16x128xf32, #tpu.memory_space<hbm>>
        %dma_wait3A_133 = tpu.memref_squeeze %dma_wait3A_132 : memref<1x16x128xf32, #tpu.memory_space<hbm>> -> memref<16x128xf32, #tpu.memory_space<hbm>>
        %dma_wait3A_134 = arith.constant 9984 : i32
        %dma_wait3A_135 = arith.constant 0 : i32
        %dma_wait3A_136 = tpu.memref_slice %arg16[%dma_wait3A_134, %dma_wait3A_135] : memref<10000x128xf32, #tpu.memory_space<vmem_shared>> -> memref<16x128xf32, #tpu.memory_space<vmem_shared>>
        tpu.wait_dma2 semaphore(%run_scoped3A : memref<!tpu.dma_semaphore, #tpu.memory_space<semaphore_mem>>) src(%dma_wait3A_136 : memref<16x128xf32, #tpu.memory_space<vmem_shared>>) dst(%dma_wait3A_133 : memref<16x128xf32, #tpu.memory_space<hbm>>)
        tpu.yield
      }) : () -> ()
    } else {
    }
    return
  }
}

module attributes {stable_mosaic.version = 14 : i64} {
  func.func @_filter_body(%arg0: i32, %arg1: memref<4000x16xf32, #tpu.memory_space<vmem>>, %arg2: memref<4000x1xf32, #tpu.memory_space<vmem>>, %arg3: memref<16x128xf32, #tpu.memory_space<vmem>>, %arg4: memref<4000x128xf32, #tpu.memory_space<vmem>>) attributes {dimension_semantics = [#tpu.dimension_semantics<arbitrary>], iteration_bounds = array<i64: 80>, scalar_prefetch = 0 : i64, scratch_operands = 0 : i64, tpu.core_type = #tpu.core_type<tc>, window_params = [{transform_indices = @transform_0, window_bounds = array<i64: 4000, 16>}, {transform_indices = @transform_1, window_bounds = array<i64: 4000, 1>}, {pipeline_mode = #tpu.pipeline_mode<synchronous>, transform_indices = @transform_2, window_bounds = array<i64: 16, 128>}, {transform_indices = @transform_3, window_bounds = array<i64: 4000, 128>}]} {
    %get3A = arith.constant 0 : index
    %get3A_0 = arith.constant 0 : index
    %get3A_1 = vector.load %arg1[%get3A, %get3A_0] : memref<4000x16xf32, #tpu.memory_space<vmem>>, vector<4000x16xf32>
    %get3A_2 = arith.constant 0 : index
    %get3A_3 = arith.constant 0 : index
    %get3A_4 = vector.load %arg2[%get3A_2, %get3A_3] : memref<4000x1xf32, #tpu.memory_space<vmem>>, vector<4000x1xf32>
    %get3A_5 = arith.constant 0 : index
    %get3A_6 = arith.constant 0 : index
    %get3A_7 = vector.load %arg3[%get3A_5, %get3A_6] : memref<16x128xf32, #tpu.memory_space<vmem>>, vector<16x128xf32>
    %dot_general3A = arith.constant dense<0.000000e+00> : vector<4000x128xf32>
    %dot_general3A_8 = tpu.matmul %get3A_1, %get3A_7, %dot_general3A {dimension_numbers = #tpu.dot_dimension_numbers<[1], [0], [0], [1], [0, 0, 1, 1], [], []>, transpose_lhs_hint = false} : vector<4000x16xf32>, vector<16x128xf32>, vector<4000x128xf32> -> vector<4000x128xf32>
    %mul3A = vector.broadcast %get3A_4 : vector<4000x1xf32> to vector<4000x128xf32>
    %mul3A_9 = arith.mulf %dot_general3A_8, %mul3A : vector<4000x128xf32>
    %swap3A = arith.constant 0 : index
    %swap3A_10 = arith.constant 0 : index
    %swap3A_11 = vector.load %arg4[%swap3A, %swap3A_10] : memref<4000x128xf32, #tpu.memory_space<vmem>>, vector<4000x128xf32>
    tpu.vector_store %arg4[%swap3A, %swap3A_10], %mul3A_9 {strides = array<i32>} : memref<4000x128xf32, #tpu.memory_space<vmem>>, vector<4000x128xf32>,
    return
  }
  func.func @transform_0(%arg0: i32) -> (i32, i32) {
    %c0_i32 = arith.constant 0 : i32
    %c0_i32_0 = arith.constant 0 : i32
    return %arg0, %c0_i32 : i32, i32
  }
  func.func @transform_1(%arg0: i32) -> (i32, i32) {
    %c0_i32 = arith.constant 0 : i32
    %c0_i32_0 = arith.constant 0 : i32
    return %arg0, %c0_i32 : i32, i32
  }
  func.func @transform_2(%arg0: i32) -> (i32, i32) {
    %c0_i32 = arith.constant 0 : i32
    %c0_i32_0 = arith.constant 0 : i32
    %c0_i32_1 = arith.constant 0 : i32
    return %c0_i32, %c0_i32_0 : i32, i32
  }
  func.func @transform_3(%arg0: i32) -> (i32, i32) {
    %c0_i32 = arith.constant 0 : i32
    %c0_i32_0 = arith.constant 0 : i32
    return %arg0, %c0_i32 : i32, i32
  }
}

module attributes {stable_mosaic.version = 14 : i64} {
  func.func @_dual_res_body(%arg0: i32, %arg1: memref<2000x128xf32, #tpu.memory_space<vmem>>, %arg2: memref<128x128xf32, #tpu.memory_space<vmem>>, %arg3: memref<1x128xf32, #tpu.memory_space<vmem>>, %arg4: memref<128x128xf32, #tpu.memory_space<vmem>>, %arg5: memref<1x128xf32, #tpu.memory_space<vmem>>, %arg6: memref<128x128xf32, #tpu.memory_space<vmem>>, %arg7: memref<1x128xf32, #tpu.memory_space<vmem>>, %arg8: memref<128x128xf32, #tpu.memory_space<vmem>>, %arg9: memref<1x128xf32, #tpu.memory_space<vmem>>, %arg10: memref<2000x128xf32, #tpu.memory_space<vmem>>, %arg11: memref<2000x128xf32, #tpu.memory_space<vmem>>) attributes {dimension_semantics = [#tpu.dimension_semantics<arbitrary>], iteration_bounds = array<i64: 5>, scalar_prefetch = 0 : i64, scratch_operands = 0 : i64, tpu.core_type = #tpu.core_type<tc>, window_params = [{transform_indices = @transform_0, window_bounds = array<i64: 2000, 128>}, {pipeline_mode = #tpu.pipeline_mode<synchronous>, transform_indices = @transform_1, window_bounds = array<i64: 128, 128>}, {pipeline_mode = #tpu.pipeline_mode<synchronous>, transform_indices = @transform_2, window_bounds = array<i64: 1, 128>}, {pipeline_mode = #tpu.pipeline_mode<synchronous>, transform_indices = @transform_3, window_bounds = array<i64: 128, 128>}, {pipeline_mode = #tpu.pipeline_mode<synchronous>, transform_indices = @transform_4, window_bounds = array<i64: 1, 128>}, {pipeline_mode = #tpu.pipeline_mode<synchronous>, transform_indices = @transform_5, window_bounds = array<i64: 128, 128>}, {pipeline_mode = #tpu.pipeline_mode<synchronous>, transform_indices = @transform_6, window_bounds = array<i64: 1, 128>}, {pipeline_mode = #tpu.pipeline_mode<synchronous>, transform_indices = @transform_7, window_bounds = array<i64: 128, 128>}, {pipeline_mode = #tpu.pipeline_mode<synchronous>, transform_indices = @transform_8, window_bounds = array<i64: 1, 128>}, {transform_indices = @transform_9, window_bounds = array<i64: 2000, 128>}, {transform_indices = @transform_10, window_bounds = array<i64: 2000, 128>}]} {
    %get3A = arith.constant 0 : index
    %get3A_0 = arith.constant 0 : index
    %get3A_1 = vector.load %arg1[%get3A, %get3A_0] : memref<2000x128xf32, #tpu.memory_space<vmem>>, vector<2000x128xf32>
    %get3A_2 = arith.constant 0 : index
    %get3A_3 = arith.constant 0 : index
    %get3A_4 = vector.load %arg2[%get3A_2, %get3A_3] : memref<128x128xf32, #tpu.memory_space<vmem>>, vector<128x128xf32>
    %dot_general3A = arith.constant dense<0.000000e+00> : vector<2000x128xf32>
    %dot_general3A_5 = tpu.matmul %get3A_1, %get3A_4, %dot_general3A {dimension_numbers = #tpu.dot_dimension_numbers<[1], [0], [0], [1], [0, 0, 1, 1], [], []>, transpose_lhs_hint = false} : vector<2000x128xf32>, vector<128x128xf32>, vector<2000x128xf32> -> vector<2000x128xf32>
    %get3A_6 = arith.constant 0 : index
    %get3A_7 = arith.constant 0 : index
    %get3A_8 = vector.load %arg3[%get3A_6, %get3A_7] : memref<1x128xf32, #tpu.memory_space<vmem>>, vector<1x128xf32>
    %add3A = vector.broadcast %get3A_8 : vector<1x128xf32> to vector<2000x128xf32>
    %add3A_9 = arith.addf %dot_general3A_5, %add3A : vector<2000x128xf32>
    %logistic3A = arith.negf %add3A_9 : vector<2000x128xf32>
    %logistic3A_10 = math.exp %logistic3A : vector<2000x128xf32>
    %logistic3A_11 = arith.constant 1.000000e+00 : f32
    %logistic3A_12 = vector.broadcast %logistic3A_11 : f32 to vector<2000x128xf32>
    %logistic3A_13 = arith.addf %logistic3A_12, %logistic3A_10 : vector<2000x128xf32>
    %logistic3A_14 = arith.divf %logistic3A_12, %logistic3A_13 : vector<2000x128xf32>
    %mul3A = arith.mulf %add3A_9, %logistic3A_14 : vector<2000x128xf32>
    %get3A_15 = arith.constant 0 : index
    %get3A_16 = arith.constant 0 : index
    %get3A_17 = vector.load %arg4[%get3A_15, %get3A_16] : memref<128x128xf32, #tpu.memory_space<vmem>>, vector<128x128xf32>
    %dot_general3A_18 = arith.constant dense<0.000000e+00> : vector<2000x128xf32>
    %dot_general3A_19 = tpu.matmul %mul3A, %get3A_17, %dot_general3A_18 {dimension_numbers = #tpu.dot_dimension_numbers<[1], [0], [0], [1], [0, 0, 1, 1], [], []>, transpose_lhs_hint = false} : vector<2000x128xf32>, vector<128x128xf32>, vector<2000x128xf32> -> vector<2000x128xf32>
    %get3A_20 = arith.constant 0 : index
    %get3A_21 = arith.constant 0 : index
    %get3A_22 = vector.load %arg5[%get3A_20, %get3A_21] : memref<1x128xf32, #tpu.memory_space<vmem>>, vector<1x128xf32>
    %add3A_23 = vector.broadcast %get3A_22 : vector<1x128xf32> to vector<2000x128xf32>
    %add3A_24 = arith.addf %dot_general3A_19, %add3A_23 : vector<2000x128xf32>
    %logistic3A_25 = arith.negf %add3A_24 : vector<2000x128xf32>
    %logistic3A_26 = math.exp %logistic3A_25 : vector<2000x128xf32>
    %logistic3A_27 = arith.constant 1.000000e+00 : f32
    %logistic3A_28 = vector.broadcast %logistic3A_27 : f32 to vector<2000x128xf32>
    %logistic3A_29 = arith.addf %logistic3A_28, %logistic3A_26 : vector<2000x128xf32>
    %logistic3A_30 = arith.divf %logistic3A_28, %logistic3A_29 : vector<2000x128xf32>
    %mul3A_31 = arith.mulf %add3A_24, %logistic3A_30 : vector<2000x128xf32>
    %add3A_32 = arith.addf %get3A_1, %mul3A_31 : vector<2000x128xf32>
    %swap3A = arith.constant 0 : index
    %swap3A_33 = arith.constant 0 : index
    %swap3A_34 = vector.load %arg10[%swap3A, %swap3A_33] : memref<2000x128xf32, #tpu.memory_space<vmem>>, vector<2000x128xf32>
    tpu.vector_store %arg10[%swap3A, %swap3A_33], %add3A_32 {strides = array<i32>} : memref<2000x128xf32, #tpu.memory_space<vmem>>, vector<2000x128xf32>,
    %get3A_35 = arith.constant 0 : index
    %get3A_36 = arith.constant 0 : index
    %get3A_37 = vector.load %arg6[%get3A_35, %get3A_36] : memref<128x128xf32, #tpu.memory_space<vmem>>, vector<128x128xf32>
    %dot_general3A_38 = arith.constant dense<0.000000e+00> : vector<2000x128xf32>
    %dot_general3A_39 = tpu.matmul %get3A_1, %get3A_37, %dot_general3A_38 {dimension_numbers = #tpu.dot_dimension_numbers<[1], [0], [0], [1], [0, 0, 1, 1], [], []>, transpose_lhs_hint = false} : vector<2000x128xf32>, vector<128x128xf32>, vector<2000x128xf32> -> vector<2000x128xf32>
    %get3A_40 = arith.constant 0 : index
    %get3A_41 = arith.constant 0 : index
    %get3A_42 = vector.load %arg7[%get3A_40, %get3A_41] : memref<1x128xf32, #tpu.memory_space<vmem>>, vector<1x128xf32>
    %add3A_43 = vector.broadcast %get3A_42 : vector<1x128xf32> to vector<2000x128xf32>
    %add3A_44 = arith.addf %dot_general3A_39, %add3A_43 : vector<2000x128xf32>
    %logistic3A_45 = arith.negf %add3A_44 : vector<2000x128xf32>
    %logistic3A_46 = math.exp %logistic3A_45 : vector<2000x128xf32>
    %logistic3A_47 = arith.constant 1.000000e+00 : f32
    %logistic3A_48 = vector.broadcast %logistic3A_47 : f32 to vector<2000x128xf32>
    %logistic3A_49 = arith.addf %logistic3A_48, %logistic3A_46 : vector<2000x128xf32>
    %logistic3A_50 = arith.divf %logistic3A_48, %logistic3A_49 : vector<2000x128xf32>
    %mul3A_51 = arith.mulf %add3A_44, %logistic3A_50 : vector<2000x128xf32>
    %get3A_52 = arith.constant 0 : index
    %get3A_53 = arith.constant 0 : index
    %get3A_54 = vector.load %arg8[%get3A_52, %get3A_53] : memref<128x128xf32, #tpu.memory_space<vmem>>, vector<128x128xf32>
    %dot_general3A_55 = arith.constant dense<0.000000e+00> : vector<2000x128xf32>
    %dot_general3A_56 = tpu.matmul %mul3A_51, %get3A_54, %dot_general3A_55 {dimension_numbers = #tpu.dot_dimension_numbers<[1], [0], [0], [1], [0, 0, 1, 1], [], []>, transpose_lhs_hint = false} : vector<2000x128xf32>, vector<128x128xf32>, vector<2000x128xf32> -> vector<2000x128xf32>
    %get3A_57 = arith.constant 0 : index
    %get3A_58 = arith.constant 0 : index
    %get3A_59 = vector.load %arg9[%get3A_57, %get3A_58] : memref<1x128xf32, #tpu.memory_space<vmem>>, vector<1x128xf32>
    %add3A_60 = vector.broadcast %get3A_59 : vector<1x128xf32> to vector<2000x128xf32>
    %add3A_61 = arith.addf %dot_general3A_56, %add3A_60 : vector<2000x128xf32>
    %logistic3A_62 = arith.negf %add3A_61 : vector<2000x128xf32>
    %logistic3A_63 = math.exp %logistic3A_62 : vector<2000x128xf32>
    %logistic3A_64 = arith.constant 1.000000e+00 : f32
    %logistic3A_65 = vector.broadcast %logistic3A_64 : f32 to vector<2000x128xf32>
    %logistic3A_66 = arith.addf %logistic3A_65, %logistic3A_63 : vector<2000x128xf32>
    %logistic3A_67 = arith.divf %logistic3A_65, %logistic3A_66 : vector<2000x128xf32>
    %mul3A_68 = arith.mulf %add3A_61, %logistic3A_67 : vector<2000x128xf32>
    %add3A_69 = arith.addf %get3A_1, %mul3A_68 : vector<2000x128xf32>
    %swap3A_70 = arith.constant 0 : index
    %swap3A_71 = arith.constant 0 : index
    %swap3A_72 = vector.load %arg11[%swap3A_70, %swap3A_71] : memref<2000x128xf32, #tpu.memory_space<vmem>>, vector<2000x128xf32>
    tpu.vector_store %arg11[%swap3A_70, %swap3A_71], %add3A_69 {strides = array<i32>} : memref<2000x128xf32, #tpu.memory_space<vmem>>, vector<2000x128xf32>,
    return
  }
  func.func @transform_0(%arg0: i32) -> (i32, i32) {
    %c0_i32 = arith.constant 0 : i32
    %c0_i32_0 = arith.constant 0 : i32
    return %arg0, %c0_i32 : i32, i32
  }
  func.func @transform_1(%arg0: i32) -> (i32, i32) {
    %c0_i32 = arith.constant 0 : i32
    %c0_i32_0 = arith.constant 0 : i32
    %c0_i32_1 = arith.constant 0 : i32
    return %c0_i32, %c0_i32_0 : i32, i32
  }
  func.func @transform_2(%arg0: i32) -> (i32, i32) {
    %c0_i32 = arith.constant 0 : i32
    %c0_i32_0 = arith.constant 0 : i32
    %c0_i32_1 = arith.constant 0 : i32
    return %c0_i32, %c0_i32_0 : i32, i32
  }
  func.func @transform_3(%arg0: i32) -> (i32, i32) {
    %c0_i32 = arith.constant 0 : i32
    %c0_i32_0 = arith.constant 0 : i32
    %c0_i32_1 = arith.constant 0 : i32
    return %c0_i32, %c0_i32_0 : i32, i32
  }
  func.func @transform_4(%arg0: i32) -> (i32, i32) {
    %c0_i32 = arith.constant 0 : i32
    %c0_i32_0 = arith.constant 0 : i32
    %c0_i32_1 = arith.constant 0 : i32
    return %c0_i32, %c0_i32_0 : i32, i32
  }
  func.func @transform_5(%arg0: i32) -> (i32, i32) {
    %c0_i32 = arith.constant 0 : i32
    %c0_i32_0 = arith.constant 0 : i32
    %c0_i32_1 = arith.constant 0 : i32
    return %c0_i32, %c0_i32_0 : i32, i32
  }
  func.func @transform_6(%arg0: i32) -> (i32, i32) {
    %c0_i32 = arith.constant 0 : i32
    %c0_i32_0 = arith.constant 0 : i32
    %c0_i32_1 = arith.constant 0 : i32
    return %c0_i32, %c0_i32_0 : i32, i32
  }
  func.func @transform_7(%arg0: i32) -> (i32, i32) {
    %c0_i32 = arith.constant 0 : i32
    %c0_i32_0 = arith.constant 0 : i32
    %c0_i32_1 = arith.constant 0 : i32
    return %c0_i32, %c0_i32_0 : i32, i32
  }
  func.func @transform_8(%arg0: i32) -> (i32, i32) {
    %c0_i32 = arith.constant 0 : i32
    %c0_i32_0 = arith.constant 0 : i32
    %c0_i32_1 = arith.constant 0 : i32
    return %c0_i32, %c0_i32_0 : i32, i32
  }
  func.func @transform_9(%arg0: i32) -> (i32, i32) {
    %c0_i32 = arith.constant 0 : i32
    %c0_i32_0 = arith.constant 0 : i32
    return %arg0, %c0_i32 : i32, i32
  }
  func.func @transform_10(%arg0: i32) -> (i32, i32) {
    %c0_i32 = arith.constant 0 : i32
    %c0_i32_0 = arith.constant 0 : i32
    return %arg0, %c0_i32 : i32, i32
  }
}

module attributes {stable_mosaic.version = 14 : i64} {
  func.func @_post_dual_body(%arg0: i32, %arg1: memref<2000x128xf32, #tpu.memory_space<vmem>>, %arg2: memref<2000x128xf32, #tpu.memory_space<vmem>>, %arg3: memref<1x1xf32, #tpu.memory_space<vmem>>, %arg4: memref<2000x128xf32, #tpu.memory_space<vmem>>, %arg5: memref<2000x128xf32, #tpu.memory_space<vmem>>, %arg6: memref<128x128xf32, #tpu.memory_space<vmem>>, %arg7: memref<1x128xf32, #tpu.memory_space<vmem>>, %arg8: memref<128x128xf32, #tpu.memory_space<vmem>>, %arg9: memref<1x128xf32, #tpu.memory_space<vmem>>, %arg10: memref<128x128xf32, #tpu.memory_space<vmem>>, %arg11: memref<1x128xf32, #tpu.memory_space<vmem>>, %arg12: memref<128x128xf32, #tpu.memory_space<vmem>>, %arg13: memref<1x128xf32, #tpu.memory_space<vmem>>, %arg14: memref<128x128xf32, #tpu.memory_space<vmem>>, %arg15: memref<1x128xf32, #tpu.memory_space<vmem>>, %arg16: memref<128x128xf32, #tpu.memory_space<vmem>>, %arg17: memref<1x128xf32, #tpu.memory_space<vmem>>, %arg18: memref<128x128xf32, #tpu.memory_space<vmem>>, %arg19: memref<1x128xf32, #tpu.memory_space<vmem>>, %arg20: memref<128x128xf32, #tpu.memory_space<vmem>>, %arg21: memref<1x128xf32, #tpu.memory_space<vmem>>, %arg22: memref<128x128xf32, #tpu.memory_space<vmem>>, %arg23: memref<1x128xf32, #tpu.memory_space<vmem>>, %arg24: memref<128x128xf32, #tpu.memory_space<vmem>>, %arg25: memref<1x128xf32, #tpu.memory_space<vmem>>, %arg26: memref<128x128xf32, #tpu.memory_space<vmem>>, %arg27: memref<1x128xf32, #tpu.memory_space<vmem>>, %arg28: memref<128x128xf32, #tpu.memory_space<vmem>>, %arg29: memref<1x128xf32, #tpu.memory_space<vmem>>, %arg30: memref<2000x128xf32, #tpu.memory_space<vmem>>, %arg31: memref<2000x128xf32, #tpu.memory_space<vmem>>, %arg32: memref<2000x128xf32, #tpu.memory_space<vmem>>) attributes {dimension_semantics = [#tpu.dimension_semantics<arbitrary>], iteration_bounds = array<i64: 5>, scalar_prefetch = 0 : i64, scratch_operands = 0 : i64, tpu.core_type = #tpu.core_type<tc>, window_params = [{transform_indices = @transform_0, window_bounds = array<i64: 2000, 128>}, {transform_indices = @transform_1, window_bounds = array<i64: 2000, 128>}, {pipeline_mode = #tpu.pipeline_mode<synchronous>, transform_indices = @transform_2, window_bounds = array<i64: 1, 1>}, {transform_indices = @transform_3, window_bounds = array<i64: 2000, 128>}, {transform_indices = @transform_4, window_bounds = array<i64: 2000, 128>}, {pipeline_mode = #tpu.pipeline_mode<synchronous>, transform_indices = @transform_5, window_bounds = array<i64: 128, 128>}, {pipeline_mode = #tpu.pipeline_mode<synchronous>, transform_indices = @transform_6, window_bounds = array<i64: 1, 128>}, {pipeline_mode = #tpu.pipeline_mode<synchronous>, transform_indices = @transform_7, window_bounds = array<i64: 128, 128>}, {pipeline_mode = #tpu.pipeline_mode<synchronous>, transform_indices = @transform_8, window_bounds = array<i64: 1, 128>}, {pipeline_mode = #tpu.pipeline_mode<synchronous>, transform_indices = @transform_9, window_bounds = array<i64: 128, 128>}, {pipeline_mode = #tpu.pipeline_mode<synchronous>, transform_indices = @transform_10, window_bounds = array<i64: 1, 128>}, {pipeline_mode = #tpu.pipeline_mode<synchronous>, transform_indices = @transform_11, window_bounds = array<i64: 128, 128>}, {pipeline_mode = #tpu.pipeline_mode<synchronous>, transform_indices = @transform_12, window_bounds = array<i64: 1, 128>}, {pipeline_mode = #tpu.pipeline_mode<synchronous>, transform_indices = @transform_13, window_bounds = array<i64: 128, 128>}, {pipeline_mode = #tpu.pipeline_mode<synchronous>, transform_indices = @transform_14, window_bounds = array<i64: 1, 128>}, {pipeline_mode = #tpu.pipeline_mode<synchronous>, transform_indices = @transform_15, window_bounds = array<i64: 128, 128>}, {pipeline_mode = #tpu.pipeline_mode<synchronous>, transform_indices = @transform_16, window_bounds = array<i64: 1, 128>}, {pipeline_mode = #tpu.pipeline_mode<synchronous>, transform_indices = @transform_17, window_bounds = array<i64: 128, 128>}, {pipeline_mode = #tpu.pipeline_mode<synchronous>, transform_indices = @transform_18, window_bounds = array<i64: 1, 128>}, {pipeline_mode = #tpu.pipeline_mode<synchronous>, transform_indices = @transform_19, window_bounds = array<i64: 128, 128>}, {pipeline_mode = #tpu.pipeline_mode<synchronous>, transform_indices = @transform_20, window_bounds = array<i64: 1, 128>}, {pipeline_mode = #tpu.pipeline_mode<synchronous>, transform_indices = @transform_21, window_bounds = array<i64: 128, 128>}, {pipeline_mode = #tpu.pipeline_mode<synchronous>, transform_indices = @transform_22, window_bounds = array<i64: 1, 128>}, {pipeline_mode = #tpu.pipeline_mode<synchronous>, transform_indices = @transform_23, window_bounds = array<i64: 128, 128>}, {pipeline_mode = #tpu.pipeline_mode<synchronous>, transform_indices = @transform_24, window_bounds = array<i64: 1, 128>}, {pipeline_mode = #tpu.pipeline_mode<synchronous>, transform_indices = @transform_25, window_bounds = array<i64: 128, 128>}, {pipeline_mode = #tpu.pipeline_mode<synchronous>, transform_indices = @transform_26, window_bounds = array<i64: 1, 128>}, {pipeline_mode = #tpu.pipeline_mode<synchronous>, transform_indices = @transform_27, window_bounds = array<i64: 128, 128>}, {pipeline_mode = #tpu.pipeline_mode<synchronous>, transform_indices = @transform_28, window_bounds = array<i64: 1, 128>}, {transform_indices = @transform_29, window_bounds = array<i64: 2000, 128>}, {transform_indices = @transform_30, window_bounds = array<i64: 2000, 128>}, {transform_indices = @transform_31, window_bounds = array<i64: 2000, 128>}]} {
    %get3A = arith.constant 0 : index
    %get3A_0 = arith.constant 0 : index
    %get3A_1 = vector.load %arg1[%get3A, %get3A_0] : memref<2000x128xf32, #tpu.memory_space<vmem>>, vector<2000x128xf32>
    %get3A_2 = arith.constant 0 : index
    %get3A_3 = arith.constant 0 : index
    %get3A_4 = vector.load %arg2[%get3A_2, %get3A_3] : memref<2000x128xf32, #tpu.memory_space<vmem>>, vector<2000x128xf32>
    %add3A = arith.addf %get3A_1, %get3A_4 : vector<2000x128xf32>
    %get3A_5 = arith.constant 0 : index
    %get3A_6 = arith.constant 0 : index
    %get3A_7 = vector.load %arg3[%get3A_5, %get3A_6] : memref<1x1xf32, #tpu.memory_space<vmem>>, vector<1x1xf32>
    %get3A_8 = vector.extract %get3A_7[0, 0] : f32 from vector<1x1xf32>
    %mul3A = vector.broadcast %get3A_8 : f32 to vector<2000x128xf32>
    %mul3A_9 = arith.mulf %add3A, %mul3A : vector<2000x128xf32>
    %get3A_10 = arith.constant 0 : index
    %get3A_11 = arith.constant 0 : index
    %get3A_12 = vector.load %arg6[%get3A_10, %get3A_11] : memref<128x128xf32, #tpu.memory_space<vmem>>, vector<128x128xf32>
    %dot_general3A = arith.constant dense<0.000000e+00> : vector<2000x128xf32>
    %dot_general3A_13 = tpu.matmul %mul3A_9, %get3A_12, %dot_general3A {dimension_numbers = #tpu.dot_dimension_numbers<[1], [0], [0], [1], [0, 0, 1, 1], [], []>, transpose_lhs_hint = false} : vector<2000x128xf32>, vector<128x128xf32>, vector<2000x128xf32> -> vector<2000x128xf32>
    %get3A_14 = arith.constant 0 : index
    %get3A_15 = arith.constant 0 : index
    %get3A_16 = vector.load %arg7[%get3A_14, %get3A_15] : memref<1x128xf32, #tpu.memory_space<vmem>>, vector<1x128xf32>
    %add3A_17 = vector.broadcast %get3A_16 : vector<1x128xf32> to vector<2000x128xf32>
    %add3A_18 = arith.addf %dot_general3A_13, %add3A_17 : vector<2000x128xf32>
    %logistic3A = arith.negf %add3A_18 : vector<2000x128xf32>
    %logistic3A_19 = math.exp %logistic3A : vector<2000x128xf32>
    %logistic3A_20 = arith.constant 1.000000e+00 : f32
    %logistic3A_21 = vector.broadcast %logistic3A_20 : f32 to vector<2000x128xf32>
    %logistic3A_22 = arith.addf %logistic3A_21, %logistic3A_19 : vector<2000x128xf32>
    %logistic3A_23 = arith.divf %logistic3A_21, %logistic3A_22 : vector<2000x128xf32>
    %mul3A_24 = arith.mulf %add3A_18, %logistic3A_23 : vector<2000x128xf32>
    %get3A_25 = arith.constant 0 : index
    %get3A_26 = arith.constant 0 : index
    %get3A_27 = vector.load %arg8[%get3A_25, %get3A_26] : memref<128x128xf32, #tpu.memory_space<vmem>>, vector<128x128xf32>
    %dot_general3A_28 = arith.constant dense<0.000000e+00> : vector<2000x128xf32>
    %dot_general3A_29 = tpu.matmul %mul3A_24, %get3A_27, %dot_general3A_28 {dimension_numbers = #tpu.dot_dimension_numbers<[1], [0], [0], [1], [0, 0, 1, 1], [], []>, transpose_lhs_hint = false} : vector<2000x128xf32>, vector<128x128xf32>, vector<2000x128xf32> -> vector<2000x128xf32>
    %get3A_30 = arith.constant 0 : index
    %get3A_31 = arith.constant 0 : index
    %get3A_32 = vector.load %arg9[%get3A_30, %get3A_31] : memref<1x128xf32, #tpu.memory_space<vmem>>, vector<1x128xf32>
    %add3A_33 = vector.broadcast %get3A_32 : vector<1x128xf32> to vector<2000x128xf32>
    %add3A_34 = arith.addf %dot_general3A_29, %add3A_33 : vector<2000x128xf32>
    %logistic3A_35 = arith.negf %add3A_34 : vector<2000x128xf32>
    %logistic3A_36 = math.exp %logistic3A_35 : vector<2000x128xf32>
    %logistic3A_37 = arith.constant 1.000000e+00 : f32
    %logistic3A_38 = vector.broadcast %logistic3A_37 : f32 to vector<2000x128xf32>
    %logistic3A_39 = arith.addf %logistic3A_38, %logistic3A_36 : vector<2000x128xf32>
    %logistic3A_40 = arith.divf %logistic3A_38, %logistic3A_39 : vector<2000x128xf32>
    %mul3A_41 = arith.mulf %add3A_34, %logistic3A_40 : vector<2000x128xf32>
    %add3A_42 = arith.addf %mul3A_9, %mul3A_41 : vector<2000x128xf32>
    %get3A_43 = arith.constant 0 : index
    %get3A_44 = arith.constant 0 : index
    %get3A_45 = vector.load %arg10[%get3A_43, %get3A_44] : memref<128x128xf32, #tpu.memory_space<vmem>>, vector<128x128xf32>
    %dot_general3A_46 = arith.constant dense<0.000000e+00> : vector<2000x128xf32>
    %dot_general3A_47 = tpu.matmul %add3A_42, %get3A_45, %dot_general3A_46 {dimension_numbers = #tpu.dot_dimension_numbers<[1], [0], [0], [1], [0, 0, 1, 1], [], []>, transpose_lhs_hint = false} : vector<2000x128xf32>, vector<128x128xf32>, vector<2000x128xf32> -> vector<2000x128xf32>
    %get3A_48 = arith.constant 0 : index
    %get3A_49 = arith.constant 0 : index
    %get3A_50 = vector.load %arg11[%get3A_48, %get3A_49] : memref<1x128xf32, #tpu.memory_space<vmem>>, vector<1x128xf32>
    %add3A_51 = vector.broadcast %get3A_50 : vector<1x128xf32> to vector<2000x128xf32>
    %add3A_52 = arith.addf %dot_general3A_47, %add3A_51 : vector<2000x128xf32>
    %logistic3A_53 = arith.negf %add3A_52 : vector<2000x128xf32>
    %logistic3A_54 = math.exp %logistic3A_53 : vector<2000x128xf32>
    %logistic3A_55 = arith.constant 1.000000e+00 : f32
    %logistic3A_56 = vector.broadcast %logistic3A_55 : f32 to vector<2000x128xf32>
    %logistic3A_57 = arith.addf %logistic3A_56, %logistic3A_54 : vector<2000x128xf32>
    %logistic3A_58 = arith.divf %logistic3A_56, %logistic3A_57 : vector<2000x128xf32>
    %mul3A_59 = arith.mulf %add3A_52, %logistic3A_58 : vector<2000x128xf32>
    %get3A_60 = arith.constant 0 : index
    %get3A_61 = arith.constant 0 : index
    %get3A_62 = vector.load %arg12[%get3A_60, %get3A_61] : memref<128x128xf32, #tpu.memory_space<vmem>>, vector<128x128xf32>
    %dot_general3A_63 = arith.constant dense<0.000000e+00> : vector<2000x128xf32>
    %dot_general3A_64 = tpu.matmul %mul3A_59, %get3A_62, %dot_general3A_63 {dimension_numbers = #tpu.dot_dimension_numbers<[1], [0], [0], [1], [0, 0, 1, 1], [], []>, transpose_lhs_hint = false} : vector<2000x128xf32>, vector<128x128xf32>, vector<2000x128xf32> -> vector<2000x128xf32>
    %get3A_65 = arith.constant 0 : index
    %get3A_66 = arith.constant 0 : index
    %get3A_67 = vector.load %arg13[%get3A_65, %get3A_66] : memref<1x128xf32, #tpu.memory_space<vmem>>, vector<1x128xf32>
    %add3A_68 = vector.broadcast %get3A_67 : vector<1x128xf32> to vector<2000x128xf32>
    %add3A_69 = arith.addf %dot_general3A_64, %add3A_68 : vector<2000x128xf32>
    %logistic3A_70 = arith.negf %add3A_69 : vector<2000x128xf32>
    %logistic3A_71 = math.exp %logistic3A_70 : vector<2000x128xf32>
    %logistic3A_72 = arith.constant 1.000000e+00 : f32
    %logistic3A_73 = vector.broadcast %logistic3A_72 : f32 to vector<2000x128xf32>
    %logistic3A_74 = arith.addf %logistic3A_73, %logistic3A_71 : vector<2000x128xf32>
    %logistic3A_75 = arith.divf %logistic3A_73, %logistic3A_74 : vector<2000x128xf32>
    %mul3A_76 = arith.mulf %add3A_69, %logistic3A_75 : vector<2000x128xf32>
    %add3A_77 = arith.addf %add3A_42, %mul3A_76 : vector<2000x128xf32>
    %get3A_78 = arith.constant 0 : index
    %get3A_79 = arith.constant 0 : index
    %get3A_80 = vector.load %arg4[%get3A_78, %get3A_79] : memref<2000x128xf32, #tpu.memory_space<vmem>>, vector<2000x128xf32>
    %mul3A_81 = arith.mulf %get3A_80, %add3A_77 : vector<2000x128xf32>
    %get3A_82 = arith.constant 0 : index
    %get3A_83 = arith.constant 0 : index
    %get3A_84 = vector.load %arg14[%get3A_82, %get3A_83] : memref<128x128xf32, #tpu.memory_space<vmem>>, vector<128x128xf32>
    %dot_general3A_85 = arith.constant dense<0.000000e+00> : vector<2000x128xf32>
    %dot_general3A_86 = tpu.matmul %mul3A_81, %get3A_84, %dot_general3A_85 {dimension_numbers = #tpu.dot_dimension_numbers<[1], [0], [0], [1], [0, 0, 1, 1], [], []>, transpose_lhs_hint = false} : vector<2000x128xf32>, vector<128x128xf32>, vector<2000x128xf32> -> vector<2000x128xf32>
    %get3A_87 = arith.constant 0 : index
    %get3A_88 = arith.constant 0 : index
    %get3A_89 = vector.load %arg15[%get3A_87, %get3A_88] : memref<1x128xf32, #tpu.memory_space<vmem>>, vector<1x128xf32>
    %add3A_90 = vector.broadcast %get3A_89 : vector<1x128xf32> to vector<2000x128xf32>
    %add3A_91 = arith.addf %dot_general3A_86, %add3A_90 : vector<2000x128xf32>
    %logistic3A_92 = arith.negf %add3A_91 : vector<2000x128xf32>
    %logistic3A_93 = math.exp %logistic3A_92 : vector<2000x128xf32>
    %logistic3A_94 = arith.constant 1.000000e+00 : f32
    %logistic3A_95 = vector.broadcast %logistic3A_94 : f32 to vector<2000x128xf32>
    %logistic3A_96 = arith.addf %logistic3A_95, %logistic3A_93 : vector<2000x128xf32>
    %logistic3A_97 = arith.divf %logistic3A_95, %logistic3A_96 : vector<2000x128xf32>
    %mul3A_98 = arith.mulf %add3A_91, %logistic3A_97 : vector<2000x128xf32>
    %get3A_99 = arith.constant 0 : index
    %get3A_100 = arith.constant 0 : index
    %get3A_101 = vector.load %arg16[%get3A_99, %get3A_100] : memref<128x128xf32, #tpu.memory_space<vmem>>, vector<128x128xf32>
    %dot_general3A_102 = arith.constant dense<0.000000e+00> : vector<2000x128xf32>
    %dot_general3A_103 = tpu.matmul %mul3A_98, %get3A_101, %dot_general3A_102 {dimension_numbers = #tpu.dot_dimension_numbers<[1], [0], [0], [1], [0, 0, 1, 1], [], []>, transpose_lhs_hint = false} : vector<2000x128xf32>, vector<128x128xf32>, vector<2000x128xf32> -> vector<2000x128xf32>
    %get3A_104 = arith.constant 0 : index
    %get3A_105 = arith.constant 0 : index
    %get3A_106 = vector.load %arg17[%get3A_104, %get3A_105] : memref<1x128xf32, #tpu.memory_space<vmem>>, vector<1x128xf32>
    %add3A_107 = vector.broadcast %get3A_106 : vector<1x128xf32> to vector<2000x128xf32>
    %add3A_108 = arith.addf %dot_general3A_103, %add3A_107 : vector<2000x128xf32>
    %logistic3A_109 = arith.negf %add3A_108 : vector<2000x128xf32>
    %logistic3A_110 = math.exp %logistic3A_109 : vector<2000x128xf32>
    %logistic3A_111 = arith.constant 1.000000e+00 : f32
    %logistic3A_112 = vector.broadcast %logistic3A_111 : f32 to vector<2000x128xf32>
    %logistic3A_113 = arith.addf %logistic3A_112, %logistic3A_110 : vector<2000x128xf32>
    %logistic3A_114 = arith.divf %logistic3A_112, %logistic3A_113 : vector<2000x128xf32>
    %mul3A_115 = arith.mulf %add3A_108, %logistic3A_114 : vector<2000x128xf32>
    %add3A_116 = arith.addf %mul3A_81, %mul3A_115 : vector<2000x128xf32>
    %get3A_117 = arith.constant 0 : index
    %get3A_118 = arith.constant 0 : index
    %get3A_119 = vector.load %arg18[%get3A_117, %get3A_118] : memref<128x128xf32, #tpu.memory_space<vmem>>, vector<128x128xf32>
    %dot_general3A_120 = arith.constant dense<0.000000e+00> : vector<2000x128xf32>
    %dot_general3A_121 = tpu.matmul %add3A_116, %get3A_119, %dot_general3A_120 {dimension_numbers = #tpu.dot_dimension_numbers<[1], [0], [0], [1], [0, 0, 1, 1], [], []>, transpose_lhs_hint = false} : vector<2000x128xf32>, vector<128x128xf32>, vector<2000x128xf32> -> vector<2000x128xf32>
    %get3A_122 = arith.constant 0 : index
    %get3A_123 = arith.constant 0 : index
    %get3A_124 = vector.load %arg19[%get3A_122, %get3A_123] : memref<1x128xf32, #tpu.memory_space<vmem>>, vector<1x128xf32>
    %add3A_125 = vector.broadcast %get3A_124 : vector<1x128xf32> to vector<2000x128xf32>
    %add3A_126 = arith.addf %dot_general3A_121, %add3A_125 : vector<2000x128xf32>
    %logistic3A_127 = arith.negf %add3A_126 : vector<2000x128xf32>
    %logistic3A_128 = math.exp %logistic3A_127 : vector<2000x128xf32>
    %logistic3A_129 = arith.constant 1.000000e+00 : f32
    %logistic3A_130 = vector.broadcast %logistic3A_129 : f32 to vector<2000x128xf32>
    %logistic3A_131 = arith.addf %logistic3A_130, %logistic3A_128 : vector<2000x128xf32>
    %logistic3A_132 = arith.divf %logistic3A_130, %logistic3A_131 : vector<2000x128xf32>
    %mul3A_133 = arith.mulf %add3A_126, %logistic3A_132 : vector<2000x128xf32>
    %get3A_134 = arith.constant 0 : index
    %get3A_135 = arith.constant 0 : index
    %get3A_136 = vector.load %arg20[%get3A_134, %get3A_135] : memref<128x128xf32, #tpu.memory_space<vmem>>, vector<128x128xf32>
    %dot_general3A_137 = arith.constant dense<0.000000e+00> : vector<2000x128xf32>
    %dot_general3A_138 = tpu.matmul %mul3A_133, %get3A_136, %dot_general3A_137 {dimension_numbers = #tpu.dot_dimension_numbers<[1], [0], [0], [1], [0, 0, 1, 1], [], []>, transpose_lhs_hint = false} : vector<2000x128xf32>, vector<128x128xf32>, vector<2000x128xf32> -> vector<2000x128xf32>
    %get3A_139 = arith.constant 0 : index
    %get3A_140 = arith.constant 0 : index
    %get3A_141 = vector.load %arg21[%get3A_139, %get3A_140] : memref<1x128xf32, #tpu.memory_space<vmem>>, vector<1x128xf32>
    %add3A_142 = vector.broadcast %get3A_141 : vector<1x128xf32> to vector<2000x128xf32>
    %add3A_143 = arith.addf %dot_general3A_138, %add3A_142 : vector<2000x128xf32>
    %logistic3A_144 = arith.negf %add3A_143 : vector<2000x128xf32>
    %logistic3A_145 = math.exp %logistic3A_144 : vector<2000x128xf32>
    %logistic3A_146 = arith.constant 1.000000e+00 : f32
    %logistic3A_147 = vector.broadcast %logistic3A_146 : f32 to vector<2000x128xf32>
    %logistic3A_148 = arith.addf %logistic3A_147, %logistic3A_145 : vector<2000x128xf32>
    %logistic3A_149 = arith.divf %logistic3A_147, %logistic3A_148 : vector<2000x128xf32>
    %mul3A_150 = arith.mulf %add3A_143, %logistic3A_149 : vector<2000x128xf32>
    %add3A_151 = arith.addf %add3A_116, %mul3A_150 : vector<2000x128xf32>
    %get3A_152 = arith.constant 0 : index
    %get3A_153 = arith.constant 0 : index
    %get3A_154 = vector.load %arg5[%get3A_152, %get3A_153] : memref<2000x128xf32, #tpu.memory_space<vmem>>, vector<2000x128xf32>
    %add3A_155 = arith.addf %add3A_151, %get3A_154 : vector<2000x128xf32>
    %swap3A = arith.constant 0 : index
    %swap3A_156 = arith.constant 0 : index
    %swap3A_157 = vector.load %arg30[%swap3A, %swap3A_156] : memref<2000x128xf32, #tpu.memory_space<vmem>>, vector<2000x128xf32>
    tpu.vector_store %arg30[%swap3A, %swap3A_156], %add3A_155 {strides = array<i32>} : memref<2000x128xf32, #tpu.memory_space<vmem>>, vector<2000x128xf32>,
    %get3A_158 = arith.constant 0 : index
    %get3A_159 = arith.constant 0 : index
    %get3A_160 = vector.load %arg22[%get3A_158, %get3A_159] : memref<128x128xf32, #tpu.memory_space<vmem>>, vector<128x128xf32>
    %dot_general3A_161 = arith.constant dense<0.000000e+00> : vector<2000x128xf32>
    %dot_general3A_162 = tpu.matmul %add3A_155, %get3A_160, %dot_general3A_161 {dimension_numbers = #tpu.dot_dimension_numbers<[1], [0], [0], [1], [0, 0, 1, 1], [], []>, transpose_lhs_hint = false} : vector<2000x128xf32>, vector<128x128xf32>, vector<2000x128xf32> -> vector<2000x128xf32>
    %get3A_163 = arith.constant 0 : index
    %get3A_164 = arith.constant 0 : index
    %get3A_165 = vector.load %arg23[%get3A_163, %get3A_164] : memref<1x128xf32, #tpu.memory_space<vmem>>, vector<1x128xf32>
    %add3A_166 = vector.broadcast %get3A_165 : vector<1x128xf32> to vector<2000x128xf32>
    %add3A_167 = arith.addf %dot_general3A_162, %add3A_166 : vector<2000x128xf32>
    %logistic3A_168 = arith.negf %add3A_167 : vector<2000x128xf32>
    %logistic3A_169 = math.exp %logistic3A_168 : vector<2000x128xf32>
    %logistic3A_170 = arith.constant 1.000000e+00 : f32
    %logistic3A_171 = vector.broadcast %logistic3A_170 : f32 to vector<2000x128xf32>
    %logistic3A_172 = arith.addf %logistic3A_171, %logistic3A_169 : vector<2000x128xf32>
    %logistic3A_173 = arith.divf %logistic3A_171, %logistic3A_172 : vector<2000x128xf32>
    %mul3A_174 = arith.mulf %add3A_167, %logistic3A_173 : vector<2000x128xf32>
    %get3A_175 = arith.constant 0 : index
    %get3A_176 = arith.constant 0 : index
    %get3A_177 = vector.load %arg24[%get3A_175, %get3A_176] : memref<128x128xf32, #tpu.memory_space<vmem>>, vector<128x128xf32>
    %dot_general3A_178 = arith.constant dense<0.000000e+00> : vector<2000x128xf32>
    %dot_general3A_179 = tpu.matmul %mul3A_174, %get3A_177, %dot_general3A_178 {dimension_numbers = #tpu.dot_dimension_numbers<[1], [0], [0], [1], [0, 0, 1, 1], [], []>, transpose_lhs_hint = false} : vector<2000x128xf32>, vector<128x128xf32>, vector<2000x128xf32> -> vector<2000x128xf32>
    %get3A_180 = arith.constant 0 : index
    %get3A_181 = arith.constant 0 : index
    %get3A_182 = vector.load %arg25[%get3A_180, %get3A_181] : memref<1x128xf32, #tpu.memory_space<vmem>>, vector<1x128xf32>
    %add3A_183 = vector.broadcast %get3A_182 : vector<1x128xf32> to vector<2000x128xf32>
    %add3A_184 = arith.addf %dot_general3A_179, %add3A_183 : vector<2000x128xf32>
    %logistic3A_185 = arith.negf %add3A_184 : vector<2000x128xf32>
    %logistic3A_186 = math.exp %logistic3A_185 : vector<2000x128xf32>
    %logistic3A_187 = arith.constant 1.000000e+00 : f32
    %logistic3A_188 = vector.broadcast %logistic3A_187 : f32 to vector<2000x128xf32>
    %logistic3A_189 = arith.addf %logistic3A_188, %logistic3A_186 : vector<2000x128xf32>
    %logistic3A_190 = arith.divf %logistic3A_188, %logistic3A_189 : vector<2000x128xf32>
    %mul3A_191 = arith.mulf %add3A_184, %logistic3A_190 : vector<2000x128xf32>
    %add3A_192 = arith.addf %add3A_155, %mul3A_191 : vector<2000x128xf32>
    %swap3A_193 = arith.constant 0 : index
    %swap3A_194 = arith.constant 0 : index
    %swap3A_195 = vector.load %arg31[%swap3A_193, %swap3A_194] : memref<2000x128xf32, #tpu.memory_space<vmem>>, vector<2000x128xf32>
    tpu.vector_store %arg31[%swap3A_193, %swap3A_194], %add3A_192 {strides = array<i32>} : memref<2000x128xf32, #tpu.memory_space<vmem>>, vector<2000x128xf32>,
    %get3A_196 = arith.constant 0 : index
    %get3A_197 = arith.constant 0 : index
    %get3A_198 = vector.load %arg26[%get3A_196, %get3A_197] : memref<128x128xf32, #tpu.memory_space<vmem>>, vector<128x128xf32>
    %dot_general3A_199 = arith.constant dense<0.000000e+00> : vector<2000x128xf32>
    %dot_general3A_200 = tpu.matmul %add3A_155, %get3A_198, %dot_general3A_199 {dimension_numbers = #tpu.dot_dimension_numbers<[1], [0], [0], [1], [0, 0, 1, 1], [], []>, transpose_lhs_hint = false} : vector<2000x128xf32>, vector<128x128xf32>, vector<2000x128xf32> -> vector<2000x128xf32>
    %get3A_201 = arith.constant 0 : index
    %get3A_202 = arith.constant 0 : index
    %get3A_203 = vector.load %arg27[%get3A_201, %get3A_202] : memref<1x128xf32, #tpu.memory_space<vmem>>, vector<1x128xf32>
    %add3A_204 = vector.broadcast %get3A_203 : vector<1x128xf32> to vector<2000x128xf32>
    %add3A_205 = arith.addf %dot_general3A_200, %add3A_204 : vector<2000x128xf32>
    %logistic3A_206 = arith.negf %add3A_205 : vector<2000x128xf32>
    %logistic3A_207 = math.exp %logistic3A_206 : vector<2000x128xf32>
    %logistic3A_208 = arith.constant 1.000000e+00 : f32
    %logistic3A_209 = vector.broadcast %logistic3A_208 : f32 to vector<2000x128xf32>
    %logistic3A_210 = arith.addf %logistic3A_209, %logistic3A_207 : vector<2000x128xf32>
    %logistic3A_211 = arith.divf %logistic3A_209, %logistic3A_210 : vector<2000x128xf32>
    %mul3A_212 = arith.mulf %add3A_205, %logistic3A_211 : vector<2000x128xf32>
    %get3A_213 = arith.constant 0 : index
    %get3A_214 = arith.constant 0 : index
    %get3A_215 = vector.load %arg28[%get3A_213, %get3A_214] : memref<128x128xf32, #tpu.memory_space<vmem>>, vector<128x128xf32>
    %dot_general3A_216 = arith.constant dense<0.000000e+00> : vector<2000x128xf32>
    %dot_general3A_217 = tpu.matmul %mul3A_212, %get3A_215, %dot_general3A_216 {dimension_numbers = #tpu.dot_dimension_numbers<[1], [0], [0], [1], [0, 0, 1, 1], [], []>, transpose_lhs_hint = false} : vector<2000x128xf32>, vector<128x128xf32>, vector<2000x128xf32> -> vector<2000x128xf32>
    %get3A_218 = arith.constant 0 : index
    %get3A_219 = arith.constant 0 : index
    %get3A_220 = vector.load %arg29[%get3A_218, %get3A_219] : memref<1x128xf32, #tpu.memory_space<vmem>>, vector<1x128xf32>
    %add3A_221 = vector.broadcast %get3A_220 : vector<1x128xf32> to vector<2000x128xf32>
    %add3A_222 = arith.addf %dot_general3A_217, %add3A_221 : vector<2000x128xf32>
    %logistic3A_223 = arith.negf %add3A_222 : vector<2000x128xf32>
    %logistic3A_224 = math.exp %logistic3A_223 : vector<2000x128xf32>
    %logistic3A_225 = arith.constant 1.000000e+00 : f32
    %logistic3A_226 = vector.broadcast %logistic3A_225 : f32 to vector<2000x128xf32>
    %logistic3A_227 = arith.addf %logistic3A_226, %logistic3A_224 : vector<2000x128xf32>
    %logistic3A_228 = arith.divf %logistic3A_226, %logistic3A_227 : vector<2000x128xf32>
    %mul3A_229 = arith.mulf %add3A_222, %logistic3A_228 : vector<2000x128xf32>
    %add3A_230 = arith.addf %add3A_155, %mul3A_229 : vector<2000x128xf32>
    %swap3A_231 = arith.constant 0 : index
    %swap3A_232 = arith.constant 0 : index
    %swap3A_233 = vector.load %arg32[%swap3A_231, %swap3A_232] : memref<2000x128xf32, #tpu.memory_space<vmem>>, vector<2000x128xf32>
    tpu.vector_store %arg32[%swap3A_231, %swap3A_232], %add3A_230 {strides = array<i32>} : memref<2000x128xf32, #tpu.memory_space<vmem>>, vector<2000x128xf32>,
    return
  }
  func.func @transform_0(%arg0: i32) -> (i32, i32) {
    %c0_i32 = arith.constant 0 : i32
    %c0_i32_0 = arith.constant 0 : i32
    return %arg0, %c0_i32 : i32, i32
  }
  func.func @transform_1(%arg0: i32) -> (i32, i32) {
    %c0_i32 = arith.constant 0 : i32
    %c0_i32_0 = arith.constant 0 : i32
    return %arg0, %c0_i32 : i32, i32
  }
  func.func @transform_2(%arg0: i32) -> (i32, i32) {
    %c0_i32 = arith.constant 0 : i32
    %c0_i32_0 = arith.constant 0 : i32
    %c0_i32_1 = arith.constant 0 : i32
    return %c0_i32, %c0_i32_0 : i32, i32
  }
  func.func @transform_3(%arg0: i32) -> (i32, i32) {
    %c0_i32 = arith.constant 0 : i32
    %c0_i32_0 = arith.constant 0 : i32
    return %arg0, %c0_i32 : i32, i32
  }
  func.func @transform_4(%arg0: i32) -> (i32, i32) {
    %c0_i32 = arith.constant 0 : i32
    %c0_i32_0 = arith.constant 0 : i32
    return %arg0, %c0_i32 : i32, i32
  }
  func.func @transform_5(%arg0: i32) -> (i32, i32) {
    %c0_i32 = arith.constant 0 : i32
    %c0_i32_0 = arith.constant 0 : i32
    %c0_i32_1 = arith.constant 0 : i32
    return %c0_i32, %c0_i32_0 : i32, i32
  }
  func.func @transform_6(%arg0: i32) -> (i32, i32) {
    %c0_i32 = arith.constant 0 : i32
    %c0_i32_0 = arith.constant 0 : i32
    %c0_i32_1 = arith.constant 0 : i32
    return %c0_i32, %c0_i32_0 : i32, i32
  }
  func.func @transform_7(%arg0: i32) -> (i32, i32) {
    %c0_i32 = arith.constant 0 : i32
    %c0_i32_0 = arith.constant 0 : i32
    %c0_i32_1 = arith.constant 0 : i32
    return %c0_i32, %c0_i32_0 : i32, i32
  }
  func.func @transform_8(%arg0: i32) -> (i32, i32) {
    %c0_i32 = arith.constant 0 : i32
    %c0_i32_0 = arith.constant 0 : i32
    %c0_i32_1 = arith.constant 0 : i32
    return %c0_i32, %c0_i32_0 : i32, i32
  }
  func.func @transform_9(%arg0: i32) -> (i32, i32) {
    %c0_i32 = arith.constant 0 : i32
    %c0_i32_0 = arith.constant 0 : i32
    %c0_i32_1 = arith.constant 0 : i32
    return %c0_i32, %c0_i32_0 : i32, i32
  }
  func.func @transform_10(%arg0: i32) -> (i32, i32) {
    %c0_i32 = arith.constant 0 : i32
    %c0_i32_0 = arith.constant 0 : i32
    %c0_i32_1 = arith.constant 0 : i32
    return %c0_i32, %c0_i32_0 : i32, i32
  }
  func.func @transform_11(%arg0: i32) -> (i32, i32) {
    %c0_i32 = arith.constant 0 : i32
    %c0_i32_0 = arith.constant 0 : i32
    %c0_i32_1 = arith.constant 0 : i32
    return %c0_i32, %c0_i32_0 : i32, i32
  }
  func.func @transform_12(%arg0: i32) -> (i32, i32) {
    %c0_i32 = arith.constant 0 : i32
    %c0_i32_0 = arith.constant 0 : i32
    %c0_i32_1 = arith.constant 0 : i32
    return %c0_i32, %c0_i32_0 : i32, i32
  }
  func.func @transform_13(%arg0: i32) -> (i32, i32) {
    %c0_i32 = arith.constant 0 : i32
    %c0_i32_0 = arith.constant 0 : i32
    %c0_i32_1 = arith.constant 0 : i32
    return %c0_i32, %c0_i32_0 : i32, i32
  }
  func.func @transform_14(%arg0: i32) -> (i32, i32) {
    %c0_i32 = arith.constant 0 : i32
    %c0_i32_0 = arith.constant 0 : i32
    %c0_i32_1 = arith.constant 0 : i32
    return %c0_i32, %c0_i32_0 : i32, i32
  }
  func.func @transform_15(%arg0: i32) -> (i32, i32) {
    %c0_i32 = arith.constant 0 : i32
    %c0_i32_0 = arith.constant 0 : i32
    %c0_i32_1 = arith.constant 0 : i32
    return %c0_i32, %c0_i32_0 : i32, i32
  }
  func.func @transform_16(%arg0: i32) -> (i32, i32) {
    %c0_i32 = arith.constant 0 : i32
    %c0_i32_0 = arith.constant 0 : i32
    %c0_i32_1 = arith.constant 0 : i32
    return %c0_i32, %c0_i32_0 : i32, i32
  }
  func.func @transform_17(%arg0: i32) -> (i32, i32) {
    %c0_i32 = arith.constant 0 : i32
    %c0_i32_0 = arith.constant 0 : i32
    %c0_i32_1 = arith.constant 0 : i32
    return %c0_i32, %c0_i32_0 : i32, i32
  }
  func.func @transform_18(%arg0: i32) -> (i32, i32) {
    %c0_i32 = arith.constant 0 : i32
    %c0_i32_0 = arith.constant 0 : i32
    %c0_i32_1 = arith.constant 0 : i32
    return %c0_i32, %c0_i32_0 : i32, i32
  }
  func.func @transform_19(%arg0: i32) -> (i32, i32) {
    %c0_i32 = arith.constant 0 : i32
    %c0_i32_0 = arith.constant 0 : i32
    %c0_i32_1 = arith.constant 0 : i32
    return %c0_i32, %c0_i32_0 : i32, i32
  }
  func.func @transform_20(%arg0: i32) -> (i32, i32) {
    %c0_i32 = arith.constant 0 : i32
    %c0_i32_0 = arith.constant 0 : i32
    %c0_i32_1 = arith.constant 0 : i32
    return %c0_i32, %c0_i32_0 : i32, i32
  }
  func.func @transform_21(%arg0: i32) -> (i32, i32) {
    %c0_i32 = arith.constant 0 : i32
    %c0_i32_0 = arith.constant 0 : i32
    %c0_i32_1 = arith.constant 0 : i32
    return %c0_i32, %c0_i32_0 : i32, i32
  }
  func.func @transform_22(%arg0: i32) -> (i32, i32) {
    %c0_i32 = arith.constant 0 : i32
    %c0_i32_0 = arith.constant 0 : i32
    %c0_i32_1 = arith.constant 0 : i32
    return %c0_i32, %c0_i32_0 : i32, i32
  }
  func.func @transform_23(%arg0: i32) -> (i32, i32) {
    %c0_i32 = arith.constant 0 : i32
    %c0_i32_0 = arith.constant 0 : i32
    %c0_i32_1 = arith.constant 0 : i32
    return %c0_i32, %c0_i32_0 : i32, i32
  }
  func.func @transform_24(%arg0: i32) -> (i32, i32) {
    %c0_i32 = arith.constant 0 : i32
    %c0_i32_0 = arith.constant 0 : i32
    %c0_i32_1 = arith.constant 0 : i32
    return %c0_i32, %c0_i32_0 : i32, i32
  }
  func.func @transform_25(%arg0: i32) -> (i32, i32) {
    %c0_i32 = arith.constant 0 : i32
    %c0_i32_0 = arith.constant 0 : i32
    %c0_i32_1 = arith.constant 0 : i32
    return %c0_i32, %c0_i32_0 : i32, i32
  }
  func.func @transform_26(%arg0: i32) -> (i32, i32) {
    %c0_i32 = arith.constant 0 : i32
    %c0_i32_0 = arith.constant 0 : i32
    %c0_i32_1 = arith.constant 0 : i32
    return %c0_i32, %c0_i32_0 : i32, i32
  }
  func.func @transform_27(%arg0: i32) -> (i32, i32) {
    %c0_i32 = arith.constant 0 : i32
    %c0_i32_0 = arith.constant 0 : i32
    %c0_i32_1 = arith.constant 0 : i32
    return %c0_i32, %c0_i32_0 : i32, i32
  }
  func.func @transform_28(%arg0: i32) -> (i32, i32) {
    %c0_i32 = arith.constant 0 : i32
    %c0_i32_0 = arith.constant 0 : i32
    %c0_i32_1 = arith.constant 0 : i32
    return %c0_i32, %c0_i32_0 : i32, i32
  }
  func.func @transform_29(%arg0: i32) -> (i32, i32) {
    %c0_i32 = arith.constant 0 : i32
    %c0_i32_0 = arith.constant 0 : i32
    return %arg0, %c0_i32 : i32, i32
  }
  func.func @transform_30(%arg0: i32) -> (i32, i32) {
    %c0_i32 = arith.constant 0 : i32
    %c0_i32_0 = arith.constant 0 : i32
    return %arg0, %c0_i32 : i32, i32
  }
  func.func @transform_31(%arg0: i32) -> (i32, i32) {
    %c0_i32 = arith.constant 0 : i32
    %c0_i32_0 = arith.constant 0 : i32
    return %arg0, %c0_i32 : i32, i32
  }
}

module attributes {stable_mosaic.version = 14 : i64} {
  func.func @_post_pool_body(%arg0: i32, %arg1: memref<2000x128xf32, #tpu.memory_space<vmem>>, %arg2: memref<2000x128xf32, #tpu.memory_space<vmem>>, %arg3: memref<1x1xf32, #tpu.memory_space<vmem>>, %arg4: memref<2000x128xf32, #tpu.memory_space<vmem>>, %arg5: memref<2000x128xf32, #tpu.memory_space<vmem>>, %arg6: memref<1x1x2000xi32, #tpu.memory_space<vmem>>, %arg7: memref<128x128xf32, #tpu.memory_space<vmem>>, %arg8: memref<1x128xf32, #tpu.memory_space<vmem>>, %arg9: memref<128x128xf32, #tpu.memory_space<vmem>>, %arg10: memref<1x128xf32, #tpu.memory_space<vmem>>, %arg11: memref<128x128xf32, #tpu.memory_space<vmem>>, %arg12: memref<1x128xf32, #tpu.memory_space<vmem>>, %arg13: memref<128x128xf32, #tpu.memory_space<vmem>>, %arg14: memref<1x128xf32, #tpu.memory_space<vmem>>, %arg15: memref<128x128xf32, #tpu.memory_space<vmem>>, %arg16: memref<1x128xf32, #tpu.memory_space<vmem>>, %arg17: memref<128x128xf32, #tpu.memory_space<vmem>>, %arg18: memref<1x128xf32, #tpu.memory_space<vmem>>, %arg19: memref<128x128xf32, #tpu.memory_space<vmem>>, %arg20: memref<1x128xf32, #tpu.memory_space<vmem>>, %arg21: memref<128x128xf32, #tpu.memory_space<vmem>>, %arg22: memref<1x128xf32, #tpu.memory_space<vmem>>, %arg23: memref<128x128xf32, #tpu.memory_space<vmem>>, %arg24: memref<1x128xf32, #tpu.memory_space<vmem>>, %arg25: memref<128x128xf32, #tpu.memory_space<vmem>>, %arg26: memref<1x128xf32, #tpu.memory_space<vmem>>, %arg27: memref<128x128xf32, #tpu.memory_space<vmem>>, %arg28: memref<1x128xf32, #tpu.memory_space<vmem>>, %arg29: memref<128x128xf32, #tpu.memory_space<vmem>>, %arg30: memref<1x128xf32, #tpu.memory_space<vmem>>, %arg31: memref<128x128xf32, #tpu.memory_space<vmem>>, %arg32: memref<1x128xf32, #tpu.memory_space<vmem>>, %arg33: memref<128x128xf32, #tpu.memory_space<vmem>>, %arg34: memref<1x128xf32, #tpu.memory_space<vmem>>, %arg35: memref<64x128xf32, #tpu.memory_space<vmem>>) attributes {dimension_semantics = [#tpu.dimension_semantics<arbitrary>], iteration_bounds = array<i64: 5>, scalar_prefetch = 0 : i64, scratch_operands = 0 : i64, tpu.core_type = #tpu.core_type<tc>, window_params = [{transform_indices = @transform_0, window_bounds = array<i64: 2000, 128>}, {transform_indices = @transform_1, window_bounds = array<i64: 2000, 128>}, {pipeline_mode = #tpu.pipeline_mode<synchronous>, transform_indices = @transform_2, window_bounds = array<i64: 1, 1>}, {transform_indices = @transform_3, window_bounds = array<i64: 2000, 128>}, {transform_indices = @transform_4, window_bounds = array<i64: 2000, 128>}, {transform_indices = @transform_5, window_bounds = array<i64: 1, 1, 2000>}, {pipeline_mode = #tpu.pipeline_mode<synchronous>, transform_indices = @transform_6, window_bounds = array<i64: 128, 128>}, {pipeline_mode = #tpu.pipeline_mode<synchronous>, transform_indices = @transform_7, window_bounds = array<i64: 1, 128>}, {pipeline_mode = #tpu.pipeline_mode<synchronous>, transform_indices = @transform_8, window_bounds = array<i64: 128, 128>}, {pipeline_mode = #tpu.pipeline_mode<synchronous>, transform_indices = @transform_9, window_bounds = array<i64: 1, 128>}, {pipeline_mode = #tpu.pipeline_mode<synchronous>, transform_indices = @transform_10, window_bounds = array<i64: 128, 128>}, {pipeline_mode = #tpu.pipeline_mode<synchronous>, transform_indices = @transform_11, window_bounds = array<i64: 1, 128>}, {pipeline_mode = #tpu.pipeline_mode<synchronous>, transform_indices = @transform_12, window_bounds = array<i64: 128, 128>}, {pipeline_mode = #tpu.pipeline_mode<synchronous>, transform_indices = @transform_13, window_bounds = array<i64: 1, 128>}, {pipeline_mode = #tpu.pipeline_mode<synchronous>, transform_indices = @transform_14, window_bounds = array<i64: 128, 128>}, {pipeline_mode = #tpu.pipeline_mode<synchronous>, transform_indices = @transform_15, window_bounds = array<i64: 1, 128>}, {pipeline_mode = #tpu.pipeline_mode<synchronous>, transform_indices = @transform_16, window_bounds = array<i64: 128, 128>}, {pipeline_mode = #tpu.pipeline_mode<synchronous>, transform_indices = @transform_17, window_bounds = array<i64: 1, 128>}, {pipeline_mode = #tpu.pipeline_mode<synchronous>, transform_indices = @transform_18, window_bounds = array<i64: 128, 128>}, {pipeline_mode = #tpu.pipeline_mode<synchronous>, transform_indices = @transform_19, window_bounds = array<i64: 1, 128>}, {pipeline_mode = #tpu.pipeline_mode<synchronous>, transform_indices = @transform_20, window_bounds = array<i64: 128, 128>}, {pipeline_mode = #tpu.pipeline_mode<synchronous>, transform_indices = @transform_21, window_bounds = array<i64: 1, 128>}, {pipeline_mode = #tpu.pipeline_mode<synchronous>, transform_indices = @transform_22, window_bounds = array<i64: 128, 128>}, {pipeline_mode = #tpu.pipeline_mode<synchronous>, transform_indices = @transform_23, window_bounds = array<i64: 1, 128>}, {pipeline_mode = #tpu.pipeline_mode<synchronous>, transform_indices = @transform_24, window_bounds = array<i64: 128, 128>}, {pipeline_mode = #tpu.pipeline_mode<synchronous>, transform_indices = @transform_25, window_bounds = array<i64: 1, 128>}, {pipeline_mode = #tpu.pipeline_mode<synchronous>, transform_indices = @transform_26, window_bounds = array<i64: 128, 128>}, {pipeline_mode = #tpu.pipeline_mode<synchronous>, transform_indices = @transform_27, window_bounds = array<i64: 1, 128>}, {pipeline_mode = #tpu.pipeline_mode<synchronous>, transform_indices = @transform_28, window_bounds = array<i64: 128, 128>}, {pipeline_mode = #tpu.pipeline_mode<synchronous>, transform_indices = @transform_29, window_bounds = array<i64: 1, 128>}, {pipeline_mode = #tpu.pipeline_mode<synchronous>, transform_indices = @transform_30, window_bounds = array<i64: 128, 128>}, {pipeline_mode = #tpu.pipeline_mode<synchronous>, transform_indices = @transform_31, window_bounds = array<i64: 1, 128>}, {pipeline_mode = #tpu.pipeline_mode<synchronous>, transform_indices = @transform_32, window_bounds = array<i64: 128, 128>}, {pipeline_mode = #tpu.pipeline_mode<synchronous>, transform_indices = @transform_33, window_bounds = array<i64: 1, 128>}, {pipeline_mode = #tpu.pipeline_mode<synchronous>, transform_indices = @transform_34, window_bounds = array<i64: 64, 128>}]} {
    %get3A = arith.constant 0 : index
    %get3A_0 = arith.constant 0 : index
    %get3A_1 = vector.load %arg1[%get3A, %get3A_0] : memref<2000x128xf32, #tpu.memory_space<vmem>>, vector<2000x128xf32>
    %get3A_2 = arith.constant 0 : index
    %get3A_3 = arith.constant 0 : index
    %get3A_4 = vector.load %arg2[%get3A_2, %get3A_3] : memref<2000x128xf32, #tpu.memory_space<vmem>>, vector<2000x128xf32>
    %add3A = arith.addf %get3A_1, %get3A_4 : vector<2000x128xf32>
    %get3A_5 = arith.constant 0 : index
    %get3A_6 = arith.constant 0 : index
    %get3A_7 = vector.load %arg3[%get3A_5, %get3A_6] : memref<1x1xf32, #tpu.memory_space<vmem>>, vector<1x1xf32>
    %get3A_8 = vector.extract %get3A_7[0, 0] : f32 from vector<1x1xf32>
    %mul3A = vector.broadcast %get3A_8 : f32 to vector<2000x128xf32>
    %mul3A_9 = arith.mulf %add3A, %mul3A : vector<2000x128xf32>
    %get3A_10 = arith.constant 0 : index
    %get3A_11 = arith.constant 0 : index
    %get3A_12 = vector.load %arg7[%get3A_10, %get3A_11] : memref<128x128xf32, #tpu.memory_space<vmem>>, vector<128x128xf32>
    %dot_general3A = arith.constant dense<0.000000e+00> : vector<2000x128xf32>
    %dot_general3A_13 = tpu.matmul %mul3A_9, %get3A_12, %dot_general3A {dimension_numbers = #tpu.dot_dimension_numbers<[1], [0], [0], [1], [0, 0, 1, 1], [], []>, transpose_lhs_hint = false} : vector<2000x128xf32>, vector<128x128xf32>, vector<2000x128xf32> -> vector<2000x128xf32>
    %get3A_14 = arith.constant 0 : index
    %get3A_15 = arith.constant 0 : index
    %get3A_16 = vector.load %arg8[%get3A_14, %get3A_15] : memref<1x128xf32, #tpu.memory_space<vmem>>, vector<1x128xf32>
    %add3A_17 = vector.broadcast %get3A_16 : vector<1x128xf32> to vector<2000x128xf32>
    %add3A_18 = arith.addf %dot_general3A_13, %add3A_17 : vector<2000x128xf32>
    %logistic3A = arith.negf %add3A_18 : vector<2000x128xf32>
    %logistic3A_19 = math.exp %logistic3A : vector<2000x128xf32>
    %logistic3A_20 = arith.constant 1.000000e+00 : f32
    %logistic3A_21 = vector.broadcast %logistic3A_20 : f32 to vector<2000x128xf32>
    %logistic3A_22 = arith.addf %logistic3A_21, %logistic3A_19 : vector<2000x128xf32>
    %logistic3A_23 = arith.divf %logistic3A_21, %logistic3A_22 : vector<2000x128xf32>
    %mul3A_24 = arith.mulf %add3A_18, %logistic3A_23 : vector<2000x128xf32>
    %get3A_25 = arith.constant 0 : index
    %get3A_26 = arith.constant 0 : index
    %get3A_27 = vector.load %arg9[%get3A_25, %get3A_26] : memref<128x128xf32, #tpu.memory_space<vmem>>, vector<128x128xf32>
    %dot_general3A_28 = arith.constant dense<0.000000e+00> : vector<2000x128xf32>
    %dot_general3A_29 = tpu.matmul %mul3A_24, %get3A_27, %dot_general3A_28 {dimension_numbers = #tpu.dot_dimension_numbers<[1], [0], [0], [1], [0, 0, 1, 1], [], []>, transpose_lhs_hint = false} : vector<2000x128xf32>, vector<128x128xf32>, vector<2000x128xf32> -> vector<2000x128xf32>
    %get3A_30 = arith.constant 0 : index
    %get3A_31 = arith.constant 0 : index
    %get3A_32 = vector.load %arg10[%get3A_30, %get3A_31] : memref<1x128xf32, #tpu.memory_space<vmem>>, vector<1x128xf32>
    %add3A_33 = vector.broadcast %get3A_32 : vector<1x128xf32> to vector<2000x128xf32>
    %add3A_34 = arith.addf %dot_general3A_29, %add3A_33 : vector<2000x128xf32>
    %logistic3A_35 = arith.negf %add3A_34 : vector<2000x128xf32>
    %logistic3A_36 = math.exp %logistic3A_35 : vector<2000x128xf32>
    %logistic3A_37 = arith.constant 1.000000e+00 : f32
    %logistic3A_38 = vector.broadcast %logistic3A_37 : f32 to vector<2000x128xf32>
    %logistic3A_39 = arith.addf %logistic3A_38, %logistic3A_36 : vector<2000x128xf32>
    %logistic3A_40 = arith.divf %logistic3A_38, %logistic3A_39 : vector<2000x128xf32>
    %mul3A_41 = arith.mulf %add3A_34, %logistic3A_40 : vector<2000x128xf32>
    %add3A_42 = arith.addf %mul3A_9, %mul3A_41 : vector<2000x128xf32>
    %get3A_43 = arith.constant 0 : index
    %get3A_44 = arith.constant 0 : index
    %get3A_45 = vector.load %arg11[%get3A_43, %get3A_44] : memref<128x128xf32, #tpu.memory_space<vmem>>, vector<128x128xf32>
    %dot_general3A_46 = arith.constant dense<0.000000e+00> : vector<2000x128xf32>
    %dot_general3A_47 = tpu.matmul %add3A_42, %get3A_45, %dot_general3A_46 {dimension_numbers = #tpu.dot_dimension_numbers<[1], [0], [0], [1], [0, 0, 1, 1], [], []>, transpose_lhs_hint = false} : vector<2000x128xf32>, vector<128x128xf32>, vector<2000x128xf32> -> vector<2000x128xf32>
    %get3A_48 = arith.constant 0 : index
    %get3A_49 = arith.constant 0 : index
    %get3A_50 = vector.load %arg12[%get3A_48, %get3A_49] : memref<1x128xf32, #tpu.memory_space<vmem>>, vector<1x128xf32>
    %add3A_51 = vector.broadcast %get3A_50 : vector<1x128xf32> to vector<2000x128xf32>
    %add3A_52 = arith.addf %dot_general3A_47, %add3A_51 : vector<2000x128xf32>
    %logistic3A_53 = arith.negf %add3A_52 : vector<2000x128xf32>
    %logistic3A_54 = math.exp %logistic3A_53 : vector<2000x128xf32>
    %logistic3A_55 = arith.constant 1.000000e+00 : f32
    %logistic3A_56 = vector.broadcast %logistic3A_55 : f32 to vector<2000x128xf32>
    %logistic3A_57 = arith.addf %logistic3A_56, %logistic3A_54 : vector<2000x128xf32>
    %logistic3A_58 = arith.divf %logistic3A_56, %logistic3A_57 : vector<2000x128xf32>
    %mul3A_59 = arith.mulf %add3A_52, %logistic3A_58 : vector<2000x128xf32>
    %get3A_60 = arith.constant 0 : index
    %get3A_61 = arith.constant 0 : index
    %get3A_62 = vector.load %arg13[%get3A_60, %get3A_61] : memref<128x128xf32, #tpu.memory_space<vmem>>, vector<128x128xf32>
    %dot_general3A_63 = arith.constant dense<0.000000e+00> : vector<2000x128xf32>
    %dot_general3A_64 = tpu.matmul %mul3A_59, %get3A_62, %dot_general3A_63 {dimension_numbers = #tpu.dot_dimension_numbers<[1], [0], [0], [1], [0, 0, 1, 1], [], []>, transpose_lhs_hint = false} : vector<2000x128xf32>, vector<128x128xf32>, vector<2000x128xf32> -> vector<2000x128xf32>
    %get3A_65 = arith.constant 0 : index
    %get3A_66 = arith.constant 0 : index
    %get3A_67 = vector.load %arg14[%get3A_65, %get3A_66] : memref<1x128xf32, #tpu.memory_space<vmem>>, vector<1x128xf32>
    %add3A_68 = vector.broadcast %get3A_67 : vector<1x128xf32> to vector<2000x128xf32>
    %add3A_69 = arith.addf %dot_general3A_64, %add3A_68 : vector<2000x128xf32>
    %logistic3A_70 = arith.negf %add3A_69 : vector<2000x128xf32>
    %logistic3A_71 = math.exp %logistic3A_70 : vector<2000x128xf32>
    %logistic3A_72 = arith.constant 1.000000e+00 : f32
    %logistic3A_73 = vector.broadcast %logistic3A_72 : f32 to vector<2000x128xf32>
    %logistic3A_74 = arith.addf %logistic3A_73, %logistic3A_71 : vector<2000x128xf32>
    %logistic3A_75 = arith.divf %logistic3A_73, %logistic3A_74 : vector<2000x128xf32>
    %mul3A_76 = arith.mulf %add3A_69, %logistic3A_75 : vector<2000x128xf32>
    %add3A_77 = arith.addf %add3A_42, %mul3A_76 : vector<2000x128xf32>
    %get3A_78 = arith.constant 0 : index
    %get3A_79 = arith.constant 0 : index
    %get3A_80 = vector.load %arg4[%get3A_78, %get3A_79] : memref<2000x128xf32, #tpu.memory_space<vmem>>, vector<2000x128xf32>
    %mul3A_81 = arith.mulf %get3A_80, %add3A_77 : vector<2000x128xf32>
    %get3A_82 = arith.constant 0 : index
    %get3A_83 = arith.constant 0 : index
    %get3A_84 = vector.load %arg15[%get3A_82, %get3A_83] : memref<128x128xf32, #tpu.memory_space<vmem>>, vector<128x128xf32>
    %dot_general3A_85 = arith.constant dense<0.000000e+00> : vector<2000x128xf32>
    %dot_general3A_86 = tpu.matmul %mul3A_81, %get3A_84, %dot_general3A_85 {dimension_numbers = #tpu.dot_dimension_numbers<[1], [0], [0], [1], [0, 0, 1, 1], [], []>, transpose_lhs_hint = false} : vector<2000x128xf32>, vector<128x128xf32>, vector<2000x128xf32> -> vector<2000x128xf32>
    %get3A_87 = arith.constant 0 : index
    %get3A_88 = arith.constant 0 : index
    %get3A_89 = vector.load %arg16[%get3A_87, %get3A_88] : memref<1x128xf32, #tpu.memory_space<vmem>>, vector<1x128xf32>
    %add3A_90 = vector.broadcast %get3A_89 : vector<1x128xf32> to vector<2000x128xf32>
    %add3A_91 = arith.addf %dot_general3A_86, %add3A_90 : vector<2000x128xf32>
    %logistic3A_92 = arith.negf %add3A_91 : vector<2000x128xf32>
    %logistic3A_93 = math.exp %logistic3A_92 : vector<2000x128xf32>
    %logistic3A_94 = arith.constant 1.000000e+00 : f32
    %logistic3A_95 = vector.broadcast %logistic3A_94 : f32 to vector<2000x128xf32>
    %logistic3A_96 = arith.addf %logistic3A_95, %logistic3A_93 : vector<2000x128xf32>
    %logistic3A_97 = arith.divf %logistic3A_95, %logistic3A_96 : vector<2000x128xf32>
    %mul3A_98 = arith.mulf %add3A_91, %logistic3A_97 : vector<2000x128xf32>
    %get3A_99 = arith.constant 0 : index
    %get3A_100 = arith.constant 0 : index
    %get3A_101 = vector.load %arg17[%get3A_99, %get3A_100] : memref<128x128xf32, #tpu.memory_space<vmem>>, vector<128x128xf32>
    %dot_general3A_102 = arith.constant dense<0.000000e+00> : vector<2000x128xf32>
    %dot_general3A_103 = tpu.matmul %mul3A_98, %get3A_101, %dot_general3A_102 {dimension_numbers = #tpu.dot_dimension_numbers<[1], [0], [0], [1], [0, 0, 1, 1], [], []>, transpose_lhs_hint = false} : vector<2000x128xf32>, vector<128x128xf32>, vector<2000x128xf32> -> vector<2000x128xf32>
    %get3A_104 = arith.constant 0 : index
    %get3A_105 = arith.constant 0 : index
    %get3A_106 = vector.load %arg18[%get3A_104, %get3A_105] : memref<1x128xf32, #tpu.memory_space<vmem>>, vector<1x128xf32>
    %add3A_107 = vector.broadcast %get3A_106 : vector<1x128xf32> to vector<2000x128xf32>
    %add3A_108 = arith.addf %dot_general3A_103, %add3A_107 : vector<2000x128xf32>
    %logistic3A_109 = arith.negf %add3A_108 : vector<2000x128xf32>
    %logistic3A_110 = math.exp %logistic3A_109 : vector<2000x128xf32>
    %logistic3A_111 = arith.constant 1.000000e+00 : f32
    %logistic3A_112 = vector.broadcast %logistic3A_111 : f32 to vector<2000x128xf32>
    %logistic3A_113 = arith.addf %logistic3A_112, %logistic3A_110 : vector<2000x128xf32>
    %logistic3A_114 = arith.divf %logistic3A_112, %logistic3A_113 : vector<2000x128xf32>
    %mul3A_115 = arith.mulf %add3A_108, %logistic3A_114 : vector<2000x128xf32>
    %add3A_116 = arith.addf %mul3A_81, %mul3A_115 : vector<2000x128xf32>
    %get3A_117 = arith.constant 0 : index
    %get3A_118 = arith.constant 0 : index
    %get3A_119 = vector.load %arg19[%get3A_117, %get3A_118] : memref<128x128xf32, #tpu.memory_space<vmem>>, vector<128x128xf32>
    %dot_general3A_120 = arith.constant dense<0.000000e+00> : vector<2000x128xf32>
    %dot_general3A_121 = tpu.matmul %add3A_116, %get3A_119, %dot_general3A_120 {dimension_numbers = #tpu.dot_dimension_numbers<[1], [0], [0], [1], [0, 0, 1, 1], [], []>, transpose_lhs_hint = false} : vector<2000x128xf32>, vector<128x128xf32>, vector<2000x128xf32> -> vector<2000x128xf32>
    %get3A_122 = arith.constant 0 : index
    %get3A_123 = arith.constant 0 : index
    %get3A_124 = vector.load %arg20[%get3A_122, %get3A_123] : memref<1x128xf32, #tpu.memory_space<vmem>>, vector<1x128xf32>
    %add3A_125 = vector.broadcast %get3A_124 : vector<1x128xf32> to vector<2000x128xf32>
    %add3A_126 = arith.addf %dot_general3A_121, %add3A_125 : vector<2000x128xf32>
    %logistic3A_127 = arith.negf %add3A_126 : vector<2000x128xf32>
    %logistic3A_128 = math.exp %logistic3A_127 : vector<2000x128xf32>
    %logistic3A_129 = arith.constant 1.000000e+00 : f32
    %logistic3A_130 = vector.broadcast %logistic3A_129 : f32 to vector<2000x128xf32>
    %logistic3A_131 = arith.addf %logistic3A_130, %logistic3A_128 : vector<2000x128xf32>
    %logistic3A_132 = arith.divf %logistic3A_130, %logistic3A_131 : vector<2000x128xf32>
    %mul3A_133 = arith.mulf %add3A_126, %logistic3A_132 : vector<2000x128xf32>
    %get3A_134 = arith.constant 0 : index
    %get3A_135 = arith.constant 0 : index
    %get3A_136 = vector.load %arg21[%get3A_134, %get3A_135] : memref<128x128xf32, #tpu.memory_space<vmem>>, vector<128x128xf32>
    %dot_general3A_137 = arith.constant dense<0.000000e+00> : vector<2000x128xf32>
    %dot_general3A_138 = tpu.matmul %mul3A_133, %get3A_136, %dot_general3A_137 {dimension_numbers = #tpu.dot_dimension_numbers<[1], [0], [0], [1], [0, 0, 1, 1], [], []>, transpose_lhs_hint = false} : vector<2000x128xf32>, vector<128x128xf32>, vector<2000x128xf32> -> vector<2000x128xf32>
    %get3A_139 = arith.constant 0 : index
    %get3A_140 = arith.constant 0 : index
    %get3A_141 = vector.load %arg22[%get3A_139, %get3A_140] : memref<1x128xf32, #tpu.memory_space<vmem>>, vector<1x128xf32>
    %add3A_142 = vector.broadcast %get3A_141 : vector<1x128xf32> to vector<2000x128xf32>
    %add3A_143 = arith.addf %dot_general3A_138, %add3A_142 : vector<2000x128xf32>
    %logistic3A_144 = arith.negf %add3A_143 : vector<2000x128xf32>
    %logistic3A_145 = math.exp %logistic3A_144 : vector<2000x128xf32>
    %logistic3A_146 = arith.constant 1.000000e+00 : f32
    %logistic3A_147 = vector.broadcast %logistic3A_146 : f32 to vector<2000x128xf32>
    %logistic3A_148 = arith.addf %logistic3A_147, %logistic3A_145 : vector<2000x128xf32>
    %logistic3A_149 = arith.divf %logistic3A_147, %logistic3A_148 : vector<2000x128xf32>
    %mul3A_150 = arith.mulf %add3A_143, %logistic3A_149 : vector<2000x128xf32>
    %add3A_151 = arith.addf %add3A_116, %mul3A_150 : vector<2000x128xf32>
    %get3A_152 = arith.constant 0 : index
    %get3A_153 = arith.constant 0 : index
    %get3A_154 = vector.load %arg5[%get3A_152, %get3A_153] : memref<2000x128xf32, #tpu.memory_space<vmem>>, vector<2000x128xf32>
    %add3A_155 = arith.addf %add3A_151, %get3A_154 : vector<2000x128xf32>
    %eq3A = arith.constant 0 : i32
    %eq3A_156 = arith.cmpi eq, %arg0, %eq3A : i32
    %convert_element_type3A = arith.extui %eq3A_156 : i1 to i32
    %cond3A = arith.constant 0 : i32
    %cond3A_157 = arith.cmpi ne, %convert_element_type3A, %cond3A : i32
    scf.if %cond3A_157 {
      %broadcast_in_dim3A = arith.constant 0.000000e+00 : f32
      %broadcast_in_dim3A_180 = vector.broadcast %broadcast_in_dim3A : f32 to vector<64x128xf32>
      %swap3A_181 = arith.constant 0 : index
      %swap3A_182 = arith.constant 0 : index
      %swap3A_183 = vector.load %arg35[%swap3A_181, %swap3A_182] : memref<64x128xf32, #tpu.memory_space<vmem>>, vector<64x128xf32>
      tpu.vector_store %arg35[%swap3A_181, %swap3A_182], %broadcast_in_dim3A_180 {strides = array<i32>} : memref<64x128xf32, #tpu.memory_space<vmem>>, vector<64x128xf32>,
    } else {
    }
    %get3A_158 = arith.constant 0 : index
    %get3A_159 = arith.constant 0 : index
    %get3A_160 = arith.constant 0 : index
    %get3A_161 = vector.load %arg6[%get3A_158, %get3A_159, %get3A_160] : memref<1x1x2000xi32, #tpu.memory_space<vmem>>, vector<1x1x2000xi32>
    %get3A_162 = vector.shape_cast %get3A_161 : vector<1x1x2000xi32> to vector<1x2000xi32>
    %iota3A = tpu.iota {dimensions = array<i32: 0>} : vector<64x2000xi32>
    %eq3A_163 = vector.broadcast %get3A_162 : vector<1x2000xi32> to vector<64x2000xi32>
    %eq3A_164 = arith.cmpi eq, %eq3A_163, %iota3A : vector<64x2000xi32>
    %convert_element_type3A_165 = arith.extui %eq3A_164 : vector<64x2000xi1> to vector<64x2000xi32>
    %convert_element_type3A_166 = arith.sitofp %convert_element_type3A_165 : vector<64x2000xi32> to vector<64x2000xf32>
    %get3A_167 = arith.constant 0 : index
    %get3A_168 = arith.constant 0 : index
    %get3A_169 = vector.load %arg35[%get3A_167, %get3A_168] : memref<64x128xf32, #tpu.memory_space<vmem>>, vector<64x128xf32>
    %dot_general3A_170 = arith.constant dense<0.000000e+00> : vector<64x128xf32>
    %dot_general3A_171 = tpu.matmul %convert_element_type3A_166, %add3A_155, %dot_general3A_170 {dimension_numbers = #tpu.dot_dimension_numbers<[1], [0], [0], [1], [0, 0, 1, 1], [], []>, transpose_lhs_hint = false} : vector<64x2000xf32>, vector<2000x128xf32>, vector<64x128xf32> -> vector<64x128xf32>
    %add3A_172 = arith.addf %get3A_169, %dot_general3A_171 : vector<64x128xf32>
    %swap3A = arith.constant 0 : index
    %swap3A_173 = arith.constant 0 : index
    %swap3A_174 = vector.load %arg35[%swap3A, %swap3A_173] : memref<64x128xf32, #tpu.memory_space<vmem>>, vector<64x128xf32>
    tpu.vector_store %arg35[%swap3A, %swap3A_173], %add3A_172 {strides = array<i32>} : memref<64x128xf32, #tpu.memory_space<vmem>>, vector<64x128xf32>,
    %eq3A_175 = arith.constant 4 : i32
    %eq3A_176 = arith.cmpi eq, %arg0, %eq3A_175 : i32
    %convert_element_type3A_177 = arith.extui %eq3A_176 : i1 to i32
    %cond3A_178 = arith.constant 0 : i32
    %cond3A_179 = arith.cmpi ne, %convert_element_type3A_177, %cond3A_178 : i32
    scf.if %cond3A_179 {
      %get3A_180 = arith.constant 0 : index
      %get3A_181 = arith.constant 0 : index
      %get3A_182 = vector.load %arg35[%get3A_180, %get3A_181] : memref<64x128xf32, #tpu.memory_space<vmem>>, vector<64x128xf32>
      %get3A_183 = arith.constant 0 : index
      %get3A_184 = arith.constant 0 : index
      %get3A_185 = vector.load %arg23[%get3A_183, %get3A_184] : memref<128x128xf32, #tpu.memory_space<vmem>>, vector<128x128xf32>
      %dot_general3A_186 = arith.constant dense<0.000000e+00> : vector<64x128xf32>
      %dot_general3A_187 = tpu.matmul %get3A_182, %get3A_185, %dot_general3A_186 {dimension_numbers = #tpu.dot_dimension_numbers<[1], [0], [0], [1], [0, 0, 1, 1], [], []>, transpose_lhs_hint = false} : vector<64x128xf32>, vector<128x128xf32>, vector<64x128xf32> -> vector<64x128xf32>
      %get3A_188 = arith.constant 0 : index
      %get3A_189 = arith.constant 0 : index
      %get3A_190 = vector.load %arg24[%get3A_188, %get3A_189] : memref<1x128xf32, #tpu.memory_space<vmem>>, vector<1x128xf32>
      %add3A_191 = vector.broadcast %get3A_190 : vector<1x128xf32> to vector<64x128xf32>
      %add3A_192 = arith.addf %dot_general3A_187, %add3A_191 : vector<64x128xf32>
      %logistic3A_193 = arith.negf %add3A_192 : vector<64x128xf32>
      %logistic3A_194 = math.exp %logistic3A_193 : vector<64x128xf32>
      %logistic3A_195 = arith.constant 1.000000e+00 : f32
      %logistic3A_196 = vector.broadcast %logistic3A_195 : f32 to vector<64x128xf32>
      %logistic3A_197 = arith.addf %logistic3A_196, %logistic3A_194 : vector<64x128xf32>
      %logistic3A_198 = arith.divf %logistic3A_196, %logistic3A_197 : vector<64x128xf32>
      %mul3A_199 = arith.mulf %add3A_192, %logistic3A_198 : vector<64x128xf32>
      %get3A_200 = arith.constant 0 : index
      %get3A_201 = arith.constant 0 : index
      %get3A_202 = vector.load %arg25[%get3A_200, %get3A_201] : memref<128x128xf32, #tpu.memory_space<vmem>>, vector<128x128xf32>
      %dot_general3A_203 = arith.constant dense<0.000000e+00> : vector<64x128xf32>
      %dot_general3A_204 = tpu.matmul %mul3A_199, %get3A_202, %dot_general3A_203 {dimension_numbers = #tpu.dot_dimension_numbers<[1], [0], [0], [1], [0, 0, 1, 1], [], []>, transpose_lhs_hint = false} : vector<64x128xf32>, vector<128x128xf32>, vector<64x128xf32> -> vector<64x128xf32>
      %get3A_205 = arith.constant 0 : index
      %get3A_206 = arith.constant 0 : index
      %get3A_207 = vector.load %arg26[%get3A_205, %get3A_206] : memref<1x128xf32, #tpu.memory_space<vmem>>, vector<1x128xf32>
      %add3A_208 = vector.broadcast %get3A_207 : vector<1x128xf32> to vector<64x128xf32>
      %add3A_209 = arith.addf %dot_general3A_204, %add3A_208 : vector<64x128xf32>
      %logistic3A_210 = arith.negf %add3A_209 : vector<64x128xf32>
      %logistic3A_211 = math.exp %logistic3A_210 : vector<64x128xf32>
      %logistic3A_212 = arith.constant 1.000000e+00 : f32
      %logistic3A_213 = vector.broadcast %logistic3A_212 : f32 to vector<64x128xf32>
      %logistic3A_214 = arith.addf %logistic3A_213, %logistic3A_211 : vector<64x128xf32>
      %logistic3A_215 = arith.divf %logistic3A_213, %logistic3A_214 : vector<64x128xf32>
      %mul3A_216 = arith.mulf %add3A_209, %logistic3A_215 : vector<64x128xf32>
      %add3A_217 = arith.addf %get3A_182, %mul3A_216 : vector<64x128xf32>
      %get3A_218 = arith.constant 0 : index
      %get3A_219 = arith.constant 0 : index
      %get3A_220 = vector.load %arg27[%get3A_218, %get3A_219] : memref<128x128xf32, #tpu.memory_space<vmem>>, vector<128x128xf32>
      %dot_general3A_221 = arith.constant dense<0.000000e+00> : vector<64x128xf32>
      %dot_general3A_222 = tpu.matmul %add3A_217, %get3A_220, %dot_general3A_221 {dimension_numbers = #tpu.dot_dimension_numbers<[1], [0], [0], [1], [0, 0, 1, 1], [], []>, transpose_lhs_hint = false} : vector<64x128xf32>, vector<128x128xf32>, vector<64x128xf32> -> vector<64x128xf32>
      %get3A_223 = arith.constant 0 : index
      %get3A_224 = arith.constant 0 : index
      %get3A_225 = vector.load %arg28[%get3A_223, %get3A_224] : memref<1x128xf32, #tpu.memory_space<vmem>>, vector<1x128xf32>
      %add3A_226 = vector.broadcast %get3A_225 : vector<1x128xf32> to vector<64x128xf32>
      %add3A_227 = arith.addf %dot_general3A_222, %add3A_226 : vector<64x128xf32>
      %logistic3A_228 = arith.negf %add3A_227 : vector<64x128xf32>
      %logistic3A_229 = math.exp %logistic3A_228 : vector<64x128xf32>
      %logistic3A_230 = arith.constant 1.000000e+00 : f32
      %logistic3A_231 = vector.broadcast %logistic3A_230 : f32 to vector<64x128xf32>
      %logistic3A_232 = arith.addf %logistic3A_231, %logistic3A_229 : vector<64x128xf32>
      %logistic3A_233 = arith.divf %logistic3A_231, %logistic3A_232 : vector<64x128xf32>
      %mul3A_234 = arith.mulf %add3A_227, %logistic3A_233 : vector<64x128xf32>
      %get3A_235 = arith.constant 0 : index
      %get3A_236 = arith.constant 0 : index
      %get3A_237 = vector.load %arg29[%get3A_235, %get3A_236] : memref<128x128xf32, #tpu.memory_space<vmem>>, vector<128x128xf32>
      %dot_general3A_238 = arith.constant dense<0.000000e+00> : vector<64x128xf32>
      %dot_general3A_239 = tpu.matmul %mul3A_234, %get3A_237, %dot_general3A_238 {dimension_numbers = #tpu.dot_dimension_numbers<[1], [0], [0], [1], [0, 0, 1, 1], [], []>, transpose_lhs_hint = false} : vector<64x128xf32>, vector<128x128xf32>, vector<64x128xf32> -> vector<64x128xf32>
      %get3A_240 = arith.constant 0 : index
      %get3A_241 = arith.constant 0 : index
      %get3A_242 = vector.load %arg30[%get3A_240, %get3A_241] : memref<1x128xf32, #tpu.memory_space<vmem>>, vector<1x128xf32>
      %add3A_243 = vector.broadcast %get3A_242 : vector<1x128xf32> to vector<64x128xf32>
      %add3A_244 = arith.addf %dot_general3A_239, %add3A_243 : vector<64x128xf32>
      %logistic3A_245 = arith.negf %add3A_244 : vector<64x128xf32>
      %logistic3A_246 = math.exp %logistic3A_245 : vector<64x128xf32>
      %logistic3A_247 = arith.constant 1.000000e+00 : f32
      %logistic3A_248 = vector.broadcast %logistic3A_247 : f32 to vector<64x128xf32>
      %logistic3A_249 = arith.addf %logistic3A_248, %logistic3A_246 : vector<64x128xf32>
      %logistic3A_250 = arith.divf %logistic3A_248, %logistic3A_249 : vector<64x128xf32>
      %mul3A_251 = arith.mulf %add3A_244, %logistic3A_250 : vector<64x128xf32>
      %add3A_252 = arith.addf %add3A_217, %mul3A_251 : vector<64x128xf32>
      %get3A_253 = arith.constant 0 : index
      %get3A_254 = arith.constant 0 : index
      %get3A_255 = vector.load %arg31[%get3A_253, %get3A_254] : memref<128x128xf32, #tpu.memory_space<vmem>>, vector<128x128xf32>
      %dot_general3A_256 = arith.constant dense<0.000000e+00> : vector<64x128xf32>
      %dot_general3A_257 = tpu.matmul %add3A_252, %get3A_255, %dot_general3A_256 {dimension_numbers = #tpu.dot_dimension_numbers<[1], [0], [0], [1], [0, 0, 1, 1], [], []>, transpose_lhs_hint = false} : vector<64x128xf32>, vector<128x128xf32>, vector<64x128xf32> -> vector<64x128xf32>
      %get3A_258 = arith.constant 0 : index
      %get3A_259 = arith.constant 0 : index
      %get3A_260 = vector.load %arg32[%get3A_258, %get3A_259] : memref<1x128xf32, #tpu.memory_space<vmem>>, vector<1x128xf32>
      %add3A_261 = vector.broadcast %get3A_260 : vector<1x128xf32> to vector<64x128xf32>
      %add3A_262 = arith.addf %dot_general3A_257, %add3A_261 : vector<64x128xf32>
      %logistic3A_263 = arith.negf %add3A_262 : vector<64x128xf32>
      %logistic3A_264 = math.exp %logistic3A_263 : vector<64x128xf32>
      %logistic3A_265 = arith.constant 1.000000e+00 : f32
      %logistic3A_266 = vector.broadcast %logistic3A_265 : f32 to vector<64x128xf32>
      %logistic3A_267 = arith.addf %logistic3A_266, %logistic3A_264 : vector<64x128xf32>
      %logistic3A_268 = arith.divf %logistic3A_266, %logistic3A_267 : vector<64x128xf32>
      %mul3A_269 = arith.mulf %add3A_262, %logistic3A_268 : vector<64x128xf32>
      %get3A_270 = arith.constant 0 : index
      %get3A_271 = arith.constant 0 : index
      %get3A_272 = vector.load %arg33[%get3A_270, %get3A_271] : memref<128x128xf32, #tpu.memory_space<vmem>>, vector<128x128xf32>
      %dot_general3A_273 = arith.constant dense<0.000000e+00> : vector<64x128xf32>
      %dot_general3A_274 = tpu.matmul %mul3A_269, %get3A_272, %dot_general3A_273 {dimension_numbers = #tpu.dot_dimension_numbers<[1], [0], [0], [1], [0, 0, 1, 1], [], []>, transpose_lhs_hint = false} : vector<64x128xf32>, vector<128x128xf32>, vector<64x128xf32> -> vector<64x128xf32>
      %get3A_275 = arith.constant 0 : index
      %get3A_276 = arith.constant 0 : index
      %get3A_277 = vector.load %arg34[%get3A_275, %get3A_276] : memref<1x128xf32, #tpu.memory_space<vmem>>, vector<1x128xf32>
      %add3A_278 = vector.broadcast %get3A_277 : vector<1x128xf32> to vector<64x128xf32>
      %add3A_279 = arith.addf %dot_general3A_274, %add3A_278 : vector<64x128xf32>
      %logistic3A_280 = arith.negf %add3A_279 : vector<64x128xf32>
      %logistic3A_281 = math.exp %logistic3A_280 : vector<64x128xf32>
      %logistic3A_282 = arith.constant 1.000000e+00 : f32
      %logistic3A_283 = vector.broadcast %logistic3A_282 : f32 to vector<64x128xf32>
      %logistic3A_284 = arith.addf %logistic3A_283, %logistic3A_281 : vector<64x128xf32>
      %logistic3A_285 = arith.divf %logistic3A_283, %logistic3A_284 : vector<64x128xf32>
      %mul3A_286 = arith.mulf %add3A_279, %logistic3A_285 : vector<64x128xf32>
      %add3A_287 = arith.addf %add3A_252, %mul3A_286 : vector<64x128xf32>
      %swap3A_288 = arith.constant 0 : index
      %swap3A_289 = arith.constant 0 : index
      %swap3A_290 = vector.load %arg35[%swap3A_288, %swap3A_289] : memref<64x128xf32, #tpu.memory_space<vmem>>, vector<64x128xf32>
      tpu.vector_store %arg35[%swap3A_288, %swap3A_289], %add3A_287 {strides = array<i32>} : memref<64x128xf32, #tpu.memory_space<vmem>>, vector<64x128xf32>,
    } else {
    }
    return
  }
  func.func @transform_0(%arg0: i32) -> (i32, i32) {
    %c0_i32 = arith.constant 0 : i32
    %c0_i32_0 = arith.constant 0 : i32
    return %arg0, %c0_i32 : i32, i32
  }
  func.func @transform_1(%arg0: i32) -> (i32, i32) {
    %c0_i32 = arith.constant 0 : i32
    %c0_i32_0 = arith.constant 0 : i32
    return %arg0, %c0_i32 : i32, i32
  }
  func.func @transform_2(%arg0: i32) -> (i32, i32) {
    %c0_i32 = arith.constant 0 : i32
    %c0_i32_0 = arith.constant 0 : i32
    %c0_i32_1 = arith.constant 0 : i32
    return %c0_i32, %c0_i32_0 : i32, i32
  }
  func.func @transform_3(%arg0: i32) -> (i32, i32) {
    %c0_i32 = arith.constant 0 : i32
    %c0_i32_0 = arith.constant 0 : i32
    return %arg0, %c0_i32 : i32, i32
  }
  func.func @transform_4(%arg0: i32) -> (i32, i32) {
    %c0_i32 = arith.constant 0 : i32
    %c0_i32_0 = arith.constant 0 : i32
    return %arg0, %c0_i32 : i32, i32
  }
  func.func @transform_5(%arg0: i32) -> (i32, i32, i32) {
    %c0_i32 = arith.constant 0 : i32
    %c0_i32_0 = arith.constant 0 : i32
    %c0_i32_1 = arith.constant 0 : i32
    return %arg0, %c0_i32, %c0_i32_0 : i32, i32, i32
  }
  func.func @transform_6(%arg0: i32) -> (i32, i32) {
    %c0_i32 = arith.constant 0 : i32
    %c0_i32_0 = arith.constant 0 : i32
    %c0_i32_1 = arith.constant 0 : i32
    return %c0_i32, %c0_i32_0 : i32, i32
  }
  func.func @transform_7(%arg0: i32) -> (i32, i32) {
    %c0_i32 = arith.constant 0 : i32
    %c0_i32_0 = arith.constant 0 : i32
    %c0_i32_1 = arith.constant 0 : i32
    return %c0_i32, %c0_i32_0 : i32, i32
  }
  func.func @transform_8(%arg0: i32) -> (i32, i32) {
    %c0_i32 = arith.constant 0 : i32
    %c0_i32_0 = arith.constant 0 : i32
    %c0_i32_1 = arith.constant 0 : i32
    return %c0_i32, %c0_i32_0 : i32, i32
  }
  func.func @transform_9(%arg0: i32) -> (i32, i32) {
    %c0_i32 = arith.constant 0 : i32
    %c0_i32_0 = arith.constant 0 : i32
    %c0_i32_1 = arith.constant 0 : i32
    return %c0_i32, %c0_i32_0 : i32, i32
  }
  func.func @transform_10(%arg0: i32) -> (i32, i32) {
    %c0_i32 = arith.constant 0 : i32
    %c0_i32_0 = arith.constant 0 : i32
    %c0_i32_1 = arith.constant 0 : i32
    return %c0_i32, %c0_i32_0 : i32, i32
  }
  func.func @transform_11(%arg0: i32) -> (i32, i32) {
    %c0_i32 = arith.constant 0 : i32
    %c0_i32_0 = arith.constant 0 : i32
    %c0_i32_1 = arith.constant 0 : i32
    return %c0_i32, %c0_i32_0 : i32, i32
  }
  func.func @transform_12(%arg0: i32) -> (i32, i32) {
    %c0_i32 = arith.constant 0 : i32
    %c0_i32_0 = arith.constant 0 : i32
    %c0_i32_1 = arith.constant 0 : i32
    return %c0_i32, %c0_i32_0 : i32, i32
  }
  func.func @transform_13(%arg0: i32) -> (i32, i32) {
    %c0_i32 = arith.constant 0 : i32
    %c0_i32_0 = arith.constant 0 : i32
    %c0_i32_1 = arith.constant 0 : i32
    return %c0_i32, %c0_i32_0 : i32, i32
  }
  func.func @transform_14(%arg0: i32) -> (i32, i32) {
    %c0_i32 = arith.constant 0 : i32
    %c0_i32_0 = arith.constant 0 : i32
    %c0_i32_1 = arith.constant 0 : i32
    return %c0_i32, %c0_i32_0 : i32, i32
  }
  func.func @transform_15(%arg0: i32) -> (i32, i32) {
    %c0_i32 = arith.constant 0 : i32
    %c0_i32_0 = arith.constant 0 : i32
    %c0_i32_1 = arith.constant 0 : i32
    return %c0_i32, %c0_i32_0 : i32, i32
  }
  func.func @transform_16(%arg0: i32) -> (i32, i32) {
    %c0_i32 = arith.constant 0 : i32
    %c0_i32_0 = arith.constant 0 : i32
    %c0_i32_1 = arith.constant 0 : i32
    return %c0_i32, %c0_i32_0 : i32, i32
  }
  func.func @transform_17(%arg0: i32) -> (i32, i32) {
    %c0_i32 = arith.constant 0 : i32
    %c0_i32_0 = arith.constant 0 : i32
    %c0_i32_1 = arith.constant 0 : i32
    return %c0_i32, %c0_i32_0 : i32, i32
  }
  func.func @transform_18(%arg0: i32) -> (i32, i32) {
    %c0_i32 = arith.constant 0 : i32
    %c0_i32_0 = arith.constant 0 : i32
    %c0_i32_1 = arith.constant 0 : i32
    return %c0_i32, %c0_i32_0 : i32, i32
  }
  func.func @transform_19(%arg0: i32) -> (i32, i32) {
    %c0_i32 = arith.constant 0 : i32
    %c0_i32_0 = arith.constant 0 : i32
    %c0_i32_1 = arith.constant 0 : i32
    return %c0_i32, %c0_i32_0 : i32, i32
  }
  func.func @transform_20(%arg0: i32) -> (i32, i32) {
    %c0_i32 = arith.constant 0 : i32
    %c0_i32_0 = arith.constant 0 : i32
    %c0_i32_1 = arith.constant 0 : i32
    return %c0_i32, %c0_i32_0 : i32, i32
  }
  func.func @transform_21(%arg0: i32) -> (i32, i32) {
    %c0_i32 = arith.constant 0 : i32
    %c0_i32_0 = arith.constant 0 : i32
    %c0_i32_1 = arith.constant 0 : i32
    return %c0_i32, %c0_i32_0 : i32, i32
  }
  func.func @transform_22(%arg0: i32) -> (i32, i32) {
    %c0_i32 = arith.constant 0 : i32
    %c0_i32_0 = arith.constant 0 : i32
    %c0_i32_1 = arith.constant 0 : i32
    return %c0_i32, %c0_i32_0 : i32, i32
  }
  func.func @transform_23(%arg0: i32) -> (i32, i32) {
    %c0_i32 = arith.constant 0 : i32
    %c0_i32_0 = arith.constant 0 : i32
    %c0_i32_1 = arith.constant 0 : i32
    return %c0_i32, %c0_i32_0 : i32, i32
  }
  func.func @transform_24(%arg0: i32) -> (i32, i32) {
    %c0_i32 = arith.constant 0 : i32
    %c0_i32_0 = arith.constant 0 : i32
    %c0_i32_1 = arith.constant 0 : i32
    return %c0_i32, %c0_i32_0 : i32, i32
  }
  func.func @transform_25(%arg0: i32) -> (i32, i32) {
    %c0_i32 = arith.constant 0 : i32
    %c0_i32_0 = arith.constant 0 : i32
    %c0_i32_1 = arith.constant 0 : i32
    return %c0_i32, %c0_i32_0 : i32, i32
  }
  func.func @transform_26(%arg0: i32) -> (i32, i32) {
    %c0_i32 = arith.constant 0 : i32
    %c0_i32_0 = arith.constant 0 : i32
    %c0_i32_1 = arith.constant 0 : i32
    return %c0_i32, %c0_i32_0 : i32, i32
  }
  func.func @transform_27(%arg0: i32) -> (i32, i32) {
    %c0_i32 = arith.constant 0 : i32
    %c0_i32_0 = arith.constant 0 : i32
    %c0_i32_1 = arith.constant 0 : i32
    return %c0_i32, %c0_i32_0 : i32, i32
  }
  func.func @transform_28(%arg0: i32) -> (i32, i32) {
    %c0_i32 = arith.constant 0 : i32
    %c0_i32_0 = arith.constant 0 : i32
    %c0_i32_1 = arith.constant 0 : i32
    return %c0_i32, %c0_i32_0 : i32, i32
  }
  func.func @transform_29(%arg0: i32) -> (i32, i32) {
    %c0_i32 = arith.constant 0 : i32
    %c0_i32_0 = arith.constant 0 : i32
    %c0_i32_1 = arith.constant 0 : i32
    return %c0_i32, %c0_i32_0 : i32, i32
  }
  func.func @transform_30(%arg0: i32) -> (i32, i32) {
    %c0_i32 = arith.constant 0 : i32
    %c0_i32_0 = arith.constant 0 : i32
    %c0_i32_1 = arith.constant 0 : i32
    return %c0_i32, %c0_i32_0 : i32, i32
  }
  func.func @transform_31(%arg0: i32) -> (i32, i32) {
    %c0_i32 = arith.constant 0 : i32
    %c0_i32_0 = arith.constant 0 : i32
    %c0_i32_1 = arith.constant 0 : i32
    return %c0_i32, %c0_i32_0 : i32, i32
  }
  func.func @transform_32(%arg0: i32) -> (i32, i32) {
    %c0_i32 = arith.constant 0 : i32
    %c0_i32_0 = arith.constant 0 : i32
    %c0_i32_1 = arith.constant 0 : i32
    return %c0_i32, %c0_i32_0 : i32, i32
  }
  func.func @transform_33(%arg0: i32) -> (i32, i32) {
    %c0_i32 = arith.constant 0 : i32
    %c0_i32_0 = arith.constant 0 : i32
    %c0_i32_1 = arith.constant 0 : i32
    return %c0_i32, %c0_i32_0 : i32, i32
  }
  func.func @transform_34(%arg0: i32) -> (i32, i32) {
    %c0_i32 = arith.constant 0 : i32
    %c0_i32_0 = arith.constant 0 : i32
    %c0_i32_1 = arith.constant 0 : i32
    return %c0_i32, %c0_i32_0 : i32, i32
  }
}

</mosaic_0001>

<sc_bundles>
// kernel: kernel.12.cloned.1.call-start
scs
__scs_entry_jumppad:
0x0: {  	(pc) =	sbr.rel $0x88, $3  }
0x1: {  	(tag) =	ssettag $0x0;
	lr =	simm.s32 $0x1  }
0x2: {  	[smem:$0x3F5D] =	sst lr;
	_ =	strace $0xD0000000  }
0x3: {  	_ = 	snop  }
0x4: {  	_ = 	snop  }
0x5: {  	_ = 	snop  }
0x6: {  	_ = 	snop  }
0x7: {  	_ = 	snop  }
__scs_overlays_trampoline_lowered:
0x8: {  	[smem:$0x3F6C] =	sst s0  }
0x9: {  	[smem:$0x3F6D] =	sst s1  }
0xa: {  	[smem:$0x3F6E] =	sst s2  }
0xb: {  	[smem:$0x3F6F] =	sst s3  }
0xc: {  	[smem:$0x3F70] =	sst s4  }
0xd: {  	[smem:$0x3F71] =	sst s5  }
0xe: {  	[smem:$0x3F72] =	sst s6  }
0xf: {  	[smem:$0x3F73] =	sst s7  }
0x10: {  	[smem:$0x3F74] =	sst s8  }
0x11: {  	[smem:$0x3F75] =	sst s9;
	s0 =	simm.s32 @!p0 $0x0  }
0x12: {  	s1 =	sld [smem:$0x3F5B];
	s0 =	simm.s32 @p0 $0x1  }
0x13: {  	[smem:$0x3F76] =	sst s0;
	s0 =	simm.s32 @!p1 $0x0  }
0x14: {  	s2 =	sld [smem:$0x3F5A];
	s0 =	simm.s32 @p1 $0x1  }
0x15: {  	[smem:$0x3F77] =	sst s0;
	s0 =	simm.s32 @!p2 $0x0  }
0x16: {  	s3 =	sld [smem:$0x3FDB];
	s0 =	simm.s32 @p2 $0x1  }
0x17: {  	s4 =	simm.s32 $0x1BF5;
	[smem:$0x3F79] =	sst s0  }
0x18: {  	s0 =	sld [smem:$0x3F5C];
	_ =	swait.ge [sflag:s4], $0x0  }
0x19: {  	s7 =	sld [smem:$0x3F5D]  }
0x1a: {  	s8 =	sadd.s32 $0xFFFFE003, lr  }
0x1b: {  	s9 =	sadd.s32 $0xFFFFFEF7, lr;
	s5 =	simm.s32 $0xFFFFFFFF;
	p2 =	slt.u32 s8, $0xFFFFF086  }
0x1c: {  	p1 =	slt.u32 s9, $0xF7A;
	s5 =	simm.s32 @!p2 $0x0  }
0x1d: {  	s5 =	simm.s32 @p1 $0x1;
	p0 =	seq.s32 s7, s2  }
0x1e: {  	s7 =	smul.u32 @!p0 $0xF7A, s2;
	p2 =	seq.s32 @!p0 s5, $0x0  }
0x1f: {  	s9 =	smul.u32 $0xF7A, s1;
	s8 =	simm.s32 @!p0 $0x1BF5;
	p2 =	por !p2, p0  }
0x20: {  	[sflag:s8] =	ssyncset.s32 @!p0 $0xFFFFF086;
	s6 =	sadd.s32 @!p0 s3, s7;
	s7 =	simm.s32 @!p0 $0x108  }
0x21: {  	s3 =	sadd.s32 s3, s9;
	s6 =	sadd.s32 @!p0 $0x88, s6;
	s7 =	simm.s32 @p2 $0x1082  }
0x22: {  	[simem:s7], [sflag:s8] =	dma.local @!p0 [hbm:s6], $0xF7A  }
0x23: {  	s9 =	sor.u32 $0xD0000000, s2;
	s6 =	simm.s32 $0x108;
	_ =	swait.ge @!p0 [sflag:s8], $0x0  }
0x24: {  	s3 =	sadd.s32 $0x88, s3;
	s6 =	simm.s32 @!p1 $0x1082;
	[sflag:s4] =	ssyncset.s32 $0xFFFFF086  }
0x25: {  	[simem:s6], [sflag:s4] =	dma.local [hbm:s3], $0xF7A  }
0x26: {  	[smem:$0x3F5D] =	sst s1;
	(tag) =	ssettag s2;
	_ =	strace s9  }
0x27: {  	s1 =	sld [smem:$0x3F6D]  }
0x28: {  	s2 =	sld [smem:$0x3F6E]  }
0x29: {  	s4 =	sld [smem:$0x3F70]  }
0x2a: {  	p0 =	seq.s32 s5, $0x0;
	s5 =	sld [smem:$0x3F71]  }
0x2b: {  	s6 =	sld [smem:$0x3F72]  }
0x2c: {  	s7 =	sld [smem:$0x3F73]  }
0x2d: {  	s3 =	simm.s32 $0x108;
	s8 =	sld [smem:$0x3F74]  }
0x2e: {  	s3 =	simm.s32 @!p0 $0x1082;
	s9 =	sld [smem:$0x3F75]  }
0x2f: {  	lr =	sadd.s32 s0, s3;
	s0 =	sld [smem:$0x3F6C]  }
0x30: {  	s3 =	sld [smem:$0x3F6F]  }
0x31: {  	[smem:$0x3F78] =	sst s10  }
0x32: {  	s10 =	sld [smem:$0x3F76];
	_ =	sdelay $0x3  }
0x33: {  	p0 =	seq.s32 s10, $0x1;
	s10 =	sld [smem:$0x3F78];
	_ =	sdelay $0x3  }
0x34: {  	[smem:$0x3F78] =	sst s10  }
0x35: {  	s10 =	sld [smem:$0x3F77];
	_ =	sdelay $0x3  }
0x36: {  	p1 =	seq.s32 s10, $0x1;
	s10 =	sld [smem:$0x3F78];
	_ =	sdelay $0x3  }
0x37: {  	[smem:$0x3F78] =	sst s10  }
0x38: {  	s10 =	sld [smem:$0x3F79]  }
0x39: {  	_ = 	snop;
	(pc) =	sbr.ind lr, $3  }
0x3a: {  	_ = 	snop  }
0x3b: {  	_ = 	snop  }
0x3c: {  	p2 =	seq.s32 s10, $0x1;
	s10 =	sld [smem:$0x3F78]  }
0x3d: {  	_ =	shalt  }
0x3e: {  	_ =	shalt  }
0x3f: {  	_ =	shalt  }
0x40: {  	_ =	shalt  }
0x41: {  	_ =	shalt  }
0x42: {  	_ =	shalt  }
0x43: {  	_ =	shalt  }
0x44: {  	_ =	shalt  }
0x45: {  	_ =	shalt  }
0x46: {  	_ =	shalt  }
0x47: {  	_ =	shalt  }
0x48: {  	_ =	shalt  }
0x49: {  	_ =	shalt  }
0x4a: {  	_ =	shalt  }
0x4b: {  	_ =	shalt  }
0x4c: {  	_ =	shalt  }
0x4d: {  	_ =	shalt  }
0x4e: {  	_ =	shalt  }
0x4f: {  	_ =	shalt  }
0x50: {  	_ =	shalt  }
0x51: {  	_ =	shalt  }
0x52: {  	_ =	shalt  }
0x53: {  	_ =	shalt  }
0x54: {  	_ =	shalt  }
0x55: {  	_ =	shalt  }
0x56: {  	_ =	shalt  }
0x57: {  	_ =	shalt  }
0x58: {  	_ =	shalt  }
0x59: {  	_ =	shalt  }
0x5a: {  	_ =	shalt  }
0x5b: {  	_ =	shalt  }
0x5c: {  	_ =	shalt  }
0x5d: {  	_ =	shalt  }
0x5e: {  	_ =	shalt  }
0x5f: {  	_ =	shalt  }
0x60: {  	_ =	shalt  }
0x61: {  	_ =	shalt  }
0x62: {  	_ =	shalt  }
0x63: {  	_ =	shalt  }
0x64: {  	_ =	shalt  }
0x65: {  	_ =	shalt  }
0x66: {  	_ =	shalt  }
0x67: {  	_ =	shalt  }
0x68: {  	_ =	shalt  }
0x69: {  	_ =	shalt  }
0x6a: {  	_ =	shalt  }
0x6b: {  	_ =	shalt  }
0x6c: {  	_ =	shalt  }
0x6d: {  	_ =	shalt  }
0x6e: {  	_ =	shalt  }
0x6f: {  	_ =	shalt  }
0x70: {  	_ =	shalt  }
0x71: {  	_ =	shalt  }
0x72: {  	_ =	shalt  }
0x73: {  	_ =	shalt  }
0x74: {  	_ =	shalt  }
0x75: {  	_ =	shalt  }
0x76: {  	_ =	shalt  }
0x77: {  	_ =	shalt  }
0x78: {  	_ =	shalt  }
0x79: {  	_ =	shalt  }
0x7a: {  	_ =	shalt  }
0x7b: {  	_ =	shalt  }
0x7c: {  	_ =	shalt  }
0x7d: {  	_ =	shalt  }
0x7e: {  	_ =	shalt  }
0x7f: {  	_ =	shalt  }
0x80: {  	_ =	shalt  }
0x81: {  	_ =	shalt  }
0x82: {  	_ =	shalt  }
0x83: {  	_ =	shalt  }
0x84: {  	_ =	shalt  }
0x85: {  	_ =	shalt  }
0x86: {  	_ =	shalt  }
0x87: {  	_ =	shalt  }
.Lfunc_end0:
.L_simem_size_0:
called_computation.1_lowered:
.L_overlay_start_0:
0x88: {  	s2 =	sld [smem:$0x3FD9]  }
0x89: {  	s3 =	sld [smem:$0x3FFE];
	_ =	sdelay $0x1  }
0x8a: {  	s1 =	srdreg.scid  }
0x8b: {  	s0 =	sand.u32 $0x1, s1  }
0x8c: {  	s16 =	sshll.u32 s0, $0xA;
	s2 =	sadd.s32 s3, s2  }
0x8d: {  	s2 =	sadd.s32 s2, s16  }
0x8e: {  	[smem:$0x3F84] =	sst s2  }
0x8f: {  	_ = 	snop  }
0x90: {  	(tm) =	ssettm $0x1  }
0x91: {  	s17 =	sld [smem:$0x3FFB];
	_ =	sdelay $0x3  }
0x92: {  	_ =	strace s17  }
0x93: {  	s2 =	sld [smem:$0x3FFC];
	_ =	sdelay $0x3  }
0x94: {  	_ =	strace s2  }
0x95: {  	s2 =	sld [smem:$0x3FFD];
	_ =	sdelay $0x3  }
0x96: {  	_ =	strace s2  }
0x97: {  	_ =	strace $0x8FFFFFFF  }
0x98: {  	s18 =	sld [smem:$0x3FDB];
	_ =	sdelay $0x1  }
0x99: {  	s19 =	simm.s32 $_scs_section_size  }
0x9a: {  	s4 =	simm.s32 $_size__tile_overlayer_lowered;
	s5 =	simm.s32 $_tile_overlayer_lowered  }
0x9b: {  	s22 =	simm.s32 $0x1BFF;
	s21 =	sshll.u32 s5, $0x1;
	s2 =	sadd.s32 s19, s18  }
0x9c: {  	s6 =	simm.s32 $0x0;
	s20 =	sshll.u32 s4, $0x1;
	s4 =	sadd.s32 s21, s2  }
0x9d: {  	[timem:s6], [sflag:s22] =	dma.local [hbm:s4], s20  }
0x9e: {  	_ =	swait.ge [sflag:s22], s20  }
0x9f: {  	s3 =	ssub.s32 $0x0, s20;
	[sflag:s22] =	ssyncset.done $0x0  }
0xa0: {  	[sflag:s22] =	ssyncadd.s32 s3;
	_ =	sdelay $0x1  }
0xa1: {  	s23 =	simm.s32 $0x1B8B  }
0xa2: {  	_ =	swait.ge [sflag:s23], $0x1  }
0xa3: {  	[sflag:s23] =	ssyncset.done $0x0  }
0xa4: {  	s25 =	simm.s32 $0x1B8E;
	s24 =	sld [smem:$0x3FFE];
	[sflag:s23] =	ssyncadd.s32 $0xFFFFFFFF  }
0xa5: {  	s26 =	simm.s32 $execute0_lowered;
	[smem:$0x3FD2] =	sst s25  }
0xa6: {  	s4 =	sshll.u32 s26, $0x1;
	_ =	strace $0x80000049;
	[dreg:$0x1] =	wrdreg $0xFFFFFFFF  }
0xa7: {  	s28 =	simm.s32 $_size_execute0_lowered;
	s2 =	sadd.s32 s2, s4;
	[dreg:$0x0] =	wrdreg $0x0  }
0xa8: {  	s4 =	sshll.u32 s28, $0x1;
	[dreg:$0x2] =	wrdreg s2  }
0xa9: {  	[dreg:$0x3] =	wrdreg s4  }
0xaa: {  	[dreg:$0x4] =	wrdreg $0xC0  }
0xab: {  	_ =	task [dreg:s6], $0x5FFFF  }
0xac: {  	[dreg:$0x1] =	wrdreg $0xFFFFFFFF  }
0xad: {  	[dreg:$0x0] =	wrdreg $0x60  }
0xae: {  	[dreg:$0x2] =	wrdreg s24  }
0xaf: {  	[dreg:$0x3] =	wrdreg $0xBA000  }
0xb0: {  	[dreg:$0x4] =	wrdreg $0x9  }
0xb1: {  	_ =	task.clear_ibuf [dreg:s6], $0x5FFFF;
	_ =	strace $0x90000049  }
0xb2: {  	s29 =	simm.s32 $0x9;
	_ =	strace $0x8000004B  }
0xb3: {  	_ =	swait.ge [sflag:s29], $0x1  }
0xb4: {  	[sflag:s29] =	ssyncadd.s32 $0xFFFFFFFF  }
0xb5: {  	_ =	strace $0x9000004B  }
0xb6: {  	_ =	sfence  }
0xb7: {  	s30 =	sld [smem:$0x0];
	_ =	sdelay $0x2  }
0xb8: {  	s31 =	sshll.u32 s1, $0xD;
	s1 =	sshrl.u32 s1, $0x2  }
0xb9: {  	s3 =	sand.u32 $0x4000, s31;
	s1 =	sadd.s32 s1, s30  }
0xba: {  	s0 =	sor.u32 s3, s0;
	s1 =	sshll.u32 s1, $0x11  }
0xbb: {  	s0 =	sor.u32 s1, s0  }
0xbc: {  	s0 =	sadd.s32 $0x8F2B, s0  }
0xbd: {  	[sflag:s0] =	ssyncadd.remote.s32 $0x1  }
0xbe: {  	_ =	sfence.sel $0xFFFF  }
0xbf: {  	[dreg:$0x0] =	wrdreg $0xFFFFFFFF;
	(pc) =	sbr.abs _section_cstart, $3  }
0xc0: {  	[dreg:$0x1] =	wrdreg $0xFFFFFFFF  }
0xc1: {  	_ =	task.clear_ibuf [dreg:s6], $0x2FFFF;
	_ =	strace $0x9FFFFFFF  }
0xc2: {  	(tm) =	ssettm $0x7FFFFFFF  }
0xc3: {  	_ =	shalt  }
tec
execute0_lowered:
.L_overlay_start_1:
0x0: {  	(tag) =	ssettag $0x1  }
0x1: {  	s0 =	rddreg [dreg:$0x0]  }
0x2: {  	s1 =	rddreg [dreg:$0x1];
	s2 =	simm.s32 $0x0  }
0x3: {  	s5 =	srdreg.scid;
	s15 =	stileid.u32;
	s3 =	sadd.s32 $0x9E2800, s0  }
0x4: {  	[smem:$0x7FF] =	sst s2;
	s4 =	sadd.s32 $0xF61000, s0;
	s6 =	sadd.s32 $0x9D8A00, s0  }
0x5: {  	s5 =	sand.u32 $0x1, s5;
	s8 =	smul.u32 $0x4E000, s15;
	s7 =	sadd.s32 $0x9CEC00, s0  }
0x6: {  	s0 =	sadd.s32 $0xA57E00, s0;
	s14 =	smul.u32 $0x13800, s15;
	p0 =	sne.s32 s15, $0x0  }
0x7: {  	s30 =	sadd.s32 $0x138000, s1;
	_ =	strace $0x8000004A;
	s9 =	ssub.s32 $0x2, s5  }
0x8: {  	s11 =	sshll.u32 s5, $0x4;
	s5 =	smul.u32 $0x138800, s5;
	s10 =	sshrl.u32 s9, $0x1  }
0x9: {  	s8 =	sshrl.u32 s8, $0x2;
	s22 =	sor.u32 s15, s11;
	s11 =	simm.s32 $0x80  }
0xa: {  	s15 =	simm.s32 $0x1;
	s9 =	ssub.s32 s9, s10;
	s31 =	sadd.s32 s8, s1  }
0xb: {  	s25 =	smul.u32 $0x2710, s22;
	s23 =	sadd.s32 $0x1800, s31;
	[dreg:$0x18] =	wrdreg s31  }
0xc: {  	s10 =	smul.u32 $0x27100, s22;
	s24 =	sadd.s32 $0x3000, s31;
	[dreg:$0x3] =	wrdreg s23  }
0xd: {  	s18 =	sadd.s32 s14, s5;
	s12 =	sadd.s32 $0x4800, s31;
	[dreg:$0x4] =	wrdreg s24  }
0xe: {  	s5 =	sshrl.u32 s5, $0x3;
	s26 =	sadd.s32 $0x6000, s31;
	[dreg:$0x5] =	wrdreg s12  }
0xf: {  	s14 =	simm.s32 $0x180;
	s28 =	sadd.s32 $0x7800, s31;
	[dreg:$0x6] =	wrdreg s26  }
0x10: {  	s29 =	sadd.s32 $0x9000, s31;
	s20 =	smax.u32 s9, $0x1;
	[dreg:$0x7] =	wrdreg s28  }
0x11: {  	s21 =	sadd.s32 $0xA800, s31;
	s9 =	simm.s32 $0xA200;
	[dreg:$0x8] =	wrdreg s29  }
0x12: {  	s8 =	sshrl.u32 s25, $0x3;
	s13 =	sadd.s32 $0x50, s25;
	[dreg:$0x11] =	wrdreg s20  }
0x13: {  	s10 =	sadd.s32 s4, s10;
	s22 =	sadd.s32 $0xA0, s25;
	[dreg:$0x12] =	wrdreg s21  }
0x14: {  	s23 =	sadd.s32 $0xF0, s25;
	s24 =	sadd.s32 $0xC000, s31;
	[dreg:$0xb] =	wrdreg s10  }
0x15: {  	s25 =	sadd.s32 $0xD800, s31;
	s26 =	sadd.s32 $0xF000, s31;
	[dreg:$0x13] =	wrdreg s24  }
0x16: {  	s28 =	sadd.s32 $0x10800, s31;
	s29 =	sadd.s32 $0x12000, s31;
	[dreg:$0x14] =	wrdreg s25  }
0x17: {  	s20 =	simm.s32 $0x5;
	s21 =	simm.s32 $0x3;
	[dreg:$0x15] =	wrdreg s26  }
0x18: {  	s16 =	sadd.s32 s6, s8;
	s12 =	sadd.s32 s7, s8;
	[dreg:$0x16] =	wrdreg s28  }
0x19: {  	s19 =	sshll.u32 s13, $0x4;
	s10 =	sshrl.u32 s18, $0x3;
	[dreg:$0x17] =	wrdreg s29  }
0x1a: {  	s18 =	simm.s32 $0x2;
	s24 =	simm.s32 $0x6;
	[dreg:$0x9] =	wrdreg s16  }
0x1b: {  	s25 =	simm.s32 $0x4;
	s26 =	simm.s32 $0x0;
	[dreg:$0xa] =	wrdreg s12  }
0x1c: {  	s16 =	sshrl.u32 s13, $0x3;
	s10 =	sadd.s32 s0, s10;
	s0 =	sadd.s32 s0, s5  }
0x1d: {  	s13 =	simm.s32 $0x100;
	s17 =	sadd.s32 s6, s16;
	[dreg:$0xf] =	wrdreg s10  }
0x1e: {  	s12 =	sadd.s32 s7, s16;
	s0 =	sadd.s32 $0x27000, s0;
	[dreg:$0xc] =	wrdreg s17  }
0x1f: {  	s10 =	simm.s32 $0x7;
	s16 =	simm.s32 $0x50;
	[dreg:$0xd] =	wrdreg s12  }
0x20: {  	s12 =	sadd.s32 s4, s19;
	[dreg:$0x10] =	wrdreg s0;
	s17 =	simm.s32 $0x200  }
0x21: {  	v0 =	vimm.f32 $0.0e+00;
	s19 =	simm.s32 $0x2A00;
	[dreg:$0xe] =	wrdreg s12;
	s12 =	simm.s32 $0x5200  }
.LBB2_1:
0x22: {  	s28 =	simm.s32 $0x0;
	s29 =	simm.s32 $0x200  }
.LBB2_2:
0x23: {  	p1 =	sne.s32 s29, $0x5E00;
	[tilespmem:s28+$0xA270] =	vst v0  }
0x24: {  	[tilespmem:s28+$0xA200] =	vst v0  }
0x25: {  	[tilespmem:s28+$0xA210] =	vst v0  }
.Ltmp0:
0x26: {  	[tilespmem:s28+$0xA220] =	vst v0;
	(pc) =	sbr.rel @p1 .LBB2_2-.Ltmp0, $4  }
0x27: {  	[tilespmem:s28+$0xA230] =	vst v0  }
0x28: {  	[tilespmem:s28+$0xA240] =	vst v0  }
0x29: {  	[tilespmem:s28+$0xA250] =	vst v0  }
0x2a: {  	[tilespmem:s28+$0xA260] =	vst v0;
	s28 =	sshra.s32 s29, $0x2;
	s29 =	sadd.s32 $0x200, s29  }
0x2b: {  	[tilespmem:s28+$0xA270] =	vst v0  }
0x2c: {  	[tilespmem:s28+$0xA200] =	vst v0  }
0x2d: {  	[tilespmem:s28+$0xA210] =	vst v0  }
0x2e: {  	[tilespmem:s28+$0xA220] =	vst v0  }
0x2f: {  	[tilespmem:s28+$0xA230] =	vst v0  }
0x30: {  	[tilespmem:s28+$0xA240] =	vst v0  }
0x31: {  	[tilespmem:s28+$0xA250] =	vst v0  }
0x32: {  	[tilespmem:s28+$0xA260] =	vst v0  }
0x33: {  	[spmem:s31] =	stream.linear.scatter [tilespmem:s9], [sflag:$0x7], $0x1800, $0x38;
	[tilespmem:$0x1F280] =	vst v63  }
0x34: {  	_ =	swait.ge [sflag:s10], $0x1800  }
0x35: {  	[sflag:s10] =	ssyncset.done $0x0  }
0x36: {  	s0 =	rddreg [dreg:$0x3];
	[sflag:s10] =	ssyncadd.s32 $0xFFFFE800  }
0x37: {  	[spmem:s0] =	stream.linear.scatter [tilespmem:s9], [sflag:$0x7], $0x1800, $0x38;
	[tilespmem:$0x1F280] =	vst v63  }
0x38: {  	_ =	swait.ge [sflag:s10], $0x1800  }
0x39: {  	[sflag:s10] =	ssyncset.done $0x0  }
0x3a: {  	s5 =	rddreg [dreg:$0x4];
	[sflag:s10] =	ssyncadd.s32 $0xFFFFE800  }
0x3b: {  	[spmem:s5] =	stream.linear.scatter [tilespmem:s9], [sflag:$0x7], $0x1800, $0x38;
	[tilespmem:$0x1F280] =	vst v63  }
0x3c: {  	_ =	swait.ge [sflag:s10], $0x1800  }
0x3d: {  	[sflag:s10] =	ssyncset.done $0x0  }
0x3e: {  	s8 =	rddreg [dreg:$0x5];
	[sflag:s10] =	ssyncadd.s32 $0xFFFFE800  }
0x3f: {  	[spmem:s8] =	stream.linear.scatter [tilespmem:s9], [sflag:$0x7], $0x1800, $0x38;
	[tilespmem:$0x1F280] =	vst v63  }
0x40: {  	_ =	swait.ge [sflag:s10], $0x1800  }
0x41: {  	[sflag:s10] =	ssyncset.done $0x0  }
0x42: {  	s29 =	rddreg [dreg:$0x6];
	[sflag:s10] =	ssyncadd.s32 $0xFFFFE800  }
0x43: {  	[spmem:s29] =	stream.linear.scatter [tilespmem:s9], [sflag:$0x7], $0x1800, $0x38;
	[tilespmem:$0x1F280] =	vst v63  }
0x44: {  	_ =	swait.ge [sflag:s10], $0x1800  }
0x45: {  	[sflag:s10] =	ssyncset.done $0x0  }
0x46: {  	s31 =	rddreg [dreg:$0x7];
	[sflag:s10] =	ssyncadd.s32 $0xFFFFE800  }
0x47: {  	[spmem:s31] =	stream.linear.scatter [tilespmem:s9], [sflag:$0x7], $0x1800, $0x38;
	[tilespmem:$0x1F280] =	vst v63  }
0x48: {  	_ =	swait.ge [sflag:s10], $0x1800  }
0x49: {  	[sflag:s10] =	ssyncset.done $0x0  }
0x4a: {  	s5 =	rddreg [dreg:$0x8];
	[sflag:s10] =	ssyncadd.s32 $0xFFFFE800  }
0x4b: {  	[spmem:s5] =	stream.linear.scatter [tilespmem:s9], [sflag:$0x7], $0x1800, $0x38;
	[tilespmem:$0x1F280] =	vst v63  }
0x4c: {  	_ =	swait.ge [sflag:s10], $0x1800  }
0x4d: {  	[sflag:s10] =	ssyncset.done $0x0  }
0x4e: {  	s8 =	rddreg [dreg:$0x12];
	[sflag:s10] =	ssyncadd.s32 $0xFFFFE800  }
0x4f: {  	[spmem:s8] =	stream.linear.scatter [tilespmem:s9], [sflag:$0x7], $0x1800, $0x38;
	[tilespmem:$0x1F280] =	vst v63  }
0x50: {  	_ =	swait.ge [sflag:s10], $0x1800  }
0x51: {  	[sflag:s10] =	ssyncset.done $0x0  }
0x52: {  	s29 =	rddreg [dreg:$0x13];
	[sflag:s10] =	ssyncadd.s32 $0xFFFFE800  }
0x53: {  	[spmem:s29] =	stream.linear.scatter [tilespmem:s9], [sflag:$0x7], $0x1800, $0x38;
	[tilespmem:$0x1F280] =	vst v63  }
0x54: {  	_ =	swait.ge [sflag:s10], $0x1800  }
0x55: {  	[sflag:s10] =	ssyncset.done $0x0  }
0x56: {  	s31 =	rddreg [dreg:$0x14];
	[sflag:s10] =	ssyncadd.s32 $0xFFFFE800  }
0x57: {  	[spmem:s31] =	stream.linear.scatter [tilespmem:s9], [sflag:$0x7], $0x1800, $0x38;
	[tilespmem:$0x1F280] =	vst v63  }
0x58: {  	_ =	swait.ge [sflag:s10], $0x1800  }
0x59: {  	[sflag:s10] =	ssyncset.done $0x0  }
0x5a: {  	s5 =	rddreg [dreg:$0x15];
	[sflag:s10] =	ssyncadd.s32 $0xFFFFE800  }
0x5b: {  	[spmem:s5] =	stream.linear.scatter [tilespmem:s9], [sflag:$0x7], $0x1800, $0x38;
	[tilespmem:$0x1F280] =	vst v63  }
0x5c: {  	_ =	swait.ge [sflag:s10], $0x1800  }
0x5d: {  	[sflag:s10] =	ssyncset.done $0x0  }
0x5e: {  	s8 =	rddreg [dreg:$0x16];
	[sflag:s10] =	ssyncadd.s32 $0xFFFFE800  }
0x5f: {  	[spmem:s8] =	stream.linear.scatter [tilespmem:s9], [sflag:$0x7], $0x1800, $0x38;
	[tilespmem:$0x1F280] =	vst v63  }
0x60: {  	_ =	swait.ge [sflag:s10], $0x1800  }
0x61: {  	[sflag:s10] =	ssyncset.done $0x0  }
0x62: {  	s29 =	rddreg [dreg:$0x17];
	[sflag:s10] =	ssyncadd.s32 $0xFFFFE800  }
0x63: {  	[spmem:s29] =	stream.linear.scatter [tilespmem:s9], [sflag:$0x7], $0x1800, $0x38;
	[tilespmem:$0x1F280] =	vst v63  }
0x64: {  	_ =	swait.ge [sflag:s10], $0x1800  }
0x65: {  	[sflag:s10] =	ssyncset.done $0x0  }
0x66: {  	s28 =	simm.s32 @!p0 $0xA200;
	[sflag:s10] =	ssyncadd.s32 $0xFFFFE800  }
0x67: {  	[spmem:s30] =	stream.linear.scatter @!p0 [tilespmem:s28], [sflag:$0x7], $0x800, $0x38;
	[tilespmem:$0x1F280] =	vst v63  }
0x68: {  	s28 =	simm.s32 @!p0 $0x7  }
0x69: {  	_ =	swait.ge @!p0 [sflag:s28], $0x800  }
0x6a: {  	[sflag:s28] =	ssyncset.done @!p0 $0x0  }
0x6b: {  	[sflag:s28] =	ssyncadd.s32 @!p0 $0xFFFFF800  }
0x6c: {  	[bflag:$0x0] =	sbarrier.arrive $0xFFFF  }
0x6d: {  	s8 =	smov.u32 s30;
	s28 =	simm.s32 $0x0;
	s30 =	rddreg [dreg:$0x9]  }
0x6e: {  	[tilespmem:s28], [sflag:$0x1] =	stream.linear.gather [hbm4b:s30+s28], $0x50, $0x38;
	[tilespmem:$0x1F280] =	vst v63  }
0x6f: {  	s31 =	rddreg [dreg:$0xa]  }
0x70: {  	[tilespmem:s11], [sflag:$0x1] =	stream.linear.gather [hbm4b:s31+s28], $0x50, $0x38;
	[tilespmem:$0x1F280] =	vst v63  }
0x71: {  	s5 =	rddreg [dreg:$0xb]  }
0x72: {  	[tilespmem:s12], [sflag:$0x3] =	stream.linear.gather [hbm4b:s5+s28], $0x2800, $0x38;
	[tilespmem:$0x1F280] =	vst v63  }
0x73: {  	s29 =	rddreg [dreg:$0xc]  }
0x74: {  	[tilespmem:s13], [sflag:$0x2] =	stream.linear.gather [hbm4b:s29+s28], $0x50, $0x38;
	[tilespmem:$0x1F280] =	vst v63  }
0x75: {  	s30 =	rddreg [dreg:$0xd]  }
0x76: {  	[tilespmem:s14], [sflag:$0x2] =	stream.linear.gather [hbm4b:s30+s28], $0x50, $0x38;
	[tilespmem:$0x1F280] =	vst v63  }
0x77: {  	s31 =	rddreg [dreg:$0xe];
	s5 =	simm.s32 $0x7A00  }
0x78: {  	[tilespmem:s5], [sflag:$0x4] =	stream.linear.gather [hbm4b:s31+s28], $0x2800, $0x38;
	[tilespmem:$0x1F280] =	vst v63  }
0x79: {  	_ =	swait.ge [sflag:s15], $0x50  }
0x7a: {  	[sflag:s15] =	ssyncset.done $0x0  }
0x7b: {  	[sflag:s15] =	ssyncadd.s32 $0xFFFFFFB0  }
0x7c: {  	_ =	swait.ge [sflag:s15], $0x50  }
0x7d: {  	[sflag:s15] =	ssyncset.done $0x0  }
0x7e: {  	[sflag:s15] =	ssyncadd.s32 $0xFFFFFFB0  }
0x7f: {  	[tilespmem:s17], [sflag:$0x5] =	stream.indirect.gather [hbm4b:s3+s16], $0x80, s28, s16, $0xb8;
	[tilespmem:$0x1F280] =	vst v63  }
.LBB2_4:
0x80: {  	_ =	swait.ge [sflag:s18], $0x50  }
0x81: {  	[sflag:s18] =	ssyncset.done $0x0  }
0x82: {  	[sflag:s18] =	ssyncadd.s32 $0xFFFFFFB0  }
0x83: {  	_ =	swait.ge [sflag:s18], $0x50  }
0x84: {  	[sflag:s18] =	ssyncset.done $0x0  }
0x85: {  	[sflag:s18] =	ssyncadd.s32 $0xFFFFFFB0  }
0x86: {  	[tilespmem:s19], [sflag:$0x6] =	stream.indirect.gather [hbm4b:s3+s16], $0x80, s13, s16, $0xb8;
	[tilespmem:$0x1F280] =	vst v63  }
0x87: {  	_ =	swait.ge [sflag:s20], $0x2800  }
0x88: {  	[sflag:s20] =	ssyncset.done $0x0  }
0x89: {  	[sflag:s20] =	ssyncadd.s32 $0xFFFFD800  }
0x8a: {  	_ =	swait.ge [sflag:s21], $0x2800  }
0x8b: {  	[sflag:s21] =	ssyncset.done $0x0  }
0x8c: {  	s29 =	simm.s32 $0x0;
	[sflag:s21] =	ssyncadd.s32 $0xFFFFD800  }
0x8d: {  	v8 =	vld [tilespmem:s29+$0x5200]  }
0x8e: {  	v12 =	vld [tilespmem:s29+$0x5210]  }
0x8f: {  	v6 =	vld [tilespmem:s29+$0x5220]  }
0x90: {  	v5 =	vld [tilespmem:s29+$0x5230]  }
0x91: {  	v4 =	vld [tilespmem:s29+$0x5240]  }
0x92: {  	v3 =	vld [tilespmem:s29+$0x5250]  }
0x93: {  	v2 =	vld [tilespmem:s29+$0x5260]  }
0x94: {  	v1 =	vld [tilespmem:s29+$0x5270]  }
0x95: {  	v13 =	vld [tilespmem:s29+$0x200]  }
0x96: {  	v14 =	vld [tilespmem:s29+$0x210]  }
0x97: {  	v11 =	vld [tilespmem:s29+$0x220]  }
0x98: {  	v10 =	vld [tilespmem:s29+$0x230]  }
0x99: {  	v9 =	vld [tilespmem:s29+$0x240]  }
0x9a: {  	v7 =	vld [tilespmem:s29+$0x250];
	v13 =	vmul.f32 v8, v13  }
0x9b: {  	s30 =	simm.s32 $0x200;
	v12 =	vmul.f32 v12, v14;
	v8 =	vld [tilespmem:s29+$0x260]  }
.LBB2_5:
0x9c: {  	s31 =	sshra.s32 s30, $0x2;
	p1 =	sne.s32 s30, $0x9E00;
	[tilespmem:s29+$0x200] =	vst v13;
	v6 =	vmul.f32 v6, v11;
	v11 =	vld [tilespmem:s29+$0x270]  }
0x9d: {  	v13 =	vld [tilespmem:s31+$0x5200];
	[tilespmem:s29+$0x210] =	vst v12;
	v5 =	vmul.f32 v5, v10  }
0x9e: {  	v12 =	vld [tilespmem:s31+$0x5210];
	[tilespmem:s29+$0x220] =	vst v6;
	v4 =	vmul.f32 v4, v9  }
0x9f: {  	v6 =	vld [tilespmem:s31+$0x5220];
	[tilespmem:s29+$0x230] =	vst v5;
	v3 =	vmul.f32 v3, v7  }
0xa0: {  	v5 =	vld [tilespmem:s31+$0x5230];
	[tilespmem:s29+$0x240] =	vst v4;
	v2 =	vmul.f32 v2, v8  }
0xa1: {  	v4 =	vld [tilespmem:s31+$0x5240];
	[tilespmem:s29+$0x250] =	vst v3;
	v1 =	vmul.f32 v1, v11  }
0xa2: {  	v3 =	vld [tilespmem:s31+$0x5250];
	[tilespmem:s29+$0x260] =	vst v2  }
0xa3: {  	v2 =	vld [tilespmem:s31+$0x5260];
	[tilespmem:s29+$0x270] =	vst v1;
	s29 =	smov.u32 s31  }
0xa4: {  	v1 =	vld [tilespmem:s29+$0x5270]  }
0xa5: {  	v7 =	vld [tilespmem:s29+$0x200]  }
0xa6: {  	v8 =	vld [tilespmem:s29+$0x210]  }
.Ltmp1:
0xa7: {  	v11 =	vld [tilespmem:s29+$0x220];
	(pc) =	sbr.rel @p1 .LBB2_5-.Ltmp1, $4  }
0xa8: {  	v10 =	vld [tilespmem:s29+$0x230]  }
0xa9: {  	v9 =	vld [tilespmem:s29+$0x240]  }
0xaa: {  	v13 =	vmul.f32 v13, v7;
	v7 =	vld [tilespmem:s29+$0x250]  }
0xab: {  	s30 =	sadd.s32 $0x200, s30;
	v12 =	vmul.f32 v12, v8;
	v8 =	vld [tilespmem:s29+$0x260]  }
0xac: {  	[tilespmem:s29+$0x200] =	vst v13;
	v6 =	vmul.f32 v6, v11;
	v11 =	vld [tilespmem:s29+$0x270]  }
0xad: {  	[tilespmem:s29+$0x210] =	vst v12;
	v5 =	vmul.f32 v5, v10  }
0xae: {  	[tilespmem:s29+$0x220] =	vst v6;
	v4 =	vmul.f32 v4, v9  }
0xaf: {  	[tilespmem:s29+$0x230] =	vst v5;
	v3 =	vmul.f32 v3, v7  }
0xb0: {  	[tilespmem:s29+$0x240] =	vst v4;
	v2 =	vmul.f32 v2, v8  }
0xb1: {  	[tilespmem:s29+$0x250] =	vst v3;
	v1 =	vmul.f32 v1, v11  }
0xb2: {  	[tilespmem:s29+$0x260] =	vst v2  }
0xb3: {  	[tilespmem:s29+$0x270] =	vst v1;
	s29 =	smul.u32 $0xA0, s28  }
0xb4: {  	[spmem:s1] =	stream.indirect.scatter.add.f32 [tilespmem:s17], [sflag:$0x7], $0x80, s11, s16, $0xb8;
	[tilespmem:$0x1F280] =	vst v63  }
0xb5: {  	_ =	swait.ge [sflag:s10], $0x2800;
	s30 =	sadd.s32 s29, s22  }
0xb6: {  	[sflag:s10] =	ssyncset.done $0x0;
	s31 =	sshrl.u32 s30, $0x3  }
0xb7: {  	s5 =	simm.s32 $0x0;
	[sflag:s10] =	ssyncadd.s32 $0xFFFFD800;
	s0 =	sadd.s32 s6, s31  }
0xb8: {  	[tilespmem:s5], [sflag:$0x1] =	stream.linear.gather [hbm4b:s0+s5], $0x50, $0x38;
	[tilespmem:$0x1F280] =	vst v63  }
0xb9: {  	s0 =	sadd.s32 s7, s31  }
0xba: {  	[tilespmem:s11], [sflag:$0x1] =	stream.linear.gather [hbm4b:s0+s5], $0x50, $0x38;
	[tilespmem:$0x1F280] =	vst v63  }
0xbb: {  	s0 =	sshll.u32 s30, $0x4  }
0xbc: {  	s0 =	sadd.s32 s4, s0  }
0xbd: {  	[tilespmem:s12], [sflag:$0x3] =	stream.linear.gather [hbm4b:s0+s5], $0x2800, $0x38;
	[tilespmem:$0x1F280] =	vst v63  }
0xbe: {  	_ =	swait.ge [sflag:s24], $0x2800  }
0xbf: {  	[sflag:s24] =	ssyncset.done $0x0  }
0xc0: {  	[sflag:s24] =	ssyncadd.s32 $0xFFFFD800  }
0xc1: {  	_ =	swait.ge [sflag:s25], $0x2800  }
0xc2: {  	[sflag:s25] =	ssyncset.done $0x0  }
0xc3: {  	s30 =	simm.s32 $0x0;
	[sflag:s25] =	ssyncadd.s32 $0xFFFFD800  }
0xc4: {  	v8 =	vld [tilespmem:s30+$0x7A00]  }
0xc5: {  	v12 =	vld [tilespmem:s30+$0x7A10]  }
0xc6: {  	v6 =	vld [tilespmem:s30+$0x7A20]  }
0xc7: {  	v5 =	vld [tilespmem:s30+$0x7A30]  }
0xc8: {  	v4 =	vld [tilespmem:s30+$0x7A40]  }
0xc9: {  	v3 =	vld [tilespmem:s30+$0x7A50]  }
0xca: {  	v2 =	vld [tilespmem:s30+$0x7A60]  }
0xcb: {  	v1 =	vld [tilespmem:s30+$0x7A70]  }
0xcc: {  	v13 =	vld [tilespmem:s30+$0x2A00]  }
0xcd: {  	v14 =	vld [tilespmem:s30+$0x2A10]  }
0xce: {  	v11 =	vld [tilespmem:s30+$0x2A20]  }
0xcf: {  	v10 =	vld [tilespmem:s30+$0x2A30]  }
0xd0: {  	v9 =	vld [tilespmem:s30+$0x2A40]  }
0xd1: {  	v7 =	vld [tilespmem:s30+$0x2A50];
	v13 =	vmul.f32 v8, v13  }
0xd2: {  	s31 =	simm.s32 $0x200;
	v12 =	vmul.f32 v12, v14;
	v8 =	vld [tilespmem:s30+$0x2A60]  }
.LBB2_7:
0xd3: {  	s0 =	sshra.s32 s31, $0x2;
	p1 =	sne.s32 s31, $0x9E00;
	[tilespmem:s30+$0x2A00] =	vst v13;
	v6 =	vmul.f32 v6, v11;
	v11 =	vld [tilespmem:s30+$0x2A70]  }
0xd4: {  	v13 =	vld [tilespmem:s0+$0x7A00];
	[tilespmem:s30+$0x2A10] =	vst v12;
	v5 =	vmul.f32 v5, v10  }
0xd5: {  	v12 =	vld [tilespmem:s0+$0x7A10];
	[tilespmem:s30+$0x2A20] =	vst v6;
	v4 =	vmul.f32 v4, v9  }
0xd6: {  	v6 =	vld [tilespmem:s0+$0x7A20];
	[tilespmem:s30+$0x2A30] =	vst v5;
	v3 =	vmul.f32 v3, v7  }
0xd7: {  	v5 =	vld [tilespmem:s0+$0x7A30];
	[tilespmem:s30+$0x2A40] =	vst v4;
	v2 =	vmul.f32 v2, v8  }
0xd8: {  	v4 =	vld [tilespmem:s0+$0x7A40];
	[tilespmem:s30+$0x2A50] =	vst v3;
	v1 =	vmul.f32 v1, v11  }
0xd9: {  	v3 =	vld [tilespmem:s0+$0x7A50];
	[tilespmem:s30+$0x2A60] =	vst v2  }
0xda: {  	v2 =	vld [tilespmem:s0+$0x7A60];
	[tilespmem:s30+$0x2A70] =	vst v1;
	s30 =	smov.u32 s0  }
0xdb: {  	v1 =	vld [tilespmem:s30+$0x7A70]  }
0xdc: {  	v7 =	vld [tilespmem:s30+$0x2A00]  }
0xdd: {  	v8 =	vld [tilespmem:s30+$0x2A10]  }
.Ltmp2:
0xde: {  	v11 =	vld [tilespmem:s30+$0x2A20];
	(pc) =	sbr.rel @p1 .LBB2_7-.Ltmp2, $4  }
0xdf: {  	v10 =	vld [tilespmem:s30+$0x2A30]  }
0xe0: {  	v9 =	vld [tilespmem:s30+$0x2A40]  }
0xe1: {  	v13 =	vmul.f32 v13, v7;
	v7 =	vld [tilespmem:s30+$0x2A50]  }
0xe2: {  	s31 =	sadd.s32 $0x200, s31;
	v12 =	vmul.f32 v12, v8;
	v8 =	vld [tilespmem:s30+$0x2A60]  }
0xe3: {  	[tilespmem:s30+$0x2A00] =	vst v13;
	v6 =	vmul.f32 v6, v11;
	v63 =	vld [tilespmem:s30+$0x2A70]  }
0xe4: {  	[tilespmem:s30+$0x2A10] =	vst v12;
	v5 =	vmul.f32 v5, v10  }
0xe5: {  	[tilespmem:s30+$0x2A20] =	vst v6;
	v4 =	vmul.f32 v4, v9  }
0xe6: {  	[tilespmem:s30+$0x2A30] =	vst v5;
	v3 =	vmul.f32 v3, v7  }
0xe7: {  	[tilespmem:s30+$0x2A40] =	vst v4;
	v2 =	vmul.f32 v2, v8  }
0xe8: {  	[tilespmem:s30+$0x2A50] =	vst v3;
	v1 =	vmul.f32 v1, v63  }
0xe9: {  	[tilespmem:s30+$0x2A60] =	vst v2  }
0xea: {  	p1 =	seq.s32 s28, $0x3D;
	[tilespmem:s30+$0x2A70] =	vst v1  }
0xeb: {  	[spmem:s1] =	stream.indirect.scatter.add.f32 [tilespmem:s19], [sflag:$0x7], $0x80, s14, s16, $0xb8;
	[tilespmem:$0x1F280] =	vst v63  }
0xec: {  	s0 =	sadd.s32 @!p1 s29, s23;
	_ =	swait.ge [sflag:s10], $0x2800  }
0xed: {  	s31 =	simm.s32 @!p1 $0x100;
	s5 =	sshrl.u32 @!p1 s0, $0x3;
	[sflag:s10] =	ssyncset.done $0x0  }
0xee: {  	s29 =	sadd.s32 @!p1 s6, s5;
	s30 =	simm.s32 @!p1 $0x0;
	[sflag:s10] =	ssyncadd.s32 $0xFFFFD800  }
0xef: {  	[tilespmem:s31], [sflag:$0x2] =	stream.linear.gather @!p1 [hbm4b:s29+s30], $0x50, $0x38;
	[tilespmem:$0x1F280] =	vst v63  }
0xf0: {  	s0 =	sshll.u32 @!p1 s0, $0x4;
	s5 =	sadd.s32 @!p1 s7, s5;
	s29 =	simm.s32 @!p1 $0x180  }
0xf1: {  	[tilespmem:s29], [sflag:$0x2] =	stream.linear.gather @!p1 [hbm4b:s5+s30], $0x50, $0x38;
	[tilespmem:$0x1F280] =	vst v63  }
0xf2: {  	s0 =	sadd.s32 @!p1 s4, s0;
	s5 =	simm.s32 @!p1 $0x7A00  }
0xf3: {  	[tilespmem:s5], [sflag:$0x4] =	stream.linear.gather @!p1 [hbm4b:s0+s30], $0x2800, $0x38;
	[tilespmem:$0x1F280] =	vst v63  }
0xf4: {  	s28 =	sadd.s32 $0x1, s28;
	_ =	swait.ge [sflag:s15], $0x50  }
0xf5: {  	p1 =	sne.s32 s28, $0x3E;
	[sflag:s15] =	ssyncset.done $0x0  }
.Ltmp3:
0xf6: {  	[sflag:s15] =	ssyncadd.s32 $0xFFFFFFB0;
	(pc) =	sbr.rel @p1 .LBB2_4-.Ltmp3, $4  }
0xf7: {  	_ =	swait.ge [sflag:s15], $0x50  }
0xf8: {  	[sflag:s15] =	ssyncset.done $0x0  }
0xf9: {  	[sflag:s15] =	ssyncadd.s32 $0xFFFFFFB0  }
0xfa: {  	[tilespmem:s17], [sflag:$0x5] =	stream.indirect.gather [hbm4b:s3+s16], $0x80, s2, s16, $0xb8;
	[tilespmem:$0x1F280] =	vst v63  }
0xfb: {  	_ =	swait.ge [sflag:s20], $0x2800  }
0xfc: {  	[sflag:s20] =	ssyncset.done $0x0  }
0xfd: {  	[sflag:s20] =	ssyncadd.s32 $0xFFFFD800  }
0xfe: {  	_ =	swait.ge [sflag:s21], $0x2800  }
0xff: {  	[sflag:s21] =	ssyncset.done $0x0  }
0x100: {  	s28 =	simm.s32 $0x0;
	[sflag:s21] =	ssyncadd.s32 $0xFFFFD800  }
0x101: {  	v8 =	vld [tilespmem:s28+$0x5200]  }
0x102: {  	v12 =	vld [tilespmem:s28+$0x5210]  }
0x103: {  	v6 =	vld [tilespmem:s28+$0x5220]  }
0x104: {  	v5 =	vld [tilespmem:s28+$0x5230]  }
0x105: {  	v4 =	vld [tilespmem:s28+$0x5240]  }
0x106: {  	v3 =	vld [tilespmem:s28+$0x5250]  }
0x107: {  	v2 =	vld [tilespmem:s28+$0x5260]  }
0x108: {  	v1 =	vld [tilespmem:s28+$0x5270]  }
0x109: {  	v13 =	vld [tilespmem:s28+$0x200]  }
0x10a: {  	v14 =	vld [tilespmem:s28+$0x210]  }
0x10b: {  	v11 =	vld [tilespmem:s28+$0x220]  }
0x10c: {  	v10 =	vld [tilespmem:s28+$0x230]  }
0x10d: {  	v9 =	vld [tilespmem:s28+$0x240]  }
0x10e: {  	v7 =	vld [tilespmem:s28+$0x250];
	v13 =	vmul.f32 v8, v13  }
0x10f: {  	s29 =	simm.s32 $0x200;
	v12 =	vmul.f32 v12, v14;
	v8 =	vld [tilespmem:s28+$0x260]  }
.LBB2_10:
0x110: {  	s0 =	sshra.s32 s29, $0x2;
	p1 =	sne.s32 s29, $0x9E00;
	[tilespmem:s28+$0x200] =	vst v13;
	v6 =	vmul.f32 v6, v11;
	v11 =	vld [tilespmem:s28+$0x270]  }
0x111: {  	v13 =	vld [tilespmem:s0+$0x5200];
	[tilespmem:s28+$0x210] =	vst v12;
	v5 =	vmul.f32 v5, v10  }
0x112: {  	v12 =	vld [tilespmem:s0+$0x5210];
	[tilespmem:s28+$0x220] =	vst v6;
	v4 =	vmul.f32 v4, v9  }
0x113: {  	v6 =	vld [tilespmem:s0+$0x5220];
	[tilespmem:s28+$0x230] =	vst v5;
	v3 =	vmul.f32 v3, v7  }
0x114: {  	v5 =	vld [tilespmem:s0+$0x5230];
	[tilespmem:s28+$0x240] =	vst v4;
	v2 =	vmul.f32 v2, v8  }
0x115: {  	v4 =	vld [tilespmem:s0+$0x5240];
	[tilespmem:s28+$0x250] =	vst v3;
	v1 =	vmul.f32 v1, v11  }
0x116: {  	v3 =	vld [tilespmem:s0+$0x5250];
	[tilespmem:s28+$0x260] =	vst v2  }
0x117: {  	v2 =	vld [tilespmem:s0+$0x5260];
	[tilespmem:s28+$0x270] =	vst v1;
	s28 =	smov.u32 s0  }
0x118: {  	v1 =	vld [tilespmem:s28+$0x5270]  }
0x119: {  	v7 =	vld [tilespmem:s28+$0x200]  }
0x11a: {  	v8 =	vld [tilespmem:s28+$0x210]  }
.Ltmp4:
0x11b: {  	v11 =	vld [tilespmem:s28+$0x220];
	(pc) =	sbr.rel @p1 .LBB2_10-.Ltmp4, $4  }
0x11c: {  	v10 =	vld [tilespmem:s28+$0x230]  }
0x11d: {  	v9 =	vld [tilespmem:s28+$0x240]  }
0x11e: {  	v13 =	vmul.f32 v13, v7;
	v7 =	vld [tilespmem:s28+$0x250]  }
0x11f: {  	s29 =	sadd.s32 $0x200, s29;
	v12 =	vmul.f32 v12, v8;
	v8 =	vld [tilespmem:s28+$0x260]  }
0x120: {  	[tilespmem:s28+$0x200] =	vst v13;
	v6 =	vmul.f32 v6, v11;
	v63 =	vld [tilespmem:s28+$0x270]  }
0x121: {  	[tilespmem:s28+$0x210] =	vst v12;
	v5 =	vmul.f32 v5, v10  }
0x122: {  	[tilespmem:s28+$0x220] =	vst v6;
	v4 =	vmul.f32 v4, v9  }
0x123: {  	[tilespmem:s28+$0x230] =	vst v5;
	v3 =	vmul.f32 v3, v7  }
0x124: {  	[tilespmem:s28+$0x240] =	vst v4;
	v2 =	vmul.f32 v2, v8  }
0x125: {  	[tilespmem:s28+$0x250] =	vst v3;
	v1 =	vmul.f32 v1, v63  }
0x126: {  	[tilespmem:s28+$0x260] =	vst v2  }
0x127: {  	[tilespmem:s28+$0x270] =	vst v1  }
0x128: {  	[spmem:s1] =	stream.indirect.scatter.add.f32 [tilespmem:s17], [sflag:$0x7], $0x80, s11, s16, $0xb8;
	[tilespmem:$0x1F280] =	vst v63  }
0x129: {  	_ =	swait.ge [sflag:s10], $0x2800  }
0x12a: {  	[sflag:s10] =	ssyncset.done $0x0  }
0x12b: {  	[sflag:s10] =	ssyncadd.s32 $0xFFFFD800  }
0x12c: {  	s0 =	stileid.u32;
	[bflag:$0x0] =	sbarrier.arrive $0xFFFF  }
0x12d: {  	s0 =	sshll.u32 s0, $0x6;
	s31 =	rddreg [dreg:$0x18]  }
0x12e: {  	s0 =	sor.u32 $0x1C07, s0;
	s29 =	rddreg [dreg:$0xf];
	s5 =	sshrl.u32 s31, $0x3  }
0x12f: {  	[hbm:s29], [sflag:s0] =	dma.local [spmem:s5], $0x2700  }
0x130: {  	_ =	swait.ge [sflag:s10], $0x2700  }
0x131: {  	[sflag:s10] =	ssyncset.done $0x0  }
0x132: {  	s5 =	sshrl.u32 @!p0 s8, $0x3;
	s28 =	rddreg [dreg:$0x10];
	[sflag:s10] =	ssyncadd.s32 $0xFFFFD900  }
0x133: {  	[hbm:s28], [sflag:s0] =	dma.local @!p0 [spmem:s5], $0x100  }
0x134: {  	s0 =	simm.s32 @!p0 $0x7  }
0x135: {  	_ =	swait.ge @!p0 [sflag:s0], $0x100  }
0x136: {  	s26 =	sadd.s32 $0x1, s26;
	s29 =	rddreg [dreg:$0x11]  }
0x137: {  	p1 =	sne.s32 s26, s29  }
.Ltmp5:
0x138: {  	_ = 	snop;
	(pc) =	sbr.rel @p1 .LBB2_1-.Ltmp5, $3  }
0x139: {  	_ =	sdelay $0x1  }
0x13a: {  	[sflag:s0] =	ssyncset.done @!p0 $0x0  }
0x13b: {  	s30 =	smov.u32 s8;
	[sflag:s0] =	ssyncadd.s32 @!p0 $0xFFFFFF00  }
0x13c: {  	_ =	sfence.sel $0x180000  }
0x13d: {  	[bflag:$0x0] =	sbarrier.arrive $0xFFFF  }
0x13e: {  	_ =	strace $0x9000004A  }
0x13f: {  	[bflag:$0x2] =	sbarrier.arrive $0xFFFF  }
0x140: {  	s0 =	rddreg [dreg:$0x2]  }
0x141: {  	s0 =	sadd.s32 @!p0 $0x100000, s0  }
0x142: {  	[sflag:s0] =	ssyncadd.tile.s32 @!p0 $0x1;
	_ =	shalt  }
.Lfunc_end2:
_tile_overlayer_lowered:
.L_overlay_start_2:
0x143: {  	(tag) =	ssettag $0x2  }
0x144: {  	s0 =	rddreg [dreg:$0x0];
	s2 =	stileid.u32  }
0x145: {  	s1 =	rddreg [dreg:$0x1];
	p0 =	sne.s32 s2, $0x0  }
0x146: {  	s3 =	rddreg [dreg:$0x2];
	[bflag:$0x3] =	sbarrier.arrive $0xFFFF;
	s2 =	simm.s32 @!p0 $0x1C07  }
0x147: {  	[timem:s3], [sflag:s2] =	dma.local @!p0 [hbm:s0], s1  }
0x148: {  	s0 =	simm.s32 @!p0 $0x7  }
0x149: {  	_ =	swait.ge @!p0 [sflag:s0], s1  }
0x14a: {  	s1 =	ssub.s32 @!p0 $0x0, s1;
	[sflag:s0] =	ssyncset.done @!p0 $0x0  }
0x14b: {  	[sflag:s0] =	ssyncadd.s32 @!p0 s1  }
0x14c: {  	[bflag:$0x3] =	sbarrier.arrive $0xFFFF  }
0x14d: {  	_ =	shalt  }

// kernel: kernel.9.cloned.1.call-start
scs
__scs_entry_jumppad:
0x0: {  	(pc) =	sbr.rel $0x88, $3  }
0x1: {  	(tag) =	ssettag $0x0;
	lr =	simm.s32 $0x1  }
0x2: {  	[smem:$0x3F5D] =	sst lr;
	_ =	strace $0xD0000000  }
0x3: {  	_ = 	snop  }
0x4: {  	_ = 	snop  }
0x5: {  	_ = 	snop  }
0x6: {  	_ = 	snop  }
0x7: {  	_ = 	snop  }
__scs_overlays_trampoline_lowered:
0x8: {  	[smem:$0x3F6C] =	sst s0  }
0x9: {  	[smem:$0x3F6D] =	sst s1  }
0xa: {  	[smem:$0x3F6E] =	sst s2  }
0xb: {  	[smem:$0x3F6F] =	sst s3  }
0xc: {  	[smem:$0x3F70] =	sst s4  }
0xd: {  	[smem:$0x3F71] =	sst s5  }
0xe: {  	[smem:$0x3F72] =	sst s6  }
0xf: {  	[smem:$0x3F73] =	sst s7  }
0x10: {  	[smem:$0x3F74] =	sst s8  }
0x11: {  	[smem:$0x3F75] =	sst s9;
	s0 =	simm.s32 @!p0 $0x0  }
0x12: {  	s1 =	sld [smem:$0x3F5B];
	s0 =	simm.s32 @p0 $0x1  }
0x13: {  	[smem:$0x3F76] =	sst s0;
	s0 =	simm.s32 @!p1 $0x0  }
0x14: {  	s2 =	sld [smem:$0x3F5A];
	s0 =	simm.s32 @p1 $0x1  }
0x15: {  	[smem:$0x3F77] =	sst s0;
	s0 =	simm.s32 @!p2 $0x0  }
0x16: {  	s3 =	sld [smem:$0x3FDB];
	s0 =	simm.s32 @p2 $0x1  }
0x17: {  	s4 =	simm.s32 $0x1BF5;
	[smem:$0x3F79] =	sst s0  }
0x18: {  	s0 =	sld [smem:$0x3F5C];
	_ =	swait.ge [sflag:s4], $0x0  }
0x19: {  	s7 =	sld [smem:$0x3F5D]  }
0x1a: {  	s8 =	sadd.s32 $0xFFFFE003, lr  }
0x1b: {  	s9 =	sadd.s32 $0xFFFFFEF7, lr;
	s5 =	simm.s32 $0xFFFFFFFF;
	p2 =	slt.u32 s8, $0xFFFFF086  }
0x1c: {  	p1 =	slt.u32 s9, $0xF7A;
	s5 =	simm.s32 @!p2 $0x0  }
0x1d: {  	s5 =	simm.s32 @p1 $0x1;
	p0 =	seq.s32 s7, s2  }
0x1e: {  	s7 =	smul.u32 @!p0 $0xF7A, s2;
	p2 =	seq.s32 @!p0 s5, $0x0  }
0x1f: {  	s9 =	smul.u32 $0xF7A, s1;
	s8 =	simm.s32 @!p0 $0x1BF5;
	p2 =	por !p2, p0  }
0x20: {  	[sflag:s8] =	ssyncset.s32 @!p0 $0xFFFFF086;
	s6 =	sadd.s32 @!p0 s3, s7;
	s7 =	simm.s32 @!p0 $0x108  }
0x21: {  	s3 =	sadd.s32 s3, s9;
	s6 =	sadd.s32 @!p0 $0x88, s6;
	s7 =	simm.s32 @p2 $0x1082  }
0x22: {  	[simem:s7], [sflag:s8] =	dma.local @!p0 [hbm:s6], $0xF7A  }
0x23: {  	s9 =	sor.u32 $0xD0000000, s2;
	s6 =	simm.s32 $0x108;
	_ =	swait.ge @!p0 [sflag:s8], $0x0  }
0x24: {  	s3 =	sadd.s32 $0x88, s3;
	s6 =	simm.s32 @!p1 $0x1082;
	[sflag:s4] =	ssyncset.s32 $0xFFFFF086  }
0x25: {  	[simem:s6], [sflag:s4] =	dma.local [hbm:s3], $0xF7A  }
0x26: {  	[smem:$0x3F5D] =	sst s1;
	(tag) =	ssettag s2;
	_ =	strace s9  }
0x27: {  	s1 =	sld [smem:$0x3F6D]  }
0x28: {  	s2 =	sld [smem:$0x3F6E]  }
0x29: {  	s4 =	sld [smem:$0x3F70]  }
0x2a: {  	p0 =	seq.s32 s5, $0x0;
	s5 =	sld [smem:$0x3F71]  }
0x2b: {  	s6 =	sld [smem:$0x3F72]  }
0x2c: {  	s7 =	sld [smem:$0x3F73]  }
0x2d: {  	s3 =	simm.s32 $0x108;
	s8 =	sld [smem:$0x3F74]  }
0x2e: {  	s3 =	simm.s32 @!p0 $0x1082;
	s9 =	sld [smem:$0x3F75]  }
0x2f: {  	lr =	sadd.s32 s0, s3;
	s0 =	sld [smem:$0x3F6C]  }
0x30: {  	s3 =	sld [smem:$0x3F6F]  }
0x31: {  	[smem:$0x3F78] =	sst s10  }
0x32: {  	s10 =	sld [smem:$0x3F76];
	_ =	sdelay $0x3  }
0x33: {  	p0 =	seq.s32 s10, $0x1;
	s10 =	sld [smem:$0x3F78];
	_ =	sdelay $0x3  }
0x34: {  	[smem:$0x3F78] =	sst s10  }
0x35: {  	s10 =	sld [smem:$0x3F77];
	_ =	sdelay $0x3  }
0x36: {  	p1 =	seq.s32 s10, $0x1;
	s10 =	sld [smem:$0x3F78];
	_ =	sdelay $0x3  }
0x37: {  	[smem:$0x3F78] =	sst s10  }
0x38: {  	s10 =	sld [smem:$0x3F79]  }
0x39: {  	_ = 	snop;
	(pc) =	sbr.ind lr, $3  }
0x3a: {  	_ = 	snop  }
0x3b: {  	_ = 	snop  }
0x3c: {  	p2 =	seq.s32 s10, $0x1;
	s10 =	sld [smem:$0x3F78]  }
0x3d: {  	_ =	shalt  }
0x3e: {  	_ =	shalt  }
0x3f: {  	_ =	shalt  }
0x40: {  	_ =	shalt  }
0x41: {  	_ =	shalt  }
0x42: {  	_ =	shalt  }
0x43: {  	_ =	shalt  }
0x44: {  	_ =	shalt  }
0x45: {  	_ =	shalt  }
0x46: {  	_ =	shalt  }
0x47: {  	_ =	shalt  }
0x48: {  	_ =	shalt  }
0x49: {  	_ =	shalt  }
0x4a: {  	_ =	shalt  }
0x4b: {  	_ =	shalt  }
0x4c: {  	_ =	shalt  }
0x4d: {  	_ =	shalt  }
0x4e: {  	_ =	shalt  }
0x4f: {  	_ =	shalt  }
0x50: {  	_ =	shalt  }
0x51: {  	_ =	shalt  }
0x52: {  	_ =	shalt  }
0x53: {  	_ =	shalt  }
0x54: {  	_ =	shalt  }
0x55: {  	_ =	shalt  }
0x56: {  	_ =	shalt  }
0x57: {  	_ =	shalt  }
0x58: {  	_ =	shalt  }
0x59: {  	_ =	shalt  }
0x5a: {  	_ =	shalt  }
0x5b: {  	_ =	shalt  }
0x5c: {  	_ =	shalt  }
0x5d: {  	_ =	shalt  }
0x5e: {  	_ =	shalt  }
0x5f: {  	_ =	shalt  }
0x60: {  	_ =	shalt  }
0x61: {  	_ =	shalt  }
0x62: {  	_ =	shalt  }
0x63: {  	_ =	shalt  }
0x64: {  	_ =	shalt  }
0x65: {  	_ =	shalt  }
0x66: {  	_ =	shalt  }
0x67: {  	_ =	shalt  }
0x68: {  	_ =	shalt  }
0x69: {  	_ =	shalt  }
0x6a: {  	_ =	shalt  }
0x6b: {  	_ =	shalt  }
0x6c: {  	_ =	shalt  }
0x6d: {  	_ =	shalt  }
0x6e: {  	_ =	shalt  }
0x6f: {  	_ =	shalt  }
0x70: {  	_ =	shalt  }
0x71: {  	_ =	shalt  }
0x72: {  	_ =	shalt  }
0x73: {  	_ =	shalt  }
0x74: {  	_ =	shalt  }
0x75: {  	_ =	shalt  }
0x76: {  	_ =	shalt  }
0x77: {  	_ =	shalt  }
0x78: {  	_ =	shalt  }
0x79: {  	_ =	shalt  }
0x7a: {  	_ =	shalt  }
0x7b: {  	_ =	shalt  }
0x7c: {  	_ =	shalt  }
0x7d: {  	_ =	shalt  }
0x7e: {  	_ =	shalt  }
0x7f: {  	_ =	shalt  }
0x80: {  	_ =	shalt  }
0x81: {  	_ =	shalt  }
0x82: {  	_ =	shalt  }
0x83: {  	_ =	shalt  }
0x84: {  	_ =	shalt  }
0x85: {  	_ =	shalt  }
0x86: {  	_ =	shalt  }
0x87: {  	_ =	shalt  }
.Lfunc_end0:
.L_simem_size_0:
called_computation_lowered:
.L_overlay_start_0:
0x88: {  	s2 =	sld [smem:$0x3FD9]  }
0x89: {  	s3 =	sld [smem:$0x3FFE];
	_ =	sdelay $0x1  }
0x8a: {  	s1 =	srdreg.scid  }
0x8b: {  	s0 =	sand.u32 $0x1, s1  }
0x8c: {  	s16 =	sshll.u32 s0, $0xA;
	s2 =	sadd.s32 s3, s2  }
0x8d: {  	s2 =	sadd.s32 s2, s16  }
0x8e: {  	[smem:$0x3F84] =	sst s2  }
0x8f: {  	_ = 	snop  }
0x90: {  	(tm) =	ssettm $0x1  }
0x91: {  	s17 =	sld [smem:$0x3FFB];
	_ =	sdelay $0x3  }
0x92: {  	_ =	strace s17  }
0x93: {  	s2 =	sld [smem:$0x3FFC];
	_ =	sdelay $0x3  }
0x94: {  	_ =	strace s2  }
0x95: {  	s2 =	sld [smem:$0x3FFD];
	_ =	sdelay $0x3  }
0x96: {  	_ =	strace s2  }
0x97: {  	_ =	strace $0x8FFFFFFF  }
0x98: {  	s18 =	sld [smem:$0x3FDB];
	_ =	sdelay $0x1  }
0x99: {  	s19 =	simm.s32 $_scs_section_size  }
0x9a: {  	s4 =	simm.s32 $_size__tile_overlayer_lowered;
	s5 =	simm.s32 $_tile_overlayer_lowered  }
0x9b: {  	s22 =	simm.s32 $0x1BFF;
	s21 =	sshll.u32 s5, $0x1;
	s2 =	sadd.s32 s19, s18  }
0x9c: {  	s6 =	simm.s32 $0x0;
	s20 =	sshll.u32 s4, $0x1;
	s4 =	sadd.s32 s21, s2  }
0x9d: {  	[timem:s6], [sflag:s22] =	dma.local [hbm:s4], s20  }
0x9e: {  	_ =	swait.ge [sflag:s22], s20  }
0x9f: {  	s3 =	ssub.s32 $0x0, s20;
	[sflag:s22] =	ssyncset.done $0x0  }
0xa0: {  	[sflag:s22] =	ssyncadd.s32 s3;
	_ =	sdelay $0x1  }
0xa1: {  	s23 =	simm.s32 $0x1B8B  }
0xa2: {  	_ =	swait.ge [sflag:s23], $0x1  }
0xa3: {  	[sflag:s23] =	ssyncset.done $0x0  }
0xa4: {  	s25 =	simm.s32 $0x1B8E;
	s24 =	sld [smem:$0x3FFE];
	[sflag:s23] =	ssyncadd.s32 $0xFFFFFFFF  }
0xa5: {  	s26 =	simm.s32 $execute0_lowered;
	[smem:$0x3FD2] =	sst s25  }
0xa6: {  	s4 =	sshll.u32 s26, $0x1;
	_ =	strace $0x80000046;
	[dreg:$0x1] =	wrdreg $0xFFFFFFFF  }
0xa7: {  	s28 =	simm.s32 $_size_execute0_lowered;
	s2 =	sadd.s32 s2, s4;
	[dreg:$0x0] =	wrdreg $0x0  }
0xa8: {  	s4 =	sshll.u32 s28, $0x1;
	[dreg:$0x2] =	wrdreg s2  }
0xa9: {  	[dreg:$0x3] =	wrdreg s4  }
0xaa: {  	[dreg:$0x4] =	wrdreg $0xC0  }
0xab: {  	_ =	task [dreg:s6], $0x5FFFF  }
0xac: {  	[dreg:$0x1] =	wrdreg $0xFFFFFFFF  }
0xad: {  	[dreg:$0x0] =	wrdreg $0x60  }
0xae: {  	[dreg:$0x2] =	wrdreg s24  }
0xaf: {  	[dreg:$0x3] =	wrdreg $0xBA000  }
0xb0: {  	[dreg:$0x4] =	wrdreg $0x9  }
0xb1: {  	_ =	task.clear_ibuf [dreg:s6], $0x5FFFF;
	_ =	strace $0x90000046  }
0xb2: {  	s29 =	simm.s32 $0x9;
	_ =	strace $0x80000048  }
0xb3: {  	_ =	swait.ge [sflag:s29], $0x1  }
0xb4: {  	[sflag:s29] =	ssyncadd.s32 $0xFFFFFFFF  }
0xb5: {  	_ =	strace $0x90000048  }
0xb6: {  	_ =	sfence  }
0xb7: {  	s30 =	sld [smem:$0x0];
	_ =	sdelay $0x2  }
0xb8: {  	s31 =	sshll.u32 s1, $0xD;
	s1 =	sshrl.u32 s1, $0x2  }
0xb9: {  	s3 =	sand.u32 $0x4000, s31;
	s1 =	sadd.s32 s1, s30  }
0xba: {  	s0 =	sor.u32 s3, s0;
	s1 =	sshll.u32 s1, $0x11  }
0xbb: {  	s0 =	sor.u32 s1, s0  }
0xbc: {  	s0 =	sadd.s32 $0x8F2B, s0  }
0xbd: {  	[sflag:s0] =	ssyncadd.remote.s32 $0x1  }
0xbe: {  	_ =	sfence.sel $0xFFFF  }
0xbf: {  	[dreg:$0x0] =	wrdreg $0xFFFFFFFF;
	(pc) =	sbr.abs _section_cstart, $3  }
0xc0: {  	[dreg:$0x1] =	wrdreg $0xFFFFFFFF  }
0xc1: {  	_ =	task.clear_ibuf [dreg:s6], $0x2FFFF;
	_ =	strace $0x9FFFFFFF  }
0xc2: {  	(tm) =	ssettm $0x7FFFFFFF  }
0xc3: {  	_ =	shalt  }
tec
execute0_lowered:
.L_overlay_start_1:
0x0: {  	(tag) =	ssettag $0x1  }
0x1: {  	s0 =	rddreg [dreg:$0x0]  }
0x2: {  	s1 =	rddreg [dreg:$0x1];
	s2 =	simm.s32 $0x0  }
0x3: {  	s5 =	srdreg.scid;
	[smem:$0x7FF] =	sst s2;
	s3 =	sadd.s32 $0xEC4800, s0  }
0x4: {  	s15 =	stileid.u32;
	s4 =	sadd.s32 $0x9E2800, s0;
	s6 =	sadd.s32 $0x9D8A00, s0  }
0x5: {  	s5 =	sand.u32 $0x1, s5;
	s8 =	smul.u32 $0x4E000, s15;
	s7 =	sadd.s32 $0x9CEC00, s0  }
0x6: {  	s0 =	sadd.s32 $0xF12C00, s0;
	s14 =	smul.u32 $0x13800, s15;
	p0 =	sne.s32 s15, $0x0  }
0x7: {  	s30 =	sadd.s32 $0x138000, s1;
	_ =	strace $0x80000047;
	s9 =	ssub.s32 $0x2, s5  }
0x8: {  	s11 =	sshll.u32 s5, $0x4;
	s5 =	smul.u32 $0x138800, s5;
	s10 =	sshrl.u32 s9, $0x1  }
0x9: {  	s8 =	sshrl.u32 s8, $0x2;
	s22 =	sor.u32 s15, s11;
	s11 =	simm.s32 $0x80  }
0xa: {  	s15 =	simm.s32 $0x1;
	s9 =	ssub.s32 s9, s10;
	s31 =	sadd.s32 s8, s1  }
0xb: {  	s25 =	smul.u32 $0x2710, s22;
	s23 =	sadd.s32 $0x1800, s31;
	[dreg:$0x18] =	wrdreg s31  }
0xc: {  	s10 =	smul.u32 $0x27100, s22;
	s24 =	sadd.s32 $0x3000, s31;
	[dreg:$0x3] =	wrdreg s23  }
0xd: {  	s18 =	sadd.s32 s14, s5;
	s12 =	sadd.s32 $0x4800, s31;
	[dreg:$0x4] =	wrdreg s24  }
0xe: {  	s5 =	sshrl.u32 s5, $0x3;
	s26 =	sadd.s32 $0x6000, s31;
	[dreg:$0x5] =	wrdreg s12  }
0xf: {  	s14 =	simm.s32 $0x180;
	s28 =	sadd.s32 $0x7800, s31;
	[dreg:$0x6] =	wrdreg s26  }
0x10: {  	s29 =	sadd.s32 $0x9000, s31;
	s20 =	smax.u32 s9, $0x1;
	[dreg:$0x7] =	wrdreg s28  }
0x11: {  	s21 =	sadd.s32 $0xA800, s31;
	s9 =	simm.s32 $0xA200;
	[dreg:$0x8] =	wrdreg s29  }
0x12: {  	s8 =	sshrl.u32 s25, $0x3;
	s13 =	sadd.s32 $0x50, s25;
	[dreg:$0x11] =	wrdreg s20  }
0x13: {  	s10 =	sadd.s32 s4, s10;
	s22 =	sadd.s32 $0xA0, s25;
	[dreg:$0x12] =	wrdreg s21  }
0x14: {  	s23 =	sadd.s32 $0xF0, s25;
	s24 =	sadd.s32 $0xC000, s31;
	[dreg:$0xb] =	wrdreg s10  }
0x15: {  	s25 =	sadd.s32 $0xD800, s31;
	s26 =	sadd.s32 $0xF000, s31;
	[dreg:$0x13] =	wrdreg s24  }
0x16: {  	s28 =	sadd.s32 $0x10800, s31;
	s29 =	sadd.s32 $0x12000, s31;
	[dreg:$0x14] =	wrdreg s25  }
0x17: {  	s20 =	simm.s32 $0x5;
	s21 =	simm.s32 $0x3;
	[dreg:$0x15] =	wrdreg s26  }
0x18: {  	s16 =	sadd.s32 s6, s8;
	s12 =	sadd.s32 s7, s8;
	[dreg:$0x16] =	wrdreg s28  }
0x19: {  	s19 =	sshll.u32 s13, $0x4;
	s10 =	sshrl.u32 s18, $0x3;
	[dreg:$0x17] =	wrdreg s29  }
0x1a: {  	s18 =	simm.s32 $0x2;
	s24 =	simm.s32 $0x6;
	[dreg:$0x9] =	wrdreg s16  }
0x1b: {  	s25 =	simm.s32 $0x4;
	s26 =	simm.s32 $0x0;
	[dreg:$0xa] =	wrdreg s12  }
0x1c: {  	s16 =	sshrl.u32 s13, $0x3;
	s10 =	sadd.s32 s0, s10;
	s0 =	sadd.s32 s0, s5  }
0x1d: {  	s13 =	simm.s32 $0x100;
	s17 =	sadd.s32 s6, s16;
	[dreg:$0xf] =	wrdreg s10  }
0x1e: {  	s12 =	sadd.s32 s7, s16;
	s0 =	sadd.s32 $0x27000, s0;
	[dreg:$0xc] =	wrdreg s17  }
0x1f: {  	s10 =	simm.s32 $0x7;
	s16 =	simm.s32 $0x50;
	[dreg:$0xd] =	wrdreg s12  }
0x20: {  	s12 =	sadd.s32 s4, s19;
	[dreg:$0x10] =	wrdreg s0;
	s17 =	simm.s32 $0x200  }
0x21: {  	v0 =	vimm.f32 $0.0e+00;
	s19 =	simm.s32 $0x2A00;
	[dreg:$0xe] =	wrdreg s12;
	s12 =	simm.s32 $0x5200  }
.LBB2_1:
0x22: {  	s28 =	simm.s32 $0x0;
	s29 =	simm.s32 $0x200  }
.LBB2_2:
0x23: {  	p1 =	sne.s32 s29, $0x5E00;
	[tilespmem:s28+$0xA270] =	vst v0  }
0x24: {  	[tilespmem:s28+$0xA200] =	vst v0  }
0x25: {  	[tilespmem:s28+$0xA210] =	vst v0  }
.Ltmp0:
0x26: {  	[tilespmem:s28+$0xA220] =	vst v0;
	(pc) =	sbr.rel @p1 .LBB2_2-.Ltmp0, $4  }
0x27: {  	[tilespmem:s28+$0xA230] =	vst v0  }
0x28: {  	[tilespmem:s28+$0xA240] =	vst v0  }
0x29: {  	[tilespmem:s28+$0xA250] =	vst v0  }
0x2a: {  	[tilespmem:s28+$0xA260] =	vst v0;
	s28 =	sshra.s32 s29, $0x2;
	s29 =	sadd.s32 $0x200, s29  }
0x2b: {  	[tilespmem:s28+$0xA270] =	vst v0  }
0x2c: {  	[tilespmem:s28+$0xA200] =	vst v0  }
0x2d: {  	[tilespmem:s28+$0xA210] =	vst v0  }
0x2e: {  	[tilespmem:s28+$0xA220] =	vst v0  }
0x2f: {  	[tilespmem:s28+$0xA230] =	vst v0  }
0x30: {  	[tilespmem:s28+$0xA240] =	vst v0  }
0x31: {  	[tilespmem:s28+$0xA250] =	vst v0  }
0x32: {  	[tilespmem:s28+$0xA260] =	vst v0  }
0x33: {  	[spmem:s31] =	stream.linear.scatter [tilespmem:s9], [sflag:$0x7], $0x1800, $0x38;
	[tilespmem:$0x1F280] =	vst v63  }
0x34: {  	_ =	swait.ge [sflag:s10], $0x1800  }
0x35: {  	[sflag:s10] =	ssyncset.done $0x0  }
0x36: {  	s0 =	rddreg [dreg:$0x3];
	[sflag:s10] =	ssyncadd.s32 $0xFFFFE800  }
0x37: {  	[spmem:s0] =	stream.linear.scatter [tilespmem:s9], [sflag:$0x7], $0x1800, $0x38;
	[tilespmem:$0x1F280] =	vst v63  }
0x38: {  	_ =	swait.ge [sflag:s10], $0x1800  }
0x39: {  	[sflag:s10] =	ssyncset.done $0x0  }
0x3a: {  	s5 =	rddreg [dreg:$0x4];
	[sflag:s10] =	ssyncadd.s32 $0xFFFFE800  }
0x3b: {  	[spmem:s5] =	stream.linear.scatter [tilespmem:s9], [sflag:$0x7], $0x1800, $0x38;
	[tilespmem:$0x1F280] =	vst v63  }
0x3c: {  	_ =	swait.ge [sflag:s10], $0x1800  }
0x3d: {  	[sflag:s10] =	ssyncset.done $0x0  }
0x3e: {  	s8 =	rddreg [dreg:$0x5];
	[sflag:s10] =	ssyncadd.s32 $0xFFFFE800  }
0x3f: {  	[spmem:s8] =	stream.linear.scatter [tilespmem:s9], [sflag:$0x7], $0x1800, $0x38;
	[tilespmem:$0x1F280] =	vst v63  }
0x40: {  	_ =	swait.ge [sflag:s10], $0x1800  }
0x41: {  	[sflag:s10] =	ssyncset.done $0x0  }
0x42: {  	s29 =	rddreg [dreg:$0x6];
	[sflag:s10] =	ssyncadd.s32 $0xFFFFE800  }
0x43: {  	[spmem:s29] =	stream.linear.scatter [tilespmem:s9], [sflag:$0x7], $0x1800, $0x38;
	[tilespmem:$0x1F280] =	vst v63  }
0x44: {  	_ =	swait.ge [sflag:s10], $0x1800  }
0x45: {  	[sflag:s10] =	ssyncset.done $0x0  }
0x46: {  	s31 =	rddreg [dreg:$0x7];
	[sflag:s10] =	ssyncadd.s32 $0xFFFFE800  }
0x47: {  	[spmem:s31] =	stream.linear.scatter [tilespmem:s9], [sflag:$0x7], $0x1800, $0x38;
	[tilespmem:$0x1F280] =	vst v63  }
0x48: {  	_ =	swait.ge [sflag:s10], $0x1800  }
0x49: {  	[sflag:s10] =	ssyncset.done $0x0  }
0x4a: {  	s5 =	rddreg [dreg:$0x8];
	[sflag:s10] =	ssyncadd.s32 $0xFFFFE800  }
0x4b: {  	[spmem:s5] =	stream.linear.scatter [tilespmem:s9], [sflag:$0x7], $0x1800, $0x38;
	[tilespmem:$0x1F280] =	vst v63  }
0x4c: {  	_ =	swait.ge [sflag:s10], $0x1800  }
0x4d: {  	[sflag:s10] =	ssyncset.done $0x0  }
0x4e: {  	s8 =	rddreg [dreg:$0x12];
	[sflag:s10] =	ssyncadd.s32 $0xFFFFE800  }
0x4f: {  	[spmem:s8] =	stream.linear.scatter [tilespmem:s9], [sflag:$0x7], $0x1800, $0x38;
	[tilespmem:$0x1F280] =	vst v63  }
0x50: {  	_ =	swait.ge [sflag:s10], $0x1800  }
0x51: {  	[sflag:s10] =	ssyncset.done $0x0  }
0x52: {  	s29 =	rddreg [dreg:$0x13];
	[sflag:s10] =	ssyncadd.s32 $0xFFFFE800  }
0x53: {  	[spmem:s29] =	stream.linear.scatter [tilespmem:s9], [sflag:$0x7], $0x1800, $0x38;
	[tilespmem:$0x1F280] =	vst v63  }
0x54: {  	_ =	swait.ge [sflag:s10], $0x1800  }
0x55: {  	[sflag:s10] =	ssyncset.done $0x0  }
0x56: {  	s31 =	rddreg [dreg:$0x14];
	[sflag:s10] =	ssyncadd.s32 $0xFFFFE800  }
0x57: {  	[spmem:s31] =	stream.linear.scatter [tilespmem:s9], [sflag:$0x7], $0x1800, $0x38;
	[tilespmem:$0x1F280] =	vst v63  }
0x58: {  	_ =	swait.ge [sflag:s10], $0x1800  }
0x59: {  	[sflag:s10] =	ssyncset.done $0x0  }
0x5a: {  	s5 =	rddreg [dreg:$0x15];
	[sflag:s10] =	ssyncadd.s32 $0xFFFFE800  }
0x5b: {  	[spmem:s5] =	stream.linear.scatter [tilespmem:s9], [sflag:$0x7], $0x1800, $0x38;
	[tilespmem:$0x1F280] =	vst v63  }
0x5c: {  	_ =	swait.ge [sflag:s10], $0x1800  }
0x5d: {  	[sflag:s10] =	ssyncset.done $0x0  }
0x5e: {  	s8 =	rddreg [dreg:$0x16];
	[sflag:s10] =	ssyncadd.s32 $0xFFFFE800  }
0x5f: {  	[spmem:s8] =	stream.linear.scatter [tilespmem:s9], [sflag:$0x7], $0x1800, $0x38;
	[tilespmem:$0x1F280] =	vst v63  }
0x60: {  	_ =	swait.ge [sflag:s10], $0x1800  }
0x61: {  	[sflag:s10] =	ssyncset.done $0x0  }
0x62: {  	s29 =	rddreg [dreg:$0x17];
	[sflag:s10] =	ssyncadd.s32 $0xFFFFE800  }
0x63: {  	[spmem:s29] =	stream.linear.scatter [tilespmem:s9], [sflag:$0x7], $0x1800, $0x38;
	[tilespmem:$0x1F280] =	vst v63  }
0x64: {  	_ =	swait.ge [sflag:s10], $0x1800  }
0x65: {  	[sflag:s10] =	ssyncset.done $0x0  }
0x66: {  	s28 =	simm.s32 @!p0 $0xA200;
	[sflag:s10] =	ssyncadd.s32 $0xFFFFE800  }
0x67: {  	[spmem:s30] =	stream.linear.scatter @!p0 [tilespmem:s28], [sflag:$0x7], $0x800, $0x38;
	[tilespmem:$0x1F280] =	vst v63  }
0x68: {  	s28 =	simm.s32 @!p0 $0x7  }
0x69: {  	_ =	swait.ge @!p0 [sflag:s28], $0x800  }
0x6a: {  	[sflag:s28] =	ssyncset.done @!p0 $0x0  }
0x6b: {  	[sflag:s28] =	ssyncadd.s32 @!p0 $0xFFFFF800  }
0x6c: {  	[bflag:$0x0] =	sbarrier.arrive $0xFFFF  }
0x6d: {  	s8 =	smov.u32 s30;
	s28 =	simm.s32 $0x0;
	s30 =	rddreg [dreg:$0x9]  }
0x6e: {  	[tilespmem:s28], [sflag:$0x1] =	stream.linear.gather [hbm4b:s30+s28], $0x50, $0x38;
	[tilespmem:$0x1F280] =	vst v63  }
0x6f: {  	s31 =	rddreg [dreg:$0xa]  }
0x70: {  	[tilespmem:s11], [sflag:$0x1] =	stream.linear.gather [hbm4b:s31+s28], $0x50, $0x38;
	[tilespmem:$0x1F280] =	vst v63  }
0x71: {  	s5 =	rddreg [dreg:$0xb]  }
0x72: {  	[tilespmem:s12], [sflag:$0x3] =	stream.linear.gather [hbm4b:s5+s28], $0x2800, $0x38;
	[tilespmem:$0x1F280] =	vst v63  }
0x73: {  	s29 =	rddreg [dreg:$0xc]  }
0x74: {  	[tilespmem:s13], [sflag:$0x2] =	stream.linear.gather [hbm4b:s29+s28], $0x50, $0x38;
	[tilespmem:$0x1F280] =	vst v63  }
0x75: {  	s30 =	rddreg [dreg:$0xd]  }
0x76: {  	[tilespmem:s14], [sflag:$0x2] =	stream.linear.gather [hbm4b:s30+s28], $0x50, $0x38;
	[tilespmem:$0x1F280] =	vst v63  }
0x77: {  	s31 =	rddreg [dreg:$0xe];
	s5 =	simm.s32 $0x7A00  }
0x78: {  	[tilespmem:s5], [sflag:$0x4] =	stream.linear.gather [hbm4b:s31+s28], $0x2800, $0x38;
	[tilespmem:$0x1F280] =	vst v63  }
0x79: {  	_ =	swait.ge [sflag:s15], $0x50  }
0x7a: {  	[sflag:s15] =	ssyncset.done $0x0  }
0x7b: {  	[sflag:s15] =	ssyncadd.s32 $0xFFFFFFB0  }
0x7c: {  	_ =	swait.ge [sflag:s15], $0x50  }
0x7d: {  	[sflag:s15] =	ssyncset.done $0x0  }
0x7e: {  	[sflag:s15] =	ssyncadd.s32 $0xFFFFFFB0  }
0x7f: {  	[tilespmem:s17], [sflag:$0x5] =	stream.indirect.gather [hbm4b:s3+s16], $0x80, s28, s16, $0xb8;
	[tilespmem:$0x1F280] =	vst v63  }
.LBB2_4:
0x80: {  	_ =	swait.ge [sflag:s18], $0x50  }
0x81: {  	[sflag:s18] =	ssyncset.done $0x0  }
0x82: {  	[sflag:s18] =	ssyncadd.s32 $0xFFFFFFB0  }
0x83: {  	_ =	swait.ge [sflag:s18], $0x50  }
0x84: {  	[sflag:s18] =	ssyncset.done $0x0  }
0x85: {  	[sflag:s18] =	ssyncadd.s32 $0xFFFFFFB0  }
0x86: {  	[tilespmem:s19], [sflag:$0x6] =	stream.indirect.gather [hbm4b:s3+s16], $0x80, s13, s16, $0xb8;
	[tilespmem:$0x1F280] =	vst v63  }
0x87: {  	_ =	swait.ge [sflag:s20], $0x2800  }
0x88: {  	[sflag:s20] =	ssyncset.done $0x0  }
0x89: {  	[sflag:s20] =	ssyncadd.s32 $0xFFFFD800  }
0x8a: {  	_ =	swait.ge [sflag:s21], $0x2800  }
0x8b: {  	[sflag:s21] =	ssyncset.done $0x0  }
0x8c: {  	s29 =	simm.s32 $0x0;
	[sflag:s21] =	ssyncadd.s32 $0xFFFFD800  }
0x8d: {  	v8 =	vld [tilespmem:s29+$0x5200]  }
0x8e: {  	v12 =	vld [tilespmem:s29+$0x5210]  }
0x8f: {  	v6 =	vld [tilespmem:s29+$0x5220]  }
0x90: {  	v5 =	vld [tilespmem:s29+$0x5230]  }
0x91: {  	v4 =	vld [tilespmem:s29+$0x5240]  }
0x92: {  	v3 =	vld [tilespmem:s29+$0x5250]  }
0x93: {  	v2 =	vld [tilespmem:s29+$0x5260]  }
0x94: {  	v1 =	vld [tilespmem:s29+$0x5270]  }
0x95: {  	v13 =	vld [tilespmem:s29+$0x200]  }
0x96: {  	v14 =	vld [tilespmem:s29+$0x210]  }
0x97: {  	v11 =	vld [tilespmem:s29+$0x220]  }
0x98: {  	v10 =	vld [tilespmem:s29+$0x230]  }
0x99: {  	v9 =	vld [tilespmem:s29+$0x240]  }
0x9a: {  	v7 =	vld [tilespmem:s29+$0x250];
	v13 =	vmul.f32 v8, v13  }
0x9b: {  	s30 =	simm.s32 $0x200;
	v12 =	vmul.f32 v12, v14;
	v8 =	vld [tilespmem:s29+$0x260]  }
.LBB2_5:
0x9c: {  	s31 =	sshra.s32 s30, $0x2;
	p1 =	sne.s32 s30, $0x9E00;
	[tilespmem:s29+$0x200] =	vst v13;
	v6 =	vmul.f32 v6, v11;
	v11 =	vld [tilespmem:s29+$0x270]  }
0x9d: {  	v13 =	vld [tilespmem:s31+$0x5200];
	[tilespmem:s29+$0x210] =	vst v12;
	v5 =	vmul.f32 v5, v10  }
0x9e: {  	v12 =	vld [tilespmem:s31+$0x5210];
	[tilespmem:s29+$0x220] =	vst v6;
	v4 =	vmul.f32 v4, v9  }
0x9f: {  	v6 =	vld [tilespmem:s31+$0x5220];
	[tilespmem:s29+$0x230] =	vst v5;
	v3 =	vmul.f32 v3, v7  }
0xa0: {  	v5 =	vld [tilespmem:s31+$0x5230];
	[tilespmem:s29+$0x240] =	vst v4;
	v2 =	vmul.f32 v2, v8  }
0xa1: {  	v4 =	vld [tilespmem:s31+$0x5240];
	[tilespmem:s29+$0x250] =	vst v3;
	v1 =	vmul.f32 v1, v11  }
0xa2: {  	v3 =	vld [tilespmem:s31+$0x5250];
	[tilespmem:s29+$0x260] =	vst v2  }
0xa3: {  	v2 =	vld [tilespmem:s31+$0x5260];
	[tilespmem:s29+$0x270] =	vst v1;
	s29 =	smov.u32 s31  }
0xa4: {  	v1 =	vld [tilespmem:s29+$0x5270]  }
0xa5: {  	v7 =	vld [tilespmem:s29+$0x200]  }
0xa6: {  	v8 =	vld [tilespmem:s29+$0x210]  }
.Ltmp1:
0xa7: {  	v11 =	vld [tilespmem:s29+$0x220];
	(pc) =	sbr.rel @p1 .LBB2_5-.Ltmp1, $4  }
0xa8: {  	v10 =	vld [tilespmem:s29+$0x230]  }
0xa9: {  	v9 =	vld [tilespmem:s29+$0x240]  }
0xaa: {  	v13 =	vmul.f32 v13, v7;
	v7 =	vld [tilespmem:s29+$0x250]  }
0xab: {  	s30 =	sadd.s32 $0x200, s30;
	v12 =	vmul.f32 v12, v8;
	v8 =	vld [tilespmem:s29+$0x260]  }
0xac: {  	[tilespmem:s29+$0x200] =	vst v13;
	v6 =	vmul.f32 v6, v11;
	v11 =	vld [tilespmem:s29+$0x270]  }
0xad: {  	[tilespmem:s29+$0x210] =	vst v12;
	v5 =	vmul.f32 v5, v10  }
0xae: {  	[tilespmem:s29+$0x220] =	vst v6;
	v4 =	vmul.f32 v4, v9  }
0xaf: {  	[tilespmem:s29+$0x230] =	vst v5;
	v3 =	vmul.f32 v3, v7  }
0xb0: {  	[tilespmem:s29+$0x240] =	vst v4;
	v2 =	vmul.f32 v2, v8  }
0xb1: {  	[tilespmem:s29+$0x250] =	vst v3;
	v1 =	vmul.f32 v1, v11  }
0xb2: {  	[tilespmem:s29+$0x260] =	vst v2  }
0xb3: {  	[tilespmem:s29+$0x270] =	vst v1;
	s29 =	smul.u32 $0xA0, s28  }
0xb4: {  	[spmem:s1] =	stream.indirect.scatter.add.f32 [tilespmem:s17], [sflag:$0x7], $0x80, s11, s16, $0xb8;
	[tilespmem:$0x1F280] =	vst v63  }
0xb5: {  	_ =	swait.ge [sflag:s10], $0x2800;
	s30 =	sadd.s32 s29, s22  }
0xb6: {  	[sflag:s10] =	ssyncset.done $0x0;
	s31 =	sshrl.u32 s30, $0x3  }
0xb7: {  	s5 =	simm.s32 $0x0;
	[sflag:s10] =	ssyncadd.s32 $0xFFFFD800;
	s0 =	sadd.s32 s6, s31  }
0xb8: {  	[tilespmem:s5], [sflag:$0x1] =	stream.linear.gather [hbm4b:s0+s5], $0x50, $0x38;
	[tilespmem:$0x1F280] =	vst v63  }
0xb9: {  	s0 =	sadd.s32 s7, s31  }
0xba: {  	[tilespmem:s11], [sflag:$0x1] =	stream.linear.gather [hbm4b:s0+s5], $0x50, $0x38;
	[tilespmem:$0x1F280] =	vst v63  }
0xbb: {  	s0 =	sshll.u32 s30, $0x4  }
0xbc: {  	s0 =	sadd.s32 s4, s0  }
0xbd: {  	[tilespmem:s12], [sflag:$0x3] =	stream.linear.gather [hbm4b:s0+s5], $0x2800, $0x38;
	[tilespmem:$0x1F280] =	vst v63  }
0xbe: {  	_ =	swait.ge [sflag:s24], $0x2800  }
0xbf: {  	[sflag:s24] =	ssyncset.done $0x0  }
0xc0: {  	[sflag:s24] =	ssyncadd.s32 $0xFFFFD800  }
0xc1: {  	_ =	swait.ge [sflag:s25], $0x2800  }
0xc2: {  	[sflag:s25] =	ssyncset.done $0x0  }
0xc3: {  	s30 =	simm.s32 $0x0;
	[sflag:s25] =	ssyncadd.s32 $0xFFFFD800  }
0xc4: {  	v8 =	vld [tilespmem:s30+$0x7A00]  }
0xc5: {  	v12 =	vld [tilespmem:s30+$0x7A10]  }
0xc6: {  	v6 =	vld [tilespmem:s30+$0x7A20]  }
0xc7: {  	v5 =	vld [tilespmem:s30+$0x7A30]  }
0xc8: {  	v4 =	vld [tilespmem:s30+$0x7A40]  }
0xc9: {  	v3 =	vld [tilespmem:s30+$0x7A50]  }
0xca: {  	v2 =	vld [tilespmem:s30+$0x7A60]  }
0xcb: {  	v1 =	vld [tilespmem:s30+$0x7A70]  }
0xcc: {  	v13 =	vld [tilespmem:s30+$0x2A00]  }
0xcd: {  	v14 =	vld [tilespmem:s30+$0x2A10]  }
0xce: {  	v11 =	vld [tilespmem:s30+$0x2A20]  }
0xcf: {  	v10 =	vld [tilespmem:s30+$0x2A30]  }
0xd0: {  	v9 =	vld [tilespmem:s30+$0x2A40]  }
0xd1: {  	v7 =	vld [tilespmem:s30+$0x2A50];
	v13 =	vmul.f32 v8, v13  }
0xd2: {  	s31 =	simm.s32 $0x200;
	v12 =	vmul.f32 v12, v14;
	v8 =	vld [tilespmem:s30+$0x2A60]  }
.LBB2_7:
0xd3: {  	s0 =	sshra.s32 s31, $0x2;
	p1 =	sne.s32 s31, $0x9E00;
	[tilespmem:s30+$0x2A00] =	vst v13;
	v6 =	vmul.f32 v6, v11;
	v11 =	vld [tilespmem:s30+$0x2A70]  }
0xd4: {  	v13 =	vld [tilespmem:s0+$0x7A00];
	[tilespmem:s30+$0x2A10] =	vst v12;
	v5 =	vmul.f32 v5, v10  }
0xd5: {  	v12 =	vld [tilespmem:s0+$0x7A10];
	[tilespmem:s30+$0x2A20] =	vst v6;
	v4 =	vmul.f32 v4, v9  }
0xd6: {  	v6 =	vld [tilespmem:s0+$0x7A20];
	[tilespmem:s30+$0x2A30] =	vst v5;
	v3 =	vmul.f32 v3, v7  }
0xd7: {  	v5 =	vld [tilespmem:s0+$0x7A30];
	[tilespmem:s30+$0x2A40] =	vst v4;
	v2 =	vmul.f32 v2, v8  }
0xd8: {  	v4 =	vld [tilespmem:s0+$0x7A40];
	[tilespmem:s30+$0x2A50] =	vst v3;
	v1 =	vmul.f32 v1, v11  }
0xd9: {  	v3 =	vld [tilespmem:s0+$0x7A50];
	[tilespmem:s30+$0x2A60] =	vst v2  }
0xda: {  	v2 =	vld [tilespmem:s0+$0x7A60];
	[tilespmem:s30+$0x2A70] =	vst v1;
	s30 =	smov.u32 s0  }
0xdb: {  	v1 =	vld [tilespmem:s30+$0x7A70]  }
0xdc: {  	v7 =	vld [tilespmem:s30+$0x2A00]  }
0xdd: {  	v8 =	vld [tilespmem:s30+$0x2A10]  }
.Ltmp2:
0xde: {  	v11 =	vld [tilespmem:s30+$0x2A20];
	(pc) =	sbr.rel @p1 .LBB2_7-.Ltmp2, $4  }
0xdf: {  	v10 =	vld [tilespmem:s30+$0x2A30]  }
0xe0: {  	v9 =	vld [tilespmem:s30+$0x2A40]  }
0xe1: {  	v13 =	vmul.f32 v13, v7;
	v7 =	vld [tilespmem:s30+$0x2A50]  }
0xe2: {  	s31 =	sadd.s32 $0x200, s31;
	v12 =	vmul.f32 v12, v8;
	v8 =	vld [tilespmem:s30+$0x2A60]  }
0xe3: {  	[tilespmem:s30+$0x2A00] =	vst v13;
	v6 =	vmul.f32 v6, v11;
	v63 =	vld [tilespmem:s30+$0x2A70]  }
0xe4: {  	[tilespmem:s30+$0x2A10] =	vst v12;
	v5 =	vmul.f32 v5, v10  }
0xe5: {  	[tilespmem:s30+$0x2A20] =	vst v6;
	v4 =	vmul.f32 v4, v9  }
0xe6: {  	[tilespmem:s30+$0x2A30] =	vst v5;
	v3 =	vmul.f32 v3, v7  }
0xe7: {  	[tilespmem:s30+$0x2A40] =	vst v4;
	v2 =	vmul.f32 v2, v8  }
0xe8: {  	[tilespmem:s30+$0x2A50] =	vst v3;
	v1 =	vmul.f32 v1, v63  }
0xe9: {  	[tilespmem:s30+$0x2A60] =	vst v2  }
0xea: {  	p1 =	seq.s32 s28, $0x3D;
	[tilespmem:s30+$0x2A70] =	vst v1  }
0xeb: {  	[spmem:s1] =	stream.indirect.scatter.add.f32 [tilespmem:s19], [sflag:$0x7], $0x80, s14, s16, $0xb8;
	[tilespmem:$0x1F280] =	vst v63  }
0xec: {  	s0 =	sadd.s32 @!p1 s29, s23;
	_ =	swait.ge [sflag:s10], $0x2800  }
0xed: {  	s31 =	simm.s32 @!p1 $0x100;
	s5 =	sshrl.u32 @!p1 s0, $0x3;
	[sflag:s10] =	ssyncset.done $0x0  }
0xee: {  	s29 =	sadd.s32 @!p1 s6, s5;
	s30 =	simm.s32 @!p1 $0x0;
	[sflag:s10] =	ssyncadd.s32 $0xFFFFD800  }
0xef: {  	[tilespmem:s31], [sflag:$0x2] =	stream.linear.gather @!p1 [hbm4b:s29+s30], $0x50, $0x38;
	[tilespmem:$0x1F280] =	vst v63  }
0xf0: {  	s0 =	sshll.u32 @!p1 s0, $0x4;
	s5 =	sadd.s32 @!p1 s7, s5;
	s29 =	simm.s32 @!p1 $0x180  }
0xf1: {  	[tilespmem:s29], [sflag:$0x2] =	stream.linear.gather @!p1 [hbm4b:s5+s30], $0x50, $0x38;
	[tilespmem:$0x1F280] =	vst v63  }
0xf2: {  	s0 =	sadd.s32 @!p1 s4, s0;
	s5 =	simm.s32 @!p1 $0x7A00  }
0xf3: {  	[tilespmem:s5], [sflag:$0x4] =	stream.linear.gather @!p1 [hbm4b:s0+s30], $0x2800, $0x38;
	[tilespmem:$0x1F280] =	vst v63  }
0xf4: {  	s28 =	sadd.s32 $0x1, s28;
	_ =	swait.ge [sflag:s15], $0x50  }
0xf5: {  	p1 =	sne.s32 s28, $0x3E;
	[sflag:s15] =	ssyncset.done $0x0  }
.Ltmp3:
0xf6: {  	[sflag:s15] =	ssyncadd.s32 $0xFFFFFFB0;
	(pc) =	sbr.rel @p1 .LBB2_4-.Ltmp3, $4  }
0xf7: {  	_ =	swait.ge [sflag:s15], $0x50  }
0xf8: {  	[sflag:s15] =	ssyncset.done $0x0  }
0xf9: {  	[sflag:s15] =	ssyncadd.s32 $0xFFFFFFB0  }
0xfa: {  	[tilespmem:s17], [sflag:$0x5] =	stream.indirect.gather [hbm4b:s3+s16], $0x80, s2, s16, $0xb8;
	[tilespmem:$0x1F280] =	vst v63  }
0xfb: {  	_ =	swait.ge [sflag:s20], $0x2800  }
0xfc: {  	[sflag:s20] =	ssyncset.done $0x0  }
0xfd: {  	[sflag:s20] =	ssyncadd.s32 $0xFFFFD800  }
0xfe: {  	_ =	swait.ge [sflag:s21], $0x2800  }
0xff: {  	[sflag:s21] =	ssyncset.done $0x0  }
0x100: {  	s28 =	simm.s32 $0x0;
	[sflag:s21] =	ssyncadd.s32 $0xFFFFD800  }
0x101: {  	v8 =	vld [tilespmem:s28+$0x5200]  }
0x102: {  	v12 =	vld [tilespmem:s28+$0x5210]  }
0x103: {  	v6 =	vld [tilespmem:s28+$0x5220]  }
0x104: {  	v5 =	vld [tilespmem:s28+$0x5230]  }
0x105: {  	v4 =	vld [tilespmem:s28+$0x5240]  }
0x106: {  	v3 =	vld [tilespmem:s28+$0x5250]  }
0x107: {  	v2 =	vld [tilespmem:s28+$0x5260]  }
0x108: {  	v1 =	vld [tilespmem:s28+$0x5270]  }
0x109: {  	v13 =	vld [tilespmem:s28+$0x200]  }
0x10a: {  	v14 =	vld [tilespmem:s28+$0x210]  }
0x10b: {  	v11 =	vld [tilespmem:s28+$0x220]  }
0x10c: {  	v10 =	vld [tilespmem:s28+$0x230]  }
0x10d: {  	v9 =	vld [tilespmem:s28+$0x240]  }
0x10e: {  	v7 =	vld [tilespmem:s28+$0x250];
	v13 =	vmul.f32 v8, v13  }
0x10f: {  	s29 =	simm.s32 $0x200;
	v12 =	vmul.f32 v12, v14;
	v8 =	vld [tilespmem:s28+$0x260]  }
.LBB2_10:
0x110: {  	s0 =	sshra.s32 s29, $0x2;
	p1 =	sne.s32 s29, $0x9E00;
	[tilespmem:s28+$0x200] =	vst v13;
	v6 =	vmul.f32 v6, v11;
	v11 =	vld [tilespmem:s28+$0x270]  }
0x111: {  	v13 =	vld [tilespmem:s0+$0x5200];
	[tilespmem:s28+$0x210] =	vst v12;
	v5 =	vmul.f32 v5, v10  }
0x112: {  	v12 =	vld [tilespmem:s0+$0x5210];
	[tilespmem:s28+$0x220] =	vst v6;
	v4 =	vmul.f32 v4, v9  }
0x113: {  	v6 =	vld [tilespmem:s0+$0x5220];
	[tilespmem:s28+$0x230] =	vst v5;
	v3 =	vmul.f32 v3, v7  }
0x114: {  	v5 =	vld [tilespmem:s0+$0x5230];
	[tilespmem:s28+$0x240] =	vst v4;
	v2 =	vmul.f32 v2, v8  }
0x115: {  	v4 =	vld [tilespmem:s0+$0x5240];
	[tilespmem:s28+$0x250] =	vst v3;
	v1 =	vmul.f32 v1, v11  }
0x116: {  	v3 =	vld [tilespmem:s0+$0x5250];
	[tilespmem:s28+$0x260] =	vst v2  }
0x117: {  	v2 =	vld [tilespmem:s0+$0x5260];
	[tilespmem:s28+$0x270] =	vst v1;
	s28 =	smov.u32 s0  }
0x118: {  	v1 =	vld [tilespmem:s28+$0x5270]  }
0x119: {  	v7 =	vld [tilespmem:s28+$0x200]  }
0x11a: {  	v8 =	vld [tilespmem:s28+$0x210]  }
.Ltmp4:
0x11b: {  	v11 =	vld [tilespmem:s28+$0x220];
	(pc) =	sbr.rel @p1 .LBB2_10-.Ltmp4, $4  }
0x11c: {  	v10 =	vld [tilespmem:s28+$0x230]  }
0x11d: {  	v9 =	vld [tilespmem:s28+$0x240]  }
0x11e: {  	v13 =	vmul.f32 v13, v7;
	v7 =	vld [tilespmem:s28+$0x250]  }
0x11f: {  	s29 =	sadd.s32 $0x200, s29;
	v12 =	vmul.f32 v12, v8;
	v8 =	vld [tilespmem:s28+$0x260]  }
0x120: {  	[tilespmem:s28+$0x200] =	vst v13;
	v6 =	vmul.f32 v6, v11;
	v63 =	vld [tilespmem:s28+$0x270]  }
0x121: {  	[tilespmem:s28+$0x210] =	vst v12;
	v5 =	vmul.f32 v5, v10  }
0x122: {  	[tilespmem:s28+$0x220] =	vst v6;
	v4 =	vmul.f32 v4, v9  }
0x123: {  	[tilespmem:s28+$0x230] =	vst v5;
	v3 =	vmul.f32 v3, v7  }
0x124: {  	[tilespmem:s28+$0x240] =	vst v4;
	v2 =	vmul.f32 v2, v8  }
0x125: {  	[tilespmem:s28+$0x250] =	vst v3;
	v1 =	vmul.f32 v1, v63  }
0x126: {  	[tilespmem:s28+$0x260] =	vst v2  }
0x127: {  	[tilespmem:s28+$0x270] =	vst v1  }
0x128: {  	[spmem:s1] =	stream.indirect.scatter.add.f32 [tilespmem:s17], [sflag:$0x7], $0x80, s11, s16, $0xb8;
	[tilespmem:$0x1F280] =	vst v63  }
0x129: {  	_ =	swait.ge [sflag:s10], $0x2800  }
0x12a: {  	[sflag:s10] =	ssyncset.done $0x0  }
0x12b: {  	[sflag:s10] =	ssyncadd.s32 $0xFFFFD800  }
0x12c: {  	s0 =	stileid.u32;
	[bflag:$0x0] =	sbarrier.arrive $0xFFFF  }
0x12d: {  	s0 =	sshll.u32 s0, $0x6;
	s31 =	rddreg [dreg:$0x18]  }
0x12e: {  	s0 =	sor.u32 $0x1C07, s0;
	s29 =	rddreg [dreg:$0xf];
	s5 =	sshrl.u32 s31, $0x3  }
0x12f: {  	[hbm:s29], [sflag:s0] =	dma.local [spmem:s5], $0x2700  }
0x130: {  	_ =	swait.ge [sflag:s10], $0x2700  }
0x131: {  	[sflag:s10] =	ssyncset.done $0x0  }
0x132: {  	s5 =	sshrl.u32 @!p0 s8, $0x3;
	s28 =	rddreg [dreg:$0x10];
	[sflag:s10] =	ssyncadd.s32 $0xFFFFD900  }
0x133: {  	[hbm:s28], [sflag:s0] =	dma.local @!p0 [spmem:s5], $0x100  }
0x134: {  	s0 =	simm.s32 @!p0 $0x7  }
0x135: {  	_ =	swait.ge @!p0 [sflag:s0], $0x100  }
0x136: {  	s26 =	sadd.s32 $0x1, s26;
	s29 =	rddreg [dreg:$0x11]  }
0x137: {  	p1 =	sne.s32 s26, s29  }
.Ltmp5:
0x138: {  	_ = 	snop;
	(pc) =	sbr.rel @p1 .LBB2_1-.Ltmp5, $3  }
0x139: {  	_ =	sdelay $0x1  }
0x13a: {  	[sflag:s0] =	ssyncset.done @!p0 $0x0  }
0x13b: {  	s30 =	smov.u32 s8;
	[sflag:s0] =	ssyncadd.s32 @!p0 $0xFFFFFF00  }
0x13c: {  	_ =	sfence.sel $0x180000  }
0x13d: {  	[bflag:$0x0] =	sbarrier.arrive $0xFFFF  }
0x13e: {  	_ =	strace $0x90000047  }
0x13f: {  	[bflag:$0x2] =	sbarrier.arrive $0xFFFF  }
0x140: {  	s0 =	rddreg [dreg:$0x2]  }
0x141: {  	s0 =	sadd.s32 @!p0 $0x100000, s0  }
0x142: {  	[sflag:s0] =	ssyncadd.tile.s32 @!p0 $0x1;
	_ =	shalt  }
.Lfunc_end2:
_tile_overlayer_lowered:
.L_overlay_start_2:
0x143: {  	(tag) =	ssettag $0x2  }
0x144: {  	s0 =	rddreg [dreg:$0x0];
	s2 =	stileid.u32  }
0x145: {  	s1 =	rddreg [dreg:$0x1];
	p0 =	sne.s32 s2, $0x0  }
0x146: {  	s3 =	rddreg [dreg:$0x2];
	[bflag:$0x3] =	sbarrier.arrive $0xFFFF;
	s2 =	simm.s32 @!p0 $0x1C07  }
0x147: {  	[timem:s3], [sflag:s2] =	dma.local @!p0 [hbm:s0], s1  }
0x148: {  	s0 =	simm.s32 @!p0 $0x7  }
0x149: {  	_ =	swait.ge @!p0 [sflag:s0], s1  }
0x14a: {  	s1 =	ssub.s32 @!p0 $0x0, s1;
	[sflag:s0] =	ssyncset.done @!p0 $0x0  }
0x14b: {  	[sflag:s0] =	ssyncadd.s32 @!p0 s1  }
0x14c: {  	[bflag:$0x3] =	sbarrier.arrive $0xFFFF  }
0x14d: {  	_ =	shalt  }

</sc_bundles>
